<compile_context>
chip_gen: v7x
topology: tpu7x:2x2x1
jax: 0.10.2.dev20260603
libtpu: 0.0.44.dev20260713+nightly
codegen_flags: <defaults>
</compile_context>

<pallas_src>
import functools

import jax
import jax.numpy as jnp
from jax import lax
from jax.experimental import pallas as pl
from jax.experimental.pallas import tpu as pltpu
from jax.experimental.pallas import tpu_sc as plsc

GRP = 8
C2 = 2048
NG = C2 // GRP
NBSZ = 256
UPD = 512
SC_G = 125
SC_NI = 8
SP_ROUND = 256000
XW = 16
H = 64


def _cdiv(a, b):
    return (a + b - 1) // b


def _sc_gather(table, idx):
    ep = idx.shape[0]
    w, dt = table.shape[1], table.dtype
    info = plsc.get_sparse_core_info()
    nc, ns = info.num_cores, info.num_subcores
    nw = nc * ns
    rows_pw = ep // (nw * SC_G)
    n_outer = rows_pw // SC_NI
    idx2d = idx.reshape(ep // SC_G, SC_G)
    mesh = plsc.VectorSubcoreMesh(core_axis_name="c", subcore_axis_name="s")

    @functools.partial(
        pl.kernel,
        mesh=mesh,
        out_type=jax.ShapeDtypeStruct((ep // SC_G, SC_G, w), dt),
        scratch_types=[
            pltpu.VMEM((SC_NI, SC_G), jnp.int32),
            pltpu.VMEM((SC_NI, SC_G, w), dt),
            pltpu.SemaphoreType.DMA,
        ],
        compiler_params=pltpu.CompilerParams(use_tc_tiling_on_sc=False),
    )
    def gather_kernel(table_hbm, idx_hbm, out_hbm, idx_v, rows_v, sem):
        wid = lax.axis_index("s") * nc + lax.axis_index("c")
        base = wid * rows_pw

        def outer(i, carry):
            row0 = base + i * SC_NI
            pltpu.sync_copy(idx_hbm.at[pl.ds(row0, SC_NI)], idx_v)
            descs = []
            for j in range(SC_NI):
                descs.append(pltpu.async_copy(
                    table_hbm.at[idx_v.at[j]], rows_v.at[j], sem))
            for d in descs:
                d.wait()
            pltpu.sync_copy(rows_v, out_hbm.at[pl.ds(row0, SC_NI)])
            return carry

        lax.fori_loop(0, n_outer, outer, 0)

    return gather_kernel(table, idx2d).reshape(ep, w)


def _agg_body(cnb_r, cg0_r, cf_r, wf_r, xg_r, ea_r, val_r, gn_r, g0_r, g1_r,
              wxbd_r, webd_r, b1t_r, w1bd_r, b2t_r, vex_r, agg_r,
              *, ng, grp, nbsz):
    c = pl.program_id(0)

    @pl.when(wf_r[c] == 1)
    def _work():
        gc0 = cg0_r[c] * ng
        bf = jnp.bfloat16
        h = jnp.dot(xg_r[...].astype(bf), wxbd_r[...],
                    preferred_element_type=jnp.float32)
        h = h + jnp.dot(ea_r[...].astype(bf), webd_r[...],
                        preferred_element_type=jnp.float32)
        h = jnp.maximum(h + b1t_r[...], 0.0)
        h = jnp.dot(h.astype(bf), w1bd_r[...],
                    preferred_element_type=jnp.float32)
        h = jnp.maximum(h + b2t_r[...], 0.0)
        vl = jnp.dot(val_r[...], vex_r[...],
                     preferred_element_type=jnp.float32)
        h = h * vl
        m = h[:, 0:H]
        for j in range(1, grp):
            m = jnp.maximum(m, h[:, j * H:(j + 1) * H])
        gn = gn_r[...]
        k = 1
        while k < ng:
            ms = jnp.concatenate([jnp.zeros((k, H), jnp.float32), m[:-k]], axis=0)
            gs = jnp.concatenate([jnp.full((k, 1), -1, jnp.int32), gn[:-k]], axis=0)
            m = jnp.maximum(m, jnp.where(gs == gn, ms, 0.0))
            k *= 2
        g0 = g0_r[...]
        g1 = g1_r[...]
        pos = jnp.clip(g1 - 1, gc0, gc0 + ng - 1) - gc0
        has = (g1 > gc0) & (g0 < gc0 + ng) & (g1 > g0)
        lanes = lax.broadcasted_iota(jnp.int32, (nbsz, ng), 1)
        sel = jnp.where((lanes == pos) & has, 1.0, 0.0)
        contrib = jnp.dot(sel, m, preferred_element_type=jnp.float32)

        @pl.when(cf_r[c] == 1)
        def _():
            agg_r[...] = contrib

        @pl.when(cf_r[c] == 0)
        def _():
            agg_r[...] = jnp.maximum(agg_r[...], contrib)


def _edge_agg(xg, ea, val, gn2d, g0, g1, wxbd, webd, b1t, w1bd, b2t, vex,
              cnb, cg0, cf, wf, n_pad, interpret=False):
    maxc = cnb.shape[0]
    grp, nbsz = GRP, NBSZ
    ng = C2 // grp
    grid_spec = pltpu.PrefetchScalarGridSpec(
        num_scalar_prefetch=4,
        grid=(maxc,),
        in_specs=[
            pl.BlockSpec((ng, grp * XW), lambda c, cnb, cg0, cf, wf: (cg0[c], 0)),
            pl.BlockSpec((ng, grp * 4), lambda c, cnb, cg0, cf, wf: (cg0[c], 0)),
            pl.BlockSpec((ng, grp), lambda c, cnb, cg0, cf, wf: (cg0[c], 0)),
            pl.BlockSpec((ng, 1), lambda c, cnb, cg0, cf, wf: (cg0[c], 0)),
            pl.BlockSpec((nbsz, 1), lambda c, cnb, cg0, cf, wf: (cnb[c], 0)),
            pl.BlockSpec((nbsz, 1), lambda c, cnb, cg0, cf, wf: (cnb[c], 0)),
            pl.BlockSpec((grp * XW, grp * H), lambda c, cnb, cg0, cf, wf: (0, 0)),
            pl.BlockSpec((grp * 4, grp * H), lambda c, cnb, cg0, cf, wf: (0, 0)),
            pl.BlockSpec((1, grp * H), lambda c, cnb, cg0, cf, wf: (0, 0)),
            pl.BlockSpec((grp * H, grp * H), lambda c, cnb, cg0, cf, wf: (0, 0)),
            pl.BlockSpec((1, grp * H), lambda c, cnb, cg0, cf, wf: (0, 0)),
            pl.BlockSpec((grp, grp * H), lambda c, cnb, cg0, cf, wf: (0, 0)),
        ],
        out_specs=pl.BlockSpec((nbsz, H), lambda c, cnb, cg0, cf, wf: (cnb[c], 0)),
    )
    return pl.pallas_call(
        functools.partial(_agg_body, ng=ng, grp=grp, nbsz=nbsz),
        grid_spec=grid_spec,
        out_shape=jax.ShapeDtypeStruct((n_pad, H), jnp.float32),
        compiler_params=pltpu.CompilerParams(
            dimension_semantics=("arbitrary",)),
        interpret=interpret,
    )(cnb, cg0, cf, wf, xg, ea, val, gn2d, g0, g1,
      wxbd, webd, b1t, w1bd, b2t, vex)


def _upd_body(x_r, agg_r, w2ax_r, w2aa_r, b2a_r, w2b_r, b2b_r, out_r):
    x = x_r[...]
    t = jnp.dot(x, w2ax_r[...], preferred_element_type=jnp.float32)
    t = t + jnp.dot(agg_r[...], w2aa_r[...], preferred_element_type=jnp.float32)
    t = jnp.maximum(t + b2a_r[...], 0.0)
    comb = jnp.dot(t, w2b_r[...], preferred_element_type=jnp.float32) + b2b_r[...]
    nor = jnp.sum(comb * comb, axis=1, keepdims=True)
    comb = comb * (1.0 / jnp.maximum(1.0, jnp.sqrt(nor)))
    z = jnp.zeros((x.shape[0], XW - 8), jnp.float32)
    out_r[...] = jnp.concatenate([comb[:, :4], x[:, :4], z], axis=1)


def _node_update(x_pad, agg, w2ax, w2aa, b2a2, w2b8, b2b8, interpret=False):
    n_pad = x_pad.shape[0]
    upd = UPD
    grid = (n_pad // upd,)
    return pl.pallas_call(
        _upd_body,
        grid=grid,
        in_specs=[
            pl.BlockSpec((upd, XW), lambda u: (u, 0)),
            pl.BlockSpec((upd, H), lambda u: (u, 0)),
            pl.BlockSpec((XW, 32), lambda u: (0, 0)),
            pl.BlockSpec((H, 32), lambda u: (0, 0)),
            pl.BlockSpec((1, 32), lambda u: (0, 0)),
            pl.BlockSpec((32, 8), lambda u: (0, 0)),
            pl.BlockSpec((1, 8), lambda u: (0, 0)),
        ],
        out_specs=pl.BlockSpec((upd, XW), lambda u: (u, 0)),
        out_shape=jax.ShapeDtypeStruct((n_pad, XW), jnp.float32),
        interpret=interpret,
    )(x_pad, agg, w2ax, w2aa, b2a2, w2b8, b2b8)


def kernel(x, edge_index, edge_attr, W1a, b1a, W1b, b1b, W2a, b2a, W2b, b2b):
    n, f = x.shape
    e = edge_attr.shape[0]
    i32, f32 = jnp.int32, jnp.float32
    bf = jnp.bfloat16
    src = edge_index[0].astype(i32)
    dst = edge_index[1].astype(i32)

    nblk = _cdiv(n, NBSZ)
    nblk = _cdiv(nblk, 4) * 4
    n_pad = nblk * NBSZ
    sp = _cdiv(e + (GRP - 1) * min(n, e), SP_ROUND) * SP_ROUND
    gmax = sp // GRP
    maxc = sp // C2 + nblk

    qr = jnp.arange(n_pad + 1, dtype=i32)
    keys = jnp.concatenate([dst * 2 + 1, qr * 2])
    inv2 = jnp.argsort(jnp.argsort(keys)).astype(i32)
    rowptr = inv2[e:] - qr
    erank = inv2[:e] - (dst + 1)
    perm = jnp.argsort(erank).astype(i32)
    deg = rowptr[1:] - rowptr[:n_pad]
    ngrp = (deg + GRP - 1) // GRP
    gstart = jnp.concatenate([jnp.zeros((1,), i32),
                              jnp.cumsum(ngrp).astype(i32)])
    qg = jnp.arange(gmax, dtype=i32)
    gk = jnp.concatenate([gstart[1:] * 2, qg * 2 + 1])
    inv3 = jnp.argsort(jnp.argsort(gk)).astype(i32)
    gnode = inv3[n_pad:] - qg
    base = (rowptr[gnode] - GRP * gstart[gnode]
            + GRP * jnp.arange(gmax, dtype=i32))
    e2d = base[:, None] + jnp.arange(GRP, dtype=i32)[None, :]
    lim = rowptr[jnp.minimum(gnode + 1, n_pad)]
    validm = e2d < lim[:, None]
    epad = 8192
    vflat = validm.reshape(sp)
    spread = jnp.arange(sp, dtype=i32) % epad
    s2e = jnp.where(vflat, e2d.reshape(sp), e + spread)
    perm_t = jnp.zeros((e + epad, XW), f32).at[:e, 0].set(
        lax.bitcast_convert_type(perm, f32))
    pe = lax.bitcast_convert_type(_sc_gather(perm_t, s2e)[:, 0], i32)
    pe = jnp.where(vflat, pe, e + spread)
    edge_t = jnp.zeros((e + epad, XW), f32).at[:e, :4].set(
        edge_attr.astype(f32)).at[:e, 4].set(
        lax.bitcast_convert_type(src, f32))
    rows = _sc_gather(edge_t, pe)
    slot_src = jnp.where(vflat,
                         lax.bitcast_convert_type(rows[:, 4], i32),
                         n_pad + spread)
    ea_g = rows[:, :4].reshape(gmax, GRP * 4)
    val_g = validm.astype(f32)
    gn2d = gnode.reshape(gmax, 1)
    g0 = gstart[:n_pad].reshape(n_pad, 1)
    g1 = gstart[1:].reshape(n_pad, 1)

    gb0 = gstart[0:n_pad:NBSZ]
    gb1 = gstart[NBSZ:n_pad + 1:NBSZ]
    ngc = C2 // GRP
    cs = gb0 // ngc
    ce = (gb1 + ngc - 1) // ngc
    nch = jnp.maximum(ce - cs, 1)
    off = jnp.cumsum(nch) - nch
    total_chunks = off[-1] + nch[-1]
    cid = jnp.arange(maxc, dtype=i32)
    ck = jnp.concatenate([off.astype(i32) * 2, cid * 2 + 1])
    inv4 = jnp.argsort(jnp.argsort(ck)).astype(i32)
    cnb = inv4[nblk:] - cid - 1
    cnb = jnp.clip(cnb, 0, nblk - 1)
    within = cid - off[cnb]
    cg0 = jnp.clip(cs[cnb] + within, 0, gmax // ngc - 1).astype(i32)
    cf = (within == 0).astype(i32)
    wf = (cid < total_chunks).astype(i32)

    wx = jnp.zeros((XW, H), f32).at[:f].set(W1a[:f])
    we = W1a[f:]
    eye = jnp.eye(GRP, dtype=f32)
    wxbd = jnp.kron(eye, wx).astype(bf)
    webd = jnp.kron(eye, we).astype(bf)
    w1bd = jnp.kron(eye, W1b).astype(bf)
    b1t = jnp.tile(b1a.reshape(1, H), (1, GRP))
    b2t = jnp.tile(b1b.reshape(1, H), (1, GRP))
    vex = jnp.kron(eye, jnp.ones((1, H), f32))
    w2ax = jnp.zeros((XW, 32), f32).at[:f].set(W2a[:f])
    w2aa = W2a[f:]
    b2a2 = b2a.reshape(1, 32)
    w2b8 = jnp.zeros((32, 8), f32).at[:, :4].set(W2b)
    b2b8 = jnp.zeros((1, 8), f32).at[0, :4].set(b2b)

    x_pad = jnp.zeros((n_pad, XW), f32).at[:n, :f].set(x)
    zt = jnp.zeros((epad, XW), f32)
    for _ in range(3):
        xj = _sc_gather(jnp.concatenate([x_pad, zt]), slot_src)
        xg = xj.reshape(gmax, GRP * XW)
        agg = _edge_agg(xg, ea_g, val_g, gn2d, g0, g1, wxbd, webd, b1t,
                        w1bd, b2t, vex, cnb, cg0, cf, wf, n_pad)
        x_pad = _node_update(x_pad, agg, w2ax, w2aa, b2a2, w2b8, b2b8)
    return x_pad[:n, :f]

# --- scband reference (transcript-rebuilt; emitter-appended) ---
"""Pipeline reference for scband-igcnet-11742440587995 (READ-ONLY COPY).

The authoritative reference and input builder live on the scoring server;
editing this copy changes nothing except your own understanding.
"""

import jax, jax.numpy as jnp
import numpy as np

N_NODES = 100000
N_EDGES = 1600000
NT = 2

def setup_inputs(seed: int = 0) -> dict:
    key = jax.random.key(seed)
    ks = jax.random.split(key, 12)
    x = jax.random.normal(ks[0], (N_NODES, 4 * NT), dtype=jnp.float32)
    edge_index = jax.random.randint(ks[1], (2, N_EDGES), 0, N_NODES, dtype=jnp.int64) if jax.config.jax_enable_x64 else jax.random.randint(ks[1], (2, N_EDGES), 0, N_NODES).astype(jnp.int32)
    edge_attr = jax.random.normal(ks[2], (N_EDGES, 4), dtype=jnp.float32)
    def lin(k, fan_in, fan_out):
        bound = 1.0 / np.sqrt(fan_in)
        kw, kb = jax.random.split(k)
        W = jax.random.uniform(kw, (fan_in, fan_out), minval=-bound, maxval=bound, dtype=jnp.float32)
        b = jax.random.uniform(kb, (fan_out,), minval=-bound, maxval=bound, dtype=jnp.float32)
        return W, b
    W1a, b1a = lin(ks[3], 6 * NT, 64)
    W1b, b1b = lin(ks[4], 64, 64)
    W2a, b2a = lin(ks[5], 64 + 4 * NT, 32)
    W2b, b2b = lin(ks[6], 32, 2 * NT)
    return {"x": x, "edge_index": edge_index, "edge_attr": edge_attr,
            "W1a": W1a, "b1a": b1a, "W1b": W1b, "b1b": b1b,
            "W2a": W2a, "b2a": b2a, "W2b": W2b, "b2b": b2b}

def _conv(x, src, dst, edge_attr, W1a, b1a, W1b, b1b, W2a, b2a, W2b, b2b):
    n = x.shape[0]
    # message: mlp1(cat(x_j, edge_attr))
    x_j = jnp.take(x, src, axis=0)
    msg_in = jnp.concatenate([x_j, edge_attr], axis=1)
    h = jax.nn.relu(msg_in @ W1a + b1a)
    h = jax.nn.relu(h @ W1b + b1b)
    # aggregate: max over incoming edges at dst
    agg = jax.ops.segment_max(h, dst, num_segments=n)
    agg = jnp.where(jnp.isfinite(agg), agg, 0.0)
    # update: mlp2(cat(x, aggr_out)) then norm-clip, then cat with x[:, :2*Nt]
    tmp = jnp.concatenate([x, agg], axis=1)
    comb = jax.nn.relu(tmp @ W2a + b2a)
    comb = comb @ W2b + b2b
    nor = jnp.sqrt(jnp.sum(comb * comb, axis=1, keepdims=True))
    comb = comb / jnp.maximum(jnp.ones_like(nor), nor)
    return jnp.concatenate([comb, x[:, :2 * NT]], axis=1)

def reference(x, edge_index, edge_attr, W1a, b1a, W1b, b1b, W2a, b2a, W2b, b2b):
    src = edge_index[0]
    dst = edge_index[1]
    x1 = _conv(x, src, dst, edge_attr, W1a, b1a, W1b, b1b, W2a, b2a, W2b, b2b)
    x2 = _conv(x1, src, dst, edge_attr, W1a, b1a, W1b, b1b, W2a, b2a, W2b, b2b)
    out = _conv(x2, src, dst, edge_attr, W1a, b1a, W1b, b1b, W2a, b2a, W2b, b2b)
    return out

if __name__ == "__main__":
    import jax
    _d = setup_inputs()
    print(jax.jit(kernel)(*tuple(_d.values())))

</pallas_src>

<mosaic_0001>
#map = affine_map<(d0, d1) -> (0, 0)>
#map1 = affine_map<(d0, d1) -> (0, 0, 0)>
module attributes {stable_mosaic.version = 14 : i64} {
  func.func @gather_kernel(%arg0: i32, %arg1: i32, %arg2: memref<1608192x16xf32, #tpu.memory_space<hbm>>, %arg3: memref<18432x125xi32, #tpu.memory_space<hbm>>, %arg4: memref<18432x125x16xf32, #tpu.memory_space<hbm>>, %arg5: memref<8x125xi32, #tpu.memory_space<vmem>>, %arg6: memref<8x125x16xf32, #tpu.memory_space<vmem>>, %arg7: memref<!tpu.dma_semaphore, #tpu.memory_space<semaphore_mem>>) attributes {dimension_semantics = [#tpu.dimension_semantics<core_parallel>, #tpu.dimension_semantics<subcore_parallel>], iteration_bounds = array<i64: 2, 16>, scalar_prefetch = 0 : i64, scratch_operands = 3 : i64, tpu.core_type = #tpu.core_type<sc_vector_subcore>, window_params = [{transform_indices = #map}, {transform_indices = #map}, {transform_indices = #map1}]} {
    %mul3A = arith.constant 2 : i32
    %mul3A_0 = arith.muli %arg1, %mul3A : i32
    %add3A = arith.addi %mul3A_0, %arg0 : i32
    %mul3A_1 = arith.constant 576 : i32
    %mul3A_2 = arith.muli %add3A, %mul3A_1 : i32
    %scan3A = arith.constant 0 : i32
    %scan3A_3 = arith.constant 0 : i32
    %scan3A_4 = arith.constant 72 : i32
    %scan3A_5 = arith.addi %scan3A_3, %scan3A_4 : i32
    %scan3A_6 = arith.constant 1 : i32
    scf.for %scan3A_8 = %scan3A_3 to %scan3A_5 step %scan3A_6  : i32 {
      %mul3A_9 = arith.constant 8 : i32
      %mul3A_10 = arith.muli %scan3A_8, %mul3A_9 : i32
      %add3A_11 = arith.addi %mul3A_2, %mul3A_10 : i32
      "tpu.region"() ({
        %run_scoped3A = tpu.sem_alloc : memref<!tpu.dma_semaphore, #tpu.memory_space<semaphore_mem>>
        %dma_start3A_202 = arith.constant 0 : i32
        %dma_start3A_203 = tpu.memref_slice %arg3[%add3A_11, %dma_start3A_202] : memref<18432x125xi32, #tpu.memory_space<hbm>> -> memref<8x125xi32, #tpu.memory_space<hbm>>
        %dma_start3A_204 = arith.constant 0 : i32
        %dma_start3A_205 = tpu.memref_slice %arg3[%add3A_11, %dma_start3A_204] : memref<18432x125xi32, #tpu.memory_space<hbm>> -> memref<8x125xi32, #tpu.memory_space<hbm>>
        tpu.enqueue_dma source(%dma_start3A_205 : memref<8x125xi32, #tpu.memory_space<hbm>>) target(%arg5 : memref<8x125xi32, #tpu.memory_space<vmem>>) target_semaphore(%run_scoped3A : memref<!tpu.dma_semaphore, #tpu.memory_space<semaphore_mem>>)
        %dma_wait3A_206 = arith.constant 0 : i32
        %dma_wait3A_207 = tpu.memref_slice %arg3[%add3A_11, %dma_wait3A_206] : memref<18432x125xi32, #tpu.memory_space<hbm>> -> memref<8x125xi32, #tpu.memory_space<hbm>>
        %dma_wait3A_208 = arith.constant 0 : i32
        %dma_wait3A_209 = tpu.memref_slice %arg3[%add3A_11, %dma_wait3A_208] : memref<18432x125xi32, #tpu.memory_space<hbm>> -> memref<8x125xi32, #tpu.memory_space<hbm>>
        tpu.wait_dma2 semaphore(%run_scoped3A : memref<!tpu.dma_semaphore, #tpu.memory_space<semaphore_mem>>) src(%dma_wait3A_209 : memref<8x125xi32, #tpu.memory_space<hbm>>) dst(%arg5 : memref<8x125xi32, #tpu.memory_space<vmem>>)
        tpu.yield
      }) : () -> ()
      %dma_start3A = arith.constant 0 : i32
      %dma_start3A_12 = arith.constant 0 : i32
      %dma_start3A_13 = arith.constant 0 : i32
      %dma_start3A_14 = arith.constant 0 : i32
      %dma_start3A_15 = tpu.memref_slice %arg6[%dma_start3A_12, %dma_start3A_13, %dma_start3A_14] : memref<8x125x16xf32, #tpu.memory_space<vmem>> -> memref<1x125x16xf32, #tpu.memory_space<vmem>>
      %dma_start3A_16 = tpu.memref_squeeze %dma_start3A_15 : memref<1x125x16xf32, #tpu.memory_space<vmem>> -> memref<125x16xf32, #tpu.memory_space<vmem>>
      %dma_start3A_17 = arith.constant 0 : i32
      %dma_start3A_18 = tpu.memref_slice %arg5[%dma_start3A, %dma_start3A_17] : memref<8x125xi32, #tpu.memory_space<vmem>> -> memref<1x125xi32, #tpu.memory_space<vmem>>
      %dma_start3A_19 = tpu.memref_squeeze %dma_start3A_18 : memref<1x125xi32, #tpu.memory_space<vmem>> -> memref<125xi32, #tpu.memory_space<vmem>>
      %dma_start3A_20 = arith.constant 0 : i32
      %dma_start3A_21 = arith.constant 0 : i32
      %dma_start3A_22 = tpu.memref_slice %arg2[%dma_start3A_20, %dma_start3A_21] : memref<1608192x16xf32, #tpu.memory_space<hbm>> -> memref<1608192x16xf32, #tpu.memory_space<hbm>>
      tpu.enqueue_indirect_dma source(%dma_start3A_22 : memref<1608192x16xf32, #tpu.memory_space<hbm>>) target(%dma_start3A_16 : memref<125x16xf32, #tpu.memory_space<vmem>>) offsets(%dma_start3A_19 : memref<125xi32, #tpu.memory_space<vmem>>) semaphore(%arg7 : memref<!tpu.dma_semaphore, #tpu.memory_space<semaphore_mem>>)
      %dma_start3A_23 = arith.constant 1 : i32
      %dma_start3A_24 = arith.constant 1 : i32
      %dma_start3A_25 = arith.constant 0 : i32
      %dma_start3A_26 = arith.constant 0 : i32
      %dma_start3A_27 = tpu.memref_slice %arg6[%dma_start3A_24, %dma_start3A_25, %dma_start3A_26] : memref<8x125x16xf32, #tpu.memory_space<vmem>> -> memref<1x125x16xf32, #tpu.memory_space<vmem>>
      %dma_start3A_28 = tpu.memref_squeeze %dma_start3A_27 : memref<1x125x16xf32, #tpu.memory_space<vmem>> -> memref<125x16xf32, #tpu.memory_space<vmem>>
      %dma_start3A_29 = arith.constant 0 : i32
      %dma_start3A_30 = tpu.memref_slice %arg5[%dma_start3A_23, %dma_start3A_29] : memref<8x125xi32, #tpu.memory_space<vmem>> -> memref<1x125xi32, #tpu.memory_space<vmem>>
      %dma_start3A_31 = tpu.memref_squeeze %dma_start3A_30 : memref<1x125xi32, #tpu.memory_space<vmem>> -> memref<125xi32, #tpu.memory_space<vmem>>
      %dma_start3A_32 = arith.constant 0 : i32
      %dma_start3A_33 = arith.constant 0 : i32
      %dma_start3A_34 = tpu.memref_slice %arg2[%dma_start3A_32, %dma_start3A_33] : memref<1608192x16xf32, #tpu.memory_space<hbm>> -> memref<1608192x16xf32, #tpu.memory_space<hbm>>
      tpu.enqueue_indirect_dma source(%dma_start3A_34 : memref<1608192x16xf32, #tpu.memory_space<hbm>>) target(%dma_start3A_28 : memref<125x16xf32, #tpu.memory_space<vmem>>) offsets(%dma_start3A_31 : memref<125xi32, #tpu.memory_space<vmem>>) semaphore(%arg7 : memref<!tpu.dma_semaphore, #tpu.memory_space<semaphore_mem>>)
      %dma_start3A_35 = arith.constant 2 : i32
      %dma_start3A_36 = arith.constant 2 : i32
      %dma_start3A_37 = arith.constant 0 : i32
      %dma_start3A_38 = arith.constant 0 : i32
      %dma_start3A_39 = tpu.memref_slice %arg6[%dma_start3A_36, %dma_start3A_37, %dma_start3A_38] : memref<8x125x16xf32, #tpu.memory_space<vmem>> -> memref<1x125x16xf32, #tpu.memory_space<vmem>>
      %dma_start3A_40 = tpu.memref_squeeze %dma_start3A_39 : memref<1x125x16xf32, #tpu.memory_space<vmem>> -> memref<125x16xf32, #tpu.memory_space<vmem>>
      %dma_start3A_41 = arith.constant 0 : i32
      %dma_start3A_42 = tpu.memref_slice %arg5[%dma_start3A_35, %dma_start3A_41] : memref<8x125xi32, #tpu.memory_space<vmem>> -> memref<1x125xi32, #tpu.memory_space<vmem>>
      %dma_start3A_43 = tpu.memref_squeeze %dma_start3A_42 : memref<1x125xi32, #tpu.memory_space<vmem>> -> memref<125xi32, #tpu.memory_space<vmem>>
      %dma_start3A_44 = arith.constant 0 : i32
      %dma_start3A_45 = arith.constant 0 : i32
      %dma_start3A_46 = tpu.memref_slice %arg2[%dma_start3A_44, %dma_start3A_45] : memref<1608192x16xf32, #tpu.memory_space<hbm>> -> memref<1608192x16xf32, #tpu.memory_space<hbm>>
      tpu.enqueue_indirect_dma source(%dma_start3A_46 : memref<1608192x16xf32, #tpu.memory_space<hbm>>) target(%dma_start3A_40 : memref<125x16xf32, #tpu.memory_space<vmem>>) offsets(%dma_start3A_43 : memref<125xi32, #tpu.memory_space<vmem>>) semaphore(%arg7 : memref<!tpu.dma_semaphore, #tpu.memory_space<semaphore_mem>>)
      %dma_start3A_47 = arith.constant 3 : i32
      %dma_start3A_48 = arith.constant 3 : i32
      %dma_start3A_49 = arith.constant 0 : i32
      %dma_start3A_50 = arith.constant 0 : i32
      %dma_start3A_51 = tpu.memref_slice %arg6[%dma_start3A_48, %dma_start3A_49, %dma_start3A_50] : memref<8x125x16xf32, #tpu.memory_space<vmem>> -> memref<1x125x16xf32, #tpu.memory_space<vmem>>
      %dma_start3A_52 = tpu.memref_squeeze %dma_start3A_51 : memref<1x125x16xf32, #tpu.memory_space<vmem>> -> memref<125x16xf32, #tpu.memory_space<vmem>>
      %dma_start3A_53 = arith.constant 0 : i32
      %dma_start3A_54 = tpu.memref_slice %arg5[%dma_start3A_47, %dma_start3A_53] : memref<8x125xi32, #tpu.memory_space<vmem>> -> memref<1x125xi32, #tpu.memory_space<vmem>>
      %dma_start3A_55 = tpu.memref_squeeze %dma_start3A_54 : memref<1x125xi32, #tpu.memory_space<vmem>> -> memref<125xi32, #tpu.memory_space<vmem>>
      %dma_start3A_56 = arith.constant 0 : i32
      %dma_start3A_57 = arith.constant 0 : i32
      %dma_start3A_58 = tpu.memref_slice %arg2[%dma_start3A_56, %dma_start3A_57] : memref<1608192x16xf32, #tpu.memory_space<hbm>> -> memref<1608192x16xf32, #tpu.memory_space<hbm>>
      tpu.enqueue_indirect_dma source(%dma_start3A_58 : memref<1608192x16xf32, #tpu.memory_space<hbm>>) target(%dma_start3A_52 : memref<125x16xf32, #tpu.memory_space<vmem>>) offsets(%dma_start3A_55 : memref<125xi32, #tpu.memory_space<vmem>>) semaphore(%arg7 : memref<!tpu.dma_semaphore, #tpu.memory_space<semaphore_mem>>)
      %dma_start3A_59 = arith.constant 4 : i32
      %dma_start3A_60 = arith.constant 4 : i32
      %dma_start3A_61 = arith.constant 0 : i32
      %dma_start3A_62 = arith.constant 0 : i32
      %dma_start3A_63 = tpu.memref_slice %arg6[%dma_start3A_60, %dma_start3A_61, %dma_start3A_62] : memref<8x125x16xf32, #tpu.memory_space<vmem>> -> memref<1x125x16xf32, #tpu.memory_space<vmem>>
      %dma_start3A_64 = tpu.memref_squeeze %dma_start3A_63 : memref<1x125x16xf32, #tpu.memory_space<vmem>> -> memref<125x16xf32, #tpu.memory_space<vmem>>
      %dma_start3A_65 = arith.constant 0 : i32
      %dma_start3A_66 = tpu.memref_slice %arg5[%dma_start3A_59, %dma_start3A_65] : memref<8x125xi32, #tpu.memory_space<vmem>> -> memref<1x125xi32, #tpu.memory_space<vmem>>
      %dma_start3A_67 = tpu.memref_squeeze %dma_start3A_66 : memref<1x125xi32, #tpu.memory_space<vmem>> -> memref<125xi32, #tpu.memory_space<vmem>>
      %dma_start3A_68 = arith.constant 0 : i32
      %dma_start3A_69 = arith.constant 0 : i32
      %dma_start3A_70 = tpu.memref_slice %arg2[%dma_start3A_68, %dma_start3A_69] : memref<1608192x16xf32, #tpu.memory_space<hbm>> -> memref<1608192x16xf32, #tpu.memory_space<hbm>>
      tpu.enqueue_indirect_dma source(%dma_start3A_70 : memref<1608192x16xf32, #tpu.memory_space<hbm>>) target(%dma_start3A_64 : memref<125x16xf32, #tpu.memory_space<vmem>>) offsets(%dma_start3A_67 : memref<125xi32, #tpu.memory_space<vmem>>) semaphore(%arg7 : memref<!tpu.dma_semaphore, #tpu.memory_space<semaphore_mem>>)
      %dma_start3A_71 = arith.constant 5 : i32
      %dma_start3A_72 = arith.constant 5 : i32
      %dma_start3A_73 = arith.constant 0 : i32
      %dma_start3A_74 = arith.constant 0 : i32
      %dma_start3A_75 = tpu.memref_slice %arg6[%dma_start3A_72, %dma_start3A_73, %dma_start3A_74] : memref<8x125x16xf32, #tpu.memory_space<vmem>> -> memref<1x125x16xf32, #tpu.memory_space<vmem>>
      %dma_start3A_76 = tpu.memref_squeeze %dma_start3A_75 : memref<1x125x16xf32, #tpu.memory_space<vmem>> -> memref<125x16xf32, #tpu.memory_space<vmem>>
      %dma_start3A_77 = arith.constant 0 : i32
      %dma_start3A_78 = tpu.memref_slice %arg5[%dma_start3A_71, %dma_start3A_77] : memref<8x125xi32, #tpu.memory_space<vmem>> -> memref<1x125xi32, #tpu.memory_space<vmem>>
      %dma_start3A_79 = tpu.memref_squeeze %dma_start3A_78 : memref<1x125xi32, #tpu.memory_space<vmem>> -> memref<125xi32, #tpu.memory_space<vmem>>
      %dma_start3A_80 = arith.constant 0 : i32
      %dma_start3A_81 = arith.constant 0 : i32
      %dma_start3A_82 = tpu.memref_slice %arg2[%dma_start3A_80, %dma_start3A_81] : memref<1608192x16xf32, #tpu.memory_space<hbm>> -> memref<1608192x16xf32, #tpu.memory_space<hbm>>
      tpu.enqueue_indirect_dma source(%dma_start3A_82 : memref<1608192x16xf32, #tpu.memory_space<hbm>>) target(%dma_start3A_76 : memref<125x16xf32, #tpu.memory_space<vmem>>) offsets(%dma_start3A_79 : memref<125xi32, #tpu.memory_space<vmem>>) semaphore(%arg7 : memref<!tpu.dma_semaphore, #tpu.memory_space<semaphore_mem>>)
      %dma_start3A_83 = arith.constant 6 : i32
      %dma_start3A_84 = arith.constant 6 : i32
      %dma_start3A_85 = arith.constant 0 : i32
      %dma_start3A_86 = arith.constant 0 : i32
      %dma_start3A_87 = tpu.memref_slice %arg6[%dma_start3A_84, %dma_start3A_85, %dma_start3A_86] : memref<8x125x16xf32, #tpu.memory_space<vmem>> -> memref<1x125x16xf32, #tpu.memory_space<vmem>>
      %dma_start3A_88 = tpu.memref_squeeze %dma_start3A_87 : memref<1x125x16xf32, #tpu.memory_space<vmem>> -> memref<125x16xf32, #tpu.memory_space<vmem>>
      %dma_start3A_89 = arith.constant 0 : i32
      %dma_start3A_90 = tpu.memref_slice %arg5[%dma_start3A_83, %dma_start3A_89] : memref<8x125xi32, #tpu.memory_space<vmem>> -> memref<1x125xi32, #tpu.memory_space<vmem>>
      %dma_start3A_91 = tpu.memref_squeeze %dma_start3A_90 : memref<1x125xi32, #tpu.memory_space<vmem>> -> memref<125xi32, #tpu.memory_space<vmem>>
      %dma_start3A_92 = arith.constant 0 : i32
      %dma_start3A_93 = arith.constant 0 : i32
      %dma_start3A_94 = tpu.memref_slice %arg2[%dma_start3A_92, %dma_start3A_93] : memref<1608192x16xf32, #tpu.memory_space<hbm>> -> memref<1608192x16xf32, #tpu.memory_space<hbm>>
      tpu.enqueue_indirect_dma source(%dma_start3A_94 : memref<1608192x16xf32, #tpu.memory_space<hbm>>) target(%dma_start3A_88 : memref<125x16xf32, #tpu.memory_space<vmem>>) offsets(%dma_start3A_91 : memref<125xi32, #tpu.memory_space<vmem>>) semaphore(%arg7 : memref<!tpu.dma_semaphore, #tpu.memory_space<semaphore_mem>>)
      %dma_start3A_95 = arith.constant 7 : i32
      %dma_start3A_96 = arith.constant 7 : i32
      %dma_start3A_97 = arith.constant 0 : i32
      %dma_start3A_98 = arith.constant 0 : i32
      %dma_start3A_99 = tpu.memref_slice %arg6[%dma_start3A_96, %dma_start3A_97, %dma_start3A_98] : memref<8x125x16xf32, #tpu.memory_space<vmem>> -> memref<1x125x16xf32, #tpu.memory_space<vmem>>
      %dma_start3A_100 = tpu.memref_squeeze %dma_start3A_99 : memref<1x125x16xf32, #tpu.memory_space<vmem>> -> memref<125x16xf32, #tpu.memory_space<vmem>>
      %dma_start3A_101 = arith.constant 0 : i32
      %dma_start3A_102 = tpu.memref_slice %arg5[%dma_start3A_95, %dma_start3A_101] : memref<8x125xi32, #tpu.memory_space<vmem>> -> memref<1x125xi32, #tpu.memory_space<vmem>>
      %dma_start3A_103 = tpu.memref_squeeze %dma_start3A_102 : memref<1x125xi32, #tpu.memory_space<vmem>> -> memref<125xi32, #tpu.memory_space<vmem>>
      %dma_start3A_104 = arith.constant 0 : i32
      %dma_start3A_105 = arith.constant 0 : i32
      %dma_start3A_106 = tpu.memref_slice %arg2[%dma_start3A_104, %dma_start3A_105] : memref<1608192x16xf32, #tpu.memory_space<hbm>> -> memref<1608192x16xf32, #tpu.memory_space<hbm>>
      tpu.enqueue_indirect_dma source(%dma_start3A_106 : memref<1608192x16xf32, #tpu.memory_space<hbm>>) target(%dma_start3A_100 : memref<125x16xf32, #tpu.memory_space<vmem>>) offsets(%dma_start3A_103 : memref<125xi32, #tpu.memory_space<vmem>>) semaphore(%arg7 : memref<!tpu.dma_semaphore, #tpu.memory_space<semaphore_mem>>)
      %dma_wait3A = arith.constant 0 : i32
      %dma_wait3A_107 = arith.constant 0 : i32
      %dma_wait3A_108 = arith.constant 0 : i32
      %dma_wait3A_109 = arith.constant 0 : i32
      %dma_wait3A_110 = tpu.memref_slice %arg6[%dma_wait3A_107, %dma_wait3A_108, %dma_wait3A_109] : memref<8x125x16xf32, #tpu.memory_space<vmem>> -> memref<1x125x16xf32, #tpu.memory_space<vmem>>
      %dma_wait3A_111 = tpu.memref_squeeze %dma_wait3A_110 : memref<1x125x16xf32, #tpu.memory_space<vmem>> -> memref<125x16xf32, #tpu.memory_space<vmem>>
      %dma_wait3A_112 = arith.constant 0 : i32
      %dma_wait3A_113 = tpu.memref_slice %arg5[%dma_wait3A, %dma_wait3A_112] : memref<8x125xi32, #tpu.memory_space<vmem>> -> memref<1x125xi32, #tpu.memory_space<vmem>>
      %dma_wait3A_114 = tpu.memref_squeeze %dma_wait3A_113 : memref<1x125xi32, #tpu.memory_space<vmem>> -> memref<125xi32, #tpu.memory_space<vmem>>
      %dma_wait3A_115 = arith.constant 0 : i32
      %dma_wait3A_116 = arith.constant 0 : i32
      %dma_wait3A_117 = tpu.memref_slice %arg2[%dma_wait3A_115, %dma_wait3A_116] : memref<1608192x16xf32, #tpu.memory_space<hbm>> -> memref<1608192x16xf32, #tpu.memory_space<hbm>>
      tpu.wait_indirect_dma semaphore(%arg7 : memref<!tpu.dma_semaphore, #tpu.memory_space<semaphore_mem>>) src(%dma_wait3A_117 : memref<1608192x16xf32, #tpu.memory_space<hbm>>) dst(%dma_wait3A_111 : memref<125x16xf32, #tpu.memory_space<vmem>>)
      %dma_wait3A_118 = arith.constant 1 : i32
      %dma_wait3A_119 = arith.constant 1 : i32
      %dma_wait3A_120 = arith.constant 0 : i32
      %dma_wait3A_121 = arith.constant 0 : i32
      %dma_wait3A_122 = tpu.memref_slice %arg6[%dma_wait3A_119, %dma_wait3A_120, %dma_wait3A_121] : memref<8x125x16xf32, #tpu.memory_space<vmem>> -> memref<1x125x16xf32, #tpu.memory_space<vmem>>
      %dma_wait3A_123 = tpu.memref_squeeze %dma_wait3A_122 : memref<1x125x16xf32, #tpu.memory_space<vmem>> -> memref<125x16xf32, #tpu.memory_space<vmem>>
      %dma_wait3A_124 = arith.constant 0 : i32
      %dma_wait3A_125 = tpu.memref_slice %arg5[%dma_wait3A_118, %dma_wait3A_124] : memref<8x125xi32, #tpu.memory_space<vmem>> -> memref<1x125xi32, #tpu.memory_space<vmem>>
      %dma_wait3A_126 = tpu.memref_squeeze %dma_wait3A_125 : memref<1x125xi32, #tpu.memory_space<vmem>> -> memref<125xi32, #tpu.memory_space<vmem>>
      %dma_wait3A_127 = arith.constant 0 : i32
      %dma_wait3A_128 = arith.constant 0 : i32
      %dma_wait3A_129 = tpu.memref_slice %arg2[%dma_wait3A_127, %dma_wait3A_128] : memref<1608192x16xf32, #tpu.memory_space<hbm>> -> memref<1608192x16xf32, #tpu.memory_space<hbm>>
      tpu.wait_indirect_dma semaphore(%arg7 : memref<!tpu.dma_semaphore, #tpu.memory_space<semaphore_mem>>) src(%dma_wait3A_129 : memref<1608192x16xf32, #tpu.memory_space<hbm>>) dst(%dma_wait3A_123 : memref<125x16xf32, #tpu.memory_space<vmem>>)
      %dma_wait3A_130 = arith.constant 2 : i32
      %dma_wait3A_131 = arith.constant 2 : i32
      %dma_wait3A_132 = arith.constant 0 : i32
      %dma_wait3A_133 = arith.constant 0 : i32
      %dma_wait3A_134 = tpu.memref_slice %arg6[%dma_wait3A_131, %dma_wait3A_132, %dma_wait3A_133] : memref<8x125x16xf32, #tpu.memory_space<vmem>> -> memref<1x125x16xf32, #tpu.memory_space<vmem>>
      %dma_wait3A_135 = tpu.memref_squeeze %dma_wait3A_134 : memref<1x125x16xf32, #tpu.memory_space<vmem>> -> memref<125x16xf32, #tpu.memory_space<vmem>>
      %dma_wait3A_136 = arith.constant 0 : i32
      %dma_wait3A_137 = tpu.memref_slice %arg5[%dma_wait3A_130, %dma_wait3A_136] : memref<8x125xi32, #tpu.memory_space<vmem>> -> memref<1x125xi32, #tpu.memory_space<vmem>>
      %dma_wait3A_138 = tpu.memref_squeeze %dma_wait3A_137 : memref<1x125xi32, #tpu.memory_space<vmem>> -> memref<125xi32, #tpu.memory_space<vmem>>
      %dma_wait3A_139 = arith.constant 0 : i32
      %dma_wait3A_140 = arith.constant 0 : i32
      %dma_wait3A_141 = tpu.memref_slice %arg2[%dma_wait3A_139, %dma_wait3A_140] : memref<1608192x16xf32, #tpu.memory_space<hbm>> -> memref<1608192x16xf32, #tpu.memory_space<hbm>>
      tpu.wait_indirect_dma semaphore(%arg7 : memref<!tpu.dma_semaphore, #tpu.memory_space<semaphore_mem>>) src(%dma_wait3A_141 : memref<1608192x16xf32, #tpu.memory_space<hbm>>) dst(%dma_wait3A_135 : memref<125x16xf32, #tpu.memory_space<vmem>>)
      %dma_wait3A_142 = arith.constant 3 : i32
      %dma_wait3A_143 = arith.constant 3 : i32
      %dma_wait3A_144 = arith.constant 0 : i32
      %dma_wait3A_145 = arith.constant 0 : i32
      %dma_wait3A_146 = tpu.memref_slice %arg6[%dma_wait3A_143, %dma_wait3A_144, %dma_wait3A_145] : memref<8x125x16xf32, #tpu.memory_space<vmem>> -> memref<1x125x16xf32, #tpu.memory_space<vmem>>
      %dma_wait3A_147 = tpu.memref_squeeze %dma_wait3A_146 : memref<1x125x16xf32, #tpu.memory_space<vmem>> -> memref<125x16xf32, #tpu.memory_space<vmem>>
      %dma_wait3A_148 = arith.constant 0 : i32
      %dma_wait3A_149 = tpu.memref_slice %arg5[%dma_wait3A_142, %dma_wait3A_148] : memref<8x125xi32, #tpu.memory_space<vmem>> -> memref<1x125xi32, #tpu.memory_space<vmem>>
      %dma_wait3A_150 = tpu.memref_squeeze %dma_wait3A_149 : memref<1x125xi32, #tpu.memory_space<vmem>> -> memref<125xi32, #tpu.memory_space<vmem>>
      %dma_wait3A_151 = arith.constant 0 : i32
      %dma_wait3A_152 = arith.constant 0 : i32
      %dma_wait3A_153 = tpu.memref_slice %arg2[%dma_wait3A_151, %dma_wait3A_152] : memref<1608192x16xf32, #tpu.memory_space<hbm>> -> memref<1608192x16xf32, #tpu.memory_space<hbm>>
      tpu.wait_indirect_dma semaphore(%arg7 : memref<!tpu.dma_semaphore, #tpu.memory_space<semaphore_mem>>) src(%dma_wait3A_153 : memref<1608192x16xf32, #tpu.memory_space<hbm>>) dst(%dma_wait3A_147 : memref<125x16xf32, #tpu.memory_space<vmem>>)
      %dma_wait3A_154 = arith.constant 4 : i32
      %dma_wait3A_155 = arith.constant 4 : i32
      %dma_wait3A_156 = arith.constant 0 : i32
      %dma_wait3A_157 = arith.constant 0 : i32
      %dma_wait3A_158 = tpu.memref_slice %arg6[%dma_wait3A_155, %dma_wait3A_156, %dma_wait3A_157] : memref<8x125x16xf32, #tpu.memory_space<vmem>> -> memref<1x125x16xf32, #tpu.memory_space<vmem>>
      %dma_wait3A_159 = tpu.memref_squeeze %dma_wait3A_158 : memref<1x125x16xf32, #tpu.memory_space<vmem>> -> memref<125x16xf32, #tpu.memory_space<vmem>>
      %dma_wait3A_160 = arith.constant 0 : i32
      %dma_wait3A_161 = tpu.memref_slice %arg5[%dma_wait3A_154, %dma_wait3A_160] : memref<8x125xi32, #tpu.memory_space<vmem>> -> memref<1x125xi32, #tpu.memory_space<vmem>>
      %dma_wait3A_162 = tpu.memref_squeeze %dma_wait3A_161 : memref<1x125xi32, #tpu.memory_space<vmem>> -> memref<125xi32, #tpu.memory_space<vmem>>
      %dma_wait3A_163 = arith.constant 0 : i32
      %dma_wait3A_164 = arith.constant 0 : i32
      %dma_wait3A_165 = tpu.memref_slice %arg2[%dma_wait3A_163, %dma_wait3A_164] : memref<1608192x16xf32, #tpu.memory_space<hbm>> -> memref<1608192x16xf32, #tpu.memory_space<hbm>>
      tpu.wait_indirect_dma semaphore(%arg7 : memref<!tpu.dma_semaphore, #tpu.memory_space<semaphore_mem>>) src(%dma_wait3A_165 : memref<1608192x16xf32, #tpu.memory_space<hbm>>) dst(%dma_wait3A_159 : memref<125x16xf32, #tpu.memory_space<vmem>>)
      %dma_wait3A_166 = arith.constant 5 : i32
      %dma_wait3A_167 = arith.constant 5 : i32
      %dma_wait3A_168 = arith.constant 0 : i32
      %dma_wait3A_169 = arith.constant 0 : i32
      %dma_wait3A_170 = tpu.memref_slice %arg6[%dma_wait3A_167, %dma_wait3A_168, %dma_wait3A_169] : memref<8x125x16xf32, #tpu.memory_space<vmem>> -> memref<1x125x16xf32, #tpu.memory_space<vmem>>
      %dma_wait3A_171 = tpu.memref_squeeze %dma_wait3A_170 : memref<1x125x16xf32, #tpu.memory_space<vmem>> -> memref<125x16xf32, #tpu.memory_space<vmem>>
      %dma_wait3A_172 = arith.constant 0 : i32
      %dma_wait3A_173 = tpu.memref_slice %arg5[%dma_wait3A_166, %dma_wait3A_172] : memref<8x125xi32, #tpu.memory_space<vmem>> -> memref<1x125xi32, #tpu.memory_space<vmem>>
      %dma_wait3A_174 = tpu.memref_squeeze %dma_wait3A_173 : memref<1x125xi32, #tpu.memory_space<vmem>> -> memref<125xi32, #tpu.memory_space<vmem>>
      %dma_wait3A_175 = arith.constant 0 : i32
      %dma_wait3A_176 = arith.constant 0 : i32
      %dma_wait3A_177 = tpu.memref_slice %arg2[%dma_wait3A_175, %dma_wait3A_176] : memref<1608192x16xf32, #tpu.memory_space<hbm>> -> memref<1608192x16xf32, #tpu.memory_space<hbm>>
      tpu.wait_indirect_dma semaphore(%arg7 : memref<!tpu.dma_semaphore, #tpu.memory_space<semaphore_mem>>) src(%dma_wait3A_177 : memref<1608192x16xf32, #tpu.memory_space<hbm>>) dst(%dma_wait3A_171 : memref<125x16xf32, #tpu.memory_space<vmem>>)
      %dma_wait3A_178 = arith.constant 6 : i32
      %dma_wait3A_179 = arith.constant 6 : i32
      %dma_wait3A_180 = arith.constant 0 : i32
      %dma_wait3A_181 = arith.constant 0 : i32
      %dma_wait3A_182 = tpu.memref_slice %arg6[%dma_wait3A_179, %dma_wait3A_180, %dma_wait3A_181] : memref<8x125x16xf32, #tpu.memory_space<vmem>> -> memref<1x125x16xf32, #tpu.memory_space<vmem>>
      %dma_wait3A_183 = tpu.memref_squeeze %dma_wait3A_182 : memref<1x125x16xf32, #tpu.memory_space<vmem>> -> memref<125x16xf32, #tpu.memory_space<vmem>>
      %dma_wait3A_184 = arith.constant 0 : i32
      %dma_wait3A_185 = tpu.memref_slice %arg5[%dma_wait3A_178, %dma_wait3A_184] : memref<8x125xi32, #tpu.memory_space<vmem>> -> memref<1x125xi32, #tpu.memory_space<vmem>>
      %dma_wait3A_186 = tpu.memref_squeeze %dma_wait3A_185 : memref<1x125xi32, #tpu.memory_space<vmem>> -> memref<125xi32, #tpu.memory_space<vmem>>
      %dma_wait3A_187 = arith.constant 0 : i32
      %dma_wait3A_188 = arith.constant 0 : i32
      %dma_wait3A_189 = tpu.memref_slice %arg2[%dma_wait3A_187, %dma_wait3A_188] : memref<1608192x16xf32, #tpu.memory_space<hbm>> -> memref<1608192x16xf32, #tpu.memory_space<hbm>>
      tpu.wait_indirect_dma semaphore(%arg7 : memref<!tpu.dma_semaphore, #tpu.memory_space<semaphore_mem>>) src(%dma_wait3A_189 : memref<1608192x16xf32, #tpu.memory_space<hbm>>) dst(%dma_wait3A_183 : memref<125x16xf32, #tpu.memory_space<vmem>>)
      %dma_wait3A_190 = arith.constant 7 : i32
      %dma_wait3A_191 = arith.constant 7 : i32
      %dma_wait3A_192 = arith.constant 0 : i32
      %dma_wait3A_193 = arith.constant 0 : i32
      %dma_wait3A_194 = tpu.memref_slice %arg6[%dma_wait3A_191, %dma_wait3A_192, %dma_wait3A_193] : memref<8x125x16xf32, #tpu.memory_space<vmem>> -> memref<1x125x16xf32, #tpu.memory_space<vmem>>
      %dma_wait3A_195 = tpu.memref_squeeze %dma_wait3A_194 : memref<1x125x16xf32, #tpu.memory_space<vmem>> -> memref<125x16xf32, #tpu.memory_space<vmem>>
      %dma_wait3A_196 = arith.constant 0 : i32
      %dma_wait3A_197 = tpu.memref_slice %arg5[%dma_wait3A_190, %dma_wait3A_196] : memref<8x125xi32, #tpu.memory_space<vmem>> -> memref<1x125xi32, #tpu.memory_space<vmem>>
      %dma_wait3A_198 = tpu.memref_squeeze %dma_wait3A_197 : memref<1x125xi32, #tpu.memory_space<vmem>> -> memref<125xi32, #tpu.memory_space<vmem>>
      %dma_wait3A_199 = arith.constant 0 : i32
      %dma_wait3A_200 = arith.constant 0 : i32
      %dma_wait3A_201 = tpu.memref_slice %arg2[%dma_wait3A_199, %dma_wait3A_200] : memref<1608192x16xf32, #tpu.memory_space<hbm>> -> memref<1608192x16xf32, #tpu.memory_space<hbm>>
      tpu.wait_indirect_dma semaphore(%arg7 : memref<!tpu.dma_semaphore, #tpu.memory_space<semaphore_mem>>) src(%dma_wait3A_201 : memref<1608192x16xf32, #tpu.memory_space<hbm>>) dst(%dma_wait3A_195 : memref<125x16xf32, #tpu.memory_space<vmem>>)
      "tpu.region"() ({
        %run_scoped3A = tpu.sem_alloc : memref<!tpu.dma_semaphore, #tpu.memory_space<semaphore_mem>>
        %dma_start3A_202 = arith.constant 0 : i32
        %dma_start3A_203 = arith.constant 0 : i32
        %dma_start3A_204 = tpu.memref_slice %arg4[%add3A_11, %dma_start3A_202, %dma_start3A_203] : memref<18432x125x16xf32, #tpu.memory_space<hbm>> -> memref<8x125x16xf32, #tpu.memory_space<hbm>>
        %dma_start3A_205 = arith.constant 0 : i32
        %dma_start3A_206 = arith.constant 0 : i32
        %dma_start3A_207 = tpu.memref_slice %arg4[%add3A_11, %dma_start3A_205, %dma_start3A_206] : memref<18432x125x16xf32, #tpu.memory_space<hbm>> -> memref<8x125x16xf32, #tpu.memory_space<hbm>>
        tpu.enqueue_dma source(%arg6 : memref<8x125x16xf32, #tpu.memory_space<vmem>>) target(%dma_start3A_207 : memref<8x125x16xf32, #tpu.memory_space<hbm>>) target_semaphore(%run_scoped3A : memref<!tpu.dma_semaphore, #tpu.memory_space<semaphore_mem>>)
        %dma_wait3A_208 = arith.constant 0 : i32
        %dma_wait3A_209 = arith.constant 0 : i32
        %dma_wait3A_210 = tpu.memref_slice %arg4[%add3A_11, %dma_wait3A_208, %dma_wait3A_209] : memref<18432x125x16xf32, #tpu.memory_space<hbm>> -> memref<8x125x16xf32, #tpu.memory_space<hbm>>
        %dma_wait3A_211 = arith.constant 0 : i32
        %dma_wait3A_212 = arith.constant 0 : i32
        %dma_wait3A_213 = tpu.memref_slice %arg4[%add3A_11, %dma_wait3A_211, %dma_wait3A_212] : memref<18432x125x16xf32, #tpu.memory_space<hbm>> -> memref<8x125x16xf32, #tpu.memory_space<hbm>>
        tpu.wait_dma2 semaphore(%run_scoped3A : memref<!tpu.dma_semaphore, #tpu.memory_space<semaphore_mem>>) src(%arg6 : memref<8x125x16xf32, #tpu.memory_space<vmem>>) dst(%dma_wait3A_213 : memref<8x125x16xf32, #tpu.memory_space<hbm>>)
        tpu.yield
      }) : () -> ()
    }
    %scan3A_7 = arith.constant 72 : i32
    return
  }
}

#map = affine_map<(d0, d1) -> (0, 0)>
#map1 = affine_map<(d0, d1) -> (0, 0, 0)>
module attributes {stable_mosaic.version = 14 : i64} {
  func.func @gather_kernel(%arg0: i32, %arg1: i32, %arg2: memref<1608192x16xf32, #tpu.memory_space<hbm>>, %arg3: memref<18432x125xi32, #tpu.memory_space<hbm>>, %arg4: memref<18432x125x16xf32, #tpu.memory_space<hbm>>, %arg5: memref<8x125xi32, #tpu.memory_space<vmem>>, %arg6: memref<8x125x16xf32, #tpu.memory_space<vmem>>, %arg7: memref<!tpu.dma_semaphore, #tpu.memory_space<semaphore_mem>>) attributes {dimension_semantics = [#tpu.dimension_semantics<core_parallel>, #tpu.dimension_semantics<subcore_parallel>], iteration_bounds = array<i64: 2, 16>, scalar_prefetch = 0 : i64, scratch_operands = 3 : i64, tpu.core_type = #tpu.core_type<sc_vector_subcore>, window_params = [{transform_indices = #map}, {transform_indices = #map}, {transform_indices = #map1}]} {
    %mul3A = arith.constant 2 : i32
    %mul3A_0 = arith.muli %arg1, %mul3A : i32
    %add3A = arith.addi %mul3A_0, %arg0 : i32
    %mul3A_1 = arith.constant 576 : i32
    %mul3A_2 = arith.muli %add3A, %mul3A_1 : i32
    %scan3A = arith.constant 0 : i32
    %scan3A_3 = arith.constant 0 : i32
    %scan3A_4 = arith.constant 72 : i32
    %scan3A_5 = arith.addi %scan3A_3, %scan3A_4 : i32
    %scan3A_6 = arith.constant 1 : i32
    scf.for %scan3A_8 = %scan3A_3 to %scan3A_5 step %scan3A_6  : i32 {
      %mul3A_9 = arith.constant 8 : i32
      %mul3A_10 = arith.muli %scan3A_8, %mul3A_9 : i32
      %add3A_11 = arith.addi %mul3A_2, %mul3A_10 : i32
      "tpu.region"() ({
        %run_scoped3A = tpu.sem_alloc : memref<!tpu.dma_semaphore, #tpu.memory_space<semaphore_mem>>
        %dma_start3A_202 = arith.constant 0 : i32
        %dma_start3A_203 = tpu.memref_slice %arg3[%add3A_11, %dma_start3A_202] : memref<18432x125xi32, #tpu.memory_space<hbm>> -> memref<8x125xi32, #tpu.memory_space<hbm>>
        %dma_start3A_204 = arith.constant 0 : i32
        %dma_start3A_205 = tpu.memref_slice %arg3[%add3A_11, %dma_start3A_204] : memref<18432x125xi32, #tpu.memory_space<hbm>> -> memref<8x125xi32, #tpu.memory_space<hbm>>
        tpu.enqueue_dma source(%dma_start3A_205 : memref<8x125xi32, #tpu.memory_space<hbm>>) target(%arg5 : memref<8x125xi32, #tpu.memory_space<vmem>>) target_semaphore(%run_scoped3A : memref<!tpu.dma_semaphore, #tpu.memory_space<semaphore_mem>>)
        %dma_wait3A_206 = arith.constant 0 : i32
        %dma_wait3A_207 = tpu.memref_slice %arg3[%add3A_11, %dma_wait3A_206] : memref<18432x125xi32, #tpu.memory_space<hbm>> -> memref<8x125xi32, #tpu.memory_space<hbm>>
        %dma_wait3A_208 = arith.constant 0 : i32
        %dma_wait3A_209 = tpu.memref_slice %arg3[%add3A_11, %dma_wait3A_208] : memref<18432x125xi32, #tpu.memory_space<hbm>> -> memref<8x125xi32, #tpu.memory_space<hbm>>
        tpu.wait_dma2 semaphore(%run_scoped3A : memref<!tpu.dma_semaphore, #tpu.memory_space<semaphore_mem>>) src(%dma_wait3A_209 : memref<8x125xi32, #tpu.memory_space<hbm>>) dst(%arg5 : memref<8x125xi32, #tpu.memory_space<vmem>>)
        tpu.yield
      }) : () -> ()
      %dma_start3A = arith.constant 0 : i32
      %dma_start3A_12 = arith.constant 0 : i32
      %dma_start3A_13 = arith.constant 0 : i32
      %dma_start3A_14 = arith.constant 0 : i32
      %dma_start3A_15 = tpu.memref_slice %arg6[%dma_start3A_12, %dma_start3A_13, %dma_start3A_14] : memref<8x125x16xf32, #tpu.memory_space<vmem>> -> memref<1x125x16xf32, #tpu.memory_space<vmem>>
      %dma_start3A_16 = tpu.memref_squeeze %dma_start3A_15 : memref<1x125x16xf32, #tpu.memory_space<vmem>> -> memref<125x16xf32, #tpu.memory_space<vmem>>
      %dma_start3A_17 = arith.constant 0 : i32
      %dma_start3A_18 = tpu.memref_slice %arg5[%dma_start3A, %dma_start3A_17] : memref<8x125xi32, #tpu.memory_space<vmem>> -> memref<1x125xi32, #tpu.memory_space<vmem>>
      %dma_start3A_19 = tpu.memref_squeeze %dma_start3A_18 : memref<1x125xi32, #tpu.memory_space<vmem>> -> memref<125xi32, #tpu.memory_space<vmem>>
      %dma_start3A_20 = arith.constant 0 : i32
      %dma_start3A_21 = arith.constant 0 : i32
      %dma_start3A_22 = tpu.memref_slice %arg2[%dma_start3A_20, %dma_start3A_21] : memref<1608192x16xf32, #tpu.memory_space<hbm>> -> memref<1608192x16xf32, #tpu.memory_space<hbm>>
      tpu.enqueue_indirect_dma source(%dma_start3A_22 : memref<1608192x16xf32, #tpu.memory_space<hbm>>) target(%dma_start3A_16 : memref<125x16xf32, #tpu.memory_space<vmem>>) offsets(%dma_start3A_19 : memref<125xi32, #tpu.memory_space<vmem>>) semaphore(%arg7 : memref<!tpu.dma_semaphore, #tpu.memory_space<semaphore_mem>>)
      %dma_start3A_23 = arith.constant 1 : i32
      %dma_start3A_24 = arith.constant 1 : i32
      %dma_start3A_25 = arith.constant 0 : i32
      %dma_start3A_26 = arith.constant 0 : i32
      %dma_start3A_27 = tpu.memref_slice %arg6[%dma_start3A_24, %dma_start3A_25, %dma_start3A_26] : memref<8x125x16xf32, #tpu.memory_space<vmem>> -> memref<1x125x16xf32, #tpu.memory_space<vmem>>
      %dma_start3A_28 = tpu.memref_squeeze %dma_start3A_27 : memref<1x125x16xf32, #tpu.memory_space<vmem>> -> memref<125x16xf32, #tpu.memory_space<vmem>>
      %dma_start3A_29 = arith.constant 0 : i32
      %dma_start3A_30 = tpu.memref_slice %arg5[%dma_start3A_23, %dma_start3A_29] : memref<8x125xi32, #tpu.memory_space<vmem>> -> memref<1x125xi32, #tpu.memory_space<vmem>>
      %dma_start3A_31 = tpu.memref_squeeze %dma_start3A_30 : memref<1x125xi32, #tpu.memory_space<vmem>> -> memref<125xi32, #tpu.memory_space<vmem>>
      %dma_start3A_32 = arith.constant 0 : i32
      %dma_start3A_33 = arith.constant 0 : i32
      %dma_start3A_34 = tpu.memref_slice %arg2[%dma_start3A_32, %dma_start3A_33] : memref<1608192x16xf32, #tpu.memory_space<hbm>> -> memref<1608192x16xf32, #tpu.memory_space<hbm>>
      tpu.enqueue_indirect_dma source(%dma_start3A_34 : memref<1608192x16xf32, #tpu.memory_space<hbm>>) target(%dma_start3A_28 : memref<125x16xf32, #tpu.memory_space<vmem>>) offsets(%dma_start3A_31 : memref<125xi32, #tpu.memory_space<vmem>>) semaphore(%arg7 : memref<!tpu.dma_semaphore, #tpu.memory_space<semaphore_mem>>)
      %dma_start3A_35 = arith.constant 2 : i32
      %dma_start3A_36 = arith.constant 2 : i32
      %dma_start3A_37 = arith.constant 0 : i32
      %dma_start3A_38 = arith.constant 0 : i32
      %dma_start3A_39 = tpu.memref_slice %arg6[%dma_start3A_36, %dma_start3A_37, %dma_start3A_38] : memref<8x125x16xf32, #tpu.memory_space<vmem>> -> memref<1x125x16xf32, #tpu.memory_space<vmem>>
      %dma_start3A_40 = tpu.memref_squeeze %dma_start3A_39 : memref<1x125x16xf32, #tpu.memory_space<vmem>> -> memref<125x16xf32, #tpu.memory_space<vmem>>
      %dma_start3A_41 = arith.constant 0 : i32
      %dma_start3A_42 = tpu.memref_slice %arg5[%dma_start3A_35, %dma_start3A_41] : memref<8x125xi32, #tpu.memory_space<vmem>> -> memref<1x125xi32, #tpu.memory_space<vmem>>
      %dma_start3A_43 = tpu.memref_squeeze %dma_start3A_42 : memref<1x125xi32, #tpu.memory_space<vmem>> -> memref<125xi32, #tpu.memory_space<vmem>>
      %dma_start3A_44 = arith.constant 0 : i32
      %dma_start3A_45 = arith.constant 0 : i32
      %dma_start3A_46 = tpu.memref_slice %arg2[%dma_start3A_44, %dma_start3A_45] : memref<1608192x16xf32, #tpu.memory_space<hbm>> -> memref<1608192x16xf32, #tpu.memory_space<hbm>>
      tpu.enqueue_indirect_dma source(%dma_start3A_46 : memref<1608192x16xf32, #tpu.memory_space<hbm>>) target(%dma_start3A_40 : memref<125x16xf32, #tpu.memory_space<vmem>>) offsets(%dma_start3A_43 : memref<125xi32, #tpu.memory_space<vmem>>) semaphore(%arg7 : memref<!tpu.dma_semaphore, #tpu.memory_space<semaphore_mem>>)
      %dma_start3A_47 = arith.constant 3 : i32
      %dma_start3A_48 = arith.constant 3 : i32
      %dma_start3A_49 = arith.constant 0 : i32
      %dma_start3A_50 = arith.constant 0 : i32
      %dma_start3A_51 = tpu.memref_slice %arg6[%dma_start3A_48, %dma_start3A_49, %dma_start3A_50] : memref<8x125x16xf32, #tpu.memory_space<vmem>> -> memref<1x125x16xf32, #tpu.memory_space<vmem>>
      %dma_start3A_52 = tpu.memref_squeeze %dma_start3A_51 : memref<1x125x16xf32, #tpu.memory_space<vmem>> -> memref<125x16xf32, #tpu.memory_space<vmem>>
      %dma_start3A_53 = arith.constant 0 : i32
      %dma_start3A_54 = tpu.memref_slice %arg5[%dma_start3A_47, %dma_start3A_53] : memref<8x125xi32, #tpu.memory_space<vmem>> -> memref<1x125xi32, #tpu.memory_space<vmem>>
      %dma_start3A_55 = tpu.memref_squeeze %dma_start3A_54 : memref<1x125xi32, #tpu.memory_space<vmem>> -> memref<125xi32, #tpu.memory_space<vmem>>
      %dma_start3A_56 = arith.constant 0 : i32
      %dma_start3A_57 = arith.constant 0 : i32
      %dma_start3A_58 = tpu.memref_slice %arg2[%dma_start3A_56, %dma_start3A_57] : memref<1608192x16xf32, #tpu.memory_space<hbm>> -> memref<1608192x16xf32, #tpu.memory_space<hbm>>
      tpu.enqueue_indirect_dma source(%dma_start3A_58 : memref<1608192x16xf32, #tpu.memory_space<hbm>>) target(%dma_start3A_52 : memref<125x16xf32, #tpu.memory_space<vmem>>) offsets(%dma_start3A_55 : memref<125xi32, #tpu.memory_space<vmem>>) semaphore(%arg7 : memref<!tpu.dma_semaphore, #tpu.memory_space<semaphore_mem>>)
      %dma_start3A_59 = arith.constant 4 : i32
      %dma_start3A_60 = arith.constant 4 : i32
      %dma_start3A_61 = arith.constant 0 : i32
      %dma_start3A_62 = arith.constant 0 : i32
      %dma_start3A_63 = tpu.memref_slice %arg6[%dma_start3A_60, %dma_start3A_61, %dma_start3A_62] : memref<8x125x16xf32, #tpu.memory_space<vmem>> -> memref<1x125x16xf32, #tpu.memory_space<vmem>>
      %dma_start3A_64 = tpu.memref_squeeze %dma_start3A_63 : memref<1x125x16xf32, #tpu.memory_space<vmem>> -> memref<125x16xf32, #tpu.memory_space<vmem>>
      %dma_start3A_65 = arith.constant 0 : i32
      %dma_start3A_66 = tpu.memref_slice %arg5[%dma_start3A_59, %dma_start3A_65] : memref<8x125xi32, #tpu.memory_space<vmem>> -> memref<1x125xi32, #tpu.memory_space<vmem>>
      %dma_start3A_67 = tpu.memref_squeeze %dma_start3A_66 : memref<1x125xi32, #tpu.memory_space<vmem>> -> memref<125xi32, #tpu.memory_space<vmem>>
      %dma_start3A_68 = arith.constant 0 : i32
      %dma_start3A_69 = arith.constant 0 : i32
      %dma_start3A_70 = tpu.memref_slice %arg2[%dma_start3A_68, %dma_start3A_69] : memref<1608192x16xf32, #tpu.memory_space<hbm>> -> memref<1608192x16xf32, #tpu.memory_space<hbm>>
      tpu.enqueue_indirect_dma source(%dma_start3A_70 : memref<1608192x16xf32, #tpu.memory_space<hbm>>) target(%dma_start3A_64 : memref<125x16xf32, #tpu.memory_space<vmem>>) offsets(%dma_start3A_67 : memref<125xi32, #tpu.memory_space<vmem>>) semaphore(%arg7 : memref<!tpu.dma_semaphore, #tpu.memory_space<semaphore_mem>>)
      %dma_start3A_71 = arith.constant 5 : i32
      %dma_start3A_72 = arith.constant 5 : i32
      %dma_start3A_73 = arith.constant 0 : i32
      %dma_start3A_74 = arith.constant 0 : i32
      %dma_start3A_75 = tpu.memref_slice %arg6[%dma_start3A_72, %dma_start3A_73, %dma_start3A_74] : memref<8x125x16xf32, #tpu.memory_space<vmem>> -> memref<1x125x16xf32, #tpu.memory_space<vmem>>
      %dma_start3A_76 = tpu.memref_squeeze %dma_start3A_75 : memref<1x125x16xf32, #tpu.memory_space<vmem>> -> memref<125x16xf32, #tpu.memory_space<vmem>>
      %dma_start3A_77 = arith.constant 0 : i32
      %dma_start3A_78 = tpu.memref_slice %arg5[%dma_start3A_71, %dma_start3A_77] : memref<8x125xi32, #tpu.memory_space<vmem>> -> memref<1x125xi32, #tpu.memory_space<vmem>>
      %dma_start3A_79 = tpu.memref_squeeze %dma_start3A_78 : memref<1x125xi32, #tpu.memory_space<vmem>> -> memref<125xi32, #tpu.memory_space<vmem>>
      %dma_start3A_80 = arith.constant 0 : i32
      %dma_start3A_81 = arith.constant 0 : i32
      %dma_start3A_82 = tpu.memref_slice %arg2[%dma_start3A_80, %dma_start3A_81] : memref<1608192x16xf32, #tpu.memory_space<hbm>> -> memref<1608192x16xf32, #tpu.memory_space<hbm>>
      tpu.enqueue_indirect_dma source(%dma_start3A_82 : memref<1608192x16xf32, #tpu.memory_space<hbm>>) target(%dma_start3A_76 : memref<125x16xf32, #tpu.memory_space<vmem>>) offsets(%dma_start3A_79 : memref<125xi32, #tpu.memory_space<vmem>>) semaphore(%arg7 : memref<!tpu.dma_semaphore, #tpu.memory_space<semaphore_mem>>)
      %dma_start3A_83 = arith.constant 6 : i32
      %dma_start3A_84 = arith.constant 6 : i32
      %dma_start3A_85 = arith.constant 0 : i32
      %dma_start3A_86 = arith.constant 0 : i32
      %dma_start3A_87 = tpu.memref_slice %arg6[%dma_start3A_84, %dma_start3A_85, %dma_start3A_86] : memref<8x125x16xf32, #tpu.memory_space<vmem>> -> memref<1x125x16xf32, #tpu.memory_space<vmem>>
      %dma_start3A_88 = tpu.memref_squeeze %dma_start3A_87 : memref<1x125x16xf32, #tpu.memory_space<vmem>> -> memref<125x16xf32, #tpu.memory_space<vmem>>
      %dma_start3A_89 = arith.constant 0 : i32
      %dma_start3A_90 = tpu.memref_slice %arg5[%dma_start3A_83, %dma_start3A_89] : memref<8x125xi32, #tpu.memory_space<vmem>> -> memref<1x125xi32, #tpu.memory_space<vmem>>
      %dma_start3A_91 = tpu.memref_squeeze %dma_start3A_90 : memref<1x125xi32, #tpu.memory_space<vmem>> -> memref<125xi32, #tpu.memory_space<vmem>>
      %dma_start3A_92 = arith.constant 0 : i32
      %dma_start3A_93 = arith.constant 0 : i32
      %dma_start3A_94 = tpu.memref_slice %arg2[%dma_start3A_92, %dma_start3A_93] : memref<1608192x16xf32, #tpu.memory_space<hbm>> -> memref<1608192x16xf32, #tpu.memory_space<hbm>>
      tpu.enqueue_indirect_dma source(%dma_start3A_94 : memref<1608192x16xf32, #tpu.memory_space<hbm>>) target(%dma_start3A_88 : memref<125x16xf32, #tpu.memory_space<vmem>>) offsets(%dma_start3A_91 : memref<125xi32, #tpu.memory_space<vmem>>) semaphore(%arg7 : memref<!tpu.dma_semaphore, #tpu.memory_space<semaphore_mem>>)
      %dma_start3A_95 = arith.constant 7 : i32
      %dma_start3A_96 = arith.constant 7 : i32
      %dma_start3A_97 = arith.constant 0 : i32
      %dma_start3A_98 = arith.constant 0 : i32
      %dma_start3A_99 = tpu.memref_slice %arg6[%dma_start3A_96, %dma_start3A_97, %dma_start3A_98] : memref<8x125x16xf32, #tpu.memory_space<vmem>> -> memref<1x125x16xf32, #tpu.memory_space<vmem>>
      %dma_start3A_100 = tpu.memref_squeeze %dma_start3A_99 : memref<1x125x16xf32, #tpu.memory_space<vmem>> -> memref<125x16xf32, #tpu.memory_space<vmem>>
      %dma_start3A_101 = arith.constant 0 : i32
      %dma_start3A_102 = tpu.memref_slice %arg5[%dma_start3A_95, %dma_start3A_101] : memref<8x125xi32, #tpu.memory_space<vmem>> -> memref<1x125xi32, #tpu.memory_space<vmem>>
      %dma_start3A_103 = tpu.memref_squeeze %dma_start3A_102 : memref<1x125xi32, #tpu.memory_space<vmem>> -> memref<125xi32, #tpu.memory_space<vmem>>
      %dma_start3A_104 = arith.constant 0 : i32
      %dma_start3A_105 = arith.constant 0 : i32
      %dma_start3A_106 = tpu.memref_slice %arg2[%dma_start3A_104, %dma_start3A_105] : memref<1608192x16xf32, #tpu.memory_space<hbm>> -> memref<1608192x16xf32, #tpu.memory_space<hbm>>
      tpu.enqueue_indirect_dma source(%dma_start3A_106 : memref<1608192x16xf32, #tpu.memory_space<hbm>>) target(%dma_start3A_100 : memref<125x16xf32, #tpu.memory_space<vmem>>) offsets(%dma_start3A_103 : memref<125xi32, #tpu.memory_space<vmem>>) semaphore(%arg7 : memref<!tpu.dma_semaphore, #tpu.memory_space<semaphore_mem>>)
      %dma_wait3A = arith.constant 0 : i32
      %dma_wait3A_107 = arith.constant 0 : i32
      %dma_wait3A_108 = arith.constant 0 : i32
      %dma_wait3A_109 = arith.constant 0 : i32
      %dma_wait3A_110 = tpu.memref_slice %arg6[%dma_wait3A_107, %dma_wait3A_108, %dma_wait3A_109] : memref<8x125x16xf32, #tpu.memory_space<vmem>> -> memref<1x125x16xf32, #tpu.memory_space<vmem>>
      %dma_wait3A_111 = tpu.memref_squeeze %dma_wait3A_110 : memref<1x125x16xf32, #tpu.memory_space<vmem>> -> memref<125x16xf32, #tpu.memory_space<vmem>>
      %dma_wait3A_112 = arith.constant 0 : i32
      %dma_wait3A_113 = tpu.memref_slice %arg5[%dma_wait3A, %dma_wait3A_112] : memref<8x125xi32, #tpu.memory_space<vmem>> -> memref<1x125xi32, #tpu.memory_space<vmem>>
      %dma_wait3A_114 = tpu.memref_squeeze %dma_wait3A_113 : memref<1x125xi32, #tpu.memory_space<vmem>> -> memref<125xi32, #tpu.memory_space<vmem>>
      %dma_wait3A_115 = arith.constant 0 : i32
      %dma_wait3A_116 = arith.constant 0 : i32
      %dma_wait3A_117 = tpu.memref_slice %arg2[%dma_wait3A_115, %dma_wait3A_116] : memref<1608192x16xf32, #tpu.memory_space<hbm>> -> memref<1608192x16xf32, #tpu.memory_space<hbm>>
      tpu.wait_indirect_dma semaphore(%arg7 : memref<!tpu.dma_semaphore, #tpu.memory_space<semaphore_mem>>) src(%dma_wait3A_117 : memref<1608192x16xf32, #tpu.memory_space<hbm>>) dst(%dma_wait3A_111 : memref<125x16xf32, #tpu.memory_space<vmem>>)
      %dma_wait3A_118 = arith.constant 1 : i32
      %dma_wait3A_119 = arith.constant 1 : i32
      %dma_wait3A_120 = arith.constant 0 : i32
      %dma_wait3A_121 = arith.constant 0 : i32
      %dma_wait3A_122 = tpu.memref_slice %arg6[%dma_wait3A_119, %dma_wait3A_120, %dma_wait3A_121] : memref<8x125x16xf32, #tpu.memory_space<vmem>> -> memref<1x125x16xf32, #tpu.memory_space<vmem>>
      %dma_wait3A_123 = tpu.memref_squeeze %dma_wait3A_122 : memref<1x125x16xf32, #tpu.memory_space<vmem>> -> memref<125x16xf32, #tpu.memory_space<vmem>>
      %dma_wait3A_124 = arith.constant 0 : i32
      %dma_wait3A_125 = tpu.memref_slice %arg5[%dma_wait3A_118, %dma_wait3A_124] : memref<8x125xi32, #tpu.memory_space<vmem>> -> memref<1x125xi32, #tpu.memory_space<vmem>>
      %dma_wait3A_126 = tpu.memref_squeeze %dma_wait3A_125 : memref<1x125xi32, #tpu.memory_space<vmem>> -> memref<125xi32, #tpu.memory_space<vmem>>
      %dma_wait3A_127 = arith.constant 0 : i32
      %dma_wait3A_128 = arith.constant 0 : i32
      %dma_wait3A_129 = tpu.memref_slice %arg2[%dma_wait3A_127, %dma_wait3A_128] : memref<1608192x16xf32, #tpu.memory_space<hbm>> -> memref<1608192x16xf32, #tpu.memory_space<hbm>>
      tpu.wait_indirect_dma semaphore(%arg7 : memref<!tpu.dma_semaphore, #tpu.memory_space<semaphore_mem>>) src(%dma_wait3A_129 : memref<1608192x16xf32, #tpu.memory_space<hbm>>) dst(%dma_wait3A_123 : memref<125x16xf32, #tpu.memory_space<vmem>>)
      %dma_wait3A_130 = arith.constant 2 : i32
      %dma_wait3A_131 = arith.constant 2 : i32
      %dma_wait3A_132 = arith.constant 0 : i32
      %dma_wait3A_133 = arith.constant 0 : i32
      %dma_wait3A_134 = tpu.memref_slice %arg6[%dma_wait3A_131, %dma_wait3A_132, %dma_wait3A_133] : memref<8x125x16xf32, #tpu.memory_space<vmem>> -> memref<1x125x16xf32, #tpu.memory_space<vmem>>
      %dma_wait3A_135 = tpu.memref_squeeze %dma_wait3A_134 : memref<1x125x16xf32, #tpu.memory_space<vmem>> -> memref<125x16xf32, #tpu.memory_space<vmem>>
      %dma_wait3A_136 = arith.constant 0 : i32
      %dma_wait3A_137 = tpu.memref_slice %arg5[%dma_wait3A_130, %dma_wait3A_136] : memref<8x125xi32, #tpu.memory_space<vmem>> -> memref<1x125xi32, #tpu.memory_space<vmem>>
      %dma_wait3A_138 = tpu.memref_squeeze %dma_wait3A_137 : memref<1x125xi32, #tpu.memory_space<vmem>> -> memref<125xi32, #tpu.memory_space<vmem>>
      %dma_wait3A_139 = arith.constant 0 : i32
      %dma_wait3A_140 = arith.constant 0 : i32
      %dma_wait3A_141 = tpu.memref_slice %arg2[%dma_wait3A_139, %dma_wait3A_140] : memref<1608192x16xf32, #tpu.memory_space<hbm>> -> memref<1608192x16xf32, #tpu.memory_space<hbm>>
      tpu.wait_indirect_dma semaphore(%arg7 : memref<!tpu.dma_semaphore, #tpu.memory_space<semaphore_mem>>) src(%dma_wait3A_141 : memref<1608192x16xf32, #tpu.memory_space<hbm>>) dst(%dma_wait3A_135 : memref<125x16xf32, #tpu.memory_space<vmem>>)
      %dma_wait3A_142 = arith.constant 3 : i32
      %dma_wait3A_143 = arith.constant 3 : i32
      %dma_wait3A_144 = arith.constant 0 : i32
      %dma_wait3A_145 = arith.constant 0 : i32
      %dma_wait3A_146 = tpu.memref_slice %arg6[%dma_wait3A_143, %dma_wait3A_144, %dma_wait3A_145] : memref<8x125x16xf32, #tpu.memory_space<vmem>> -> memref<1x125x16xf32, #tpu.memory_space<vmem>>
      %dma_wait3A_147 = tpu.memref_squeeze %dma_wait3A_146 : memref<1x125x16xf32, #tpu.memory_space<vmem>> -> memref<125x16xf32, #tpu.memory_space<vmem>>
      %dma_wait3A_148 = arith.constant 0 : i32
      %dma_wait3A_149 = tpu.memref_slice %arg5[%dma_wait3A_142, %dma_wait3A_148] : memref<8x125xi32, #tpu.memory_space<vmem>> -> memref<1x125xi32, #tpu.memory_space<vmem>>
      %dma_wait3A_150 = tpu.memref_squeeze %dma_wait3A_149 : memref<1x125xi32, #tpu.memory_space<vmem>> -> memref<125xi32, #tpu.memory_space<vmem>>
      %dma_wait3A_151 = arith.constant 0 : i32
      %dma_wait3A_152 = arith.constant 0 : i32
      %dma_wait3A_153 = tpu.memref_slice %arg2[%dma_wait3A_151, %dma_wait3A_152] : memref<1608192x16xf32, #tpu.memory_space<hbm>> -> memref<1608192x16xf32, #tpu.memory_space<hbm>>
      tpu.wait_indirect_dma semaphore(%arg7 : memref<!tpu.dma_semaphore, #tpu.memory_space<semaphore_mem>>) src(%dma_wait3A_153 : memref<1608192x16xf32, #tpu.memory_space<hbm>>) dst(%dma_wait3A_147 : memref<125x16xf32, #tpu.memory_space<vmem>>)
      %dma_wait3A_154 = arith.constant 4 : i32
      %dma_wait3A_155 = arith.constant 4 : i32
      %dma_wait3A_156 = arith.constant 0 : i32
      %dma_wait3A_157 = arith.constant 0 : i32
      %dma_wait3A_158 = tpu.memref_slice %arg6[%dma_wait3A_155, %dma_wait3A_156, %dma_wait3A_157] : memref<8x125x16xf32, #tpu.memory_space<vmem>> -> memref<1x125x16xf32, #tpu.memory_space<vmem>>
      %dma_wait3A_159 = tpu.memref_squeeze %dma_wait3A_158 : memref<1x125x16xf32, #tpu.memory_space<vmem>> -> memref<125x16xf32, #tpu.memory_space<vmem>>
      %dma_wait3A_160 = arith.constant 0 : i32
      %dma_wait3A_161 = tpu.memref_slice %arg5[%dma_wait3A_154, %dma_wait3A_160] : memref<8x125xi32, #tpu.memory_space<vmem>> -> memref<1x125xi32, #tpu.memory_space<vmem>>
      %dma_wait3A_162 = tpu.memref_squeeze %dma_wait3A_161 : memref<1x125xi32, #tpu.memory_space<vmem>> -> memref<125xi32, #tpu.memory_space<vmem>>
      %dma_wait3A_163 = arith.constant 0 : i32
      %dma_wait3A_164 = arith.constant 0 : i32
      %dma_wait3A_165 = tpu.memref_slice %arg2[%dma_wait3A_163, %dma_wait3A_164] : memref<1608192x16xf32, #tpu.memory_space<hbm>> -> memref<1608192x16xf32, #tpu.memory_space<hbm>>
      tpu.wait_indirect_dma semaphore(%arg7 : memref<!tpu.dma_semaphore, #tpu.memory_space<semaphore_mem>>) src(%dma_wait3A_165 : memref<1608192x16xf32, #tpu.memory_space<hbm>>) dst(%dma_wait3A_159 : memref<125x16xf32, #tpu.memory_space<vmem>>)
      %dma_wait3A_166 = arith.constant 5 : i32
      %dma_wait3A_167 = arith.constant 5 : i32
      %dma_wait3A_168 = arith.constant 0 : i32
      %dma_wait3A_169 = arith.constant 0 : i32
      %dma_wait3A_170 = tpu.memref_slice %arg6[%dma_wait3A_167, %dma_wait3A_168, %dma_wait3A_169] : memref<8x125x16xf32, #tpu.memory_space<vmem>> -> memref<1x125x16xf32, #tpu.memory_space<vmem>>
      %dma_wait3A_171 = tpu.memref_squeeze %dma_wait3A_170 : memref<1x125x16xf32, #tpu.memory_space<vmem>> -> memref<125x16xf32, #tpu.memory_space<vmem>>
      %dma_wait3A_172 = arith.constant 0 : i32
      %dma_wait3A_173 = tpu.memref_slice %arg5[%dma_wait3A_166, %dma_wait3A_172] : memref<8x125xi32, #tpu.memory_space<vmem>> -> memref<1x125xi32, #tpu.memory_space<vmem>>
      %dma_wait3A_174 = tpu.memref_squeeze %dma_wait3A_173 : memref<1x125xi32, #tpu.memory_space<vmem>> -> memref<125xi32, #tpu.memory_space<vmem>>
      %dma_wait3A_175 = arith.constant 0 : i32
      %dma_wait3A_176 = arith.constant 0 : i32
      %dma_wait3A_177 = tpu.memref_slice %arg2[%dma_wait3A_175, %dma_wait3A_176] : memref<1608192x16xf32, #tpu.memory_space<hbm>> -> memref<1608192x16xf32, #tpu.memory_space<hbm>>
      tpu.wait_indirect_dma semaphore(%arg7 : memref<!tpu.dma_semaphore, #tpu.memory_space<semaphore_mem>>) src(%dma_wait3A_177 : memref<1608192x16xf32, #tpu.memory_space<hbm>>) dst(%dma_wait3A_171 : memref<125x16xf32, #tpu.memory_space<vmem>>)
      %dma_wait3A_178 = arith.constant 6 : i32
      %dma_wait3A_179 = arith.constant 6 : i32
      %dma_wait3A_180 = arith.constant 0 : i32
      %dma_wait3A_181 = arith.constant 0 : i32
      %dma_wait3A_182 = tpu.memref_slice %arg6[%dma_wait3A_179, %dma_wait3A_180, %dma_wait3A_181] : memref<8x125x16xf32, #tpu.memory_space<vmem>> -> memref<1x125x16xf32, #tpu.memory_space<vmem>>
      %dma_wait3A_183 = tpu.memref_squeeze %dma_wait3A_182 : memref<1x125x16xf32, #tpu.memory_space<vmem>> -> memref<125x16xf32, #tpu.memory_space<vmem>>
      %dma_wait3A_184 = arith.constant 0 : i32
      %dma_wait3A_185 = tpu.memref_slice %arg5[%dma_wait3A_178, %dma_wait3A_184] : memref<8x125xi32, #tpu.memory_space<vmem>> -> memref<1x125xi32, #tpu.memory_space<vmem>>
      %dma_wait3A_186 = tpu.memref_squeeze %dma_wait3A_185 : memref<1x125xi32, #tpu.memory_space<vmem>> -> memref<125xi32, #tpu.memory_space<vmem>>
      %dma_wait3A_187 = arith.constant 0 : i32
      %dma_wait3A_188 = arith.constant 0 : i32
      %dma_wait3A_189 = tpu.memref_slice %arg2[%dma_wait3A_187, %dma_wait3A_188] : memref<1608192x16xf32, #tpu.memory_space<hbm>> -> memref<1608192x16xf32, #tpu.memory_space<hbm>>
      tpu.wait_indirect_dma semaphore(%arg7 : memref<!tpu.dma_semaphore, #tpu.memory_space<semaphore_mem>>) src(%dma_wait3A_189 : memref<1608192x16xf32, #tpu.memory_space<hbm>>) dst(%dma_wait3A_183 : memref<125x16xf32, #tpu.memory_space<vmem>>)
      %dma_wait3A_190 = arith.constant 7 : i32
      %dma_wait3A_191 = arith.constant 7 : i32
      %dma_wait3A_192 = arith.constant 0 : i32
      %dma_wait3A_193 = arith.constant 0 : i32
      %dma_wait3A_194 = tpu.memref_slice %arg6[%dma_wait3A_191, %dma_wait3A_192, %dma_wait3A_193] : memref<8x125x16xf32, #tpu.memory_space<vmem>> -> memref<1x125x16xf32, #tpu.memory_space<vmem>>
      %dma_wait3A_195 = tpu.memref_squeeze %dma_wait3A_194 : memref<1x125x16xf32, #tpu.memory_space<vmem>> -> memref<125x16xf32, #tpu.memory_space<vmem>>
      %dma_wait3A_196 = arith.constant 0 : i32
      %dma_wait3A_197 = tpu.memref_slice %arg5[%dma_wait3A_190, %dma_wait3A_196] : memref<8x125xi32, #tpu.memory_space<vmem>> -> memref<1x125xi32, #tpu.memory_space<vmem>>
      %dma_wait3A_198 = tpu.memref_squeeze %dma_wait3A_197 : memref<1x125xi32, #tpu.memory_space<vmem>> -> memref<125xi32, #tpu.memory_space<vmem>>
      %dma_wait3A_199 = arith.constant 0 : i32
      %dma_wait3A_200 = arith.constant 0 : i32
      %dma_wait3A_201 = tpu.memref_slice %arg2[%dma_wait3A_199, %dma_wait3A_200] : memref<1608192x16xf32, #tpu.memory_space<hbm>> -> memref<1608192x16xf32, #tpu.memory_space<hbm>>
      tpu.wait_indirect_dma semaphore(%arg7 : memref<!tpu.dma_semaphore, #tpu.memory_space<semaphore_mem>>) src(%dma_wait3A_201 : memref<1608192x16xf32, #tpu.memory_space<hbm>>) dst(%dma_wait3A_195 : memref<125x16xf32, #tpu.memory_space<vmem>>)
      "tpu.region"() ({
        %run_scoped3A = tpu.sem_alloc : memref<!tpu.dma_semaphore, #tpu.memory_space<semaphore_mem>>
        %dma_start3A_202 = arith.constant 0 : i32
        %dma_start3A_203 = arith.constant 0 : i32
        %dma_start3A_204 = tpu.memref_slice %arg4[%add3A_11, %dma_start3A_202, %dma_start3A_203] : memref<18432x125x16xf32, #tpu.memory_space<hbm>> -> memref<8x125x16xf32, #tpu.memory_space<hbm>>
        %dma_start3A_205 = arith.constant 0 : i32
        %dma_start3A_206 = arith.constant 0 : i32
        %dma_start3A_207 = tpu.memref_slice %arg4[%add3A_11, %dma_start3A_205, %dma_start3A_206] : memref<18432x125x16xf32, #tpu.memory_space<hbm>> -> memref<8x125x16xf32, #tpu.memory_space<hbm>>
        tpu.enqueue_dma source(%arg6 : memref<8x125x16xf32, #tpu.memory_space<vmem>>) target(%dma_start3A_207 : memref<8x125x16xf32, #tpu.memory_space<hbm>>) target_semaphore(%run_scoped3A : memref<!tpu.dma_semaphore, #tpu.memory_space<semaphore_mem>>)
        %dma_wait3A_208 = arith.constant 0 : i32
        %dma_wait3A_209 = arith.constant 0 : i32
        %dma_wait3A_210 = tpu.memref_slice %arg4[%add3A_11, %dma_wait3A_208, %dma_wait3A_209] : memref<18432x125x16xf32, #tpu.memory_space<hbm>> -> memref<8x125x16xf32, #tpu.memory_space<hbm>>
        %dma_wait3A_211 = arith.constant 0 : i32
        %dma_wait3A_212 = arith.constant 0 : i32
        %dma_wait3A_213 = tpu.memref_slice %arg4[%add3A_11, %dma_wait3A_211, %dma_wait3A_212] : memref<18432x125x16xf32, #tpu.memory_space<hbm>> -> memref<8x125x16xf32, #tpu.memory_space<hbm>>
        tpu.wait_dma2 semaphore(%run_scoped3A : memref<!tpu.dma_semaphore, #tpu.memory_space<semaphore_mem>>) src(%arg6 : memref<8x125x16xf32, #tpu.memory_space<vmem>>) dst(%dma_wait3A_213 : memref<8x125x16xf32, #tpu.memory_space<hbm>>)
        tpu.yield
      }) : () -> ()
    }
    %scan3A_7 = arith.constant 72 : i32
    return
  }
}

#map = affine_map<(d0, d1) -> (0, 0)>
#map1 = affine_map<(d0, d1) -> (0, 0, 0)>
module attributes {stable_mosaic.version = 14 : i64} {
  func.func @gather_kernel(%arg0: i32, %arg1: i32, %arg2: memref<108544x16xf32, #tpu.memory_space<hbm>>, %arg3: memref<18432x125xi32, #tpu.memory_space<hbm>>, %arg4: memref<18432x125x16xf32, #tpu.memory_space<hbm>>, %arg5: memref<8x125xi32, #tpu.memory_space<vmem>>, %arg6: memref<8x125x16xf32, #tpu.memory_space<vmem>>, %arg7: memref<!tpu.dma_semaphore, #tpu.memory_space<semaphore_mem>>) attributes {dimension_semantics = [#tpu.dimension_semantics<core_parallel>, #tpu.dimension_semantics<subcore_parallel>], iteration_bounds = array<i64: 2, 16>, scalar_prefetch = 0 : i64, scratch_operands = 3 : i64, tpu.core_type = #tpu.core_type<sc_vector_subcore>, window_params = [{transform_indices = #map}, {transform_indices = #map}, {transform_indices = #map1}]} {
    %mul3A = arith.constant 2 : i32
    %mul3A_0 = arith.muli %arg1, %mul3A : i32
    %add3A = arith.addi %mul3A_0, %arg0 : i32
    %mul3A_1 = arith.constant 576 : i32
    %mul3A_2 = arith.muli %add3A, %mul3A_1 : i32
    %scan3A = arith.constant 0 : i32
    %scan3A_3 = arith.constant 0 : i32
    %scan3A_4 = arith.constant 72 : i32
    %scan3A_5 = arith.addi %scan3A_3, %scan3A_4 : i32
    %scan3A_6 = arith.constant 1 : i32
    scf.for %scan3A_8 = %scan3A_3 to %scan3A_5 step %scan3A_6  : i32 {
      %mul3A_9 = arith.constant 8 : i32
      %mul3A_10 = arith.muli %scan3A_8, %mul3A_9 : i32
      %add3A_11 = arith.addi %mul3A_2, %mul3A_10 : i32
      "tpu.region"() ({
        %run_scoped3A = tpu.sem_alloc : memref<!tpu.dma_semaphore, #tpu.memory_space<semaphore_mem>>
        %dma_start3A_202 = arith.constant 0 : i32
        %dma_start3A_203 = tpu.memref_slice %arg3[%add3A_11, %dma_start3A_202] : memref<18432x125xi32, #tpu.memory_space<hbm>> -> memref<8x125xi32, #tpu.memory_space<hbm>>
        %dma_start3A_204 = arith.constant 0 : i32
        %dma_start3A_205 = tpu.memref_slice %arg3[%add3A_11, %dma_start3A_204] : memref<18432x125xi32, #tpu.memory_space<hbm>> -> memref<8x125xi32, #tpu.memory_space<hbm>>
        tpu.enqueue_dma source(%dma_start3A_205 : memref<8x125xi32, #tpu.memory_space<hbm>>) target(%arg5 : memref<8x125xi32, #tpu.memory_space<vmem>>) target_semaphore(%run_scoped3A : memref<!tpu.dma_semaphore, #tpu.memory_space<semaphore_mem>>)
        %dma_wait3A_206 = arith.constant 0 : i32
        %dma_wait3A_207 = tpu.memref_slice %arg3[%add3A_11, %dma_wait3A_206] : memref<18432x125xi32, #tpu.memory_space<hbm>> -> memref<8x125xi32, #tpu.memory_space<hbm>>
        %dma_wait3A_208 = arith.constant 0 : i32
        %dma_wait3A_209 = tpu.memref_slice %arg3[%add3A_11, %dma_wait3A_208] : memref<18432x125xi32, #tpu.memory_space<hbm>> -> memref<8x125xi32, #tpu.memory_space<hbm>>
        tpu.wait_dma2 semaphore(%run_scoped3A : memref<!tpu.dma_semaphore, #tpu.memory_space<semaphore_mem>>) src(%dma_wait3A_209 : memref<8x125xi32, #tpu.memory_space<hbm>>) dst(%arg5 : memref<8x125xi32, #tpu.memory_space<vmem>>)
        tpu.yield
      }) : () -> ()
      %dma_start3A = arith.constant 0 : i32
      %dma_start3A_12 = arith.constant 0 : i32
      %dma_start3A_13 = arith.constant 0 : i32
      %dma_start3A_14 = arith.constant 0 : i32
      %dma_start3A_15 = tpu.memref_slice %arg6[%dma_start3A_12, %dma_start3A_13, %dma_start3A_14] : memref<8x125x16xf32, #tpu.memory_space<vmem>> -> memref<1x125x16xf32, #tpu.memory_space<vmem>>
      %dma_start3A_16 = tpu.memref_squeeze %dma_start3A_15 : memref<1x125x16xf32, #tpu.memory_space<vmem>> -> memref<125x16xf32, #tpu.memory_space<vmem>>
      %dma_start3A_17 = arith.constant 0 : i32
      %dma_start3A_18 = tpu.memref_slice %arg5[%dma_start3A, %dma_start3A_17] : memref<8x125xi32, #tpu.memory_space<vmem>> -> memref<1x125xi32, #tpu.memory_space<vmem>>
      %dma_start3A_19 = tpu.memref_squeeze %dma_start3A_18 : memref<1x125xi32, #tpu.memory_space<vmem>> -> memref<125xi32, #tpu.memory_space<vmem>>
      %dma_start3A_20 = arith.constant 0 : i32
      %dma_start3A_21 = arith.constant 0 : i32
      %dma_start3A_22 = tpu.memref_slice %arg2[%dma_start3A_20, %dma_start3A_21] : memref<108544x16xf32, #tpu.memory_space<hbm>> -> memref<108544x16xf32, #tpu.memory_space<hbm>>
      tpu.enqueue_indirect_dma source(%dma_start3A_22 : memref<108544x16xf32, #tpu.memory_space<hbm>>) target(%dma_start3A_16 : memref<125x16xf32, #tpu.memory_space<vmem>>) offsets(%dma_start3A_19 : memref<125xi32, #tpu.memory_space<vmem>>) semaphore(%arg7 : memref<!tpu.dma_semaphore, #tpu.memory_space<semaphore_mem>>)
      %dma_start3A_23 = arith.constant 1 : i32
      %dma_start3A_24 = arith.constant 1 : i32
      %dma_start3A_25 = arith.constant 0 : i32
      %dma_start3A_26 = arith.constant 0 : i32
      %dma_start3A_27 = tpu.memref_slice %arg6[%dma_start3A_24, %dma_start3A_25, %dma_start3A_26] : memref<8x125x16xf32, #tpu.memory_space<vmem>> -> memref<1x125x16xf32, #tpu.memory_space<vmem>>
      %dma_start3A_28 = tpu.memref_squeeze %dma_start3A_27 : memref<1x125x16xf32, #tpu.memory_space<vmem>> -> memref<125x16xf32, #tpu.memory_space<vmem>>
      %dma_start3A_29 = arith.constant 0 : i32
      %dma_start3A_30 = tpu.memref_slice %arg5[%dma_start3A_23, %dma_start3A_29] : memref<8x125xi32, #tpu.memory_space<vmem>> -> memref<1x125xi32, #tpu.memory_space<vmem>>
      %dma_start3A_31 = tpu.memref_squeeze %dma_start3A_30 : memref<1x125xi32, #tpu.memory_space<vmem>> -> memref<125xi32, #tpu.memory_space<vmem>>
      %dma_start3A_32 = arith.constant 0 : i32
      %dma_start3A_33 = arith.constant 0 : i32
      %dma_start3A_34 = tpu.memref_slice %arg2[%dma_start3A_32, %dma_start3A_33] : memref<108544x16xf32, #tpu.memory_space<hbm>> -> memref<108544x16xf32, #tpu.memory_space<hbm>>
      tpu.enqueue_indirect_dma source(%dma_start3A_34 : memref<108544x16xf32, #tpu.memory_space<hbm>>) target(%dma_start3A_28 : memref<125x16xf32, #tpu.memory_space<vmem>>) offsets(%dma_start3A_31 : memref<125xi32, #tpu.memory_space<vmem>>) semaphore(%arg7 : memref<!tpu.dma_semaphore, #tpu.memory_space<semaphore_mem>>)
      %dma_start3A_35 = arith.constant 2 : i32
      %dma_start3A_36 = arith.constant 2 : i32
      %dma_start3A_37 = arith.constant 0 : i32
      %dma_start3A_38 = arith.constant 0 : i32
      %dma_start3A_39 = tpu.memref_slice %arg6[%dma_start3A_36, %dma_start3A_37, %dma_start3A_38] : memref<8x125x16xf32, #tpu.memory_space<vmem>> -> memref<1x125x16xf32, #tpu.memory_space<vmem>>
      %dma_start3A_40 = tpu.memref_squeeze %dma_start3A_39 : memref<1x125x16xf32, #tpu.memory_space<vmem>> -> memref<125x16xf32, #tpu.memory_space<vmem>>
      %dma_start3A_41 = arith.constant 0 : i32
      %dma_start3A_42 = tpu.memref_slice %arg5[%dma_start3A_35, %dma_start3A_41] : memref<8x125xi32, #tpu.memory_space<vmem>> -> memref<1x125xi32, #tpu.memory_space<vmem>>
      %dma_start3A_43 = tpu.memref_squeeze %dma_start3A_42 : memref<1x125xi32, #tpu.memory_space<vmem>> -> memref<125xi32, #tpu.memory_space<vmem>>
      %dma_start3A_44 = arith.constant 0 : i32
      %dma_start3A_45 = arith.constant 0 : i32
      %dma_start3A_46 = tpu.memref_slice %arg2[%dma_start3A_44, %dma_start3A_45] : memref<108544x16xf32, #tpu.memory_space<hbm>> -> memref<108544x16xf32, #tpu.memory_space<hbm>>
      tpu.enqueue_indirect_dma source(%dma_start3A_46 : memref<108544x16xf32, #tpu.memory_space<hbm>>) target(%dma_start3A_40 : memref<125x16xf32, #tpu.memory_space<vmem>>) offsets(%dma_start3A_43 : memref<125xi32, #tpu.memory_space<vmem>>) semaphore(%arg7 : memref<!tpu.dma_semaphore, #tpu.memory_space<semaphore_mem>>)
      %dma_start3A_47 = arith.constant 3 : i32
      %dma_start3A_48 = arith.constant 3 : i32
      %dma_start3A_49 = arith.constant 0 : i32
      %dma_start3A_50 = arith.constant 0 : i32
      %dma_start3A_51 = tpu.memref_slice %arg6[%dma_start3A_48, %dma_start3A_49, %dma_start3A_50] : memref<8x125x16xf32, #tpu.memory_space<vmem>> -> memref<1x125x16xf32, #tpu.memory_space<vmem>>
      %dma_start3A_52 = tpu.memref_squeeze %dma_start3A_51 : memref<1x125x16xf32, #tpu.memory_space<vmem>> -> memref<125x16xf32, #tpu.memory_space<vmem>>
      %dma_start3A_53 = arith.constant 0 : i32
      %dma_start3A_54 = tpu.memref_slice %arg5[%dma_start3A_47, %dma_start3A_53] : memref<8x125xi32, #tpu.memory_space<vmem>> -> memref<1x125xi32, #tpu.memory_space<vmem>>
      %dma_start3A_55 = tpu.memref_squeeze %dma_start3A_54 : memref<1x125xi32, #tpu.memory_space<vmem>> -> memref<125xi32, #tpu.memory_space<vmem>>
      %dma_start3A_56 = arith.constant 0 : i32
      %dma_start3A_57 = arith.constant 0 : i32
      %dma_start3A_58 = tpu.memref_slice %arg2[%dma_start3A_56, %dma_start3A_57] : memref<108544x16xf32, #tpu.memory_space<hbm>> -> memref<108544x16xf32, #tpu.memory_space<hbm>>
      tpu.enqueue_indirect_dma source(%dma_start3A_58 : memref<108544x16xf32, #tpu.memory_space<hbm>>) target(%dma_start3A_52 : memref<125x16xf32, #tpu.memory_space<vmem>>) offsets(%dma_start3A_55 : memref<125xi32, #tpu.memory_space<vmem>>) semaphore(%arg7 : memref<!tpu.dma_semaphore, #tpu.memory_space<semaphore_mem>>)
      %dma_start3A_59 = arith.constant 4 : i32
      %dma_start3A_60 = arith.constant 4 : i32
      %dma_start3A_61 = arith.constant 0 : i32
      %dma_start3A_62 = arith.constant 0 : i32
      %dma_start3A_63 = tpu.memref_slice %arg6[%dma_start3A_60, %dma_start3A_61, %dma_start3A_62] : memref<8x125x16xf32, #tpu.memory_space<vmem>> -> memref<1x125x16xf32, #tpu.memory_space<vmem>>
      %dma_start3A_64 = tpu.memref_squeeze %dma_start3A_63 : memref<1x125x16xf32, #tpu.memory_space<vmem>> -> memref<125x16xf32, #tpu.memory_space<vmem>>
      %dma_start3A_65 = arith.constant 0 : i32
      %dma_start3A_66 = tpu.memref_slice %arg5[%dma_start3A_59, %dma_start3A_65] : memref<8x125xi32, #tpu.memory_space<vmem>> -> memref<1x125xi32, #tpu.memory_space<vmem>>
      %dma_start3A_67 = tpu.memref_squeeze %dma_start3A_66 : memref<1x125xi32, #tpu.memory_space<vmem>> -> memref<125xi32, #tpu.memory_space<vmem>>
      %dma_start3A_68 = arith.constant 0 : i32
      %dma_start3A_69 = arith.constant 0 : i32
      %dma_start3A_70 = tpu.memref_slice %arg2[%dma_start3A_68, %dma_start3A_69] : memref<108544x16xf32, #tpu.memory_space<hbm>> -> memref<108544x16xf32, #tpu.memory_space<hbm>>
      tpu.enqueue_indirect_dma source(%dma_start3A_70 : memref<108544x16xf32, #tpu.memory_space<hbm>>) target(%dma_start3A_64 : memref<125x16xf32, #tpu.memory_space<vmem>>) offsets(%dma_start3A_67 : memref<125xi32, #tpu.memory_space<vmem>>) semaphore(%arg7 : memref<!tpu.dma_semaphore, #tpu.memory_space<semaphore_mem>>)
      %dma_start3A_71 = arith.constant 5 : i32
      %dma_start3A_72 = arith.constant 5 : i32
      %dma_start3A_73 = arith.constant 0 : i32
      %dma_start3A_74 = arith.constant 0 : i32
      %dma_start3A_75 = tpu.memref_slice %arg6[%dma_start3A_72, %dma_start3A_73, %dma_start3A_74] : memref<8x125x16xf32, #tpu.memory_space<vmem>> -> memref<1x125x16xf32, #tpu.memory_space<vmem>>
      %dma_start3A_76 = tpu.memref_squeeze %dma_start3A_75 : memref<1x125x16xf32, #tpu.memory_space<vmem>> -> memref<125x16xf32, #tpu.memory_space<vmem>>
      %dma_start3A_77 = arith.constant 0 : i32
      %dma_start3A_78 = tpu.memref_slice %arg5[%dma_start3A_71, %dma_start3A_77] : memref<8x125xi32, #tpu.memory_space<vmem>> -> memref<1x125xi32, #tpu.memory_space<vmem>>
      %dma_start3A_79 = tpu.memref_squeeze %dma_start3A_78 : memref<1x125xi32, #tpu.memory_space<vmem>> -> memref<125xi32, #tpu.memory_space<vmem>>
      %dma_start3A_80 = arith.constant 0 : i32
      %dma_start3A_81 = arith.constant 0 : i32
      %dma_start3A_82 = tpu.memref_slice %arg2[%dma_start3A_80, %dma_start3A_81] : memref<108544x16xf32, #tpu.memory_space<hbm>> -> memref<108544x16xf32, #tpu.memory_space<hbm>>
      tpu.enqueue_indirect_dma source(%dma_start3A_82 : memref<108544x16xf32, #tpu.memory_space<hbm>>) target(%dma_start3A_76 : memref<125x16xf32, #tpu.memory_space<vmem>>) offsets(%dma_start3A_79 : memref<125xi32, #tpu.memory_space<vmem>>) semaphore(%arg7 : memref<!tpu.dma_semaphore, #tpu.memory_space<semaphore_mem>>)
      %dma_start3A_83 = arith.constant 6 : i32
      %dma_start3A_84 = arith.constant 6 : i32
      %dma_start3A_85 = arith.constant 0 : i32
      %dma_start3A_86 = arith.constant 0 : i32
      %dma_start3A_87 = tpu.memref_slice %arg6[%dma_start3A_84, %dma_start3A_85, %dma_start3A_86] : memref<8x125x16xf32, #tpu.memory_space<vmem>> -> memref<1x125x16xf32, #tpu.memory_space<vmem>>
      %dma_start3A_88 = tpu.memref_squeeze %dma_start3A_87 : memref<1x125x16xf32, #tpu.memory_space<vmem>> -> memref<125x16xf32, #tpu.memory_space<vmem>>
      %dma_start3A_89 = arith.constant 0 : i32
      %dma_start3A_90 = tpu.memref_slice %arg5[%dma_start3A_83, %dma_start3A_89] : memref<8x125xi32, #tpu.memory_space<vmem>> -> memref<1x125xi32, #tpu.memory_space<vmem>>
      %dma_start3A_91 = tpu.memref_squeeze %dma_start3A_90 : memref<1x125xi32, #tpu.memory_space<vmem>> -> memref<125xi32, #tpu.memory_space<vmem>>
      %dma_start3A_92 = arith.constant 0 : i32
      %dma_start3A_93 = arith.constant 0 : i32
      %dma_start3A_94 = tpu.memref_slice %arg2[%dma_start3A_92, %dma_start3A_93] : memref<108544x16xf32, #tpu.memory_space<hbm>> -> memref<108544x16xf32, #tpu.memory_space<hbm>>
      tpu.enqueue_indirect_dma source(%dma_start3A_94 : memref<108544x16xf32, #tpu.memory_space<hbm>>) target(%dma_start3A_88 : memref<125x16xf32, #tpu.memory_space<vmem>>) offsets(%dma_start3A_91 : memref<125xi32, #tpu.memory_space<vmem>>) semaphore(%arg7 : memref<!tpu.dma_semaphore, #tpu.memory_space<semaphore_mem>>)
      %dma_start3A_95 = arith.constant 7 : i32
      %dma_start3A_96 = arith.constant 7 : i32
      %dma_start3A_97 = arith.constant 0 : i32
      %dma_start3A_98 = arith.constant 0 : i32
      %dma_start3A_99 = tpu.memref_slice %arg6[%dma_start3A_96, %dma_start3A_97, %dma_start3A_98] : memref<8x125x16xf32, #tpu.memory_space<vmem>> -> memref<1x125x16xf32, #tpu.memory_space<vmem>>
      %dma_start3A_100 = tpu.memref_squeeze %dma_start3A_99 : memref<1x125x16xf32, #tpu.memory_space<vmem>> -> memref<125x16xf32, #tpu.memory_space<vmem>>
      %dma_start3A_101 = arith.constant 0 : i32
      %dma_start3A_102 = tpu.memref_slice %arg5[%dma_start3A_95, %dma_start3A_101] : memref<8x125xi32, #tpu.memory_space<vmem>> -> memref<1x125xi32, #tpu.memory_space<vmem>>
      %dma_start3A_103 = tpu.memref_squeeze %dma_start3A_102 : memref<1x125xi32, #tpu.memory_space<vmem>> -> memref<125xi32, #tpu.memory_space<vmem>>
      %dma_start3A_104 = arith.constant 0 : i32
      %dma_start3A_105 = arith.constant 0 : i32
      %dma_start3A_106 = tpu.memref_slice %arg2[%dma_start3A_104, %dma_start3A_105] : memref<108544x16xf32, #tpu.memory_space<hbm>> -> memref<108544x16xf32, #tpu.memory_space<hbm>>
      tpu.enqueue_indirect_dma source(%dma_start3A_106 : memref<108544x16xf32, #tpu.memory_space<hbm>>) target(%dma_start3A_100 : memref<125x16xf32, #tpu.memory_space<vmem>>) offsets(%dma_start3A_103 : memref<125xi32, #tpu.memory_space<vmem>>) semaphore(%arg7 : memref<!tpu.dma_semaphore, #tpu.memory_space<semaphore_mem>>)
      %dma_wait3A = arith.constant 0 : i32
      %dma_wait3A_107 = arith.constant 0 : i32
      %dma_wait3A_108 = arith.constant 0 : i32
      %dma_wait3A_109 = arith.constant 0 : i32
      %dma_wait3A_110 = tpu.memref_slice %arg6[%dma_wait3A_107, %dma_wait3A_108, %dma_wait3A_109] : memref<8x125x16xf32, #tpu.memory_space<vmem>> -> memref<1x125x16xf32, #tpu.memory_space<vmem>>
      %dma_wait3A_111 = tpu.memref_squeeze %dma_wait3A_110 : memref<1x125x16xf32, #tpu.memory_space<vmem>> -> memref<125x16xf32, #tpu.memory_space<vmem>>
      %dma_wait3A_112 = arith.constant 0 : i32
      %dma_wait3A_113 = tpu.memref_slice %arg5[%dma_wait3A, %dma_wait3A_112] : memref<8x125xi32, #tpu.memory_space<vmem>> -> memref<1x125xi32, #tpu.memory_space<vmem>>
      %dma_wait3A_114 = tpu.memref_squeeze %dma_wait3A_113 : memref<1x125xi32, #tpu.memory_space<vmem>> -> memref<125xi32, #tpu.memory_space<vmem>>
      %dma_wait3A_115 = arith.constant 0 : i32
      %dma_wait3A_116 = arith.constant 0 : i32
      %dma_wait3A_117 = tpu.memref_slice %arg2[%dma_wait3A_115, %dma_wait3A_116] : memref<108544x16xf32, #tpu.memory_space<hbm>> -> memref<108544x16xf32, #tpu.memory_space<hbm>>
      tpu.wait_indirect_dma semaphore(%arg7 : memref<!tpu.dma_semaphore, #tpu.memory_space<semaphore_mem>>) src(%dma_wait3A_117 : memref<108544x16xf32, #tpu.memory_space<hbm>>) dst(%dma_wait3A_111 : memref<125x16xf32, #tpu.memory_space<vmem>>)
      %dma_wait3A_118 = arith.constant 1 : i32
      %dma_wait3A_119 = arith.constant 1 : i32
      %dma_wait3A_120 = arith.constant 0 : i32
      %dma_wait3A_121 = arith.constant 0 : i32
      %dma_wait3A_122 = tpu.memref_slice %arg6[%dma_wait3A_119, %dma_wait3A_120, %dma_wait3A_121] : memref<8x125x16xf32, #tpu.memory_space<vmem>> -> memref<1x125x16xf32, #tpu.memory_space<vmem>>
      %dma_wait3A_123 = tpu.memref_squeeze %dma_wait3A_122 : memref<1x125x16xf32, #tpu.memory_space<vmem>> -> memref<125x16xf32, #tpu.memory_space<vmem>>
      %dma_wait3A_124 = arith.constant 0 : i32
      %dma_wait3A_125 = tpu.memref_slice %arg5[%dma_wait3A_118, %dma_wait3A_124] : memref<8x125xi32, #tpu.memory_space<vmem>> -> memref<1x125xi32, #tpu.memory_space<vmem>>
      %dma_wait3A_126 = tpu.memref_squeeze %dma_wait3A_125 : memref<1x125xi32, #tpu.memory_space<vmem>> -> memref<125xi32, #tpu.memory_space<vmem>>
      %dma_wait3A_127 = arith.constant 0 : i32
      %dma_wait3A_128 = arith.constant 0 : i32
      %dma_wait3A_129 = tpu.memref_slice %arg2[%dma_wait3A_127, %dma_wait3A_128] : memref<108544x16xf32, #tpu.memory_space<hbm>> -> memref<108544x16xf32, #tpu.memory_space<hbm>>
      tpu.wait_indirect_dma semaphore(%arg7 : memref<!tpu.dma_semaphore, #tpu.memory_space<semaphore_mem>>) src(%dma_wait3A_129 : memref<108544x16xf32, #tpu.memory_space<hbm>>) dst(%dma_wait3A_123 : memref<125x16xf32, #tpu.memory_space<vmem>>)
      %dma_wait3A_130 = arith.constant 2 : i32
      %dma_wait3A_131 = arith.constant 2 : i32
      %dma_wait3A_132 = arith.constant 0 : i32
      %dma_wait3A_133 = arith.constant 0 : i32
      %dma_wait3A_134 = tpu.memref_slice %arg6[%dma_wait3A_131, %dma_wait3A_132, %dma_wait3A_133] : memref<8x125x16xf32, #tpu.memory_space<vmem>> -> memref<1x125x16xf32, #tpu.memory_space<vmem>>
      %dma_wait3A_135 = tpu.memref_squeeze %dma_wait3A_134 : memref<1x125x16xf32, #tpu.memory_space<vmem>> -> memref<125x16xf32, #tpu.memory_space<vmem>>
      %dma_wait3A_136 = arith.constant 0 : i32
      %dma_wait3A_137 = tpu.memref_slice %arg5[%dma_wait3A_130, %dma_wait3A_136] : memref<8x125xi32, #tpu.memory_space<vmem>> -> memref<1x125xi32, #tpu.memory_space<vmem>>
      %dma_wait3A_138 = tpu.memref_squeeze %dma_wait3A_137 : memref<1x125xi32, #tpu.memory_space<vmem>> -> memref<125xi32, #tpu.memory_space<vmem>>
      %dma_wait3A_139 = arith.constant 0 : i32
      %dma_wait3A_140 = arith.constant 0 : i32
      %dma_wait3A_141 = tpu.memref_slice %arg2[%dma_wait3A_139, %dma_wait3A_140] : memref<108544x16xf32, #tpu.memory_space<hbm>> -> memref<108544x16xf32, #tpu.memory_space<hbm>>
      tpu.wait_indirect_dma semaphore(%arg7 : memref<!tpu.dma_semaphore, #tpu.memory_space<semaphore_mem>>) src(%dma_wait3A_141 : memref<108544x16xf32, #tpu.memory_space<hbm>>) dst(%dma_wait3A_135 : memref<125x16xf32, #tpu.memory_space<vmem>>)
      %dma_wait3A_142 = arith.constant 3 : i32
      %dma_wait3A_143 = arith.constant 3 : i32
      %dma_wait3A_144 = arith.constant 0 : i32
      %dma_wait3A_145 = arith.constant 0 : i32
      %dma_wait3A_146 = tpu.memref_slice %arg6[%dma_wait3A_143, %dma_wait3A_144, %dma_wait3A_145] : memref<8x125x16xf32, #tpu.memory_space<vmem>> -> memref<1x125x16xf32, #tpu.memory_space<vmem>>
      %dma_wait3A_147 = tpu.memref_squeeze %dma_wait3A_146 : memref<1x125x16xf32, #tpu.memory_space<vmem>> -> memref<125x16xf32, #tpu.memory_space<vmem>>
      %dma_wait3A_148 = arith.constant 0 : i32
      %dma_wait3A_149 = tpu.memref_slice %arg5[%dma_wait3A_142, %dma_wait3A_148] : memref<8x125xi32, #tpu.memory_space<vmem>> -> memref<1x125xi32, #tpu.memory_space<vmem>>
      %dma_wait3A_150 = tpu.memref_squeeze %dma_wait3A_149 : memref<1x125xi32, #tpu.memory_space<vmem>> -> memref<125xi32, #tpu.memory_space<vmem>>
      %dma_wait3A_151 = arith.constant 0 : i32
      %dma_wait3A_152 = arith.constant 0 : i32
      %dma_wait3A_153 = tpu.memref_slice %arg2[%dma_wait3A_151, %dma_wait3A_152] : memref<108544x16xf32, #tpu.memory_space<hbm>> -> memref<108544x16xf32, #tpu.memory_space<hbm>>
      tpu.wait_indirect_dma semaphore(%arg7 : memref<!tpu.dma_semaphore, #tpu.memory_space<semaphore_mem>>) src(%dma_wait3A_153 : memref<108544x16xf32, #tpu.memory_space<hbm>>) dst(%dma_wait3A_147 : memref<125x16xf32, #tpu.memory_space<vmem>>)
      %dma_wait3A_154 = arith.constant 4 : i32
      %dma_wait3A_155 = arith.constant 4 : i32
      %dma_wait3A_156 = arith.constant 0 : i32
      %dma_wait3A_157 = arith.constant 0 : i32
      %dma_wait3A_158 = tpu.memref_slice %arg6[%dma_wait3A_155, %dma_wait3A_156, %dma_wait3A_157] : memref<8x125x16xf32, #tpu.memory_space<vmem>> -> memref<1x125x16xf32, #tpu.memory_space<vmem>>
      %dma_wait3A_159 = tpu.memref_squeeze %dma_wait3A_158 : memref<1x125x16xf32, #tpu.memory_space<vmem>> -> memref<125x16xf32, #tpu.memory_space<vmem>>
      %dma_wait3A_160 = arith.constant 0 : i32
      %dma_wait3A_161 = tpu.memref_slice %arg5[%dma_wait3A_154, %dma_wait3A_160] : memref<8x125xi32, #tpu.memory_space<vmem>> -> memref<1x125xi32, #tpu.memory_space<vmem>>
      %dma_wait3A_162 = tpu.memref_squeeze %dma_wait3A_161 : memref<1x125xi32, #tpu.memory_space<vmem>> -> memref<125xi32, #tpu.memory_space<vmem>>
      %dma_wait3A_163 = arith.constant 0 : i32
      %dma_wait3A_164 = arith.constant 0 : i32
      %dma_wait3A_165 = tpu.memref_slice %arg2[%dma_wait3A_163, %dma_wait3A_164] : memref<108544x16xf32, #tpu.memory_space<hbm>> -> memref<108544x16xf32, #tpu.memory_space<hbm>>
      tpu.wait_indirect_dma semaphore(%arg7 : memref<!tpu.dma_semaphore, #tpu.memory_space<semaphore_mem>>) src(%dma_wait3A_165 : memref<108544x16xf32, #tpu.memory_space<hbm>>) dst(%dma_wait3A_159 : memref<125x16xf32, #tpu.memory_space<vmem>>)
      %dma_wait3A_166 = arith.constant 5 : i32
      %dma_wait3A_167 = arith.constant 5 : i32
      %dma_wait3A_168 = arith.constant 0 : i32
      %dma_wait3A_169 = arith.constant 0 : i32
      %dma_wait3A_170 = tpu.memref_slice %arg6[%dma_wait3A_167, %dma_wait3A_168, %dma_wait3A_169] : memref<8x125x16xf32, #tpu.memory_space<vmem>> -> memref<1x125x16xf32, #tpu.memory_space<vmem>>
      %dma_wait3A_171 = tpu.memref_squeeze %dma_wait3A_170 : memref<1x125x16xf32, #tpu.memory_space<vmem>> -> memref<125x16xf32, #tpu.memory_space<vmem>>
      %dma_wait3A_172 = arith.constant 0 : i32
      %dma_wait3A_173 = tpu.memref_slice %arg5[%dma_wait3A_166, %dma_wait3A_172] : memref<8x125xi32, #tpu.memory_space<vmem>> -> memref<1x125xi32, #tpu.memory_space<vmem>>
      %dma_wait3A_174 = tpu.memref_squeeze %dma_wait3A_173 : memref<1x125xi32, #tpu.memory_space<vmem>> -> memref<125xi32, #tpu.memory_space<vmem>>
      %dma_wait3A_175 = arith.constant 0 : i32
      %dma_wait3A_176 = arith.constant 0 : i32
      %dma_wait3A_177 = tpu.memref_slice %arg2[%dma_wait3A_175, %dma_wait3A_176] : memref<108544x16xf32, #tpu.memory_space<hbm>> -> memref<108544x16xf32, #tpu.memory_space<hbm>>
      tpu.wait_indirect_dma semaphore(%arg7 : memref<!tpu.dma_semaphore, #tpu.memory_space<semaphore_mem>>) src(%dma_wait3A_177 : memref<108544x16xf32, #tpu.memory_space<hbm>>) dst(%dma_wait3A_171 : memref<125x16xf32, #tpu.memory_space<vmem>>)
      %dma_wait3A_178 = arith.constant 6 : i32
      %dma_wait3A_179 = arith.constant 6 : i32
      %dma_wait3A_180 = arith.constant 0 : i32
      %dma_wait3A_181 = arith.constant 0 : i32
      %dma_wait3A_182 = tpu.memref_slice %arg6[%dma_wait3A_179, %dma_wait3A_180, %dma_wait3A_181] : memref<8x125x16xf32, #tpu.memory_space<vmem>> -> memref<1x125x16xf32, #tpu.memory_space<vmem>>
      %dma_wait3A_183 = tpu.memref_squeeze %dma_wait3A_182 : memref<1x125x16xf32, #tpu.memory_space<vmem>> -> memref<125x16xf32, #tpu.memory_space<vmem>>
      %dma_wait3A_184 = arith.constant 0 : i32
      %dma_wait3A_185 = tpu.memref_slice %arg5[%dma_wait3A_178, %dma_wait3A_184] : memref<8x125xi32, #tpu.memory_space<vmem>> -> memref<1x125xi32, #tpu.memory_space<vmem>>
      %dma_wait3A_186 = tpu.memref_squeeze %dma_wait3A_185 : memref<1x125xi32, #tpu.memory_space<vmem>> -> memref<125xi32, #tpu.memory_space<vmem>>
      %dma_wait3A_187 = arith.constant 0 : i32
      %dma_wait3A_188 = arith.constant 0 : i32
      %dma_wait3A_189 = tpu.memref_slice %arg2[%dma_wait3A_187, %dma_wait3A_188] : memref<108544x16xf32, #tpu.memory_space<hbm>> -> memref<108544x16xf32, #tpu.memory_space<hbm>>
      tpu.wait_indirect_dma semaphore(%arg7 : memref<!tpu.dma_semaphore, #tpu.memory_space<semaphore_mem>>) src(%dma_wait3A_189 : memref<108544x16xf32, #tpu.memory_space<hbm>>) dst(%dma_wait3A_183 : memref<125x16xf32, #tpu.memory_space<vmem>>)
      %dma_wait3A_190 = arith.constant 7 : i32
      %dma_wait3A_191 = arith.constant 7 : i32
      %dma_wait3A_192 = arith.constant 0 : i32
      %dma_wait3A_193 = arith.constant 0 : i32
      %dma_wait3A_194 = tpu.memref_slice %arg6[%dma_wait3A_191, %dma_wait3A_192, %dma_wait3A_193] : memref<8x125x16xf32, #tpu.memory_space<vmem>> -> memref<1x125x16xf32, #tpu.memory_space<vmem>>
      %dma_wait3A_195 = tpu.memref_squeeze %dma_wait3A_194 : memref<1x125x16xf32, #tpu.memory_space<vmem>> -> memref<125x16xf32, #tpu.memory_space<vmem>>
      %dma_wait3A_196 = arith.constant 0 : i32
      %dma_wait3A_197 = tpu.memref_slice %arg5[%dma_wait3A_190, %dma_wait3A_196] : memref<8x125xi32, #tpu.memory_space<vmem>> -> memref<1x125xi32, #tpu.memory_space<vmem>>
      %dma_wait3A_198 = tpu.memref_squeeze %dma_wait3A_197 : memref<1x125xi32, #tpu.memory_space<vmem>> -> memref<125xi32, #tpu.memory_space<vmem>>
      %dma_wait3A_199 = arith.constant 0 : i32
      %dma_wait3A_200 = arith.constant 0 : i32
      %dma_wait3A_201 = tpu.memref_slice %arg2[%dma_wait3A_199, %dma_wait3A_200] : memref<108544x16xf32, #tpu.memory_space<hbm>> -> memref<108544x16xf32, #tpu.memory_space<hbm>>
      tpu.wait_indirect_dma semaphore(%arg7 : memref<!tpu.dma_semaphore, #tpu.memory_space<semaphore_mem>>) src(%dma_wait3A_201 : memref<108544x16xf32, #tpu.memory_space<hbm>>) dst(%dma_wait3A_195 : memref<125x16xf32, #tpu.memory_space<vmem>>)
      "tpu.region"() ({
        %run_scoped3A = tpu.sem_alloc : memref<!tpu.dma_semaphore, #tpu.memory_space<semaphore_mem>>
        %dma_start3A_202 = arith.constant 0 : i32
        %dma_start3A_203 = arith.constant 0 : i32
        %dma_start3A_204 = tpu.memref_slice %arg4[%add3A_11, %dma_start3A_202, %dma_start3A_203] : memref<18432x125x16xf32, #tpu.memory_space<hbm>> -> memref<8x125x16xf32, #tpu.memory_space<hbm>>
        %dma_start3A_205 = arith.constant 0 : i32
        %dma_start3A_206 = arith.constant 0 : i32
        %dma_start3A_207 = tpu.memref_slice %arg4[%add3A_11, %dma_start3A_205, %dma_start3A_206] : memref<18432x125x16xf32, #tpu.memory_space<hbm>> -> memref<8x125x16xf32, #tpu.memory_space<hbm>>
        tpu.enqueue_dma source(%arg6 : memref<8x125x16xf32, #tpu.memory_space<vmem>>) target(%dma_start3A_207 : memref<8x125x16xf32, #tpu.memory_space<hbm>>) target_semaphore(%run_scoped3A : memref<!tpu.dma_semaphore, #tpu.memory_space<semaphore_mem>>)
        %dma_wait3A_208 = arith.constant 0 : i32
        %dma_wait3A_209 = arith.constant 0 : i32
        %dma_wait3A_210 = tpu.memref_slice %arg4[%add3A_11, %dma_wait3A_208, %dma_wait3A_209] : memref<18432x125x16xf32, #tpu.memory_space<hbm>> -> memref<8x125x16xf32, #tpu.memory_space<hbm>>
        %dma_wait3A_211 = arith.constant 0 : i32
        %dma_wait3A_212 = arith.constant 0 : i32
        %dma_wait3A_213 = tpu.memref_slice %arg4[%add3A_11, %dma_wait3A_211, %dma_wait3A_212] : memref<18432x125x16xf32, #tpu.memory_space<hbm>> -> memref<8x125x16xf32, #tpu.memory_space<hbm>>
        tpu.wait_dma2 semaphore(%run_scoped3A : memref<!tpu.dma_semaphore, #tpu.memory_space<semaphore_mem>>) src(%arg6 : memref<8x125x16xf32, #tpu.memory_space<vmem>>) dst(%dma_wait3A_213 : memref<8x125x16xf32, #tpu.memory_space<hbm>>)
        tpu.yield
      }) : () -> ()
    }
    %scan3A_7 = arith.constant 72 : i32
    return
  }
}

#map = affine_map<(d0, d1) -> (0, 0)>
#map1 = affine_map<(d0, d1) -> (0, 0, 0)>
module attributes {stable_mosaic.version = 14 : i64} {
  func.func @gather_kernel(%arg0: i32, %arg1: i32, %arg2: memref<108544x16xf32, #tpu.memory_space<hbm>>, %arg3: memref<18432x125xi32, #tpu.memory_space<hbm>>, %arg4: memref<18432x125x16xf32, #tpu.memory_space<hbm>>, %arg5: memref<8x125xi32, #tpu.memory_space<vmem>>, %arg6: memref<8x125x16xf32, #tpu.memory_space<vmem>>, %arg7: memref<!tpu.dma_semaphore, #tpu.memory_space<semaphore_mem>>) attributes {dimension_semantics = [#tpu.dimension_semantics<core_parallel>, #tpu.dimension_semantics<subcore_parallel>], iteration_bounds = array<i64: 2, 16>, scalar_prefetch = 0 : i64, scratch_operands = 3 : i64, tpu.core_type = #tpu.core_type<sc_vector_subcore>, window_params = [{transform_indices = #map}, {transform_indices = #map}, {transform_indices = #map1}]} {
    %mul3A = arith.constant 2 : i32
    %mul3A_0 = arith.muli %arg1, %mul3A : i32
    %add3A = arith.addi %mul3A_0, %arg0 : i32
    %mul3A_1 = arith.constant 576 : i32
    %mul3A_2 = arith.muli %add3A, %mul3A_1 : i32
    %scan3A = arith.constant 0 : i32
    %scan3A_3 = arith.constant 0 : i32
    %scan3A_4 = arith.constant 72 : i32
    %scan3A_5 = arith.addi %scan3A_3, %scan3A_4 : i32
    %scan3A_6 = arith.constant 1 : i32
    scf.for %scan3A_8 = %scan3A_3 to %scan3A_5 step %scan3A_6  : i32 {
      %mul3A_9 = arith.constant 8 : i32
      %mul3A_10 = arith.muli %scan3A_8, %mul3A_9 : i32
      %add3A_11 = arith.addi %mul3A_2, %mul3A_10 : i32
      "tpu.region"() ({
        %run_scoped3A = tpu.sem_alloc : memref<!tpu.dma_semaphore, #tpu.memory_space<semaphore_mem>>
        %dma_start3A_202 = arith.constant 0 : i32
        %dma_start3A_203 = tpu.memref_slice %arg3[%add3A_11, %dma_start3A_202] : memref<18432x125xi32, #tpu.memory_space<hbm>> -> memref<8x125xi32, #tpu.memory_space<hbm>>
        %dma_start3A_204 = arith.constant 0 : i32
        %dma_start3A_205 = tpu.memref_slice %arg3[%add3A_11, %dma_start3A_204] : memref<18432x125xi32, #tpu.memory_space<hbm>> -> memref<8x125xi32, #tpu.memory_space<hbm>>
        tpu.enqueue_dma source(%dma_start3A_205 : memref<8x125xi32, #tpu.memory_space<hbm>>) target(%arg5 : memref<8x125xi32, #tpu.memory_space<vmem>>) target_semaphore(%run_scoped3A : memref<!tpu.dma_semaphore, #tpu.memory_space<semaphore_mem>>)
        %dma_wait3A_206 = arith.constant 0 : i32
        %dma_wait3A_207 = tpu.memref_slice %arg3[%add3A_11, %dma_wait3A_206] : memref<18432x125xi32, #tpu.memory_space<hbm>> -> memref<8x125xi32, #tpu.memory_space<hbm>>
        %dma_wait3A_208 = arith.constant 0 : i32
        %dma_wait3A_209 = tpu.memref_slice %arg3[%add3A_11, %dma_wait3A_208] : memref<18432x125xi32, #tpu.memory_space<hbm>> -> memref<8x125xi32, #tpu.memory_space<hbm>>
        tpu.wait_dma2 semaphore(%run_scoped3A : memref<!tpu.dma_semaphore, #tpu.memory_space<semaphore_mem>>) src(%dma_wait3A_209 : memref<8x125xi32, #tpu.memory_space<hbm>>) dst(%arg5 : memref<8x125xi32, #tpu.memory_space<vmem>>)
        tpu.yield
      }) : () -> ()
      %dma_start3A = arith.constant 0 : i32
      %dma_start3A_12 = arith.constant 0 : i32
      %dma_start3A_13 = arith.constant 0 : i32
      %dma_start3A_14 = arith.constant 0 : i32
      %dma_start3A_15 = tpu.memref_slice %arg6[%dma_start3A_12, %dma_start3A_13, %dma_start3A_14] : memref<8x125x16xf32, #tpu.memory_space<vmem>> -> memref<1x125x16xf32, #tpu.memory_space<vmem>>
      %dma_start3A_16 = tpu.memref_squeeze %dma_start3A_15 : memref<1x125x16xf32, #tpu.memory_space<vmem>> -> memref<125x16xf32, #tpu.memory_space<vmem>>
      %dma_start3A_17 = arith.constant 0 : i32
      %dma_start3A_18 = tpu.memref_slice %arg5[%dma_start3A, %dma_start3A_17] : memref<8x125xi32, #tpu.memory_space<vmem>> -> memref<1x125xi32, #tpu.memory_space<vmem>>
      %dma_start3A_19 = tpu.memref_squeeze %dma_start3A_18 : memref<1x125xi32, #tpu.memory_space<vmem>> -> memref<125xi32, #tpu.memory_space<vmem>>
      %dma_start3A_20 = arith.constant 0 : i32
      %dma_start3A_21 = arith.constant 0 : i32
      %dma_start3A_22 = tpu.memref_slice %arg2[%dma_start3A_20, %dma_start3A_21] : memref<108544x16xf32, #tpu.memory_space<hbm>> -> memref<108544x16xf32, #tpu.memory_space<hbm>>
      tpu.enqueue_indirect_dma source(%dma_start3A_22 : memref<108544x16xf32, #tpu.memory_space<hbm>>) target(%dma_start3A_16 : memref<125x16xf32, #tpu.memory_space<vmem>>) offsets(%dma_start3A_19 : memref<125xi32, #tpu.memory_space<vmem>>) semaphore(%arg7 : memref<!tpu.dma_semaphore, #tpu.memory_space<semaphore_mem>>)
      %dma_start3A_23 = arith.constant 1 : i32
      %dma_start3A_24 = arith.constant 1 : i32
      %dma_start3A_25 = arith.constant 0 : i32
      %dma_start3A_26 = arith.constant 0 : i32
      %dma_start3A_27 = tpu.memref_slice %arg6[%dma_start3A_24, %dma_start3A_25, %dma_start3A_26] : memref<8x125x16xf32, #tpu.memory_space<vmem>> -> memref<1x125x16xf32, #tpu.memory_space<vmem>>
      %dma_start3A_28 = tpu.memref_squeeze %dma_start3A_27 : memref<1x125x16xf32, #tpu.memory_space<vmem>> -> memref<125x16xf32, #tpu.memory_space<vmem>>
      %dma_start3A_29 = arith.constant 0 : i32
      %dma_start3A_30 = tpu.memref_slice %arg5[%dma_start3A_23, %dma_start3A_29] : memref<8x125xi32, #tpu.memory_space<vmem>> -> memref<1x125xi32, #tpu.memory_space<vmem>>
      %dma_start3A_31 = tpu.memref_squeeze %dma_start3A_30 : memref<1x125xi32, #tpu.memory_space<vmem>> -> memref<125xi32, #tpu.memory_space<vmem>>
      %dma_start3A_32 = arith.constant 0 : i32
      %dma_start3A_33 = arith.constant 0 : i32
      %dma_start3A_34 = tpu.memref_slice %arg2[%dma_start3A_32, %dma_start3A_33] : memref<108544x16xf32, #tpu.memory_space<hbm>> -> memref<108544x16xf32, #tpu.memory_space<hbm>>
      tpu.enqueue_indirect_dma source(%dma_start3A_34 : memref<108544x16xf32, #tpu.memory_space<hbm>>) target(%dma_start3A_28 : memref<125x16xf32, #tpu.memory_space<vmem>>) offsets(%dma_start3A_31 : memref<125xi32, #tpu.memory_space<vmem>>) semaphore(%arg7 : memref<!tpu.dma_semaphore, #tpu.memory_space<semaphore_mem>>)
      %dma_start3A_35 = arith.constant 2 : i32
      %dma_start3A_36 = arith.constant 2 : i32
      %dma_start3A_37 = arith.constant 0 : i32
      %dma_start3A_38 = arith.constant 0 : i32
      %dma_start3A_39 = tpu.memref_slice %arg6[%dma_start3A_36, %dma_start3A_37, %dma_start3A_38] : memref<8x125x16xf32, #tpu.memory_space<vmem>> -> memref<1x125x16xf32, #tpu.memory_space<vmem>>
      %dma_start3A_40 = tpu.memref_squeeze %dma_start3A_39 : memref<1x125x16xf32, #tpu.memory_space<vmem>> -> memref<125x16xf32, #tpu.memory_space<vmem>>
      %dma_start3A_41 = arith.constant 0 : i32
      %dma_start3A_42 = tpu.memref_slice %arg5[%dma_start3A_35, %dma_start3A_41] : memref<8x125xi32, #tpu.memory_space<vmem>> -> memref<1x125xi32, #tpu.memory_space<vmem>>
      %dma_start3A_43 = tpu.memref_squeeze %dma_start3A_42 : memref<1x125xi32, #tpu.memory_space<vmem>> -> memref<125xi32, #tpu.memory_space<vmem>>
      %dma_start3A_44 = arith.constant 0 : i32
      %dma_start3A_45 = arith.constant 0 : i32
      %dma_start3A_46 = tpu.memref_slice %arg2[%dma_start3A_44, %dma_start3A_45] : memref<108544x16xf32, #tpu.memory_space<hbm>> -> memref<108544x16xf32, #tpu.memory_space<hbm>>
      tpu.enqueue_indirect_dma source(%dma_start3A_46 : memref<108544x16xf32, #tpu.memory_space<hbm>>) target(%dma_start3A_40 : memref<125x16xf32, #tpu.memory_space<vmem>>) offsets(%dma_start3A_43 : memref<125xi32, #tpu.memory_space<vmem>>) semaphore(%arg7 : memref<!tpu.dma_semaphore, #tpu.memory_space<semaphore_mem>>)
      %dma_start3A_47 = arith.constant 3 : i32
      %dma_start3A_48 = arith.constant 3 : i32
      %dma_start3A_49 = arith.constant 0 : i32
      %dma_start3A_50 = arith.constant 0 : i32
      %dma_start3A_51 = tpu.memref_slice %arg6[%dma_start3A_48, %dma_start3A_49, %dma_start3A_50] : memref<8x125x16xf32, #tpu.memory_space<vmem>> -> memref<1x125x16xf32, #tpu.memory_space<vmem>>
      %dma_start3A_52 = tpu.memref_squeeze %dma_start3A_51 : memref<1x125x16xf32, #tpu.memory_space<vmem>> -> memref<125x16xf32, #tpu.memory_space<vmem>>
      %dma_start3A_53 = arith.constant 0 : i32
      %dma_start3A_54 = tpu.memref_slice %arg5[%dma_start3A_47, %dma_start3A_53] : memref<8x125xi32, #tpu.memory_space<vmem>> -> memref<1x125xi32, #tpu.memory_space<vmem>>
      %dma_start3A_55 = tpu.memref_squeeze %dma_start3A_54 : memref<1x125xi32, #tpu.memory_space<vmem>> -> memref<125xi32, #tpu.memory_space<vmem>>
      %dma_start3A_56 = arith.constant 0 : i32
      %dma_start3A_57 = arith.constant 0 : i32
      %dma_start3A_58 = tpu.memref_slice %arg2[%dma_start3A_56, %dma_start3A_57] : memref<108544x16xf32, #tpu.memory_space<hbm>> -> memref<108544x16xf32, #tpu.memory_space<hbm>>
      tpu.enqueue_indirect_dma source(%dma_start3A_58 : memref<108544x16xf32, #tpu.memory_space<hbm>>) target(%dma_start3A_52 : memref<125x16xf32, #tpu.memory_space<vmem>>) offsets(%dma_start3A_55 : memref<125xi32, #tpu.memory_space<vmem>>) semaphore(%arg7 : memref<!tpu.dma_semaphore, #tpu.memory_space<semaphore_mem>>)
      %dma_start3A_59 = arith.constant 4 : i32
      %dma_start3A_60 = arith.constant 4 : i32
      %dma_start3A_61 = arith.constant 0 : i32
      %dma_start3A_62 = arith.constant 0 : i32
      %dma_start3A_63 = tpu.memref_slice %arg6[%dma_start3A_60, %dma_start3A_61, %dma_start3A_62] : memref<8x125x16xf32, #tpu.memory_space<vmem>> -> memref<1x125x16xf32, #tpu.memory_space<vmem>>
      %dma_start3A_64 = tpu.memref_squeeze %dma_start3A_63 : memref<1x125x16xf32, #tpu.memory_space<vmem>> -> memref<125x16xf32, #tpu.memory_space<vmem>>
      %dma_start3A_65 = arith.constant 0 : i32
      %dma_start3A_66 = tpu.memref_slice %arg5[%dma_start3A_59, %dma_start3A_65] : memref<8x125xi32, #tpu.memory_space<vmem>> -> memref<1x125xi32, #tpu.memory_space<vmem>>
      %dma_start3A_67 = tpu.memref_squeeze %dma_start3A_66 : memref<1x125xi32, #tpu.memory_space<vmem>> -> memref<125xi32, #tpu.memory_space<vmem>>
      %dma_start3A_68 = arith.constant 0 : i32
      %dma_start3A_69 = arith.constant 0 : i32
      %dma_start3A_70 = tpu.memref_slice %arg2[%dma_start3A_68, %dma_start3A_69] : memref<108544x16xf32, #tpu.memory_space<hbm>> -> memref<108544x16xf32, #tpu.memory_space<hbm>>
      tpu.enqueue_indirect_dma source(%dma_start3A_70 : memref<108544x16xf32, #tpu.memory_space<hbm>>) target(%dma_start3A_64 : memref<125x16xf32, #tpu.memory_space<vmem>>) offsets(%dma_start3A_67 : memref<125xi32, #tpu.memory_space<vmem>>) semaphore(%arg7 : memref<!tpu.dma_semaphore, #tpu.memory_space<semaphore_mem>>)
      %dma_start3A_71 = arith.constant 5 : i32
      %dma_start3A_72 = arith.constant 5 : i32
      %dma_start3A_73 = arith.constant 0 : i32
      %dma_start3A_74 = arith.constant 0 : i32
      %dma_start3A_75 = tpu.memref_slice %arg6[%dma_start3A_72, %dma_start3A_73, %dma_start3A_74] : memref<8x125x16xf32, #tpu.memory_space<vmem>> -> memref<1x125x16xf32, #tpu.memory_space<vmem>>
      %dma_start3A_76 = tpu.memref_squeeze %dma_start3A_75 : memref<1x125x16xf32, #tpu.memory_space<vmem>> -> memref<125x16xf32, #tpu.memory_space<vmem>>
      %dma_start3A_77 = arith.constant 0 : i32
      %dma_start3A_78 = tpu.memref_slice %arg5[%dma_start3A_71, %dma_start3A_77] : memref<8x125xi32, #tpu.memory_space<vmem>> -> memref<1x125xi32, #tpu.memory_space<vmem>>
      %dma_start3A_79 = tpu.memref_squeeze %dma_start3A_78 : memref<1x125xi32, #tpu.memory_space<vmem>> -> memref<125xi32, #tpu.memory_space<vmem>>
      %dma_start3A_80 = arith.constant 0 : i32
      %dma_start3A_81 = arith.constant 0 : i32
      %dma_start3A_82 = tpu.memref_slice %arg2[%dma_start3A_80, %dma_start3A_81] : memref<108544x16xf32, #tpu.memory_space<hbm>> -> memref<108544x16xf32, #tpu.memory_space<hbm>>
      tpu.enqueue_indirect_dma source(%dma_start3A_82 : memref<108544x16xf32, #tpu.memory_space<hbm>>) target(%dma_start3A_76 : memref<125x16xf32, #tpu.memory_space<vmem>>) offsets(%dma_start3A_79 : memref<125xi32, #tpu.memory_space<vmem>>) semaphore(%arg7 : memref<!tpu.dma_semaphore, #tpu.memory_space<semaphore_mem>>)
      %dma_start3A_83 = arith.constant 6 : i32
      %dma_start3A_84 = arith.constant 6 : i32
      %dma_start3A_85 = arith.constant 0 : i32
      %dma_start3A_86 = arith.constant 0 : i32
      %dma_start3A_87 = tpu.memref_slice %arg6[%dma_start3A_84, %dma_start3A_85, %dma_start3A_86] : memref<8x125x16xf32, #tpu.memory_space<vmem>> -> memref<1x125x16xf32, #tpu.memory_space<vmem>>
      %dma_start3A_88 = tpu.memref_squeeze %dma_start3A_87 : memref<1x125x16xf32, #tpu.memory_space<vmem>> -> memref<125x16xf32, #tpu.memory_space<vmem>>
      %dma_start3A_89 = arith.constant 0 : i32
      %dma_start3A_90 = tpu.memref_slice %arg5[%dma_start3A_83, %dma_start3A_89] : memref<8x125xi32, #tpu.memory_space<vmem>> -> memref<1x125xi32, #tpu.memory_space<vmem>>
      %dma_start3A_91 = tpu.memref_squeeze %dma_start3A_90 : memref<1x125xi32, #tpu.memory_space<vmem>> -> memref<125xi32, #tpu.memory_space<vmem>>
      %dma_start3A_92 = arith.constant 0 : i32
      %dma_start3A_93 = arith.constant 0 : i32
      %dma_start3A_94 = tpu.memref_slice %arg2[%dma_start3A_92, %dma_start3A_93] : memref<108544x16xf32, #tpu.memory_space<hbm>> -> memref<108544x16xf32, #tpu.memory_space<hbm>>
      tpu.enqueue_indirect_dma source(%dma_start3A_94 : memref<108544x16xf32, #tpu.memory_space<hbm>>) target(%dma_start3A_88 : memref<125x16xf32, #tpu.memory_space<vmem>>) offsets(%dma_start3A_91 : memref<125xi32, #tpu.memory_space<vmem>>) semaphore(%arg7 : memref<!tpu.dma_semaphore, #tpu.memory_space<semaphore_mem>>)
      %dma_start3A_95 = arith.constant 7 : i32
      %dma_start3A_96 = arith.constant 7 : i32
      %dma_start3A_97 = arith.constant 0 : i32
      %dma_start3A_98 = arith.constant 0 : i32
      %dma_start3A_99 = tpu.memref_slice %arg6[%dma_start3A_96, %dma_start3A_97, %dma_start3A_98] : memref<8x125x16xf32, #tpu.memory_space<vmem>> -> memref<1x125x16xf32, #tpu.memory_space<vmem>>
      %dma_start3A_100 = tpu.memref_squeeze %dma_start3A_99 : memref<1x125x16xf32, #tpu.memory_space<vmem>> -> memref<125x16xf32, #tpu.memory_space<vmem>>
      %dma_start3A_101 = arith.constant 0 : i32
      %dma_start3A_102 = tpu.memref_slice %arg5[%dma_start3A_95, %dma_start3A_101] : memref<8x125xi32, #tpu.memory_space<vmem>> -> memref<1x125xi32, #tpu.memory_space<vmem>>
      %dma_start3A_103 = tpu.memref_squeeze %dma_start3A_102 : memref<1x125xi32, #tpu.memory_space<vmem>> -> memref<125xi32, #tpu.memory_space<vmem>>
      %dma_start3A_104 = arith.constant 0 : i32
      %dma_start3A_105 = arith.constant 0 : i32
      %dma_start3A_106 = tpu.memref_slice %arg2[%dma_start3A_104, %dma_start3A_105] : memref<108544x16xf32, #tpu.memory_space<hbm>> -> memref<108544x16xf32, #tpu.memory_space<hbm>>
      tpu.enqueue_indirect_dma source(%dma_start3A_106 : memref<108544x16xf32, #tpu.memory_space<hbm>>) target(%dma_start3A_100 : memref<125x16xf32, #tpu.memory_space<vmem>>) offsets(%dma_start3A_103 : memref<125xi32, #tpu.memory_space<vmem>>) semaphore(%arg7 : memref<!tpu.dma_semaphore, #tpu.memory_space<semaphore_mem>>)
      %dma_wait3A = arith.constant 0 : i32
      %dma_wait3A_107 = arith.constant 0 : i32
      %dma_wait3A_108 = arith.constant 0 : i32
      %dma_wait3A_109 = arith.constant 0 : i32
      %dma_wait3A_110 = tpu.memref_slice %arg6[%dma_wait3A_107, %dma_wait3A_108, %dma_wait3A_109] : memref<8x125x16xf32, #tpu.memory_space<vmem>> -> memref<1x125x16xf32, #tpu.memory_space<vmem>>
      %dma_wait3A_111 = tpu.memref_squeeze %dma_wait3A_110 : memref<1x125x16xf32, #tpu.memory_space<vmem>> -> memref<125x16xf32, #tpu.memory_space<vmem>>
      %dma_wait3A_112 = arith.constant 0 : i32
      %dma_wait3A_113 = tpu.memref_slice %arg5[%dma_wait3A, %dma_wait3A_112] : memref<8x125xi32, #tpu.memory_space<vmem>> -> memref<1x125xi32, #tpu.memory_space<vmem>>
      %dma_wait3A_114 = tpu.memref_squeeze %dma_wait3A_113 : memref<1x125xi32, #tpu.memory_space<vmem>> -> memref<125xi32, #tpu.memory_space<vmem>>
      %dma_wait3A_115 = arith.constant 0 : i32
      %dma_wait3A_116 = arith.constant 0 : i32
      %dma_wait3A_117 = tpu.memref_slice %arg2[%dma_wait3A_115, %dma_wait3A_116] : memref<108544x16xf32, #tpu.memory_space<hbm>> -> memref<108544x16xf32, #tpu.memory_space<hbm>>
      tpu.wait_indirect_dma semaphore(%arg7 : memref<!tpu.dma_semaphore, #tpu.memory_space<semaphore_mem>>) src(%dma_wait3A_117 : memref<108544x16xf32, #tpu.memory_space<hbm>>) dst(%dma_wait3A_111 : memref<125x16xf32, #tpu.memory_space<vmem>>)
      %dma_wait3A_118 = arith.constant 1 : i32
      %dma_wait3A_119 = arith.constant 1 : i32
      %dma_wait3A_120 = arith.constant 0 : i32
      %dma_wait3A_121 = arith.constant 0 : i32
      %dma_wait3A_122 = tpu.memref_slice %arg6[%dma_wait3A_119, %dma_wait3A_120, %dma_wait3A_121] : memref<8x125x16xf32, #tpu.memory_space<vmem>> -> memref<1x125x16xf32, #tpu.memory_space<vmem>>
      %dma_wait3A_123 = tpu.memref_squeeze %dma_wait3A_122 : memref<1x125x16xf32, #tpu.memory_space<vmem>> -> memref<125x16xf32, #tpu.memory_space<vmem>>
      %dma_wait3A_124 = arith.constant 0 : i32
      %dma_wait3A_125 = tpu.memref_slice %arg5[%dma_wait3A_118, %dma_wait3A_124] : memref<8x125xi32, #tpu.memory_space<vmem>> -> memref<1x125xi32, #tpu.memory_space<vmem>>
      %dma_wait3A_126 = tpu.memref_squeeze %dma_wait3A_125 : memref<1x125xi32, #tpu.memory_space<vmem>> -> memref<125xi32, #tpu.memory_space<vmem>>
      %dma_wait3A_127 = arith.constant 0 : i32
      %dma_wait3A_128 = arith.constant 0 : i32
      %dma_wait3A_129 = tpu.memref_slice %arg2[%dma_wait3A_127, %dma_wait3A_128] : memref<108544x16xf32, #tpu.memory_space<hbm>> -> memref<108544x16xf32, #tpu.memory_space<hbm>>
      tpu.wait_indirect_dma semaphore(%arg7 : memref<!tpu.dma_semaphore, #tpu.memory_space<semaphore_mem>>) src(%dma_wait3A_129 : memref<108544x16xf32, #tpu.memory_space<hbm>>) dst(%dma_wait3A_123 : memref<125x16xf32, #tpu.memory_space<vmem>>)
      %dma_wait3A_130 = arith.constant 2 : i32
      %dma_wait3A_131 = arith.constant 2 : i32
      %dma_wait3A_132 = arith.constant 0 : i32
      %dma_wait3A_133 = arith.constant 0 : i32
      %dma_wait3A_134 = tpu.memref_slice %arg6[%dma_wait3A_131, %dma_wait3A_132, %dma_wait3A_133] : memref<8x125x16xf32, #tpu.memory_space<vmem>> -> memref<1x125x16xf32, #tpu.memory_space<vmem>>
      %dma_wait3A_135 = tpu.memref_squeeze %dma_wait3A_134 : memref<1x125x16xf32, #tpu.memory_space<vmem>> -> memref<125x16xf32, #tpu.memory_space<vmem>>
      %dma_wait3A_136 = arith.constant 0 : i32
      %dma_wait3A_137 = tpu.memref_slice %arg5[%dma_wait3A_130, %dma_wait3A_136] : memref<8x125xi32, #tpu.memory_space<vmem>> -> memref<1x125xi32, #tpu.memory_space<vmem>>
      %dma_wait3A_138 = tpu.memref_squeeze %dma_wait3A_137 : memref<1x125xi32, #tpu.memory_space<vmem>> -> memref<125xi32, #tpu.memory_space<vmem>>
      %dma_wait3A_139 = arith.constant 0 : i32
      %dma_wait3A_140 = arith.constant 0 : i32
      %dma_wait3A_141 = tpu.memref_slice %arg2[%dma_wait3A_139, %dma_wait3A_140] : memref<108544x16xf32, #tpu.memory_space<hbm>> -> memref<108544x16xf32, #tpu.memory_space<hbm>>
      tpu.wait_indirect_dma semaphore(%arg7 : memref<!tpu.dma_semaphore, #tpu.memory_space<semaphore_mem>>) src(%dma_wait3A_141 : memref<108544x16xf32, #tpu.memory_space<hbm>>) dst(%dma_wait3A_135 : memref<125x16xf32, #tpu.memory_space<vmem>>)
      %dma_wait3A_142 = arith.constant 3 : i32
      %dma_wait3A_143 = arith.constant 3 : i32
      %dma_wait3A_144 = arith.constant 0 : i32
      %dma_wait3A_145 = arith.constant 0 : i32
      %dma_wait3A_146 = tpu.memref_slice %arg6[%dma_wait3A_143, %dma_wait3A_144, %dma_wait3A_145] : memref<8x125x16xf32, #tpu.memory_space<vmem>> -> memref<1x125x16xf32, #tpu.memory_space<vmem>>
      %dma_wait3A_147 = tpu.memref_squeeze %dma_wait3A_146 : memref<1x125x16xf32, #tpu.memory_space<vmem>> -> memref<125x16xf32, #tpu.memory_space<vmem>>
      %dma_wait3A_148 = arith.constant 0 : i32
      %dma_wait3A_149 = tpu.memref_slice %arg5[%dma_wait3A_142, %dma_wait3A_148] : memref<8x125xi32, #tpu.memory_space<vmem>> -> memref<1x125xi32, #tpu.memory_space<vmem>>
      %dma_wait3A_150 = tpu.memref_squeeze %dma_wait3A_149 : memref<1x125xi32, #tpu.memory_space<vmem>> -> memref<125xi32, #tpu.memory_space<vmem>>
      %dma_wait3A_151 = arith.constant 0 : i32
      %dma_wait3A_152 = arith.constant 0 : i32
      %dma_wait3A_153 = tpu.memref_slice %arg2[%dma_wait3A_151, %dma_wait3A_152] : memref<108544x16xf32, #tpu.memory_space<hbm>> -> memref<108544x16xf32, #tpu.memory_space<hbm>>
      tpu.wait_indirect_dma semaphore(%arg7 : memref<!tpu.dma_semaphore, #tpu.memory_space<semaphore_mem>>) src(%dma_wait3A_153 : memref<108544x16xf32, #tpu.memory_space<hbm>>) dst(%dma_wait3A_147 : memref<125x16xf32, #tpu.memory_space<vmem>>)
      %dma_wait3A_154 = arith.constant 4 : i32
      %dma_wait3A_155 = arith.constant 4 : i32
      %dma_wait3A_156 = arith.constant 0 : i32
      %dma_wait3A_157 = arith.constant 0 : i32
      %dma_wait3A_158 = tpu.memref_slice %arg6[%dma_wait3A_155, %dma_wait3A_156, %dma_wait3A_157] : memref<8x125x16xf32, #tpu.memory_space<vmem>> -> memref<1x125x16xf32, #tpu.memory_space<vmem>>
      %dma_wait3A_159 = tpu.memref_squeeze %dma_wait3A_158 : memref<1x125x16xf32, #tpu.memory_space<vmem>> -> memref<125x16xf32, #tpu.memory_space<vmem>>
      %dma_wait3A_160 = arith.constant 0 : i32
      %dma_wait3A_161 = tpu.memref_slice %arg5[%dma_wait3A_154, %dma_wait3A_160] : memref<8x125xi32, #tpu.memory_space<vmem>> -> memref<1x125xi32, #tpu.memory_space<vmem>>
      %dma_wait3A_162 = tpu.memref_squeeze %dma_wait3A_161 : memref<1x125xi32, #tpu.memory_space<vmem>> -> memref<125xi32, #tpu.memory_space<vmem>>
      %dma_wait3A_163 = arith.constant 0 : i32
      %dma_wait3A_164 = arith.constant 0 : i32
      %dma_wait3A_165 = tpu.memref_slice %arg2[%dma_wait3A_163, %dma_wait3A_164] : memref<108544x16xf32, #tpu.memory_space<hbm>> -> memref<108544x16xf32, #tpu.memory_space<hbm>>
      tpu.wait_indirect_dma semaphore(%arg7 : memref<!tpu.dma_semaphore, #tpu.memory_space<semaphore_mem>>) src(%dma_wait3A_165 : memref<108544x16xf32, #tpu.memory_space<hbm>>) dst(%dma_wait3A_159 : memref<125x16xf32, #tpu.memory_space<vmem>>)
      %dma_wait3A_166 = arith.constant 5 : i32
      %dma_wait3A_167 = arith.constant 5 : i32
      %dma_wait3A_168 = arith.constant 0 : i32
      %dma_wait3A_169 = arith.constant 0 : i32
      %dma_wait3A_170 = tpu.memref_slice %arg6[%dma_wait3A_167, %dma_wait3A_168, %dma_wait3A_169] : memref<8x125x16xf32, #tpu.memory_space<vmem>> -> memref<1x125x16xf32, #tpu.memory_space<vmem>>
      %dma_wait3A_171 = tpu.memref_squeeze %dma_wait3A_170 : memref<1x125x16xf32, #tpu.memory_space<vmem>> -> memref<125x16xf32, #tpu.memory_space<vmem>>
      %dma_wait3A_172 = arith.constant 0 : i32
      %dma_wait3A_173 = tpu.memref_slice %arg5[%dma_wait3A_166, %dma_wait3A_172] : memref<8x125xi32, #tpu.memory_space<vmem>> -> memref<1x125xi32, #tpu.memory_space<vmem>>
      %dma_wait3A_174 = tpu.memref_squeeze %dma_wait3A_173 : memref<1x125xi32, #tpu.memory_space<vmem>> -> memref<125xi32, #tpu.memory_space<vmem>>
      %dma_wait3A_175 = arith.constant 0 : i32
      %dma_wait3A_176 = arith.constant 0 : i32
      %dma_wait3A_177 = tpu.memref_slice %arg2[%dma_wait3A_175, %dma_wait3A_176] : memref<108544x16xf32, #tpu.memory_space<hbm>> -> memref<108544x16xf32, #tpu.memory_space<hbm>>
      tpu.wait_indirect_dma semaphore(%arg7 : memref<!tpu.dma_semaphore, #tpu.memory_space<semaphore_mem>>) src(%dma_wait3A_177 : memref<108544x16xf32, #tpu.memory_space<hbm>>) dst(%dma_wait3A_171 : memref<125x16xf32, #tpu.memory_space<vmem>>)
      %dma_wait3A_178 = arith.constant 6 : i32
      %dma_wait3A_179 = arith.constant 6 : i32
      %dma_wait3A_180 = arith.constant 0 : i32
      %dma_wait3A_181 = arith.constant 0 : i32
      %dma_wait3A_182 = tpu.memref_slice %arg6[%dma_wait3A_179, %dma_wait3A_180, %dma_wait3A_181] : memref<8x125x16xf32, #tpu.memory_space<vmem>> -> memref<1x125x16xf32, #tpu.memory_space<vmem>>
      %dma_wait3A_183 = tpu.memref_squeeze %dma_wait3A_182 : memref<1x125x16xf32, #tpu.memory_space<vmem>> -> memref<125x16xf32, #tpu.memory_space<vmem>>
      %dma_wait3A_184 = arith.constant 0 : i32
      %dma_wait3A_185 = tpu.memref_slice %arg5[%dma_wait3A_178, %dma_wait3A_184] : memref<8x125xi32, #tpu.memory_space<vmem>> -> memref<1x125xi32, #tpu.memory_space<vmem>>
      %dma_wait3A_186 = tpu.memref_squeeze %dma_wait3A_185 : memref<1x125xi32, #tpu.memory_space<vmem>> -> memref<125xi32, #tpu.memory_space<vmem>>
      %dma_wait3A_187 = arith.constant 0 : i32
      %dma_wait3A_188 = arith.constant 0 : i32
      %dma_wait3A_189 = tpu.memref_slice %arg2[%dma_wait3A_187, %dma_wait3A_188] : memref<108544x16xf32, #tpu.memory_space<hbm>> -> memref<108544x16xf32, #tpu.memory_space<hbm>>
      tpu.wait_indirect_dma semaphore(%arg7 : memref<!tpu.dma_semaphore, #tpu.memory_space<semaphore_mem>>) src(%dma_wait3A_189 : memref<108544x16xf32, #tpu.memory_space<hbm>>) dst(%dma_wait3A_183 : memref<125x16xf32, #tpu.memory_space<vmem>>)
      %dma_wait3A_190 = arith.constant 7 : i32
      %dma_wait3A_191 = arith.constant 7 : i32
      %dma_wait3A_192 = arith.constant 0 : i32
      %dma_wait3A_193 = arith.constant 0 : i32
      %dma_wait3A_194 = tpu.memref_slice %arg6[%dma_wait3A_191, %dma_wait3A_192, %dma_wait3A_193] : memref<8x125x16xf32, #tpu.memory_space<vmem>> -> memref<1x125x16xf32, #tpu.memory_space<vmem>>
      %dma_wait3A_195 = tpu.memref_squeeze %dma_wait3A_194 : memref<1x125x16xf32, #tpu.memory_space<vmem>> -> memref<125x16xf32, #tpu.memory_space<vmem>>
      %dma_wait3A_196 = arith.constant 0 : i32
      %dma_wait3A_197 = tpu.memref_slice %arg5[%dma_wait3A_190, %dma_wait3A_196] : memref<8x125xi32, #tpu.memory_space<vmem>> -> memref<1x125xi32, #tpu.memory_space<vmem>>
      %dma_wait3A_198 = tpu.memref_squeeze %dma_wait3A_197 : memref<1x125xi32, #tpu.memory_space<vmem>> -> memref<125xi32, #tpu.memory_space<vmem>>
      %dma_wait3A_199 = arith.constant 0 : i32
      %dma_wait3A_200 = arith.constant 0 : i32
      %dma_wait3A_201 = tpu.memref_slice %arg2[%dma_wait3A_199, %dma_wait3A_200] : memref<108544x16xf32, #tpu.memory_space<hbm>> -> memref<108544x16xf32, #tpu.memory_space<hbm>>
      tpu.wait_indirect_dma semaphore(%arg7 : memref<!tpu.dma_semaphore, #tpu.memory_space<semaphore_mem>>) src(%dma_wait3A_201 : memref<108544x16xf32, #tpu.memory_space<hbm>>) dst(%dma_wait3A_195 : memref<125x16xf32, #tpu.memory_space<vmem>>)
      "tpu.region"() ({
        %run_scoped3A = tpu.sem_alloc : memref<!tpu.dma_semaphore, #tpu.memory_space<semaphore_mem>>
        %dma_start3A_202 = arith.constant 0 : i32
        %dma_start3A_203 = arith.constant 0 : i32
        %dma_start3A_204 = tpu.memref_slice %arg4[%add3A_11, %dma_start3A_202, %dma_start3A_203] : memref<18432x125x16xf32, #tpu.memory_space<hbm>> -> memref<8x125x16xf32, #tpu.memory_space<hbm>>
        %dma_start3A_205 = arith.constant 0 : i32
        %dma_start3A_206 = arith.constant 0 : i32
        %dma_start3A_207 = tpu.memref_slice %arg4[%add3A_11, %dma_start3A_205, %dma_start3A_206] : memref<18432x125x16xf32, #tpu.memory_space<hbm>> -> memref<8x125x16xf32, #tpu.memory_space<hbm>>
        tpu.enqueue_dma source(%arg6 : memref<8x125x16xf32, #tpu.memory_space<vmem>>) target(%dma_start3A_207 : memref<8x125x16xf32, #tpu.memory_space<hbm>>) target_semaphore(%run_scoped3A : memref<!tpu.dma_semaphore, #tpu.memory_space<semaphore_mem>>)
        %dma_wait3A_208 = arith.constant 0 : i32
        %dma_wait3A_209 = arith.constant 0 : i32
        %dma_wait3A_210 = tpu.memref_slice %arg4[%add3A_11, %dma_wait3A_208, %dma_wait3A_209] : memref<18432x125x16xf32, #tpu.memory_space<hbm>> -> memref<8x125x16xf32, #tpu.memory_space<hbm>>
        %dma_wait3A_211 = arith.constant 0 : i32
        %dma_wait3A_212 = arith.constant 0 : i32
        %dma_wait3A_213 = tpu.memref_slice %arg4[%add3A_11, %dma_wait3A_211, %dma_wait3A_212] : memref<18432x125x16xf32, #tpu.memory_space<hbm>> -> memref<8x125x16xf32, #tpu.memory_space<hbm>>
        tpu.wait_dma2 semaphore(%run_scoped3A : memref<!tpu.dma_semaphore, #tpu.memory_space<semaphore_mem>>) src(%arg6 : memref<8x125x16xf32, #tpu.memory_space<vmem>>) dst(%dma_wait3A_213 : memref<8x125x16xf32, #tpu.memory_space<hbm>>)
        tpu.yield
      }) : () -> ()
    }
    %scan3A_7 = arith.constant 72 : i32
    return
  }
}

#map = affine_map<(d0, d1) -> (0, 0)>
#map1 = affine_map<(d0, d1) -> (0, 0, 0)>
module attributes {stable_mosaic.version = 14 : i64} {
  func.func @gather_kernel(%arg0: i32, %arg1: i32, %arg2: memref<108544x16xf32, #tpu.memory_space<hbm>>, %arg3: memref<18432x125xi32, #tpu.memory_space<hbm>>, %arg4: memref<18432x125x16xf32, #tpu.memory_space<hbm>>, %arg5: memref<8x125xi32, #tpu.memory_space<vmem>>, %arg6: memref<8x125x16xf32, #tpu.memory_space<vmem>>, %arg7: memref<!tpu.dma_semaphore, #tpu.memory_space<semaphore_mem>>) attributes {dimension_semantics = [#tpu.dimension_semantics<core_parallel>, #tpu.dimension_semantics<subcore_parallel>], iteration_bounds = array<i64: 2, 16>, scalar_prefetch = 0 : i64, scratch_operands = 3 : i64, tpu.core_type = #tpu.core_type<sc_vector_subcore>, window_params = [{transform_indices = #map}, {transform_indices = #map}, {transform_indices = #map1}]} {
    %mul3A = arith.constant 2 : i32
    %mul3A_0 = arith.muli %arg1, %mul3A : i32
    %add3A = arith.addi %mul3A_0, %arg0 : i32
    %mul3A_1 = arith.constant 576 : i32
    %mul3A_2 = arith.muli %add3A, %mul3A_1 : i32
    %scan3A = arith.constant 0 : i32
    %scan3A_3 = arith.constant 0 : i32
    %scan3A_4 = arith.constant 72 : i32
    %scan3A_5 = arith.addi %scan3A_3, %scan3A_4 : i32
    %scan3A_6 = arith.constant 1 : i32
    scf.for %scan3A_8 = %scan3A_3 to %scan3A_5 step %scan3A_6  : i32 {
      %mul3A_9 = arith.constant 8 : i32
      %mul3A_10 = arith.muli %scan3A_8, %mul3A_9 : i32
      %add3A_11 = arith.addi %mul3A_2, %mul3A_10 : i32
      "tpu.region"() ({
        %run_scoped3A = tpu.sem_alloc : memref<!tpu.dma_semaphore, #tpu.memory_space<semaphore_mem>>
        %dma_start3A_202 = arith.constant 0 : i32
        %dma_start3A_203 = tpu.memref_slice %arg3[%add3A_11, %dma_start3A_202] : memref<18432x125xi32, #tpu.memory_space<hbm>> -> memref<8x125xi32, #tpu.memory_space<hbm>>
        %dma_start3A_204 = arith.constant 0 : i32
        %dma_start3A_205 = tpu.memref_slice %arg3[%add3A_11, %dma_start3A_204] : memref<18432x125xi32, #tpu.memory_space<hbm>> -> memref<8x125xi32, #tpu.memory_space<hbm>>
        tpu.enqueue_dma source(%dma_start3A_205 : memref<8x125xi32, #tpu.memory_space<hbm>>) target(%arg5 : memref<8x125xi32, #tpu.memory_space<vmem>>) target_semaphore(%run_scoped3A : memref<!tpu.dma_semaphore, #tpu.memory_space<semaphore_mem>>)
        %dma_wait3A_206 = arith.constant 0 : i32
        %dma_wait3A_207 = tpu.memref_slice %arg3[%add3A_11, %dma_wait3A_206] : memref<18432x125xi32, #tpu.memory_space<hbm>> -> memref<8x125xi32, #tpu.memory_space<hbm>>
        %dma_wait3A_208 = arith.constant 0 : i32
        %dma_wait3A_209 = tpu.memref_slice %arg3[%add3A_11, %dma_wait3A_208] : memref<18432x125xi32, #tpu.memory_space<hbm>> -> memref<8x125xi32, #tpu.memory_space<hbm>>
        tpu.wait_dma2 semaphore(%run_scoped3A : memref<!tpu.dma_semaphore, #tpu.memory_space<semaphore_mem>>) src(%dma_wait3A_209 : memref<8x125xi32, #tpu.memory_space<hbm>>) dst(%arg5 : memref<8x125xi32, #tpu.memory_space<vmem>>)
        tpu.yield
      }) : () -> ()
      %dma_start3A = arith.constant 0 : i32
      %dma_start3A_12 = arith.constant 0 : i32
      %dma_start3A_13 = arith.constant 0 : i32
      %dma_start3A_14 = arith.constant 0 : i32
      %dma_start3A_15 = tpu.memref_slice %arg6[%dma_start3A_12, %dma_start3A_13, %dma_start3A_14] : memref<8x125x16xf32, #tpu.memory_space<vmem>> -> memref<1x125x16xf32, #tpu.memory_space<vmem>>
      %dma_start3A_16 = tpu.memref_squeeze %dma_start3A_15 : memref<1x125x16xf32, #tpu.memory_space<vmem>> -> memref<125x16xf32, #tpu.memory_space<vmem>>
      %dma_start3A_17 = arith.constant 0 : i32
      %dma_start3A_18 = tpu.memref_slice %arg5[%dma_start3A, %dma_start3A_17] : memref<8x125xi32, #tpu.memory_space<vmem>> -> memref<1x125xi32, #tpu.memory_space<vmem>>
      %dma_start3A_19 = tpu.memref_squeeze %dma_start3A_18 : memref<1x125xi32, #tpu.memory_space<vmem>> -> memref<125xi32, #tpu.memory_space<vmem>>
      %dma_start3A_20 = arith.constant 0 : i32
      %dma_start3A_21 = arith.constant 0 : i32
      %dma_start3A_22 = tpu.memref_slice %arg2[%dma_start3A_20, %dma_start3A_21] : memref<108544x16xf32, #tpu.memory_space<hbm>> -> memref<108544x16xf32, #tpu.memory_space<hbm>>
      tpu.enqueue_indirect_dma source(%dma_start3A_22 : memref<108544x16xf32, #tpu.memory_space<hbm>>) target(%dma_start3A_16 : memref<125x16xf32, #tpu.memory_space<vmem>>) offsets(%dma_start3A_19 : memref<125xi32, #tpu.memory_space<vmem>>) semaphore(%arg7 : memref<!tpu.dma_semaphore, #tpu.memory_space<semaphore_mem>>)
      %dma_start3A_23 = arith.constant 1 : i32
      %dma_start3A_24 = arith.constant 1 : i32
      %dma_start3A_25 = arith.constant 0 : i32
      %dma_start3A_26 = arith.constant 0 : i32
      %dma_start3A_27 = tpu.memref_slice %arg6[%dma_start3A_24, %dma_start3A_25, %dma_start3A_26] : memref<8x125x16xf32, #tpu.memory_space<vmem>> -> memref<1x125x16xf32, #tpu.memory_space<vmem>>
      %dma_start3A_28 = tpu.memref_squeeze %dma_start3A_27 : memref<1x125x16xf32, #tpu.memory_space<vmem>> -> memref<125x16xf32, #tpu.memory_space<vmem>>
      %dma_start3A_29 = arith.constant 0 : i32
      %dma_start3A_30 = tpu.memref_slice %arg5[%dma_start3A_23, %dma_start3A_29] : memref<8x125xi32, #tpu.memory_space<vmem>> -> memref<1x125xi32, #tpu.memory_space<vmem>>
      %dma_start3A_31 = tpu.memref_squeeze %dma_start3A_30 : memref<1x125xi32, #tpu.memory_space<vmem>> -> memref<125xi32, #tpu.memory_space<vmem>>
      %dma_start3A_32 = arith.constant 0 : i32
      %dma_start3A_33 = arith.constant 0 : i32
      %dma_start3A_34 = tpu.memref_slice %arg2[%dma_start3A_32, %dma_start3A_33] : memref<108544x16xf32, #tpu.memory_space<hbm>> -> memref<108544x16xf32, #tpu.memory_space<hbm>>
      tpu.enqueue_indirect_dma source(%dma_start3A_34 : memref<108544x16xf32, #tpu.memory_space<hbm>>) target(%dma_start3A_28 : memref<125x16xf32, #tpu.memory_space<vmem>>) offsets(%dma_start3A_31 : memref<125xi32, #tpu.memory_space<vmem>>) semaphore(%arg7 : memref<!tpu.dma_semaphore, #tpu.memory_space<semaphore_mem>>)
      %dma_start3A_35 = arith.constant 2 : i32
      %dma_start3A_36 = arith.constant 2 : i32
      %dma_start3A_37 = arith.constant 0 : i32
      %dma_start3A_38 = arith.constant 0 : i32
      %dma_start3A_39 = tpu.memref_slice %arg6[%dma_start3A_36, %dma_start3A_37, %dma_start3A_38] : memref<8x125x16xf32, #tpu.memory_space<vmem>> -> memref<1x125x16xf32, #tpu.memory_space<vmem>>
      %dma_start3A_40 = tpu.memref_squeeze %dma_start3A_39 : memref<1x125x16xf32, #tpu.memory_space<vmem>> -> memref<125x16xf32, #tpu.memory_space<vmem>>
      %dma_start3A_41 = arith.constant 0 : i32
      %dma_start3A_42 = tpu.memref_slice %arg5[%dma_start3A_35, %dma_start3A_41] : memref<8x125xi32, #tpu.memory_space<vmem>> -> memref<1x125xi32, #tpu.memory_space<vmem>>
      %dma_start3A_43 = tpu.memref_squeeze %dma_start3A_42 : memref<1x125xi32, #tpu.memory_space<vmem>> -> memref<125xi32, #tpu.memory_space<vmem>>
      %dma_start3A_44 = arith.constant 0 : i32
      %dma_start3A_45 = arith.constant 0 : i32
      %dma_start3A_46 = tpu.memref_slice %arg2[%dma_start3A_44, %dma_start3A_45] : memref<108544x16xf32, #tpu.memory_space<hbm>> -> memref<108544x16xf32, #tpu.memory_space<hbm>>
      tpu.enqueue_indirect_dma source(%dma_start3A_46 : memref<108544x16xf32, #tpu.memory_space<hbm>>) target(%dma_start3A_40 : memref<125x16xf32, #tpu.memory_space<vmem>>) offsets(%dma_start3A_43 : memref<125xi32, #tpu.memory_space<vmem>>) semaphore(%arg7 : memref<!tpu.dma_semaphore, #tpu.memory_space<semaphore_mem>>)
      %dma_start3A_47 = arith.constant 3 : i32
      %dma_start3A_48 = arith.constant 3 : i32
      %dma_start3A_49 = arith.constant 0 : i32
      %dma_start3A_50 = arith.constant 0 : i32
      %dma_start3A_51 = tpu.memref_slice %arg6[%dma_start3A_48, %dma_start3A_49, %dma_start3A_50] : memref<8x125x16xf32, #tpu.memory_space<vmem>> -> memref<1x125x16xf32, #tpu.memory_space<vmem>>
      %dma_start3A_52 = tpu.memref_squeeze %dma_start3A_51 : memref<1x125x16xf32, #tpu.memory_space<vmem>> -> memref<125x16xf32, #tpu.memory_space<vmem>>
      %dma_start3A_53 = arith.constant 0 : i32
      %dma_start3A_54 = tpu.memref_slice %arg5[%dma_start3A_47, %dma_start3A_53] : memref<8x125xi32, #tpu.memory_space<vmem>> -> memref<1x125xi32, #tpu.memory_space<vmem>>
      %dma_start3A_55 = tpu.memref_squeeze %dma_start3A_54 : memref<1x125xi32, #tpu.memory_space<vmem>> -> memref<125xi32, #tpu.memory_space<vmem>>
      %dma_start3A_56 = arith.constant 0 : i32
      %dma_start3A_57 = arith.constant 0 : i32
      %dma_start3A_58 = tpu.memref_slice %arg2[%dma_start3A_56, %dma_start3A_57] : memref<108544x16xf32, #tpu.memory_space<hbm>> -> memref<108544x16xf32, #tpu.memory_space<hbm>>
      tpu.enqueue_indirect_dma source(%dma_start3A_58 : memref<108544x16xf32, #tpu.memory_space<hbm>>) target(%dma_start3A_52 : memref<125x16xf32, #tpu.memory_space<vmem>>) offsets(%dma_start3A_55 : memref<125xi32, #tpu.memory_space<vmem>>) semaphore(%arg7 : memref<!tpu.dma_semaphore, #tpu.memory_space<semaphore_mem>>)
      %dma_start3A_59 = arith.constant 4 : i32
      %dma_start3A_60 = arith.constant 4 : i32
      %dma_start3A_61 = arith.constant 0 : i32
      %dma_start3A_62 = arith.constant 0 : i32
      %dma_start3A_63 = tpu.memref_slice %arg6[%dma_start3A_60, %dma_start3A_61, %dma_start3A_62] : memref<8x125x16xf32, #tpu.memory_space<vmem>> -> memref<1x125x16xf32, #tpu.memory_space<vmem>>
      %dma_start3A_64 = tpu.memref_squeeze %dma_start3A_63 : memref<1x125x16xf32, #tpu.memory_space<vmem>> -> memref<125x16xf32, #tpu.memory_space<vmem>>
      %dma_start3A_65 = arith.constant 0 : i32
      %dma_start3A_66 = tpu.memref_slice %arg5[%dma_start3A_59, %dma_start3A_65] : memref<8x125xi32, #tpu.memory_space<vmem>> -> memref<1x125xi32, #tpu.memory_space<vmem>>
      %dma_start3A_67 = tpu.memref_squeeze %dma_start3A_66 : memref<1x125xi32, #tpu.memory_space<vmem>> -> memref<125xi32, #tpu.memory_space<vmem>>
      %dma_start3A_68 = arith.constant 0 : i32
      %dma_start3A_69 = arith.constant 0 : i32
      %dma_start3A_70 = tpu.memref_slice %arg2[%dma_start3A_68, %dma_start3A_69] : memref<108544x16xf32, #tpu.memory_space<hbm>> -> memref<108544x16xf32, #tpu.memory_space<hbm>>
      tpu.enqueue_indirect_dma source(%dma_start3A_70 : memref<108544x16xf32, #tpu.memory_space<hbm>>) target(%dma_start3A_64 : memref<125x16xf32, #tpu.memory_space<vmem>>) offsets(%dma_start3A_67 : memref<125xi32, #tpu.memory_space<vmem>>) semaphore(%arg7 : memref<!tpu.dma_semaphore, #tpu.memory_space<semaphore_mem>>)
      %dma_start3A_71 = arith.constant 5 : i32
      %dma_start3A_72 = arith.constant 5 : i32
      %dma_start3A_73 = arith.constant 0 : i32
      %dma_start3A_74 = arith.constant 0 : i32
      %dma_start3A_75 = tpu.memref_slice %arg6[%dma_start3A_72, %dma_start3A_73, %dma_start3A_74] : memref<8x125x16xf32, #tpu.memory_space<vmem>> -> memref<1x125x16xf32, #tpu.memory_space<vmem>>
      %dma_start3A_76 = tpu.memref_squeeze %dma_start3A_75 : memref<1x125x16xf32, #tpu.memory_space<vmem>> -> memref<125x16xf32, #tpu.memory_space<vmem>>
      %dma_start3A_77 = arith.constant 0 : i32
      %dma_start3A_78 = tpu.memref_slice %arg5[%dma_start3A_71, %dma_start3A_77] : memref<8x125xi32, #tpu.memory_space<vmem>> -> memref<1x125xi32, #tpu.memory_space<vmem>>
      %dma_start3A_79 = tpu.memref_squeeze %dma_start3A_78 : memref<1x125xi32, #tpu.memory_space<vmem>> -> memref<125xi32, #tpu.memory_space<vmem>>
      %dma_start3A_80 = arith.constant 0 : i32
      %dma_start3A_81 = arith.constant 0 : i32
      %dma_start3A_82 = tpu.memref_slice %arg2[%dma_start3A_80, %dma_start3A_81] : memref<108544x16xf32, #tpu.memory_space<hbm>> -> memref<108544x16xf32, #tpu.memory_space<hbm>>
      tpu.enqueue_indirect_dma source(%dma_start3A_82 : memref<108544x16xf32, #tpu.memory_space<hbm>>) target(%dma_start3A_76 : memref<125x16xf32, #tpu.memory_space<vmem>>) offsets(%dma_start3A_79 : memref<125xi32, #tpu.memory_space<vmem>>) semaphore(%arg7 : memref<!tpu.dma_semaphore, #tpu.memory_space<semaphore_mem>>)
      %dma_start3A_83 = arith.constant 6 : i32
      %dma_start3A_84 = arith.constant 6 : i32
      %dma_start3A_85 = arith.constant 0 : i32
      %dma_start3A_86 = arith.constant 0 : i32
      %dma_start3A_87 = tpu.memref_slice %arg6[%dma_start3A_84, %dma_start3A_85, %dma_start3A_86] : memref<8x125x16xf32, #tpu.memory_space<vmem>> -> memref<1x125x16xf32, #tpu.memory_space<vmem>>
      %dma_start3A_88 = tpu.memref_squeeze %dma_start3A_87 : memref<1x125x16xf32, #tpu.memory_space<vmem>> -> memref<125x16xf32, #tpu.memory_space<vmem>>
      %dma_start3A_89 = arith.constant 0 : i32
      %dma_start3A_90 = tpu.memref_slice %arg5[%dma_start3A_83, %dma_start3A_89] : memref<8x125xi32, #tpu.memory_space<vmem>> -> memref<1x125xi32, #tpu.memory_space<vmem>>
      %dma_start3A_91 = tpu.memref_squeeze %dma_start3A_90 : memref<1x125xi32, #tpu.memory_space<vmem>> -> memref<125xi32, #tpu.memory_space<vmem>>
      %dma_start3A_92 = arith.constant 0 : i32
      %dma_start3A_93 = arith.constant 0 : i32
      %dma_start3A_94 = tpu.memref_slice %arg2[%dma_start3A_92, %dma_start3A_93] : memref<108544x16xf32, #tpu.memory_space<hbm>> -> memref<108544x16xf32, #tpu.memory_space<hbm>>
      tpu.enqueue_indirect_dma source(%dma_start3A_94 : memref<108544x16xf32, #tpu.memory_space<hbm>>) target(%dma_start3A_88 : memref<125x16xf32, #tpu.memory_space<vmem>>) offsets(%dma_start3A_91 : memref<125xi32, #tpu.memory_space<vmem>>) semaphore(%arg7 : memref<!tpu.dma_semaphore, #tpu.memory_space<semaphore_mem>>)
      %dma_start3A_95 = arith.constant 7 : i32
      %dma_start3A_96 = arith.constant 7 : i32
      %dma_start3A_97 = arith.constant 0 : i32
      %dma_start3A_98 = arith.constant 0 : i32
      %dma_start3A_99 = tpu.memref_slice %arg6[%dma_start3A_96, %dma_start3A_97, %dma_start3A_98] : memref<8x125x16xf32, #tpu.memory_space<vmem>> -> memref<1x125x16xf32, #tpu.memory_space<vmem>>
      %dma_start3A_100 = tpu.memref_squeeze %dma_start3A_99 : memref<1x125x16xf32, #tpu.memory_space<vmem>> -> memref<125x16xf32, #tpu.memory_space<vmem>>
      %dma_start3A_101 = arith.constant 0 : i32
      %dma_start3A_102 = tpu.memref_slice %arg5[%dma_start3A_95, %dma_start3A_101] : memref<8x125xi32, #tpu.memory_space<vmem>> -> memref<1x125xi32, #tpu.memory_space<vmem>>
      %dma_start3A_103 = tpu.memref_squeeze %dma_start3A_102 : memref<1x125xi32, #tpu.memory_space<vmem>> -> memref<125xi32, #tpu.memory_space<vmem>>
      %dma_start3A_104 = arith.constant 0 : i32
      %dma_start3A_105 = arith.constant 0 : i32
      %dma_start3A_106 = tpu.memref_slice %arg2[%dma_start3A_104, %dma_start3A_105] : memref<108544x16xf32, #tpu.memory_space<hbm>> -> memref<108544x16xf32, #tpu.memory_space<hbm>>
      tpu.enqueue_indirect_dma source(%dma_start3A_106 : memref<108544x16xf32, #tpu.memory_space<hbm>>) target(%dma_start3A_100 : memref<125x16xf32, #tpu.memory_space<vmem>>) offsets(%dma_start3A_103 : memref<125xi32, #tpu.memory_space<vmem>>) semaphore(%arg7 : memref<!tpu.dma_semaphore, #tpu.memory_space<semaphore_mem>>)
      %dma_wait3A = arith.constant 0 : i32
      %dma_wait3A_107 = arith.constant 0 : i32
      %dma_wait3A_108 = arith.constant 0 : i32
      %dma_wait3A_109 = arith.constant 0 : i32
      %dma_wait3A_110 = tpu.memref_slice %arg6[%dma_wait3A_107, %dma_wait3A_108, %dma_wait3A_109] : memref<8x125x16xf32, #tpu.memory_space<vmem>> -> memref<1x125x16xf32, #tpu.memory_space<vmem>>
      %dma_wait3A_111 = tpu.memref_squeeze %dma_wait3A_110 : memref<1x125x16xf32, #tpu.memory_space<vmem>> -> memref<125x16xf32, #tpu.memory_space<vmem>>
      %dma_wait3A_112 = arith.constant 0 : i32
      %dma_wait3A_113 = tpu.memref_slice %arg5[%dma_wait3A, %dma_wait3A_112] : memref<8x125xi32, #tpu.memory_space<vmem>> -> memref<1x125xi32, #tpu.memory_space<vmem>>
      %dma_wait3A_114 = tpu.memref_squeeze %dma_wait3A_113 : memref<1x125xi32, #tpu.memory_space<vmem>> -> memref<125xi32, #tpu.memory_space<vmem>>
      %dma_wait3A_115 = arith.constant 0 : i32
      %dma_wait3A_116 = arith.constant 0 : i32
      %dma_wait3A_117 = tpu.memref_slice %arg2[%dma_wait3A_115, %dma_wait3A_116] : memref<108544x16xf32, #tpu.memory_space<hbm>> -> memref<108544x16xf32, #tpu.memory_space<hbm>>
      tpu.wait_indirect_dma semaphore(%arg7 : memref<!tpu.dma_semaphore, #tpu.memory_space<semaphore_mem>>) src(%dma_wait3A_117 : memref<108544x16xf32, #tpu.memory_space<hbm>>) dst(%dma_wait3A_111 : memref<125x16xf32, #tpu.memory_space<vmem>>)
      %dma_wait3A_118 = arith.constant 1 : i32
      %dma_wait3A_119 = arith.constant 1 : i32
      %dma_wait3A_120 = arith.constant 0 : i32
      %dma_wait3A_121 = arith.constant 0 : i32
      %dma_wait3A_122 = tpu.memref_slice %arg6[%dma_wait3A_119, %dma_wait3A_120, %dma_wait3A_121] : memref<8x125x16xf32, #tpu.memory_space<vmem>> -> memref<1x125x16xf32, #tpu.memory_space<vmem>>
      %dma_wait3A_123 = tpu.memref_squeeze %dma_wait3A_122 : memref<1x125x16xf32, #tpu.memory_space<vmem>> -> memref<125x16xf32, #tpu.memory_space<vmem>>
      %dma_wait3A_124 = arith.constant 0 : i32
      %dma_wait3A_125 = tpu.memref_slice %arg5[%dma_wait3A_118, %dma_wait3A_124] : memref<8x125xi32, #tpu.memory_space<vmem>> -> memref<1x125xi32, #tpu.memory_space<vmem>>
      %dma_wait3A_126 = tpu.memref_squeeze %dma_wait3A_125 : memref<1x125xi32, #tpu.memory_space<vmem>> -> memref<125xi32, #tpu.memory_space<vmem>>
      %dma_wait3A_127 = arith.constant 0 : i32
      %dma_wait3A_128 = arith.constant 0 : i32
      %dma_wait3A_129 = tpu.memref_slice %arg2[%dma_wait3A_127, %dma_wait3A_128] : memref<108544x16xf32, #tpu.memory_space<hbm>> -> memref<108544x16xf32, #tpu.memory_space<hbm>>
      tpu.wait_indirect_dma semaphore(%arg7 : memref<!tpu.dma_semaphore, #tpu.memory_space<semaphore_mem>>) src(%dma_wait3A_129 : memref<108544x16xf32, #tpu.memory_space<hbm>>) dst(%dma_wait3A_123 : memref<125x16xf32, #tpu.memory_space<vmem>>)
      %dma_wait3A_130 = arith.constant 2 : i32
      %dma_wait3A_131 = arith.constant 2 : i32
      %dma_wait3A_132 = arith.constant 0 : i32
      %dma_wait3A_133 = arith.constant 0 : i32
      %dma_wait3A_134 = tpu.memref_slice %arg6[%dma_wait3A_131, %dma_wait3A_132, %dma_wait3A_133] : memref<8x125x16xf32, #tpu.memory_space<vmem>> -> memref<1x125x16xf32, #tpu.memory_space<vmem>>
      %dma_wait3A_135 = tpu.memref_squeeze %dma_wait3A_134 : memref<1x125x16xf32, #tpu.memory_space<vmem>> -> memref<125x16xf32, #tpu.memory_space<vmem>>
      %dma_wait3A_136 = arith.constant 0 : i32
      %dma_wait3A_137 = tpu.memref_slice %arg5[%dma_wait3A_130, %dma_wait3A_136] : memref<8x125xi32, #tpu.memory_space<vmem>> -> memref<1x125xi32, #tpu.memory_space<vmem>>
      %dma_wait3A_138 = tpu.memref_squeeze %dma_wait3A_137 : memref<1x125xi32, #tpu.memory_space<vmem>> -> memref<125xi32, #tpu.memory_space<vmem>>
      %dma_wait3A_139 = arith.constant 0 : i32
      %dma_wait3A_140 = arith.constant 0 : i32
      %dma_wait3A_141 = tpu.memref_slice %arg2[%dma_wait3A_139, %dma_wait3A_140] : memref<108544x16xf32, #tpu.memory_space<hbm>> -> memref<108544x16xf32, #tpu.memory_space<hbm>>
      tpu.wait_indirect_dma semaphore(%arg7 : memref<!tpu.dma_semaphore, #tpu.memory_space<semaphore_mem>>) src(%dma_wait3A_141 : memref<108544x16xf32, #tpu.memory_space<hbm>>) dst(%dma_wait3A_135 : memref<125x16xf32, #tpu.memory_space<vmem>>)
      %dma_wait3A_142 = arith.constant 3 : i32
      %dma_wait3A_143 = arith.constant 3 : i32
      %dma_wait3A_144 = arith.constant 0 : i32
      %dma_wait3A_145 = arith.constant 0 : i32
      %dma_wait3A_146 = tpu.memref_slice %arg6[%dma_wait3A_143, %dma_wait3A_144, %dma_wait3A_145] : memref<8x125x16xf32, #tpu.memory_space<vmem>> -> memref<1x125x16xf32, #tpu.memory_space<vmem>>
      %dma_wait3A_147 = tpu.memref_squeeze %dma_wait3A_146 : memref<1x125x16xf32, #tpu.memory_space<vmem>> -> memref<125x16xf32, #tpu.memory_space<vmem>>
      %dma_wait3A_148 = arith.constant 0 : i32
      %dma_wait3A_149 = tpu.memref_slice %arg5[%dma_wait3A_142, %dma_wait3A_148] : memref<8x125xi32, #tpu.memory_space<vmem>> -> memref<1x125xi32, #tpu.memory_space<vmem>>
      %dma_wait3A_150 = tpu.memref_squeeze %dma_wait3A_149 : memref<1x125xi32, #tpu.memory_space<vmem>> -> memref<125xi32, #tpu.memory_space<vmem>>
      %dma_wait3A_151 = arith.constant 0 : i32
      %dma_wait3A_152 = arith.constant 0 : i32
      %dma_wait3A_153 = tpu.memref_slice %arg2[%dma_wait3A_151, %dma_wait3A_152] : memref<108544x16xf32, #tpu.memory_space<hbm>> -> memref<108544x16xf32, #tpu.memory_space<hbm>>
      tpu.wait_indirect_dma semaphore(%arg7 : memref<!tpu.dma_semaphore, #tpu.memory_space<semaphore_mem>>) src(%dma_wait3A_153 : memref<108544x16xf32, #tpu.memory_space<hbm>>) dst(%dma_wait3A_147 : memref<125x16xf32, #tpu.memory_space<vmem>>)
      %dma_wait3A_154 = arith.constant 4 : i32
      %dma_wait3A_155 = arith.constant 4 : i32
      %dma_wait3A_156 = arith.constant 0 : i32
      %dma_wait3A_157 = arith.constant 0 : i32
      %dma_wait3A_158 = tpu.memref_slice %arg6[%dma_wait3A_155, %dma_wait3A_156, %dma_wait3A_157] : memref<8x125x16xf32, #tpu.memory_space<vmem>> -> memref<1x125x16xf32, #tpu.memory_space<vmem>>
      %dma_wait3A_159 = tpu.memref_squeeze %dma_wait3A_158 : memref<1x125x16xf32, #tpu.memory_space<vmem>> -> memref<125x16xf32, #tpu.memory_space<vmem>>
      %dma_wait3A_160 = arith.constant 0 : i32
      %dma_wait3A_161 = tpu.memref_slice %arg5[%dma_wait3A_154, %dma_wait3A_160] : memref<8x125xi32, #tpu.memory_space<vmem>> -> memref<1x125xi32, #tpu.memory_space<vmem>>
      %dma_wait3A_162 = tpu.memref_squeeze %dma_wait3A_161 : memref<1x125xi32, #tpu.memory_space<vmem>> -> memref<125xi32, #tpu.memory_space<vmem>>
      %dma_wait3A_163 = arith.constant 0 : i32
      %dma_wait3A_164 = arith.constant 0 : i32
      %dma_wait3A_165 = tpu.memref_slice %arg2[%dma_wait3A_163, %dma_wait3A_164] : memref<108544x16xf32, #tpu.memory_space<hbm>> -> memref<108544x16xf32, #tpu.memory_space<hbm>>
      tpu.wait_indirect_dma semaphore(%arg7 : memref<!tpu.dma_semaphore, #tpu.memory_space<semaphore_mem>>) src(%dma_wait3A_165 : memref<108544x16xf32, #tpu.memory_space<hbm>>) dst(%dma_wait3A_159 : memref<125x16xf32, #tpu.memory_space<vmem>>)
      %dma_wait3A_166 = arith.constant 5 : i32
      %dma_wait3A_167 = arith.constant 5 : i32
      %dma_wait3A_168 = arith.constant 0 : i32
      %dma_wait3A_169 = arith.constant 0 : i32
      %dma_wait3A_170 = tpu.memref_slice %arg6[%dma_wait3A_167, %dma_wait3A_168, %dma_wait3A_169] : memref<8x125x16xf32, #tpu.memory_space<vmem>> -> memref<1x125x16xf32, #tpu.memory_space<vmem>>
      %dma_wait3A_171 = tpu.memref_squeeze %dma_wait3A_170 : memref<1x125x16xf32, #tpu.memory_space<vmem>> -> memref<125x16xf32, #tpu.memory_space<vmem>>
      %dma_wait3A_172 = arith.constant 0 : i32
      %dma_wait3A_173 = tpu.memref_slice %arg5[%dma_wait3A_166, %dma_wait3A_172] : memref<8x125xi32, #tpu.memory_space<vmem>> -> memref<1x125xi32, #tpu.memory_space<vmem>>
      %dma_wait3A_174 = tpu.memref_squeeze %dma_wait3A_173 : memref<1x125xi32, #tpu.memory_space<vmem>> -> memref<125xi32, #tpu.memory_space<vmem>>
      %dma_wait3A_175 = arith.constant 0 : i32
      %dma_wait3A_176 = arith.constant 0 : i32
      %dma_wait3A_177 = tpu.memref_slice %arg2[%dma_wait3A_175, %dma_wait3A_176] : memref<108544x16xf32, #tpu.memory_space<hbm>> -> memref<108544x16xf32, #tpu.memory_space<hbm>>
      tpu.wait_indirect_dma semaphore(%arg7 : memref<!tpu.dma_semaphore, #tpu.memory_space<semaphore_mem>>) src(%dma_wait3A_177 : memref<108544x16xf32, #tpu.memory_space<hbm>>) dst(%dma_wait3A_171 : memref<125x16xf32, #tpu.memory_space<vmem>>)
      %dma_wait3A_178 = arith.constant 6 : i32
      %dma_wait3A_179 = arith.constant 6 : i32
      %dma_wait3A_180 = arith.constant 0 : i32
      %dma_wait3A_181 = arith.constant 0 : i32
      %dma_wait3A_182 = tpu.memref_slice %arg6[%dma_wait3A_179, %dma_wait3A_180, %dma_wait3A_181] : memref<8x125x16xf32, #tpu.memory_space<vmem>> -> memref<1x125x16xf32, #tpu.memory_space<vmem>>
      %dma_wait3A_183 = tpu.memref_squeeze %dma_wait3A_182 : memref<1x125x16xf32, #tpu.memory_space<vmem>> -> memref<125x16xf32, #tpu.memory_space<vmem>>
      %dma_wait3A_184 = arith.constant 0 : i32
      %dma_wait3A_185 = tpu.memref_slice %arg5[%dma_wait3A_178, %dma_wait3A_184] : memref<8x125xi32, #tpu.memory_space<vmem>> -> memref<1x125xi32, #tpu.memory_space<vmem>>
      %dma_wait3A_186 = tpu.memref_squeeze %dma_wait3A_185 : memref<1x125xi32, #tpu.memory_space<vmem>> -> memref<125xi32, #tpu.memory_space<vmem>>
      %dma_wait3A_187 = arith.constant 0 : i32
      %dma_wait3A_188 = arith.constant 0 : i32
      %dma_wait3A_189 = tpu.memref_slice %arg2[%dma_wait3A_187, %dma_wait3A_188] : memref<108544x16xf32, #tpu.memory_space<hbm>> -> memref<108544x16xf32, #tpu.memory_space<hbm>>
      tpu.wait_indirect_dma semaphore(%arg7 : memref<!tpu.dma_semaphore, #tpu.memory_space<semaphore_mem>>) src(%dma_wait3A_189 : memref<108544x16xf32, #tpu.memory_space<hbm>>) dst(%dma_wait3A_183 : memref<125x16xf32, #tpu.memory_space<vmem>>)
      %dma_wait3A_190 = arith.constant 7 : i32
      %dma_wait3A_191 = arith.constant 7 : i32
      %dma_wait3A_192 = arith.constant 0 : i32
      %dma_wait3A_193 = arith.constant 0 : i32
      %dma_wait3A_194 = tpu.memref_slice %arg6[%dma_wait3A_191, %dma_wait3A_192, %dma_wait3A_193] : memref<8x125x16xf32, #tpu.memory_space<vmem>> -> memref<1x125x16xf32, #tpu.memory_space<vmem>>
      %dma_wait3A_195 = tpu.memref_squeeze %dma_wait3A_194 : memref<1x125x16xf32, #tpu.memory_space<vmem>> -> memref<125x16xf32, #tpu.memory_space<vmem>>
      %dma_wait3A_196 = arith.constant 0 : i32
      %dma_wait3A_197 = tpu.memref_slice %arg5[%dma_wait3A_190, %dma_wait3A_196] : memref<8x125xi32, #tpu.memory_space<vmem>> -> memref<1x125xi32, #tpu.memory_space<vmem>>
      %dma_wait3A_198 = tpu.memref_squeeze %dma_wait3A_197 : memref<1x125xi32, #tpu.memory_space<vmem>> -> memref<125xi32, #tpu.memory_space<vmem>>
      %dma_wait3A_199 = arith.constant 0 : i32
      %dma_wait3A_200 = arith.constant 0 : i32
      %dma_wait3A_201 = tpu.memref_slice %arg2[%dma_wait3A_199, %dma_wait3A_200] : memref<108544x16xf32, #tpu.memory_space<hbm>> -> memref<108544x16xf32, #tpu.memory_space<hbm>>
      tpu.wait_indirect_dma semaphore(%arg7 : memref<!tpu.dma_semaphore, #tpu.memory_space<semaphore_mem>>) src(%dma_wait3A_201 : memref<108544x16xf32, #tpu.memory_space<hbm>>) dst(%dma_wait3A_195 : memref<125x16xf32, #tpu.memory_space<vmem>>)
      "tpu.region"() ({
        %run_scoped3A = tpu.sem_alloc : memref<!tpu.dma_semaphore, #tpu.memory_space<semaphore_mem>>
        %dma_start3A_202 = arith.constant 0 : i32
        %dma_start3A_203 = arith.constant 0 : i32
        %dma_start3A_204 = tpu.memref_slice %arg4[%add3A_11, %dma_start3A_202, %dma_start3A_203] : memref<18432x125x16xf32, #tpu.memory_space<hbm>> -> memref<8x125x16xf32, #tpu.memory_space<hbm>>
        %dma_start3A_205 = arith.constant 0 : i32
        %dma_start3A_206 = arith.constant 0 : i32
        %dma_start3A_207 = tpu.memref_slice %arg4[%add3A_11, %dma_start3A_205, %dma_start3A_206] : memref<18432x125x16xf32, #tpu.memory_space<hbm>> -> memref<8x125x16xf32, #tpu.memory_space<hbm>>
        tpu.enqueue_dma source(%arg6 : memref<8x125x16xf32, #tpu.memory_space<vmem>>) target(%dma_start3A_207 : memref<8x125x16xf32, #tpu.memory_space<hbm>>) target_semaphore(%run_scoped3A : memref<!tpu.dma_semaphore, #tpu.memory_space<semaphore_mem>>)
        %dma_wait3A_208 = arith.constant 0 : i32
        %dma_wait3A_209 = arith.constant 0 : i32
        %dma_wait3A_210 = tpu.memref_slice %arg4[%add3A_11, %dma_wait3A_208, %dma_wait3A_209] : memref<18432x125x16xf32, #tpu.memory_space<hbm>> -> memref<8x125x16xf32, #tpu.memory_space<hbm>>
        %dma_wait3A_211 = arith.constant 0 : i32
        %dma_wait3A_212 = arith.constant 0 : i32
        %dma_wait3A_213 = tpu.memref_slice %arg4[%add3A_11, %dma_wait3A_211, %dma_wait3A_212] : memref<18432x125x16xf32, #tpu.memory_space<hbm>> -> memref<8x125x16xf32, #tpu.memory_space<hbm>>
        tpu.wait_dma2 semaphore(%run_scoped3A : memref<!tpu.dma_semaphore, #tpu.memory_space<semaphore_mem>>) src(%arg6 : memref<8x125x16xf32, #tpu.memory_space<vmem>>) dst(%dma_wait3A_213 : memref<8x125x16xf32, #tpu.memory_space<hbm>>)
        tpu.yield
      }) : () -> ()
    }
    %scan3A_7 = arith.constant 72 : i32
    return
  }
}

module attributes {stable_mosaic.version = 14 : i64} {
  func.func @_agg_body(%arg0: i32, %arg1: memref<1517xi32, #tpu.memory_space<smem>>, %arg2: memref<1517xi32, #tpu.memory_space<smem>>, %arg3: memref<1517xi32, #tpu.memory_space<smem>>, %arg4: memref<1517xi32, #tpu.memory_space<smem>>, %arg5: memref<256x128xf32, #tpu.memory_space<vmem>>, %arg6: memref<256x32xf32, #tpu.memory_space<vmem>>, %arg7: memref<256x8xf32, #tpu.memory_space<vmem>>, %arg8: memref<256x1xi32, #tpu.memory_space<vmem>>, %arg9: memref<256x1xi32, #tpu.memory_space<vmem>>, %arg10: memref<256x1xi32, #tpu.memory_space<vmem>>, %arg11: memref<128x512xbf16, #tpu.memory_space<vmem>>, %arg12: memref<32x512xbf16, #tpu.memory_space<vmem>>, %arg13: memref<1x512xf32, #tpu.memory_space<vmem>>, %arg14: memref<512x512xbf16, #tpu.memory_space<vmem>>, %arg15: memref<1x512xf32, #tpu.memory_space<vmem>>, %arg16: memref<8x512xf32, #tpu.memory_space<vmem>>, %arg17: memref<256x64xf32, #tpu.memory_space<vmem>>) attributes {dimension_semantics = [#tpu.dimension_semantics<arbitrary>], iteration_bounds = array<i64: 1517>, scalar_prefetch = 4 : i64, scratch_operands = 0 : i64, tpu.core_type = #tpu.core_type<tc>, window_params = [{transform_indices = @transform_0, window_bounds = array<i64: 256, 128>}, {transform_indices = @transform_1, window_bounds = array<i64: 256, 32>}, {transform_indices = @transform_2, window_bounds = array<i64: 256, 8>}, {transform_indices = @transform_3, window_bounds = array<i64: 256, 1>}, {transform_indices = @transform_4, window_bounds = array<i64: 256, 1>}, {transform_indices = @transform_5, window_bounds = array<i64: 256, 1>}, {pipeline_mode = #tpu.pipeline_mode<synchronous>, transform_indices = @transform_6, window_bounds = array<i64: 128, 512>}, {pipeline_mode = #tpu.pipeline_mode<synchronous>, transform_indices = @transform_7, window_bounds = array<i64: 32, 512>}, {pipeline_mode = #tpu.pipeline_mode<synchronous>, transform_indices = @transform_8, window_bounds = array<i64: 1, 512>}, {pipeline_mode = #tpu.pipeline_mode<synchronous>, transform_indices = @transform_9, window_bounds = array<i64: 512, 512>}, {pipeline_mode = #tpu.pipeline_mode<synchronous>, transform_indices = @transform_10, window_bounds = array<i64: 1, 512>}, {pipeline_mode = #tpu.pipeline_mode<synchronous>, transform_indices = @transform_11, window_bounds = array<i64: 8, 512>}, {transform_indices = @transform_12, window_bounds = array<i64: 256, 64>}]} {
    %get3A = arith.index_cast %arg0 : i32 to index
    %get3A_0 = memref.load %arg4[%get3A] : memref<1517xi32, #tpu.memory_space<smem>>
    %eq3A = arith.constant 1 : i32
    %eq3A_1 = arith.cmpi eq, %get3A_0, %eq3A : i32
    %convert_element_type3A = arith.extui %eq3A_1 : i1 to i32
    %cond3A = arith.constant 0 : i32
    %cond3A_2 = arith.cmpi ne, %convert_element_type3A, %cond3A : i32
    scf.if %cond3A_2 {
      %get3A_3 = arith.index_cast %arg0 : i32 to index
      %get3A_4 = memref.load %arg2[%get3A_3] : memref<1517xi32, #tpu.memory_space<smem>>
      %mul3A = arith.constant 256 : i32
      %mul3A_5 = arith.muli %get3A_4, %mul3A : i32
      %get3A_6 = arith.constant 0 : index
      %get3A_7 = arith.constant 0 : index
      %get3A_8 = vector.load %arg5[%get3A_6, %get3A_7] : memref<256x128xf32, #tpu.memory_space<vmem>>, vector<256x128xf32>
      %convert_element_type3A_9 = arith.truncf %get3A_8 : vector<256x128xf32> to vector<256x128xbf16>
      %get3A_10 = arith.constant 0 : index
      %get3A_11 = arith.constant 0 : index
      %get3A_12 = vector.load %arg11[%get3A_10, %get3A_11] : memref<128x512xbf16, #tpu.memory_space<vmem>>, vector<128x512xbf16>
      %dot_general3A = arith.constant dense<0.000000e+00> : vector<256x512xf32>
      %dot_general3A_13 = tpu.matmul %convert_element_type3A_9, %get3A_12, %dot_general3A {dimension_numbers = #tpu.dot_dimension_numbers<[1], [0], [0], [1], [0, 0, 1, 1], [], []>, transpose_lhs_hint = false} : vector<256x128xbf16>, vector<128x512xbf16>, vector<256x512xf32> -> vector<256x512xf32>
      %get3A_14 = arith.constant 0 : index
      %get3A_15 = arith.constant 0 : index
      %get3A_16 = vector.load %arg6[%get3A_14, %get3A_15] : memref<256x32xf32, #tpu.memory_space<vmem>>, vector<256x32xf32>
      %convert_element_type3A_17 = arith.truncf %get3A_16 : vector<256x32xf32> to vector<256x32xbf16>
      %get3A_18 = arith.constant 0 : index
      %get3A_19 = arith.constant 0 : index
      %get3A_20 = vector.load %arg12[%get3A_18, %get3A_19] : memref<32x512xbf16, #tpu.memory_space<vmem>>, vector<32x512xbf16>
      %dot_general3A_21 = arith.constant dense<0.000000e+00> : vector<256x512xf32>
      %dot_general3A_22 = tpu.matmul %convert_element_type3A_17, %get3A_20, %dot_general3A_21 {dimension_numbers = #tpu.dot_dimension_numbers<[1], [0], [0], [1], [0, 0, 1, 1], [], []>, transpose_lhs_hint = false} : vector<256x32xbf16>, vector<32x512xbf16>, vector<256x512xf32> -> vector<256x512xf32>
      %add3A = arith.addf %dot_general3A_13, %dot_general3A_22 : vector<256x512xf32>
      %get3A_23 = arith.constant 0 : index
      %get3A_24 = arith.constant 0 : index
      %get3A_25 = vector.load %arg13[%get3A_23, %get3A_24] : memref<1x512xf32, #tpu.memory_space<vmem>>, vector<1x512xf32>
      %add3A_26 = vector.broadcast %get3A_25 : vector<1x512xf32> to vector<256x512xf32>
      %add3A_27 = arith.addf %add3A, %add3A_26 : vector<256x512xf32>
      %max3A = arith.constant 0.000000e+00 : f32
      %max3A_28 = vector.broadcast %max3A : f32 to vector<256x512xf32>
      %max3A_29 = arith.maximumf %add3A_27, %max3A_28 : vector<256x512xf32>
      %convert_element_type3A_30 = arith.truncf %max3A_29 : vector<256x512xf32> to vector<256x512xbf16>
      %get3A_31 = arith.constant 0 : index
      %get3A_32 = arith.constant 0 : index
      %get3A_33 = vector.load %arg14[%get3A_31, %get3A_32] : memref<512x512xbf16, #tpu.memory_space<vmem>>, vector<512x512xbf16>
      %dot_general3A_34 = arith.constant dense<0.000000e+00> : vector<256x512xf32>
      %dot_general3A_35 = tpu.matmul %convert_element_type3A_30, %get3A_33, %dot_general3A_34 {dimension_numbers = #tpu.dot_dimension_numbers<[1], [0], [0], [1], [0, 0, 1, 1], [], []>, transpose_lhs_hint = false} : vector<256x512xbf16>, vector<512x512xbf16>, vector<256x512xf32> -> vector<256x512xf32>
      %get3A_36 = arith.constant 0 : index
      %get3A_37 = arith.constant 0 : index
      %get3A_38 = vector.load %arg15[%get3A_36, %get3A_37] : memref<1x512xf32, #tpu.memory_space<vmem>>, vector<1x512xf32>
      %add3A_39 = vector.broadcast %get3A_38 : vector<1x512xf32> to vector<256x512xf32>
      %add3A_40 = arith.addf %dot_general3A_35, %add3A_39 : vector<256x512xf32>
      %max3A_41 = arith.constant 0.000000e+00 : f32
      %max3A_42 = vector.broadcast %max3A_41 : f32 to vector<256x512xf32>
      %max3A_43 = arith.maximumf %add3A_40, %max3A_42 : vector<256x512xf32>
      %get3A_44 = arith.constant 0 : index
      %get3A_45 = arith.constant 0 : index
      %get3A_46 = vector.load %arg7[%get3A_44, %get3A_45] : memref<256x8xf32, #tpu.memory_space<vmem>>, vector<256x8xf32>
      %get3A_47 = arith.constant 0 : index
      %get3A_48 = arith.constant 0 : index
      %get3A_49 = vector.load %arg16[%get3A_47, %get3A_48] : memref<8x512xf32, #tpu.memory_space<vmem>>, vector<8x512xf32>
      %dot_general3A_50 = arith.constant dense<0.000000e+00> : vector<256x512xf32>
      %dot_general3A_51 = tpu.matmul %get3A_46, %get3A_49, %dot_general3A_50 {dimension_numbers = #tpu.dot_dimension_numbers<[1], [0], [0], [1], [0, 0, 1, 1], [], []>, transpose_lhs_hint = false} : vector<256x8xf32>, vector<8x512xf32>, vector<256x512xf32> -> vector<256x512xf32>
      %mul3A_52 = arith.mulf %max3A_43, %dot_general3A_51 : vector<256x512xf32>
      %slice3A = vector.extract_strided_slice %mul3A_52 {offsets = [0, 0], sizes = [256, 64], strides = [1, 1]} : vector<256x512xf32> to vector<256x64xf32>
      %slice3A_53 = vector.extract_strided_slice %mul3A_52 {offsets = [0, 64], sizes = [256, 64], strides = [1, 1]} : vector<256x512xf32> to vector<256x64xf32>
      %max3A_54 = arith.maximumf %slice3A, %slice3A_53 : vector<256x64xf32>
      %slice3A_55 = vector.extract_strided_slice %mul3A_52 {offsets = [0, 128], sizes = [256, 64], strides = [1, 1]} : vector<256x512xf32> to vector<256x64xf32>
      %max3A_56 = arith.maximumf %max3A_54, %slice3A_55 : vector<256x64xf32>
      %slice3A_57 = vector.extract_strided_slice %mul3A_52 {offsets = [0, 192], sizes = [256, 64], strides = [1, 1]} : vector<256x512xf32> to vector<256x64xf32>
      %max3A_58 = arith.maximumf %max3A_56, %slice3A_57 : vector<256x64xf32>
      %slice3A_59 = vector.extract_strided_slice %mul3A_52 {offsets = [0, 256], sizes = [256, 64], strides = [1, 1]} : vector<256x512xf32> to vector<256x64xf32>
      %max3A_60 = arith.maximumf %max3A_58, %slice3A_59 : vector<256x64xf32>
      %slice3A_61 = vector.extract_strided_slice %mul3A_52 {offsets = [0, 320], sizes = [256, 64], strides = [1, 1]} : vector<256x512xf32> to vector<256x64xf32>
      %max3A_62 = arith.maximumf %max3A_60, %slice3A_61 : vector<256x64xf32>
      %slice3A_63 = vector.extract_strided_slice %mul3A_52 {offsets = [0, 384], sizes = [256, 64], strides = [1, 1]} : vector<256x512xf32> to vector<256x64xf32>
      %max3A_64 = arith.maximumf %max3A_62, %slice3A_63 : vector<256x64xf32>
      %slice3A_65 = vector.extract_strided_slice %mul3A_52 {offsets = [0, 448], sizes = [256, 64], strides = [1, 1]} : vector<256x512xf32> to vector<256x64xf32>
      %max3A_66 = arith.maximumf %max3A_64, %slice3A_65 : vector<256x64xf32>
      %get3A_67 = arith.constant 0 : index
      %get3A_68 = arith.constant 0 : index
      %get3A_69 = vector.load %arg8[%get3A_67, %get3A_68] : memref<256x1xi32, #tpu.memory_space<vmem>>, vector<256x1xi32>
      %broadcast_in_dim3A = arith.constant 0.000000e+00 : f32
      %broadcast_in_dim3A_70 = vector.broadcast %broadcast_in_dim3A : f32 to vector<1x64xf32>
      %slice3A_71 = vector.extract_strided_slice %max3A_66 {offsets = [0, 0], sizes = [255, 64], strides = [1, 1]} : vector<256x64xf32> to vector<255x64xf32>
      %concatenate3A = tpu.concatenate %broadcast_in_dim3A_70, %slice3A_71 in 0 : vector<1x64xf32>, vector<255x64xf32> -> vector<256x64xf32>
      %broadcast_in_dim3A_72 = arith.constant -1 : i32
      %broadcast_in_dim3A_73 = vector.broadcast %broadcast_in_dim3A_72 : i32 to vector<1x1xi32>
      %slice3A_74 = vector.extract_strided_slice %get3A_69 {offsets = [0, 0], sizes = [255, 1], strides = [1, 1]} : vector<256x1xi32> to vector<255x1xi32>
      %concatenate3A_75 = tpu.concatenate %broadcast_in_dim3A_73, %slice3A_74 in 0 : vector<1x1xi32>, vector<255x1xi32> -> vector<256x1xi32>
      %eq3A_76 = arith.cmpi eq, %concatenate3A_75, %get3A_69 : vector<256x1xi32>
      %jit3A = arith.constant 0.000000e+00 : f32
      %broadcast_in_dim3A_77 = vector.shape_cast %eq3A_76 : vector<256x1xi1> to vector<256x1xi1>
      %broadcast_in_dim3A_78 = vector.broadcast %broadcast_in_dim3A_77 : vector<256x1xi1> to vector<256x64xi1>
      %broadcast_in_dim3A_79 = vector.broadcast %jit3A : f32 to vector<256x64xf32>
      %select_n3A = arith.select %broadcast_in_dim3A_78, %concatenate3A, %broadcast_in_dim3A_79 : vector<256x64xi1>, vector<256x64xf32>
      %max3A_80 = arith.maximumf %max3A_66, %select_n3A : vector<256x64xf32>
      %broadcast_in_dim3A_81 = arith.constant 0.000000e+00 : f32
      %broadcast_in_dim3A_82 = vector.broadcast %broadcast_in_dim3A_81 : f32 to vector<2x64xf32>
      %slice3A_83 = vector.extract_strided_slice %max3A_80 {offsets = [0, 0], sizes = [254, 64], strides = [1, 1]} : vector<256x64xf32> to vector<254x64xf32>
      %concatenate3A_84 = tpu.concatenate %broadcast_in_dim3A_82, %slice3A_83 in 0 : vector<2x64xf32>, vector<254x64xf32> -> vector<256x64xf32>
      %broadcast_in_dim3A_85 = arith.constant -1 : i32
      %broadcast_in_dim3A_86 = vector.broadcast %broadcast_in_dim3A_85 : i32 to vector<2x1xi32>
      %slice3A_87 = vector.extract_strided_slice %get3A_69 {offsets = [0, 0], sizes = [254, 1], strides = [1, 1]} : vector<256x1xi32> to vector<254x1xi32>
      %concatenate3A_88 = tpu.concatenate %broadcast_in_dim3A_86, %slice3A_87 in 0 : vector<2x1xi32>, vector<254x1xi32> -> vector<256x1xi32>
      %eq3A_89 = arith.cmpi eq, %concatenate3A_88, %get3A_69 : vector<256x1xi32>
      %jit3A_90 = arith.constant 0.000000e+00 : f32
      %broadcast_in_dim3A_91 = vector.shape_cast %eq3A_89 : vector<256x1xi1> to vector<256x1xi1>
      %broadcast_in_dim3A_92 = vector.broadcast %broadcast_in_dim3A_91 : vector<256x1xi1> to vector<256x64xi1>
      %broadcast_in_dim3A_93 = vector.broadcast %jit3A_90 : f32 to vector<256x64xf32>
      %select_n3A_94 = arith.select %broadcast_in_dim3A_92, %concatenate3A_84, %broadcast_in_dim3A_93 : vector<256x64xi1>, vector<256x64xf32>
      %max3A_95 = arith.maximumf %max3A_80, %select_n3A_94 : vector<256x64xf32>
      %broadcast_in_dim3A_96 = arith.constant 0.000000e+00 : f32
      %broadcast_in_dim3A_97 = vector.broadcast %broadcast_in_dim3A_96 : f32 to vector<4x64xf32>
      %slice3A_98 = vector.extract_strided_slice %max3A_95 {offsets = [0, 0], sizes = [252, 64], strides = [1, 1]} : vector<256x64xf32> to vector<252x64xf32>
      %concatenate3A_99 = tpu.concatenate %broadcast_in_dim3A_97, %slice3A_98 in 0 : vector<4x64xf32>, vector<252x64xf32> -> vector<256x64xf32>
      %broadcast_in_dim3A_100 = arith.constant -1 : i32
      %broadcast_in_dim3A_101 = vector.broadcast %broadcast_in_dim3A_100 : i32 to vector<4x1xi32>
      %slice3A_102 = vector.extract_strided_slice %get3A_69 {offsets = [0, 0], sizes = [252, 1], strides = [1, 1]} : vector<256x1xi32> to vector<252x1xi32>
      %concatenate3A_103 = tpu.concatenate %broadcast_in_dim3A_101, %slice3A_102 in 0 : vector<4x1xi32>, vector<252x1xi32> -> vector<256x1xi32>
      %eq3A_104 = arith.cmpi eq, %concatenate3A_103, %get3A_69 : vector<256x1xi32>
      %jit3A_105 = arith.constant 0.000000e+00 : f32
      %broadcast_in_dim3A_106 = vector.shape_cast %eq3A_104 : vector<256x1xi1> to vector<256x1xi1>
      %broadcast_in_dim3A_107 = vector.broadcast %broadcast_in_dim3A_106 : vector<256x1xi1> to vector<256x64xi1>
      %broadcast_in_dim3A_108 = vector.broadcast %jit3A_105 : f32 to vector<256x64xf32>
      %select_n3A_109 = arith.select %broadcast_in_dim3A_107, %concatenate3A_99, %broadcast_in_dim3A_108 : vector<256x64xi1>, vector<256x64xf32>
      %max3A_110 = arith.maximumf %max3A_95, %select_n3A_109 : vector<256x64xf32>
      %broadcast_in_dim3A_111 = arith.constant 0.000000e+00 : f32
      %broadcast_in_dim3A_112 = vector.broadcast %broadcast_in_dim3A_111 : f32 to vector<8x64xf32>
      %slice3A_113 = vector.extract_strided_slice %max3A_110 {offsets = [0, 0], sizes = [248, 64], strides = [1, 1]} : vector<256x64xf32> to vector<248x64xf32>
      %concatenate3A_114 = tpu.concatenate %broadcast_in_dim3A_112, %slice3A_113 in 0 : vector<8x64xf32>, vector<248x64xf32> -> vector<256x64xf32>
      %broadcast_in_dim3A_115 = arith.constant -1 : i32
      %broadcast_in_dim3A_116 = vector.broadcast %broadcast_in_dim3A_115 : i32 to vector<8x1xi32>
      %slice3A_117 = vector.extract_strided_slice %get3A_69 {offsets = [0, 0], sizes = [248, 1], strides = [1, 1]} : vector<256x1xi32> to vector<248x1xi32>
      %concatenate3A_118 = tpu.concatenate %broadcast_in_dim3A_116, %slice3A_117 in 0 : vector<8x1xi32>, vector<248x1xi32> -> vector<256x1xi32>
      %eq3A_119 = arith.cmpi eq, %concatenate3A_118, %get3A_69 : vector<256x1xi32>
      %jit3A_120 = arith.constant 0.000000e+00 : f32
      %broadcast_in_dim3A_121 = vector.shape_cast %eq3A_119 : vector<256x1xi1> to vector<256x1xi1>
      %broadcast_in_dim3A_122 = vector.broadcast %broadcast_in_dim3A_121 : vector<256x1xi1> to vector<256x64xi1>
      %broadcast_in_dim3A_123 = vector.broadcast %jit3A_120 : f32 to vector<256x64xf32>
      %select_n3A_124 = arith.select %broadcast_in_dim3A_122, %concatenate3A_114, %broadcast_in_dim3A_123 : vector<256x64xi1>, vector<256x64xf32>
      %max3A_125 = arith.maximumf %max3A_110, %select_n3A_124 : vector<256x64xf32>
      %broadcast_in_dim3A_126 = arith.constant 0.000000e+00 : f32
      %broadcast_in_dim3A_127 = vector.broadcast %broadcast_in_dim3A_126 : f32 to vector<16x64xf32>
      %slice3A_128 = vector.extract_strided_slice %max3A_125 {offsets = [0, 0], sizes = [240, 64], strides = [1, 1]} : vector<256x64xf32> to vector<240x64xf32>
      %concatenate3A_129 = tpu.concatenate %broadcast_in_dim3A_127, %slice3A_128 in 0 : vector<16x64xf32>, vector<240x64xf32> -> vector<256x64xf32>
      %broadcast_in_dim3A_130 = arith.constant -1 : i32
      %broadcast_in_dim3A_131 = vector.broadcast %broadcast_in_dim3A_130 : i32 to vector<16x1xi32>
      %slice3A_132 = vector.extract_strided_slice %get3A_69 {offsets = [0, 0], sizes = [240, 1], strides = [1, 1]} : vector<256x1xi32> to vector<240x1xi32>
      %concatenate3A_133 = tpu.concatenate %broadcast_in_dim3A_131, %slice3A_132 in 0 : vector<16x1xi32>, vector<240x1xi32> -> vector<256x1xi32>
      %eq3A_134 = arith.cmpi eq, %concatenate3A_133, %get3A_69 : vector<256x1xi32>
      %jit3A_135 = arith.constant 0.000000e+00 : f32
      %broadcast_in_dim3A_136 = vector.shape_cast %eq3A_134 : vector<256x1xi1> to vector<256x1xi1>
      %broadcast_in_dim3A_137 = vector.broadcast %broadcast_in_dim3A_136 : vector<256x1xi1> to vector<256x64xi1>
      %broadcast_in_dim3A_138 = vector.broadcast %jit3A_135 : f32 to vector<256x64xf32>
      %select_n3A_139 = arith.select %broadcast_in_dim3A_137, %concatenate3A_129, %broadcast_in_dim3A_138 : vector<256x64xi1>, vector<256x64xf32>
      %max3A_140 = arith.maximumf %max3A_125, %select_n3A_139 : vector<256x64xf32>
      %broadcast_in_dim3A_141 = arith.constant 0.000000e+00 : f32
      %broadcast_in_dim3A_142 = vector.broadcast %broadcast_in_dim3A_141 : f32 to vector<32x64xf32>
      %slice3A_143 = vector.extract_strided_slice %max3A_140 {offsets = [0, 0], sizes = [224, 64], strides = [1, 1]} : vector<256x64xf32> to vector<224x64xf32>
      %concatenate3A_144 = tpu.concatenate %broadcast_in_dim3A_142, %slice3A_143 in 0 : vector<32x64xf32>, vector<224x64xf32> -> vector<256x64xf32>
      %broadcast_in_dim3A_145 = arith.constant -1 : i32
      %broadcast_in_dim3A_146 = vector.broadcast %broadcast_in_dim3A_145 : i32 to vector<32x1xi32>
      %slice3A_147 = vector.extract_strided_slice %get3A_69 {offsets = [0, 0], sizes = [224, 1], strides = [1, 1]} : vector<256x1xi32> to vector<224x1xi32>
      %concatenate3A_148 = tpu.concatenate %broadcast_in_dim3A_146, %slice3A_147 in 0 : vector<32x1xi32>, vector<224x1xi32> -> vector<256x1xi32>
      %eq3A_149 = arith.cmpi eq, %concatenate3A_148, %get3A_69 : vector<256x1xi32>
      %jit3A_150 = arith.constant 0.000000e+00 : f32
      %broadcast_in_dim3A_151 = vector.shape_cast %eq3A_149 : vector<256x1xi1> to vector<256x1xi1>
      %broadcast_in_dim3A_152 = vector.broadcast %broadcast_in_dim3A_151 : vector<256x1xi1> to vector<256x64xi1>
      %broadcast_in_dim3A_153 = vector.broadcast %jit3A_150 : f32 to vector<256x64xf32>
      %select_n3A_154 = arith.select %broadcast_in_dim3A_152, %concatenate3A_144, %broadcast_in_dim3A_153 : vector<256x64xi1>, vector<256x64xf32>
      %max3A_155 = arith.maximumf %max3A_140, %select_n3A_154 : vector<256x64xf32>
      %broadcast_in_dim3A_156 = arith.constant 0.000000e+00 : f32
      %broadcast_in_dim3A_157 = vector.broadcast %broadcast_in_dim3A_156 : f32 to vector<64x64xf32>
      %slice3A_158 = vector.extract_strided_slice %max3A_155 {offsets = [0, 0], sizes = [192, 64], strides = [1, 1]} : vector<256x64xf32> to vector<192x64xf32>
      %concatenate3A_159 = tpu.concatenate %broadcast_in_dim3A_157, %slice3A_158 in 0 : vector<64x64xf32>, vector<192x64xf32> -> vector<256x64xf32>
      %broadcast_in_dim3A_160 = arith.constant -1 : i32
      %broadcast_in_dim3A_161 = vector.broadcast %broadcast_in_dim3A_160 : i32 to vector<64x1xi32>
      %slice3A_162 = vector.extract_strided_slice %get3A_69 {offsets = [0, 0], sizes = [192, 1], strides = [1, 1]} : vector<256x1xi32> to vector<192x1xi32>
      %concatenate3A_163 = tpu.concatenate %broadcast_in_dim3A_161, %slice3A_162 in 0 : vector<64x1xi32>, vector<192x1xi32> -> vector<256x1xi32>
      %eq3A_164 = arith.cmpi eq, %concatenate3A_163, %get3A_69 : vector<256x1xi32>
      %jit3A_165 = arith.constant 0.000000e+00 : f32
      %broadcast_in_dim3A_166 = vector.shape_cast %eq3A_164 : vector<256x1xi1> to vector<256x1xi1>
      %broadcast_in_dim3A_167 = vector.broadcast %broadcast_in_dim3A_166 : vector<256x1xi1> to vector<256x64xi1>
      %broadcast_in_dim3A_168 = vector.broadcast %jit3A_165 : f32 to vector<256x64xf32>
      %select_n3A_169 = arith.select %broadcast_in_dim3A_167, %concatenate3A_159, %broadcast_in_dim3A_168 : vector<256x64xi1>, vector<256x64xf32>
      %max3A_170 = arith.maximumf %max3A_155, %select_n3A_169 : vector<256x64xf32>
      %broadcast_in_dim3A_171 = arith.constant 0.000000e+00 : f32
      %broadcast_in_dim3A_172 = vector.broadcast %broadcast_in_dim3A_171 : f32 to vector<128x64xf32>
      %slice3A_173 = vector.extract_strided_slice %max3A_170 {offsets = [0, 0], sizes = [128, 64], strides = [1, 1]} : vector<256x64xf32> to vector<128x64xf32>
      %concatenate3A_174 = tpu.concatenate %broadcast_in_dim3A_172, %slice3A_173 in 0 : vector<128x64xf32>, vector<128x64xf32> -> vector<256x64xf32>
      %broadcast_in_dim3A_175 = arith.constant -1 : i32
      %broadcast_in_dim3A_176 = vector.broadcast %broadcast_in_dim3A_175 : i32 to vector<128x1xi32>
      %slice3A_177 = vector.extract_strided_slice %get3A_69 {offsets = [0, 0], sizes = [128, 1], strides = [1, 1]} : vector<256x1xi32> to vector<128x1xi32>
      %concatenate3A_178 = tpu.concatenate %broadcast_in_dim3A_176, %slice3A_177 in 0 : vector<128x1xi32>, vector<128x1xi32> -> vector<256x1xi32>
      %eq3A_179 = arith.cmpi eq, %concatenate3A_178, %get3A_69 : vector<256x1xi32>
      %jit3A_180 = arith.constant 0.000000e+00 : f32
      %broadcast_in_dim3A_181 = vector.shape_cast %eq3A_179 : vector<256x1xi1> to vector<256x1xi1>
      %broadcast_in_dim3A_182 = vector.broadcast %broadcast_in_dim3A_181 : vector<256x1xi1> to vector<256x64xi1>
      %broadcast_in_dim3A_183 = vector.broadcast %jit3A_180 : f32 to vector<256x64xf32>
      %select_n3A_184 = arith.select %broadcast_in_dim3A_182, %concatenate3A_174, %broadcast_in_dim3A_183 : vector<256x64xi1>, vector<256x64xf32>
      %max3A_185 = arith.maximumf %max3A_170, %select_n3A_184 : vector<256x64xf32>
      %get3A_186 = arith.constant 0 : index
      %get3A_187 = arith.constant 0 : index
      %get3A_188 = vector.load %arg9[%get3A_186, %get3A_187] : memref<256x1xi32, #tpu.memory_space<vmem>>, vector<256x1xi32>
      %get3A_189 = arith.constant 0 : index
      %get3A_190 = arith.constant 0 : index
      %get3A_191 = vector.load %arg10[%get3A_189, %get3A_190] : memref<256x1xi32, #tpu.memory_space<vmem>>, vector<256x1xi32>
      %sub3A = arith.constant 1 : i32
      %sub3A_192 = vector.broadcast %sub3A : i32 to vector<256x1xi32>
      %sub3A_193 = arith.subi %get3A_191, %sub3A_192 : vector<256x1xi32>
      %add3A_194 = arith.constant 256 : i32
      %add3A_195 = arith.addi %mul3A_5, %add3A_194 : i32
      %sub3A_196 = arith.constant 1 : i32
      %sub3A_197 = arith.subi %add3A_195, %sub3A_196 : i32
      %max3A_198 = vector.broadcast %mul3A_5 : i32 to vector<256x1xi32>
      %max3A_199 = arith.maxsi %max3A_198, %sub3A_193 : vector<256x1xi32>
      %min3A = vector.broadcast %sub3A_197 : i32 to vector<256x1xi32>
      %min3A_200 = arith.minsi %min3A, %max3A_199 : vector<256x1xi32>
      %sub3A_201 = vector.broadcast %mul3A_5 : i32 to vector<256x1xi32>
      %sub3A_202 = arith.subi %min3A_200, %sub3A_201 : vector<256x1xi32>
      %gt3A = vector.broadcast %mul3A_5 : i32 to vector<256x1xi32>
      %gt3A_203 = arith.cmpi sgt, %get3A_191, %gt3A : vector<256x1xi32>
      %add3A_204 = arith.constant 256 : i32
      %add3A_205 = arith.addi %mul3A_5, %add3A_204 : i32
      %lt3A = vector.broadcast %add3A_205 : i32 to vector<256x1xi32>
      %lt3A_206 = arith.cmpi slt, %get3A_188, %lt3A : vector<256x1xi32>
      %and3A = arith.andi %gt3A_203, %lt3A_206 : vector<256x1xi1>
      %gt3A_207 = arith.cmpi sgt, %get3A_191, %get3A_188 : vector<256x1xi32>
      %and3A_208 = arith.andi %and3A, %gt3A_207 : vector<256x1xi1>
      %iota3A = tpu.iota {dimensions = array<i32: 1>} : vector<256x256xi32>
      %eq3A_209 = vector.broadcast %sub3A_202 : vector<256x1xi32> to vector<256x256xi32>
      %eq3A_210 = arith.cmpi eq, %iota3A, %eq3A_209 : vector<256x256xi32>
      %and3A_211 = vector.broadcast %and3A_208 : vector<256x1xi1> to vector<256x256xi1>
      %and3A_212 = arith.andi %eq3A_210, %and3A_211 : vector<256x256xi1>
      %jit3A_213 = arith.constant 1.000000e+00 : f32
      %jit3A_214 = arith.constant 0.000000e+00 : f32
      %broadcast_in_dim3A_215 = vector.broadcast %jit3A_213 : f32 to vector<256x256xf32>
      %broadcast_in_dim3A_216 = vector.broadcast %jit3A_214 : f32 to vector<256x256xf32>
      %select_n3A_217 = arith.select %and3A_212, %broadcast_in_dim3A_215, %broadcast_in_dim3A_216 : vector<256x256xi1>, vector<256x256xf32>
      %dot_general3A_218 = arith.constant dense<0.000000e+00> : vector<256x64xf32>
      %dot_general3A_219 = tpu.matmul %select_n3A_217, %max3A_185, %dot_general3A_218 {dimension_numbers = #tpu.dot_dimension_numbers<[1], [0], [0], [1], [0, 0, 1, 1], [], []>, transpose_lhs_hint = false} : vector<256x256xf32>, vector<256x64xf32>, vector<256x64xf32> -> vector<256x64xf32>
      %get3A_220 = arith.index_cast %arg0 : i32 to index
      %get3A_221 = memref.load %arg3[%get3A_220] : memref<1517xi32, #tpu.memory_space<smem>>
      %eq3A_222 = arith.constant 1 : i32
      %eq3A_223 = arith.cmpi eq, %get3A_221, %eq3A_222 : i32
      %convert_element_type3A_224 = arith.extui %eq3A_223 : i1 to i32
      %cond3A_225 = arith.constant 0 : i32
      %cond3A_226 = arith.cmpi ne, %convert_element_type3A_224, %cond3A_225 : i32
      scf.if %cond3A_226 {
        %swap3A = arith.constant 0 : index
        %swap3A_234 = arith.constant 0 : index
        %swap3A_235 = vector.load %arg17[%swap3A, %swap3A_234] : memref<256x64xf32, #tpu.memory_space<vmem>>, vector<256x64xf32>
        tpu.vector_store %arg17[%swap3A, %swap3A_234], %dot_general3A_219 {strides = array<i32>} : memref<256x64xf32, #tpu.memory_space<vmem>>, vector<256x64xf32>,
      } else {
      }
      %get3A_227 = arith.index_cast %arg0 : i32 to index
      %get3A_228 = memref.load %arg3[%get3A_227] : memref<1517xi32, #tpu.memory_space<smem>>
      %eq3A_229 = arith.constant 0 : i32
      %eq3A_230 = arith.cmpi eq, %get3A_228, %eq3A_229 : i32
      %convert_element_type3A_231 = arith.extui %eq3A_230 : i1 to i32
      %cond3A_232 = arith.constant 0 : i32
      %cond3A_233 = arith.cmpi ne, %convert_element_type3A_231, %cond3A_232 : i32
      scf.if %cond3A_233 {
        %get3A_234 = arith.constant 0 : index
        %get3A_235 = arith.constant 0 : index
        %get3A_236 = vector.load %arg17[%get3A_234, %get3A_235] : memref<256x64xf32, #tpu.memory_space<vmem>>, vector<256x64xf32>
        %max3A_237 = arith.maximumf %get3A_236, %dot_general3A_219 : vector<256x64xf32>
        %swap3A = arith.constant 0 : index
        %swap3A_238 = arith.constant 0 : index
        %swap3A_239 = vector.load %arg17[%swap3A, %swap3A_238] : memref<256x64xf32, #tpu.memory_space<vmem>>, vector<256x64xf32>
        tpu.vector_store %arg17[%swap3A, %swap3A_238], %max3A_237 {strides = array<i32>} : memref<256x64xf32, #tpu.memory_space<vmem>>, vector<256x64xf32>,
      } else {
      }
    } else {
    }
    return
  }
  func.func @transform_0(%arg0: i32, %arg1: memref<1517xi32, #tpu.memory_space<smem>>, %arg2: memref<1517xi32, #tpu.memory_space<smem>>, %arg3: memref<1517xi32, #tpu.memory_space<smem>>, %arg4: memref<1517xi32, #tpu.memory_space<smem>>) -> (i32, i32) {
    %get3A = arith.index_cast %arg0 : i32 to index
    %get3A_0 = memref.load %arg2[%get3A] : memref<1517xi32, #tpu.memory_space<smem>>
    %c0_i32 = arith.constant 0 : i32
    %c0_i32_1 = arith.constant 0 : i32
    return %get3A_0, %c0_i32 : i32, i32
  }
  func.func @transform_1(%arg0: i32, %arg1: memref<1517xi32, #tpu.memory_space<smem>>, %arg2: memref<1517xi32, #tpu.memory_space<smem>>, %arg3: memref<1517xi32, #tpu.memory_space<smem>>, %arg4: memref<1517xi32, #tpu.memory_space<smem>>) -> (i32, i32) {
    %get3A = arith.index_cast %arg0 : i32 to index
    %get3A_0 = memref.load %arg2[%get3A] : memref<1517xi32, #tpu.memory_space<smem>>
    %c0_i32 = arith.constant 0 : i32
    %c0_i32_1 = arith.constant 0 : i32
    return %get3A_0, %c0_i32 : i32, i32
  }
  func.func @transform_2(%arg0: i32, %arg1: memref<1517xi32, #tpu.memory_space<smem>>, %arg2: memref<1517xi32, #tpu.memory_space<smem>>, %arg3: memref<1517xi32, #tpu.memory_space<smem>>, %arg4: memref<1517xi32, #tpu.memory_space<smem>>) -> (i32, i32) {
    %get3A = arith.index_cast %arg0 : i32 to index
    %get3A_0 = memref.load %arg2[%get3A] : memref<1517xi32, #tpu.memory_space<smem>>
    %c0_i32 = arith.constant 0 : i32
    %c0_i32_1 = arith.constant 0 : i32
    return %get3A_0, %c0_i32 : i32, i32
  }
  func.func @transform_3(%arg0: i32, %arg1: memref<1517xi32, #tpu.memory_space<smem>>, %arg2: memref<1517xi32, #tpu.memory_space<smem>>, %arg3: memref<1517xi32, #tpu.memory_space<smem>>, %arg4: memref<1517xi32, #tpu.memory_space<smem>>) -> (i32, i32) {
    %get3A = arith.index_cast %arg0 : i32 to index
    %get3A_0 = memref.load %arg2[%get3A] : memref<1517xi32, #tpu.memory_space<smem>>
    %c0_i32 = arith.constant 0 : i32
    %c0_i32_1 = arith.constant 0 : i32
    return %get3A_0, %c0_i32 : i32, i32
  }
  func.func @transform_4(%arg0: i32, %arg1: memref<1517xi32, #tpu.memory_space<smem>>, %arg2: memref<1517xi32, #tpu.memory_space<smem>>, %arg3: memref<1517xi32, #tpu.memory_space<smem>>, %arg4: memref<1517xi32, #tpu.memory_space<smem>>) -> (i32, i32) {
    %get3A = arith.index_cast %arg0 : i32 to index
    %get3A_0 = memref.load %arg1[%get3A] : memref<1517xi32, #tpu.memory_space<smem>>
    %c0_i32 = arith.constant 0 : i32
    %c0_i32_1 = arith.constant 0 : i32
    return %get3A_0, %c0_i32 : i32, i32
  }
  func.func @transform_5(%arg0: i32, %arg1: memref<1517xi32, #tpu.memory_space<smem>>, %arg2: memref<1517xi32, #tpu.memory_space<smem>>, %arg3: memref<1517xi32, #tpu.memory_space<smem>>, %arg4: memref<1517xi32, #tpu.memory_space<smem>>) -> (i32, i32) {
    %get3A = arith.index_cast %arg0 : i32 to index
    %get3A_0 = memref.load %arg1[%get3A] : memref<1517xi32, #tpu.memory_space<smem>>
    %c0_i32 = arith.constant 0 : i32
    %c0_i32_1 = arith.constant 0 : i32
    return %get3A_0, %c0_i32 : i32, i32
  }
  func.func @transform_6(%arg0: i32, %arg1: memref<1517xi32, #tpu.memory_space<smem>>, %arg2: memref<1517xi32, #tpu.memory_space<smem>>, %arg3: memref<1517xi32, #tpu.memory_space<smem>>, %arg4: memref<1517xi32, #tpu.memory_space<smem>>) -> (i32, i32) {
    %c0_i32 = arith.constant 0 : i32
    %c0_i32_0 = arith.constant 0 : i32
    %c0_i32_1 = arith.constant 0 : i32
    return %c0_i32, %c0_i32_0 : i32, i32
  }
  func.func @transform_7(%arg0: i32, %arg1: memref<1517xi32, #tpu.memory_space<smem>>, %arg2: memref<1517xi32, #tpu.memory_space<smem>>, %arg3: memref<1517xi32, #tpu.memory_space<smem>>, %arg4: memref<1517xi32, #tpu.memory_space<smem>>) -> (i32, i32) {
    %c0_i32 = arith.constant 0 : i32
    %c0_i32_0 = arith.constant 0 : i32
    %c0_i32_1 = arith.constant 0 : i32
    return %c0_i32, %c0_i32_0 : i32, i32
  }
  func.func @transform_8(%arg0: i32, %arg1: memref<1517xi32, #tpu.memory_space<smem>>, %arg2: memref<1517xi32, #tpu.memory_space<smem>>, %arg3: memref<1517xi32, #tpu.memory_space<smem>>, %arg4: memref<1517xi32, #tpu.memory_space<smem>>) -> (i32, i32) {
    %c0_i32 = arith.constant 0 : i32
    %c0_i32_0 = arith.constant 0 : i32
    %c0_i32_1 = arith.constant 0 : i32
    return %c0_i32, %c0_i32_0 : i32, i32
  }
  func.func @transform_9(%arg0: i32, %arg1: memref<1517xi32, #tpu.memory_space<smem>>, %arg2: memref<1517xi32, #tpu.memory_space<smem>>, %arg3: memref<1517xi32, #tpu.memory_space<smem>>, %arg4: memref<1517xi32, #tpu.memory_space<smem>>) -> (i32, i32) {
    %c0_i32 = arith.constant 0 : i32
    %c0_i32_0 = arith.constant 0 : i32
    %c0_i32_1 = arith.constant 0 : i32
    return %c0_i32, %c0_i32_0 : i32, i32
  }
  func.func @transform_10(%arg0: i32, %arg1: memref<1517xi32, #tpu.memory_space<smem>>, %arg2: memref<1517xi32, #tpu.memory_space<smem>>, %arg3: memref<1517xi32, #tpu.memory_space<smem>>, %arg4: memref<1517xi32, #tpu.memory_space<smem>>) -> (i32, i32) {
    %c0_i32 = arith.constant 0 : i32
    %c0_i32_0 = arith.constant 0 : i32
    %c0_i32_1 = arith.constant 0 : i32
    return %c0_i32, %c0_i32_0 : i32, i32
  }
  func.func @transform_11(%arg0: i32, %arg1: memref<1517xi32, #tpu.memory_space<smem>>, %arg2: memref<1517xi32, #tpu.memory_space<smem>>, %arg3: memref<1517xi32, #tpu.memory_space<smem>>, %arg4: memref<1517xi32, #tpu.memory_space<smem>>) -> (i32, i32) {
    %c0_i32 = arith.constant 0 : i32
    %c0_i32_0 = arith.constant 0 : i32
    %c0_i32_1 = arith.constant 0 : i32
    return %c0_i32, %c0_i32_0 : i32, i32
  }
  func.func @transform_12(%arg0: i32, %arg1: memref<1517xi32, #tpu.memory_space<smem>>, %arg2: memref<1517xi32, #tpu.memory_space<smem>>, %arg3: memref<1517xi32, #tpu.memory_space<smem>>, %arg4: memref<1517xi32, #tpu.memory_space<smem>>) -> (i32, i32) {
    %get3A = arith.index_cast %arg0 : i32 to index
    %get3A_0 = memref.load %arg1[%get3A] : memref<1517xi32, #tpu.memory_space<smem>>
    %c0_i32 = arith.constant 0 : i32
    %c0_i32_1 = arith.constant 0 : i32
    return %get3A_0, %c0_i32 : i32, i32
  }
}

module attributes {stable_mosaic.version = 14 : i64} {
  func.func @_upd_body(%arg0: i32, %arg1: memref<512x16xf32, #tpu.memory_space<vmem>>, %arg2: memref<512x64xf32, #tpu.memory_space<vmem>>, %arg3: memref<16x32xf32, #tpu.memory_space<vmem>>, %arg4: memref<64x32xf32, #tpu.memory_space<vmem>>, %arg5: memref<1x32xf32, #tpu.memory_space<vmem>>, %arg6: memref<32x8xf32, #tpu.memory_space<vmem>>, %arg7: memref<1x8xf32, #tpu.memory_space<vmem>>, %arg8: memref<512x16xf32, #tpu.memory_space<vmem>>) attributes {dimension_semantics = [#tpu.dimension_semantics<arbitrary>], iteration_bounds = array<i64: 196>, scalar_prefetch = 0 : i64, scratch_operands = 0 : i64, tpu.core_type = #tpu.core_type<tc>, window_params = [{transform_indices = @transform_0, window_bounds = array<i64: 512, 16>}, {transform_indices = @transform_1, window_bounds = array<i64: 512, 64>}, {pipeline_mode = #tpu.pipeline_mode<synchronous>, transform_indices = @transform_2, window_bounds = array<i64: 16, 32>}, {pipeline_mode = #tpu.pipeline_mode<synchronous>, transform_indices = @transform_3, window_bounds = array<i64: 64, 32>}, {pipeline_mode = #tpu.pipeline_mode<synchronous>, transform_indices = @transform_4, window_bounds = array<i64: 1, 32>}, {pipeline_mode = #tpu.pipeline_mode<synchronous>, transform_indices = @transform_5, window_bounds = array<i64: 32, 8>}, {pipeline_mode = #tpu.pipeline_mode<synchronous>, transform_indices = @transform_6, window_bounds = array<i64: 1, 8>}, {transform_indices = @transform_7, window_bounds = array<i64: 512, 16>}]} {
    %get3A = arith.constant 0 : index
    %get3A_0 = arith.constant 0 : index
    %get3A_1 = vector.load %arg1[%get3A, %get3A_0] : memref<512x16xf32, #tpu.memory_space<vmem>>, vector<512x16xf32>
    %get3A_2 = arith.constant 0 : index
    %get3A_3 = arith.constant 0 : index
    %get3A_4 = vector.load %arg3[%get3A_2, %get3A_3] : memref<16x32xf32, #tpu.memory_space<vmem>>, vector<16x32xf32>
    %dot_general3A = arith.constant dense<0.000000e+00> : vector<512x32xf32>
    %dot_general3A_5 = tpu.matmul %get3A_1, %get3A_4, %dot_general3A {dimension_numbers = #tpu.dot_dimension_numbers<[1], [0], [0], [1], [0, 0, 1, 1], [], []>, transpose_lhs_hint = false} : vector<512x16xf32>, vector<16x32xf32>, vector<512x32xf32> -> vector<512x32xf32>
    %get3A_6 = arith.constant 0 : index
    %get3A_7 = arith.constant 0 : index
    %get3A_8 = vector.load %arg2[%get3A_6, %get3A_7] : memref<512x64xf32, #tpu.memory_space<vmem>>, vector<512x64xf32>
    %get3A_9 = arith.constant 0 : index
    %get3A_10 = arith.constant 0 : index
    %get3A_11 = vector.load %arg4[%get3A_9, %get3A_10] : memref<64x32xf32, #tpu.memory_space<vmem>>, vector<64x32xf32>
    %dot_general3A_12 = arith.constant dense<0.000000e+00> : vector<512x32xf32>
    %dot_general3A_13 = tpu.matmul %get3A_8, %get3A_11, %dot_general3A_12 {dimension_numbers = #tpu.dot_dimension_numbers<[1], [0], [0], [1], [0, 0, 1, 1], [], []>, transpose_lhs_hint = false} : vector<512x64xf32>, vector<64x32xf32>, vector<512x32xf32> -> vector<512x32xf32>
    %add3A = arith.addf %dot_general3A_5, %dot_general3A_13 : vector<512x32xf32>
    %get3A_14 = arith.constant 0 : index
    %get3A_15 = arith.constant 0 : index
    %get3A_16 = vector.load %arg5[%get3A_14, %get3A_15] : memref<1x32xf32, #tpu.memory_space<vmem>>, vector<1x32xf32>
    %add3A_17 = vector.broadcast %get3A_16 : vector<1x32xf32> to vector<512x32xf32>
    %add3A_18 = arith.addf %add3A, %add3A_17 : vector<512x32xf32>
    %max3A = arith.constant 0.000000e+00 : f32
    %max3A_19 = vector.broadcast %max3A : f32 to vector<512x32xf32>
    %max3A_20 = arith.maximumf %add3A_18, %max3A_19 : vector<512x32xf32>
    %get3A_21 = arith.constant 0 : index
    %get3A_22 = arith.constant 0 : index
    %get3A_23 = vector.load %arg6[%get3A_21, %get3A_22] : memref<32x8xf32, #tpu.memory_space<vmem>>, vector<32x8xf32>
    %dot_general3A_24 = arith.constant dense<0.000000e+00> : vector<512x8xf32>
    %dot_general3A_25 = tpu.matmul %max3A_20, %get3A_23, %dot_general3A_24 {dimension_numbers = #tpu.dot_dimension_numbers<[1], [0], [0], [1], [0, 0, 1, 1], [], []>, transpose_lhs_hint = false} : vector<512x32xf32>, vector<32x8xf32>, vector<512x8xf32> -> vector<512x8xf32>
    %get3A_26 = arith.constant 0 : index
    %get3A_27 = arith.constant 0 : index
    %get3A_28 = vector.load %arg7[%get3A_26, %get3A_27] : memref<1x8xf32, #tpu.memory_space<vmem>>, vector<1x8xf32>
    %add3A_29 = vector.broadcast %get3A_28 : vector<1x8xf32> to vector<512x8xf32>
    %add3A_30 = arith.addf %dot_general3A_25, %add3A_29 : vector<512x8xf32>
    %mul3A = arith.mulf %add3A_30, %add3A_30 : vector<512x8xf32>
    %reduce_sum3A = arith.constant dense<0.000000e+00> : vector<512xf32>
    %reduce_sum3A_31 = vector.multi_reduction <add>, %mul3A, %reduce_sum3A [1] : vector<512x8xf32> to vector<512xf32>
    %broadcast_in_dim3A = vector.shape_cast %reduce_sum3A_31 : vector<512xf32> to vector<512x1xf32>
    %sqrt3A = math.sqrt %broadcast_in_dim3A : vector<512x1xf32>
    %max3A_32 = arith.constant 1.000000e+00 : f32
    %max3A_33 = vector.broadcast %max3A_32 : f32 to vector<512x1xf32>
    %max3A_34 = arith.maximumf %max3A_33, %sqrt3A : vector<512x1xf32>
    %div3A = arith.constant 1.000000e+00 : f32
    %div3A_35 = vector.broadcast %div3A : f32 to vector<512x1xf32>
    %div3A_36 = arith.divf %div3A_35, %max3A_34 : vector<512x1xf32>
    %mul3A_37 = vector.broadcast %div3A_36 : vector<512x1xf32> to vector<512x8xf32>
    %mul3A_38 = arith.mulf %add3A_30, %mul3A_37 : vector<512x8xf32>
    %broadcast_in_dim3A_39 = arith.constant 0.000000e+00 : f32
    %broadcast_in_dim3A_40 = vector.broadcast %broadcast_in_dim3A_39 : f32 to vector<512x8xf32>
    %slice3A = vector.extract_strided_slice %mul3A_38 {offsets = [0, 0], sizes = [512, 4], strides = [1, 1]} : vector<512x8xf32> to vector<512x4xf32>
    %slice3A_41 = vector.extract_strided_slice %get3A_1 {offsets = [0, 0], sizes = [512, 4], strides = [1, 1]} : vector<512x16xf32> to vector<512x4xf32>
    %concatenate3A = tpu.concatenate %slice3A, %slice3A_41, %broadcast_in_dim3A_40 in 1 : vector<512x4xf32>, vector<512x4xf32>, vector<512x8xf32> -> vector<512x16xf32>
    %swap3A = arith.constant 0 : index
    %swap3A_42 = arith.constant 0 : index
    %swap3A_43 = vector.load %arg8[%swap3A, %swap3A_42] : memref<512x16xf32, #tpu.memory_space<vmem>>, vector<512x16xf32>
    tpu.vector_store %arg8[%swap3A, %swap3A_42], %concatenate3A {strides = array<i32>} : memref<512x16xf32, #tpu.memory_space<vmem>>, vector<512x16xf32>,
    return
  }
  func.func @transform_0(%arg0: i32) -> (i32, i32) {
    %c0_i32 = arith.constant 0 : i32
    %c0_i32_0 = arith.constant 0 : i32
    return %arg0, %c0_i32 : i32, i32
  }
  func.func @transform_1(%arg0: i32) -> (i32, i32) {
    %c0_i32 = arith.constant 0 : i32
    %c0_i32_0 = arith.constant 0 : i32
    return %arg0, %c0_i32 : i32, i32
  }
  func.func @transform_2(%arg0: i32) -> (i32, i32) {
    %c0_i32 = arith.constant 0 : i32
    %c0_i32_0 = arith.constant 0 : i32
    %c0_i32_1 = arith.constant 0 : i32
    return %c0_i32, %c0_i32_0 : i32, i32
  }
  func.func @transform_3(%arg0: i32) -> (i32, i32) {
    %c0_i32 = arith.constant 0 : i32
    %c0_i32_0 = arith.constant 0 : i32
    %c0_i32_1 = arith.constant 0 : i32
    return %c0_i32, %c0_i32_0 : i32, i32
  }
  func.func @transform_4(%arg0: i32) -> (i32, i32) {
    %c0_i32 = arith.constant 0 : i32
    %c0_i32_0 = arith.constant 0 : i32
    %c0_i32_1 = arith.constant 0 : i32
    return %c0_i32, %c0_i32_0 : i32, i32
  }
  func.func @transform_5(%arg0: i32) -> (i32, i32) {
    %c0_i32 = arith.constant 0 : i32
    %c0_i32_0 = arith.constant 0 : i32
    %c0_i32_1 = arith.constant 0 : i32
    return %c0_i32, %c0_i32_0 : i32, i32
  }
  func.func @transform_6(%arg0: i32) -> (i32, i32) {
    %c0_i32 = arith.constant 0 : i32
    %c0_i32_0 = arith.constant 0 : i32
    %c0_i32_1 = arith.constant 0 : i32
    return %c0_i32, %c0_i32_0 : i32, i32
  }
  func.func @transform_7(%arg0: i32) -> (i32, i32) {
    %c0_i32 = arith.constant 0 : i32
    %c0_i32_0 = arith.constant 0 : i32
    return %arg0, %c0_i32 : i32, i32
  }
}

</mosaic_0001>

<sc_bundles>
// kernel: kernel.13.cloned.1.call-start
scs
__scs_entry_jumppad:
0x0: {  	(pc) =	sbr.rel $0x88, $3  }
0x1: {  	(tag) =	ssettag $0x0;
	lr =	simm.s32 $0x1  }
0x2: {  	[smem:$0x3F96] =	sst lr;
	_ =	strace $0xD0000000  }
0x3: {  	_ = 	snop  }
0x4: {  	_ = 	snop  }
0x5: {  	_ = 	snop  }
0x6: {  	_ = 	snop  }
0x7: {  	_ = 	snop  }
__scs_overlays_trampoline_lowered:
0x8: {  	[smem:$0x3FA5] =	sst s0  }
0x9: {  	[smem:$0x3FA6] =	sst s1  }
0xa: {  	[smem:$0x3FA7] =	sst s2  }
0xb: {  	[smem:$0x3FA8] =	sst s3  }
0xc: {  	[smem:$0x3FA9] =	sst s4  }
0xd: {  	[smem:$0x3FAA] =	sst s5  }
0xe: {  	[smem:$0x3FAB] =	sst s6  }
0xf: {  	[smem:$0x3FAC] =	sst s7  }
0x10: {  	[smem:$0x3FAD] =	sst s8  }
0x11: {  	[smem:$0x3FAE] =	sst s9;
	s0 =	simm.s32 @!p0 $0x0  }
0x12: {  	s1 =	sld [smem:$0x3F94];
	s0 =	simm.s32 @p0 $0x1  }
0x13: {  	[smem:$0x3FAF] =	sst s0;
	s0 =	simm.s32 @!p1 $0x0  }
0x14: {  	s2 =	sld [smem:$0x3F93];
	s0 =	simm.s32 @p1 $0x1  }
0x15: {  	[smem:$0x3FB0] =	sst s0;
	s0 =	simm.s32 @!p2 $0x0  }
0x16: {  	s3 =	sld [smem:$0x3FDB];
	s0 =	simm.s32 @p2 $0x1  }
0x17: {  	s4 =	simm.s32 $0x1BF5;
	[smem:$0x3FB2] =	sst s0  }
0x18: {  	s0 =	sld [smem:$0x3F95];
	_ =	swait.ge [sflag:s4], $0x0  }
0x19: {  	s7 =	sld [smem:$0x3F96]  }
0x1a: {  	s8 =	sadd.s32 $0xFFFFE003, lr  }
0x1b: {  	s9 =	sadd.s32 $0xFFFFFEF7, lr;
	s5 =	simm.s32 $0xFFFFFFFF;
	p2 =	slt.u32 s8, $0xFFFFF086  }
0x1c: {  	p1 =	slt.u32 s9, $0xF7A;
	s5 =	simm.s32 @!p2 $0x0  }
0x1d: {  	s5 =	simm.s32 @p1 $0x1;
	p0 =	seq.s32 s7, s2  }
0x1e: {  	s7 =	smul.u32 @!p0 $0xF7A, s2;
	p2 =	seq.s32 @!p0 s5, $0x0  }
0x1f: {  	s9 =	smul.u32 $0xF7A, s1;
	s8 =	simm.s32 @!p0 $0x1BF5;
	p2 =	por !p2, p0  }
0x20: {  	[sflag:s8] =	ssyncset.s32 @!p0 $0xFFFFF086;
	s6 =	sadd.s32 @!p0 s3, s7;
	s7 =	simm.s32 @!p0 $0x108  }
0x21: {  	s3 =	sadd.s32 s3, s9;
	s6 =	sadd.s32 @!p0 $0x88, s6;
	s7 =	simm.s32 @p2 $0x1082  }
0x22: {  	[simem:s7], [sflag:s8] =	dma.local @!p0 [hbm:s6], $0xF7A  }
0x23: {  	s9 =	sor.u32 $0xD0000000, s2;
	s6 =	simm.s32 $0x108;
	_ =	swait.ge @!p0 [sflag:s8], $0x0  }
0x24: {  	s3 =	sadd.s32 $0x88, s3;
	s6 =	simm.s32 @!p1 $0x1082;
	[sflag:s4] =	ssyncset.s32 $0xFFFFF086  }
0x25: {  	[simem:s6], [sflag:s4] =	dma.local [hbm:s3], $0xF7A  }
0x26: {  	[smem:$0x3F96] =	sst s1;
	(tag) =	ssettag s2;
	_ =	strace s9  }
0x27: {  	s1 =	sld [smem:$0x3FA6]  }
0x28: {  	s2 =	sld [smem:$0x3FA7]  }
0x29: {  	s4 =	sld [smem:$0x3FA9]  }
0x2a: {  	p0 =	seq.s32 s5, $0x0;
	s5 =	sld [smem:$0x3FAA]  }
0x2b: {  	s6 =	sld [smem:$0x3FAB]  }
0x2c: {  	s7 =	sld [smem:$0x3FAC]  }
0x2d: {  	s3 =	simm.s32 $0x108;
	s8 =	sld [smem:$0x3FAD]  }
0x2e: {  	s3 =	simm.s32 @!p0 $0x1082;
	s9 =	sld [smem:$0x3FAE]  }
0x2f: {  	lr =	sadd.s32 s0, s3;
	s0 =	sld [smem:$0x3FA5]  }
0x30: {  	s3 =	sld [smem:$0x3FA8]  }
0x31: {  	[smem:$0x3FB1] =	sst s10  }
0x32: {  	s10 =	sld [smem:$0x3FAF];
	_ =	sdelay $0x3  }
0x33: {  	p0 =	seq.s32 s10, $0x1;
	s10 =	sld [smem:$0x3FB1];
	_ =	sdelay $0x3  }
0x34: {  	[smem:$0x3FB1] =	sst s10  }
0x35: {  	s10 =	sld [smem:$0x3FB0];
	_ =	sdelay $0x3  }
0x36: {  	p1 =	seq.s32 s10, $0x1;
	s10 =	sld [smem:$0x3FB1];
	_ =	sdelay $0x3  }
0x37: {  	[smem:$0x3FB1] =	sst s10  }
0x38: {  	s10 =	sld [smem:$0x3FB2]  }
0x39: {  	_ = 	snop;
	(pc) =	sbr.ind lr, $3  }
0x3a: {  	_ = 	snop  }
0x3b: {  	_ = 	snop  }
0x3c: {  	p2 =	seq.s32 s10, $0x1;
	s10 =	sld [smem:$0x3FB1]  }
0x3d: {  	_ =	shalt  }
0x3e: {  	_ =	shalt  }
0x3f: {  	_ =	shalt  }
0x40: {  	_ =	shalt  }
0x41: {  	_ =	shalt  }
0x42: {  	_ =	shalt  }
0x43: {  	_ =	shalt  }
0x44: {  	_ =	shalt  }
0x45: {  	_ =	shalt  }
0x46: {  	_ =	shalt  }
0x47: {  	_ =	shalt  }
0x48: {  	_ =	shalt  }
0x49: {  	_ =	shalt  }
0x4a: {  	_ =	shalt  }
0x4b: {  	_ =	shalt  }
0x4c: {  	_ =	shalt  }
0x4d: {  	_ =	shalt  }
0x4e: {  	_ =	shalt  }
0x4f: {  	_ =	shalt  }
0x50: {  	_ =	shalt  }
0x51: {  	_ =	shalt  }
0x52: {  	_ =	shalt  }
0x53: {  	_ =	shalt  }
0x54: {  	_ =	shalt  }
0x55: {  	_ =	shalt  }
0x56: {  	_ =	shalt  }
0x57: {  	_ =	shalt  }
0x58: {  	_ =	shalt  }
0x59: {  	_ =	shalt  }
0x5a: {  	_ =	shalt  }
0x5b: {  	_ =	shalt  }
0x5c: {  	_ =	shalt  }
0x5d: {  	_ =	shalt  }
0x5e: {  	_ =	shalt  }
0x5f: {  	_ =	shalt  }
0x60: {  	_ =	shalt  }
0x61: {  	_ =	shalt  }
0x62: {  	_ =	shalt  }
0x63: {  	_ =	shalt  }
0x64: {  	_ =	shalt  }
0x65: {  	_ =	shalt  }
0x66: {  	_ =	shalt  }
0x67: {  	_ =	shalt  }
0x68: {  	_ =	shalt  }
0x69: {  	_ =	shalt  }
0x6a: {  	_ =	shalt  }
0x6b: {  	_ =	shalt  }
0x6c: {  	_ =	shalt  }
0x6d: {  	_ =	shalt  }
0x6e: {  	_ =	shalt  }
0x6f: {  	_ =	shalt  }
0x70: {  	_ =	shalt  }
0x71: {  	_ =	shalt  }
0x72: {  	_ =	shalt  }
0x73: {  	_ =	shalt  }
0x74: {  	_ =	shalt  }
0x75: {  	_ =	shalt  }
0x76: {  	_ =	shalt  }
0x77: {  	_ =	shalt  }
0x78: {  	_ =	shalt  }
0x79: {  	_ =	shalt  }
0x7a: {  	_ =	shalt  }
0x7b: {  	_ =	shalt  }
0x7c: {  	_ =	shalt  }
0x7d: {  	_ =	shalt  }
0x7e: {  	_ =	shalt  }
0x7f: {  	_ =	shalt  }
0x80: {  	_ =	shalt  }
0x81: {  	_ =	shalt  }
0x82: {  	_ =	shalt  }
0x83: {  	_ =	shalt  }
0x84: {  	_ =	shalt  }
0x85: {  	_ =	shalt  }
0x86: {  	_ =	shalt  }
0x87: {  	_ =	shalt  }
.Lfunc_end0:
.L_simem_size_0:
called_computation.3_lowered:
.L_overlay_start_0:
0x88: {  	s2 =	sld [smem:$0x3FD9]  }
0x89: {  	s3 =	sld [smem:$0x3FFE];
	_ =	sdelay $0x1  }
0x8a: {  	s1 =	srdreg.scid  }
0x8b: {  	s0 =	sand.u32 $0x1, s1  }
0x8c: {  	s16 =	sshll.u32 s0, $0xA;
	s2 =	sadd.s32 s3, s2  }
0x8d: {  	s2 =	sadd.s32 s2, s16  }
0x8e: {  	[smem:$0x3FBD] =	sst s2  }
0x8f: {  	_ = 	snop  }
0x90: {  	(tm) =	ssettm $0x1  }
0x91: {  	s17 =	sld [smem:$0x3FFB];
	_ =	sdelay $0x3  }
0x92: {  	_ =	strace s17  }
0x93: {  	s2 =	sld [smem:$0x3FFC];
	_ =	sdelay $0x3  }
0x94: {  	_ =	strace s2  }
0x95: {  	s2 =	sld [smem:$0x3FFD];
	_ =	sdelay $0x3  }
0x96: {  	_ =	strace s2  }
0x97: {  	_ =	strace $0x8FFFFFFF  }
0x98: {  	s18 =	sld [smem:$0x3FDB];
	_ =	sdelay $0x1  }
0x99: {  	s19 =	simm.s32 $_scs_section_size  }
0x9a: {  	s4 =	simm.s32 $_size__tile_overlayer_lowered;
	s5 =	simm.s32 $_tile_overlayer_lowered  }
0x9b: {  	s22 =	simm.s32 $0x1BFF;
	s21 =	sshll.u32 s5, $0x1;
	s2 =	sadd.s32 s19, s18  }
0x9c: {  	s6 =	simm.s32 $0x0;
	s20 =	sshll.u32 s4, $0x1;
	s4 =	sadd.s32 s21, s2  }
0x9d: {  	[timem:s6], [sflag:s22] =	dma.local [hbm:s4], s20  }
0x9e: {  	_ =	swait.ge [sflag:s22], s20  }
0x9f: {  	s3 =	ssub.s32 $0x0, s20;
	[sflag:s22] =	ssyncset.done $0x0  }
0xa0: {  	[sflag:s22] =	ssyncadd.s32 s3;
	_ =	sdelay $0x1  }
0xa1: {  	s23 =	simm.s32 $0x1B8B  }
0xa2: {  	_ =	swait.ge [sflag:s23], $0x1  }
0xa3: {  	[sflag:s23] =	ssyncset.done $0x0  }
0xa4: {  	s25 =	simm.s32 $0x1B8E;
	s24 =	sld [smem:$0x3FFE];
	[sflag:s23] =	ssyncadd.s32 $0xFFFFFFFF  }
0xa5: {  	s26 =	simm.s32 $execute0_lowered;
	[smem:$0x3FD2] =	sst s25  }
0xa6: {  	s4 =	sshll.u32 s26, $0x1;
	_ =	strace $0x80000046;
	[dreg:$0x1] =	wrdreg $0xFFFFFFFF  }
0xa7: {  	s28 =	simm.s32 $_size_execute0_lowered;
	s2 =	sadd.s32 s2, s4;
	[dreg:$0x0] =	wrdreg $0x0  }
0xa8: {  	s4 =	sshll.u32 s28, $0x1;
	[dreg:$0x2] =	wrdreg s2  }
0xa9: {  	[dreg:$0x3] =	wrdreg s4  }
0xaa: {  	[dreg:$0x4] =	wrdreg $0xC0  }
0xab: {  	_ =	task [dreg:s6], $0x5FFFF  }
0xac: {  	[dreg:$0x1] =	wrdreg $0xFFFFFFFF  }
0xad: {  	[dreg:$0x0] =	wrdreg $0x60  }
0xae: {  	[dreg:$0x2] =	wrdreg s24  }
0xaf: {  	[dreg:$0x3] =	wrdreg $0x9  }
0xb0: {  	_ =	task.clear_ibuf [dreg:s6], $0x4FFFF;
	_ =	strace $0x90000046  }
0xb1: {  	s29 =	simm.s32 $0x9;
	_ =	strace $0x80000048  }
0xb2: {  	_ =	swait.ge [sflag:s29], $0x1  }
0xb3: {  	[sflag:s29] =	ssyncadd.s32 $0xFFFFFFFF  }
0xb4: {  	_ =	strace $0x90000048  }
0xb5: {  	_ =	sfence  }
0xb6: {  	s30 =	sld [smem:$0x0];
	_ =	sdelay $0x2  }
0xb7: {  	s31 =	sshll.u32 s1, $0xD;
	s1 =	sshrl.u32 s1, $0x2  }
0xb8: {  	s3 =	sand.u32 $0x4000, s31;
	s1 =	sadd.s32 s1, s30  }
0xb9: {  	s0 =	sor.u32 s3, s0;
	s1 =	sshll.u32 s1, $0x11  }
0xba: {  	s0 =	sor.u32 s1, s0  }
0xbb: {  	s0 =	sadd.s32 $0x8F2B, s0  }
0xbc: {  	[sflag:s0] =	ssyncadd.remote.s32 $0x1  }
0xbd: {  	_ =	sfence.sel $0xFFFF  }
0xbe: {  	[dreg:$0x0] =	wrdreg $0xFFFFFFFF;
	(pc) =	sbr.abs _section_cstart, $3  }
0xbf: {  	[dreg:$0x1] =	wrdreg $0xFFFFFFFF  }
0xc0: {  	_ =	task.clear_ibuf [dreg:s6], $0x2FFFF;
	_ =	strace $0x9FFFFFFF  }
0xc1: {  	(tm) =	ssettm $0x7FFFFFFF  }
tec
execute0_lowered:
.L_overlay_start_1:
0x0: {  	(tag) =	ssettag $0x1  }
0x1: {  	s4 =	rddreg [dreg:$0x0]  }
0x2: {  	s0 =	rddreg [dreg:$0x1];
	s1 =	stileid.u32  }
0x3: {  	s2 =	simm.s32 $0x0;
	s3 =	srdreg.scid;
	s11 =	simm.s32 $0xBD0  }
0x4: {  	s12 =	simm.s32 $0x100;
	s13 =	simm.s32 $0x13A0;
	s14 =	simm.s32 $0x180  }
0x5: {  	s15 =	simm.s32 $0x1B70;
	s16 =	simm.s32 $0x200;
	s17 =	simm.s32 $0x2340  }
0x6: {  	s18 =	simm.s32 $0x280;
	s19 =	simm.s32 $0x2B10;
	s20 =	simm.s32 $0x300  }
0x7: {  	s21 =	simm.s32 $0x32E0;
	s22 =	simm.s32 $0x380;
	s23 =	simm.s32 $0x3AB0  }
0x8: {  	s24 =	simm.s32 $0x1;
	s25 =	simm.s32 $0x0;
	s5 =	smul.u32 $0x4800, s1  }
0x9: {  	[smem:$0x7FF] =	sst s2;
	s6 =	smul.u32 $0x46500, s1;
	s7 =	sand.u32 $0x1, s3  }
0xa: {  	s3 =	sadd.s32 $0xD2A00, s4;
	s8 =	ssub.s32 $0x2, s7;
	s9 =	smul.u32 $0x23280, s7  }
0xb: {  	_ =	strace $0x80000047;
	s7 =	smul.u32 $0x2400, s7;
	s10 =	sshrl.u32 s8, $0x1  }
0xc: {  	s5 =	sadd.s32 s5, s4;
	s6 =	sadd.s32 s6, s4;
	s31 =	ssub.s32 s8, s10  }
0xd: {  	s6 =	sadd.s32 s9, s6;
	s7 =	sadd.s32 s7, s5;
	s8 =	simm.s32 $0x7D  }
0xe: {  	s9 =	simm.s32 $0x400;
	s10 =	simm.s32 $0x80;
	s4 =	smax.u32 s31, $0x1  }
0xf: {  	s5 =	sadd.s32 $0x3E3E00, s6;
	s6 =	sadd.s32 $0x8AA00, s7;
	s7 =	simm.s32 $0x2  }
.LBB2_1:
0x10: {  	s26 =	sadd.s32 $0x0, s6  }
0x11: {  	[tilespmem:s2], [sflag:$0x2] =	stream.linear.gather [hbm4b:s26+s2], $0x400, $0x38;
	[tilespmem:$0x4280] =	vst v63  }
0x12: {  	_ =	swait.ge [sflag:s7], $0x400  }
0x13: {  	[sflag:s7] =	ssyncset.done $0x0  }
0x14: {  	[sflag:s7] =	ssyncadd.s32 $0xFFFFFC00  }
0x15: {  	[tilespmem:s9], [sflag:$0x1] =	stream.indirect.gather [hbm4b:s3+s8], $0x10, s2, s8, $0xb8;
	[tilespmem:$0x4280] =	vst v63  }
0x16: {  	_ = 	snop  }
0x17: {  	[tilespmem:s11], [sflag:$0x1] =	stream.indirect.gather [hbm4b:s3+s8], $0x10, s10, s8, $0xb8;
	[tilespmem:$0x4280] =	vst v63  }
0x18: {  	_ = 	snop  }
0x19: {  	[tilespmem:s13], [sflag:$0x1] =	stream.indirect.gather [hbm4b:s3+s8], $0x10, s12, s8, $0xb8;
	[tilespmem:$0x4280] =	vst v63  }
0x1a: {  	_ = 	snop  }
0x1b: {  	[tilespmem:s15], [sflag:$0x1] =	stream.indirect.gather [hbm4b:s3+s8], $0x10, s14, s8, $0xb8;
	[tilespmem:$0x4280] =	vst v63  }
0x1c: {  	_ = 	snop  }
0x1d: {  	[tilespmem:s17], [sflag:$0x1] =	stream.indirect.gather [hbm4b:s3+s8], $0x10, s16, s8, $0xb8;
	[tilespmem:$0x4280] =	vst v63  }
0x1e: {  	_ = 	snop  }
0x1f: {  	[tilespmem:s19], [sflag:$0x1] =	stream.indirect.gather [hbm4b:s3+s8], $0x10, s18, s8, $0xb8;
	[tilespmem:$0x4280] =	vst v63  }
0x20: {  	_ = 	snop  }
0x21: {  	[tilespmem:s21], [sflag:$0x1] =	stream.indirect.gather [hbm4b:s3+s8], $0x10, s20, s8, $0xb8;
	[tilespmem:$0x4280] =	vst v63  }
0x22: {  	_ = 	snop  }
0x23: {  	[tilespmem:s23], [sflag:$0x1] =	stream.indirect.gather [hbm4b:s3+s8], $0x10, s22, s8, $0xb8;
	[tilespmem:$0x4280] =	vst v63  }
0x24: {  	_ =	swait.ge [sflag:s24], $0x7D0  }
0x25: {  	[sflag:s24] =	ssyncset.done $0x0  }
0x26: {  	[sflag:s24] =	ssyncadd.s32 $0xFFFFF830  }
0x27: {  	_ =	swait.ge [sflag:s24], $0x7D0  }
0x28: {  	[sflag:s24] =	ssyncset.done $0x0  }
0x29: {  	[sflag:s24] =	ssyncadd.s32 $0xFFFFF830  }
0x2a: {  	_ =	swait.ge [sflag:s24], $0x7D0  }
0x2b: {  	[sflag:s24] =	ssyncset.done $0x0  }
0x2c: {  	[sflag:s24] =	ssyncadd.s32 $0xFFFFF830  }
0x2d: {  	_ =	swait.ge [sflag:s24], $0x7D0  }
0x2e: {  	[sflag:s24] =	ssyncset.done $0x0  }
0x2f: {  	[sflag:s24] =	ssyncadd.s32 $0xFFFFF830  }
0x30: {  	_ =	swait.ge [sflag:s24], $0x7D0  }
0x31: {  	[sflag:s24] =	ssyncset.done $0x0  }
0x32: {  	[sflag:s24] =	ssyncadd.s32 $0xFFFFF830  }
0x33: {  	_ =	swait.ge [sflag:s24], $0x7D0  }
0x34: {  	[sflag:s24] =	ssyncset.done $0x0  }
0x35: {  	[sflag:s24] =	ssyncadd.s32 $0xFFFFF830  }
0x36: {  	_ =	swait.ge [sflag:s24], $0x7D0  }
0x37: {  	[sflag:s24] =	ssyncset.done $0x0  }
0x38: {  	[sflag:s24] =	ssyncadd.s32 $0xFFFFF830  }
0x39: {  	_ =	swait.ge [sflag:s24], $0x7D0  }
0x3a: {  	[sflag:s24] =	ssyncset.done $0x0  }
0x3b: {  	[sflag:s24] =	ssyncadd.s32 $0xFFFFF830  }
0x3c: {  	[hbm4b:s5+s2] =	stream.linear.scatter [tilespmem:s9], [sflag:$0x2], $0x3E80, $0x38;
	[tilespmem:$0x4280] =	vst v63  }
0x3d: {  	s28 =	simm.s32 $0x80;
	_ =	swait.ge [sflag:s7], $0x3E80  }
0x3e: {  	s30 =	simm.s32 $0x100;
	s26 =	sadd.s32 $0x7D0, s5;
	[sflag:s7] =	ssyncset.done $0x0  }
.LBB2_2:
0x3f: {  	s31 =	sadd.s32 s28, s6  }
0x40: {  	[sflag:s7] =	ssyncadd.s32 $0xFFFFC180;
	s28 =	smov.u32 s30;
	s29 =	sadd.s32 $0x80, s30  }
0x41: {  	[tilespmem:s2], [sflag:$0x2] =	stream.linear.gather [hbm4b:s31+s2], $0x400, $0x38;
	[tilespmem:$0x4280] =	vst v63  }
0x42: {  	p0 =	sne.s32 s30, $0x2380;
	_ =	swait.ge [sflag:s7], $0x400  }
0x43: {  	[sflag:s7] =	ssyncset.done $0x0  }
0x44: {  	[sflag:s7] =	ssyncadd.s32 $0xFFFFFC00  }
0x45: {  	[tilespmem:s9], [sflag:$0x1] =	stream.indirect.gather [hbm4b:s3+s8], $0x10, s2, s8, $0xb8;
	[tilespmem:$0x4280] =	vst v63  }
0x46: {  	_ = 	snop  }
0x47: {  	[tilespmem:s11], [sflag:$0x1] =	stream.indirect.gather [hbm4b:s3+s8], $0x10, s10, s8, $0xb8;
	[tilespmem:$0x4280] =	vst v63  }
0x48: {  	_ = 	snop  }
0x49: {  	[tilespmem:s13], [sflag:$0x1] =	stream.indirect.gather [hbm4b:s3+s8], $0x10, s12, s8, $0xb8;
	[tilespmem:$0x4280] =	vst v63  }
0x4a: {  	_ = 	snop  }
0x4b: {  	[tilespmem:s15], [sflag:$0x1] =	stream.indirect.gather [hbm4b:s3+s8], $0x10, s14, s8, $0xb8;
	[tilespmem:$0x4280] =	vst v63  }
0x4c: {  	_ = 	snop  }
0x4d: {  	[tilespmem:s17], [sflag:$0x1] =	stream.indirect.gather [hbm4b:s3+s8], $0x10, s16, s8, $0xb8;
	[tilespmem:$0x4280] =	vst v63  }
0x4e: {  	_ = 	snop  }
0x4f: {  	[tilespmem:s19], [sflag:$0x1] =	stream.indirect.gather [hbm4b:s3+s8], $0x10, s18, s8, $0xb8;
	[tilespmem:$0x4280] =	vst v63  }
0x50: {  	_ = 	snop  }
0x51: {  	[tilespmem:s21], [sflag:$0x1] =	stream.indirect.gather [hbm4b:s3+s8], $0x10, s20, s8, $0xb8;
	[tilespmem:$0x4280] =	vst v63  }
0x52: {  	_ = 	snop  }
0x53: {  	[tilespmem:s23], [sflag:$0x1] =	stream.indirect.gather [hbm4b:s3+s8], $0x10, s22, s8, $0xb8;
	[tilespmem:$0x4280] =	vst v63  }
0x54: {  	_ =	swait.ge [sflag:s24], $0x7D0  }
0x55: {  	[sflag:s24] =	ssyncset.done $0x0  }
0x56: {  	[sflag:s24] =	ssyncadd.s32 $0xFFFFF830  }
0x57: {  	_ =	swait.ge [sflag:s24], $0x7D0  }
0x58: {  	[sflag:s24] =	ssyncset.done $0x0  }
0x59: {  	[sflag:s24] =	ssyncadd.s32 $0xFFFFF830  }
0x5a: {  	_ =	swait.ge [sflag:s24], $0x7D0  }
0x5b: {  	[sflag:s24] =	ssyncset.done $0x0  }
0x5c: {  	[sflag:s24] =	ssyncadd.s32 $0xFFFFF830  }
0x5d: {  	_ =	swait.ge [sflag:s24], $0x7D0  }
0x5e: {  	[sflag:s24] =	ssyncset.done $0x0  }
0x5f: {  	[sflag:s24] =	ssyncadd.s32 $0xFFFFF830  }
0x60: {  	_ =	swait.ge [sflag:s24], $0x7D0  }
0x61: {  	[sflag:s24] =	ssyncset.done $0x0  }
0x62: {  	[sflag:s24] =	ssyncadd.s32 $0xFFFFF830  }
0x63: {  	_ =	swait.ge [sflag:s24], $0x7D0  }
0x64: {  	[sflag:s24] =	ssyncset.done $0x0  }
0x65: {  	[sflag:s24] =	ssyncadd.s32 $0xFFFFF830  }
0x66: {  	_ =	swait.ge [sflag:s24], $0x7D0  }
0x67: {  	[sflag:s24] =	ssyncset.done $0x0  }
0x68: {  	[sflag:s24] =	ssyncadd.s32 $0xFFFFF830  }
0x69: {  	_ =	swait.ge [sflag:s24], $0x7D0  }
.Ltmp0:
0x6a: {  	[sflag:s24] =	ssyncset.done $0x0;
	(pc) =	sbr.rel @p0 .LBB2_2-.Ltmp0, $4  }
0x6b: {  	[sflag:s24] =	ssyncadd.s32 $0xFFFFF830  }
0x6c: {  	[hbm4b:s26+s2] =	stream.linear.scatter [tilespmem:s9], [sflag:$0x2], $0x3E80, $0x38;
	[tilespmem:$0x4280] =	vst v63  }
0x6d: {  	_ =	swait.ge [sflag:s7], $0x3E80  }
0x6e: {  	s30 =	smov.u32 s29;
	s26 =	sadd.s32 $0x7D0, s26;
	[sflag:s7] =	ssyncset.done $0x0  }
0x6f: {  	s28 =	sadd.s32 s28, s6;
	[sflag:s7] =	ssyncadd.s32 $0xFFFFC180  }
0x70: {  	[tilespmem:s2], [sflag:$0x2] =	stream.linear.gather [hbm4b:s28+s2], $0x400, $0x38;
	[tilespmem:$0x4280] =	vst v63  }
0x71: {  	_ =	swait.ge [sflag:s7], $0x400  }
0x72: {  	[sflag:s7] =	ssyncset.done $0x0  }
0x73: {  	[sflag:s7] =	ssyncadd.s32 $0xFFFFFC00  }
0x74: {  	[tilespmem:s9], [sflag:$0x1] =	stream.indirect.gather [hbm4b:s3+s8], $0x10, s2, s8, $0xb8;
	[tilespmem:$0x4280] =	vst v63  }
0x75: {  	_ = 	snop  }
0x76: {  	[tilespmem:s11], [sflag:$0x1] =	stream.indirect.gather [hbm4b:s3+s8], $0x10, s10, s8, $0xb8;
	[tilespmem:$0x4280] =	vst v63  }
0x77: {  	_ = 	snop  }
0x78: {  	[tilespmem:s13], [sflag:$0x1] =	stream.indirect.gather [hbm4b:s3+s8], $0x10, s12, s8, $0xb8;
	[tilespmem:$0x4280] =	vst v63  }
0x79: {  	_ = 	snop  }
0x7a: {  	[tilespmem:s15], [sflag:$0x1] =	stream.indirect.gather [hbm4b:s3+s8], $0x10, s14, s8, $0xb8;
	[tilespmem:$0x4280] =	vst v63  }
0x7b: {  	_ = 	snop  }
0x7c: {  	[tilespmem:s17], [sflag:$0x1] =	stream.indirect.gather [hbm4b:s3+s8], $0x10, s16, s8, $0xb8;
	[tilespmem:$0x4280] =	vst v63  }
0x7d: {  	_ = 	snop  }
0x7e: {  	[tilespmem:s19], [sflag:$0x1] =	stream.indirect.gather [hbm4b:s3+s8], $0x10, s18, s8, $0xb8;
	[tilespmem:$0x4280] =	vst v63  }
0x7f: {  	_ = 	snop  }
0x80: {  	[tilespmem:s21], [sflag:$0x1] =	stream.indirect.gather [hbm4b:s3+s8], $0x10, s20, s8, $0xb8;
	[tilespmem:$0x4280] =	vst v63  }
0x81: {  	_ = 	snop  }
0x82: {  	[tilespmem:s23], [sflag:$0x1] =	stream.indirect.gather [hbm4b:s3+s8], $0x10, s22, s8, $0xb8;
	[tilespmem:$0x4280] =	vst v63  }
0x83: {  	_ =	swait.ge [sflag:s24], $0x7D0  }
0x84: {  	[sflag:s24] =	ssyncset.done $0x0  }
0x85: {  	[sflag:s24] =	ssyncadd.s32 $0xFFFFF830  }
0x86: {  	_ =	swait.ge [sflag:s24], $0x7D0  }
0x87: {  	[sflag:s24] =	ssyncset.done $0x0  }
0x88: {  	[sflag:s24] =	ssyncadd.s32 $0xFFFFF830  }
0x89: {  	_ =	swait.ge [sflag:s24], $0x7D0  }
0x8a: {  	[sflag:s24] =	ssyncset.done $0x0  }
0x8b: {  	[sflag:s24] =	ssyncadd.s32 $0xFFFFF830  }
0x8c: {  	_ =	swait.ge [sflag:s24], $0x7D0  }
0x8d: {  	[sflag:s24] =	ssyncset.done $0x0  }
0x8e: {  	[sflag:s24] =	ssyncadd.s32 $0xFFFFF830  }
0x8f: {  	_ =	swait.ge [sflag:s24], $0x7D0  }
0x90: {  	[sflag:s24] =	ssyncset.done $0x0  }
0x91: {  	[sflag:s24] =	ssyncadd.s32 $0xFFFFF830  }
0x92: {  	_ =	swait.ge [sflag:s24], $0x7D0  }
0x93: {  	[sflag:s24] =	ssyncset.done $0x0  }
0x94: {  	[sflag:s24] =	ssyncadd.s32 $0xFFFFF830  }
0x95: {  	_ =	swait.ge [sflag:s24], $0x7D0  }
0x96: {  	[sflag:s24] =	ssyncset.done $0x0  }
0x97: {  	[sflag:s24] =	ssyncadd.s32 $0xFFFFF830  }
0x98: {  	s25 =	sadd.s32 $0x1, s25;
	_ =	swait.ge [sflag:s24], $0x7D0  }
0x99: {  	p0 =	sne.s32 s25, s4;
	[sflag:s24] =	ssyncset.done $0x0  }
.Ltmp1:
0x9a: {  	[sflag:s24] =	ssyncadd.s32 $0xFFFFF830;
	(pc) =	sbr.rel @p0 .LBB2_1-.Ltmp1, $4  }
0x9b: {  	[hbm4b:s26+s2] =	stream.linear.scatter [tilespmem:s9], [sflag:$0x2], $0x3E80, $0x38;
	[tilespmem:$0x4280] =	vst v63  }
0x9c: {  	_ =	swait.ge [sflag:s7], $0x3E80  }
0x9d: {  	[sflag:s7] =	ssyncset.done $0x0  }
0x9e: {  	[sflag:s7] =	ssyncadd.s32 $0xFFFFC180  }
0x9f: {  	_ =	sfence.sel $0x180000  }
0xa0: {  	[bflag:$0x0] =	sbarrier.arrive $0xFFFF  }
0xa1: {  	p0 =	sne.s32 s1, $0x0;
	_ =	strace $0x90000047  }
0xa2: {  	s0 =	sadd.s32 @!p0 $0x100000, s0;
	[bflag:$0x2] =	sbarrier.arrive $0xFFFF  }
0xa3: {  	[sflag:s0] =	ssyncadd.tile.s32 @!p0 $0x1;
	_ =	shalt  }
.Lfunc_end2:
_tile_overlayer_lowered:
.L_overlay_start_2:
0xa4: {  	(tag) =	ssettag $0x2  }
0xa5: {  	s0 =	rddreg [dreg:$0x0];
	s2 =	stileid.u32  }
0xa6: {  	s1 =	rddreg [dreg:$0x1];
	p0 =	sne.s32 s2, $0x0  }
0xa7: {  	s3 =	rddreg [dreg:$0x2];
	[bflag:$0x3] =	sbarrier.arrive $0xFFFF;
	s2 =	simm.s32 @!p0 $0x1C02  }
0xa8: {  	[timem:s3], [sflag:s2] =	dma.local @!p0 [hbm:s0], s1  }
0xa9: {  	s0 =	simm.s32 @!p0 $0x2  }
0xaa: {  	_ =	swait.ge @!p0 [sflag:s0], s1  }
0xab: {  	s1 =	ssub.s32 @!p0 $0x0, s1;
	[sflag:s0] =	ssyncset.done @!p0 $0x0  }
0xac: {  	[sflag:s0] =	ssyncadd.s32 @!p0 s1  }
0xad: {  	[bflag:$0x3] =	sbarrier.arrive $0xFFFF  }
0xae: {  	_ =	shalt  }

// kernel: kernel.16.cloned.1.call-start
scs
__scs_entry_jumppad:
0x0: {  	(pc) =	sbr.rel $0x88, $3  }
0x1: {  	(tag) =	ssettag $0x0;
	lr =	simm.s32 $0x1  }
0x2: {  	[smem:$0x3F96] =	sst lr;
	_ =	strace $0xD0000000  }
0x3: {  	_ = 	snop  }
0x4: {  	_ = 	snop  }
0x5: {  	_ = 	snop  }
0x6: {  	_ = 	snop  }
0x7: {  	_ = 	snop  }
__scs_overlays_trampoline_lowered:
0x8: {  	[smem:$0x3FA5] =	sst s0  }
0x9: {  	[smem:$0x3FA6] =	sst s1  }
0xa: {  	[smem:$0x3FA7] =	sst s2  }
0xb: {  	[smem:$0x3FA8] =	sst s3  }
0xc: {  	[smem:$0x3FA9] =	sst s4  }
0xd: {  	[smem:$0x3FAA] =	sst s5  }
0xe: {  	[smem:$0x3FAB] =	sst s6  }
0xf: {  	[smem:$0x3FAC] =	sst s7  }
0x10: {  	[smem:$0x3FAD] =	sst s8  }
0x11: {  	[smem:$0x3FAE] =	sst s9;
	s0 =	simm.s32 @!p0 $0x0  }
0x12: {  	s1 =	sld [smem:$0x3F94];
	s0 =	simm.s32 @p0 $0x1  }
0x13: {  	[smem:$0x3FAF] =	sst s0;
	s0 =	simm.s32 @!p1 $0x0  }
0x14: {  	s2 =	sld [smem:$0x3F93];
	s0 =	simm.s32 @p1 $0x1  }
0x15: {  	[smem:$0x3FB0] =	sst s0;
	s0 =	simm.s32 @!p2 $0x0  }
0x16: {  	s3 =	sld [smem:$0x3FDB];
	s0 =	simm.s32 @p2 $0x1  }
0x17: {  	s4 =	simm.s32 $0x1BF5;
	[smem:$0x3FB2] =	sst s0  }
0x18: {  	s0 =	sld [smem:$0x3F95];
	_ =	swait.ge [sflag:s4], $0x0  }
0x19: {  	s7 =	sld [smem:$0x3F96]  }
0x1a: {  	s8 =	sadd.s32 $0xFFFFE003, lr  }
0x1b: {  	s9 =	sadd.s32 $0xFFFFFEF7, lr;
	s5 =	simm.s32 $0xFFFFFFFF;
	p2 =	slt.u32 s8, $0xFFFFF086  }
0x1c: {  	p1 =	slt.u32 s9, $0xF7A;
	s5 =	simm.s32 @!p2 $0x0  }
0x1d: {  	s5 =	simm.s32 @p1 $0x1;
	p0 =	seq.s32 s7, s2  }
0x1e: {  	s7 =	smul.u32 @!p0 $0xF7A, s2;
	p2 =	seq.s32 @!p0 s5, $0x0  }
0x1f: {  	s9 =	smul.u32 $0xF7A, s1;
	s8 =	simm.s32 @!p0 $0x1BF5;
	p2 =	por !p2, p0  }
0x20: {  	[sflag:s8] =	ssyncset.s32 @!p0 $0xFFFFF086;
	s6 =	sadd.s32 @!p0 s3, s7;
	s7 =	simm.s32 @!p0 $0x108  }
0x21: {  	s3 =	sadd.s32 s3, s9;
	s6 =	sadd.s32 @!p0 $0x88, s6;
	s7 =	simm.s32 @p2 $0x1082  }
0x22: {  	[simem:s7], [sflag:s8] =	dma.local @!p0 [hbm:s6], $0xF7A  }
0x23: {  	s9 =	sor.u32 $0xD0000000, s2;
	s6 =	simm.s32 $0x108;
	_ =	swait.ge @!p0 [sflag:s8], $0x0  }
0x24: {  	s3 =	sadd.s32 $0x88, s3;
	s6 =	simm.s32 @!p1 $0x1082;
	[sflag:s4] =	ssyncset.s32 $0xFFFFF086  }
0x25: {  	[simem:s6], [sflag:s4] =	dma.local [hbm:s3], $0xF7A  }
0x26: {  	[smem:$0x3F96] =	sst s1;
	(tag) =	ssettag s2;
	_ =	strace s9  }
0x27: {  	s1 =	sld [smem:$0x3FA6]  }
0x28: {  	s2 =	sld [smem:$0x3FA7]  }
0x29: {  	s4 =	sld [smem:$0x3FA9]  }
0x2a: {  	p0 =	seq.s32 s5, $0x0;
	s5 =	sld [smem:$0x3FAA]  }
0x2b: {  	s6 =	sld [smem:$0x3FAB]  }
0x2c: {  	s7 =	sld [smem:$0x3FAC]  }
0x2d: {  	s3 =	simm.s32 $0x108;
	s8 =	sld [smem:$0x3FAD]  }
0x2e: {  	s3 =	simm.s32 @!p0 $0x1082;
	s9 =	sld [smem:$0x3FAE]  }
0x2f: {  	lr =	sadd.s32 s0, s3;
	s0 =	sld [smem:$0x3FA5]  }
0x30: {  	s3 =	sld [smem:$0x3FA8]  }
0x31: {  	[smem:$0x3FB1] =	sst s10  }
0x32: {  	s10 =	sld [smem:$0x3FAF];
	_ =	sdelay $0x3  }
0x33: {  	p0 =	seq.s32 s10, $0x1;
	s10 =	sld [smem:$0x3FB1];
	_ =	sdelay $0x3  }
0x34: {  	[smem:$0x3FB1] =	sst s10  }
0x35: {  	s10 =	sld [smem:$0x3FB0];
	_ =	sdelay $0x3  }
0x36: {  	p1 =	seq.s32 s10, $0x1;
	s10 =	sld [smem:$0x3FB1];
	_ =	sdelay $0x3  }
0x37: {  	[smem:$0x3FB1] =	sst s10  }
0x38: {  	s10 =	sld [smem:$0x3FB2]  }
0x39: {  	_ = 	snop;
	(pc) =	sbr.ind lr, $3  }
0x3a: {  	_ = 	snop  }
0x3b: {  	_ = 	snop  }
0x3c: {  	p2 =	seq.s32 s10, $0x1;
	s10 =	sld [smem:$0x3FB1]  }
0x3d: {  	_ =	shalt  }
0x3e: {  	_ =	shalt  }
0x3f: {  	_ =	shalt  }
0x40: {  	_ =	shalt  }
0x41: {  	_ =	shalt  }
0x42: {  	_ =	shalt  }
0x43: {  	_ =	shalt  }
0x44: {  	_ =	shalt  }
0x45: {  	_ =	shalt  }
0x46: {  	_ =	shalt  }
0x47: {  	_ =	shalt  }
0x48: {  	_ =	shalt  }
0x49: {  	_ =	shalt  }
0x4a: {  	_ =	shalt  }
0x4b: {  	_ =	shalt  }
0x4c: {  	_ =	shalt  }
0x4d: {  	_ =	shalt  }
0x4e: {  	_ =	shalt  }
0x4f: {  	_ =	shalt  }
0x50: {  	_ =	shalt  }
0x51: {  	_ =	shalt  }
0x52: {  	_ =	shalt  }
0x53: {  	_ =	shalt  }
0x54: {  	_ =	shalt  }
0x55: {  	_ =	shalt  }
0x56: {  	_ =	shalt  }
0x57: {  	_ =	shalt  }
0x58: {  	_ =	shalt  }
0x59: {  	_ =	shalt  }
0x5a: {  	_ =	shalt  }
0x5b: {  	_ =	shalt  }
0x5c: {  	_ =	shalt  }
0x5d: {  	_ =	shalt  }
0x5e: {  	_ =	shalt  }
0x5f: {  	_ =	shalt  }
0x60: {  	_ =	shalt  }
0x61: {  	_ =	shalt  }
0x62: {  	_ =	shalt  }
0x63: {  	_ =	shalt  }
0x64: {  	_ =	shalt  }
0x65: {  	_ =	shalt  }
0x66: {  	_ =	shalt  }
0x67: {  	_ =	shalt  }
0x68: {  	_ =	shalt  }
0x69: {  	_ =	shalt  }
0x6a: {  	_ =	shalt  }
0x6b: {  	_ =	shalt  }
0x6c: {  	_ =	shalt  }
0x6d: {  	_ =	shalt  }
0x6e: {  	_ =	shalt  }
0x6f: {  	_ =	shalt  }
0x70: {  	_ =	shalt  }
0x71: {  	_ =	shalt  }
0x72: {  	_ =	shalt  }
0x73: {  	_ =	shalt  }
0x74: {  	_ =	shalt  }
0x75: {  	_ =	shalt  }
0x76: {  	_ =	shalt  }
0x77: {  	_ =	shalt  }
0x78: {  	_ =	shalt  }
0x79: {  	_ =	shalt  }
0x7a: {  	_ =	shalt  }
0x7b: {  	_ =	shalt  }
0x7c: {  	_ =	shalt  }
0x7d: {  	_ =	shalt  }
0x7e: {  	_ =	shalt  }
0x7f: {  	_ =	shalt  }
0x80: {  	_ =	shalt  }
0x81: {  	_ =	shalt  }
0x82: {  	_ =	shalt  }
0x83: {  	_ =	shalt  }
0x84: {  	_ =	shalt  }
0x85: {  	_ =	shalt  }
0x86: {  	_ =	shalt  }
0x87: {  	_ =	shalt  }
.Lfunc_end0:
.L_simem_size_0:
called_computation.4_lowered:
.L_overlay_start_0:
0x88: {  	s2 =	sld [smem:$0x3FD9]  }
0x89: {  	s3 =	sld [smem:$0x3FFE];
	_ =	sdelay $0x1  }
0x8a: {  	s1 =	srdreg.scid  }
0x8b: {  	s0 =	sand.u32 $0x1, s1  }
0x8c: {  	s16 =	sshll.u32 s0, $0xA;
	s2 =	sadd.s32 s3, s2  }
0x8d: {  	s2 =	sadd.s32 s2, s16  }
0x8e: {  	[smem:$0x3FBD] =	sst s2  }
0x8f: {  	_ = 	snop  }
0x90: {  	(tm) =	ssettm $0x1  }
0x91: {  	s17 =	sld [smem:$0x3FFB];
	_ =	sdelay $0x3  }
0x92: {  	_ =	strace s17  }
0x93: {  	s2 =	sld [smem:$0x3FFC];
	_ =	sdelay $0x3  }
0x94: {  	_ =	strace s2  }
0x95: {  	s2 =	sld [smem:$0x3FFD];
	_ =	sdelay $0x3  }
0x96: {  	_ =	strace s2  }
0x97: {  	_ =	strace $0x8FFFFFFF  }
0x98: {  	s18 =	sld [smem:$0x3FDB];
	_ =	sdelay $0x1  }
0x99: {  	s19 =	simm.s32 $_scs_section_size  }
0x9a: {  	s4 =	simm.s32 $_size__tile_overlayer_lowered;
	s5 =	simm.s32 $_tile_overlayer_lowered  }
0x9b: {  	s22 =	simm.s32 $0x1BFF;
	s21 =	sshll.u32 s5, $0x1;
	s2 =	sadd.s32 s19, s18  }
0x9c: {  	s6 =	simm.s32 $0x0;
	s20 =	sshll.u32 s4, $0x1;
	s4 =	sadd.s32 s21, s2  }
0x9d: {  	[timem:s6], [sflag:s22] =	dma.local [hbm:s4], s20  }
0x9e: {  	_ =	swait.ge [sflag:s22], s20  }
0x9f: {  	s3 =	ssub.s32 $0x0, s20;
	[sflag:s22] =	ssyncset.done $0x0  }
0xa0: {  	[sflag:s22] =	ssyncadd.s32 s3;
	_ =	sdelay $0x1  }
0xa1: {  	s23 =	simm.s32 $0x1B8B  }
0xa2: {  	_ =	swait.ge [sflag:s23], $0x1  }
0xa3: {  	[sflag:s23] =	ssyncset.done $0x0  }
0xa4: {  	s25 =	simm.s32 $0x1B8E;
	s24 =	sld [smem:$0x3FFE];
	[sflag:s23] =	ssyncadd.s32 $0xFFFFFFFF  }
0xa5: {  	s26 =	simm.s32 $execute0_lowered;
	[smem:$0x3FD2] =	sst s25  }
0xa6: {  	s4 =	sshll.u32 s26, $0x1;
	_ =	strace $0x8000004C;
	[dreg:$0x1] =	wrdreg $0xFFFFFFFF  }
0xa7: {  	s28 =	simm.s32 $_size_execute0_lowered;
	s2 =	sadd.s32 s2, s4;
	[dreg:$0x0] =	wrdreg $0x0  }
0xa8: {  	s4 =	sshll.u32 s28, $0x1;
	[dreg:$0x2] =	wrdreg s2  }
0xa9: {  	[dreg:$0x3] =	wrdreg s4  }
0xaa: {  	[dreg:$0x4] =	wrdreg $0xC0  }
0xab: {  	_ =	task [dreg:s6], $0x5FFFF  }
0xac: {  	[dreg:$0x1] =	wrdreg $0xFFFFFFFF  }
0xad: {  	[dreg:$0x0] =	wrdreg $0x60  }
0xae: {  	[dreg:$0x2] =	wrdreg s24  }
0xaf: {  	[dreg:$0x3] =	wrdreg $0x9  }
0xb0: {  	_ =	task.clear_ibuf [dreg:s6], $0x4FFFF;
	_ =	strace $0x9000004C  }
0xb1: {  	s29 =	simm.s32 $0x9;
	_ =	strace $0x8000004E  }
0xb2: {  	_ =	swait.ge [sflag:s29], $0x1  }
0xb3: {  	[sflag:s29] =	ssyncadd.s32 $0xFFFFFFFF  }
0xb4: {  	_ =	strace $0x9000004E  }
0xb5: {  	_ =	sfence  }
0xb6: {  	s30 =	sld [smem:$0x0];
	_ =	sdelay $0x2  }
0xb7: {  	s31 =	sshll.u32 s1, $0xD;
	s1 =	sshrl.u32 s1, $0x2  }
0xb8: {  	s3 =	sand.u32 $0x4000, s31;
	s1 =	sadd.s32 s1, s30  }
0xb9: {  	s0 =	sor.u32 s3, s0;
	s1 =	sshll.u32 s1, $0x11  }
0xba: {  	s0 =	sor.u32 s1, s0  }
0xbb: {  	s0 =	sadd.s32 $0x8F2B, s0  }
0xbc: {  	[sflag:s0] =	ssyncadd.remote.s32 $0x1  }
0xbd: {  	_ =	sfence.sel $0xFFFF  }
0xbe: {  	[dreg:$0x0] =	wrdreg $0xFFFFFFFF;
	(pc) =	sbr.abs _section_cstart, $3  }
0xbf: {  	[dreg:$0x1] =	wrdreg $0xFFFFFFFF  }
0xc0: {  	_ =	task.clear_ibuf [dreg:s6], $0x2FFFF;
	_ =	strace $0x9FFFFFFF  }
0xc1: {  	(tm) =	ssettm $0x7FFFFFFF  }
tec
execute0_lowered:
.L_overlay_start_1:
0x0: {  	(tag) =	ssettag $0x1  }
0x1: {  	s4 =	rddreg [dreg:$0x0]  }
0x2: {  	s0 =	rddreg [dreg:$0x1];
	s1 =	stileid.u32  }
0x3: {  	s2 =	simm.s32 $0x0;
	s3 =	srdreg.scid;
	s11 =	simm.s32 $0xBD0  }
0x4: {  	s12 =	simm.s32 $0x100;
	s13 =	simm.s32 $0x13A0;
	s14 =	simm.s32 $0x180  }
0x5: {  	s15 =	simm.s32 $0x1B70;
	s16 =	simm.s32 $0x200;
	s17 =	simm.s32 $0x2340  }
0x6: {  	s18 =	simm.s32 $0x280;
	s19 =	simm.s32 $0x2B10;
	s20 =	simm.s32 $0x300  }
0x7: {  	s21 =	simm.s32 $0x32E0;
	s22 =	simm.s32 $0x380;
	s23 =	simm.s32 $0x3AB0  }
0x8: {  	s24 =	simm.s32 $0x1;
	s25 =	simm.s32 $0x0;
	s5 =	smul.u32 $0x4800, s1  }
0x9: {  	[smem:$0x7FF] =	sst s2;
	s6 =	smul.u32 $0x46500, s1;
	s7 =	sand.u32 $0x1, s3  }
0xa: {  	s3 =	sadd.s32 $0x50AA00, s4;
	s8 =	ssub.s32 $0x2, s7;
	s9 =	smul.u32 $0x23280, s7  }
0xb: {  	_ =	strace $0x8000004D;
	s7 =	smul.u32 $0x2400, s7;
	s10 =	sshrl.u32 s8, $0x1  }
0xc: {  	s5 =	sadd.s32 s5, s4;
	s6 =	sadd.s32 s6, s4;
	s31 =	ssub.s32 s8, s10  }
0xd: {  	s6 =	sadd.s32 s9, s6;
	s7 =	sadd.s32 s7, s5;
	s8 =	simm.s32 $0x7D  }
0xe: {  	s9 =	simm.s32 $0x400;
	s10 =	simm.s32 $0x80;
	s4 =	smax.u32 s31, $0x1  }
0xf: {  	s5 =	sadd.s32 $0x8AA00, s6;
	s6 =	sadd.s32 $0x2200, s7;
	s7 =	simm.s32 $0x2  }
.LBB2_1:
0x10: {  	s26 =	sadd.s32 $0x0, s6  }
0x11: {  	[tilespmem:s2], [sflag:$0x2] =	stream.linear.gather [hbm4b:s26+s2], $0x400, $0x38;
	[tilespmem:$0x4280] =	vst v63  }
0x12: {  	_ =	swait.ge [sflag:s7], $0x400  }
0x13: {  	[sflag:s7] =	ssyncset.done $0x0  }
0x14: {  	[sflag:s7] =	ssyncadd.s32 $0xFFFFFC00  }
0x15: {  	[tilespmem:s9], [sflag:$0x1] =	stream.indirect.gather [hbm4b:s3+s8], $0x10, s2, s8, $0xb8;
	[tilespmem:$0x4280] =	vst v63  }
0x16: {  	_ = 	snop  }
0x17: {  	[tilespmem:s11], [sflag:$0x1] =	stream.indirect.gather [hbm4b:s3+s8], $0x10, s10, s8, $0xb8;
	[tilespmem:$0x4280] =	vst v63  }
0x18: {  	_ = 	snop  }
0x19: {  	[tilespmem:s13], [sflag:$0x1] =	stream.indirect.gather [hbm4b:s3+s8], $0x10, s12, s8, $0xb8;
	[tilespmem:$0x4280] =	vst v63  }
0x1a: {  	_ = 	snop  }
0x1b: {  	[tilespmem:s15], [sflag:$0x1] =	stream.indirect.gather [hbm4b:s3+s8], $0x10, s14, s8, $0xb8;
	[tilespmem:$0x4280] =	vst v63  }
0x1c: {  	_ = 	snop  }
0x1d: {  	[tilespmem:s17], [sflag:$0x1] =	stream.indirect.gather [hbm4b:s3+s8], $0x10, s16, s8, $0xb8;
	[tilespmem:$0x4280] =	vst v63  }
0x1e: {  	_ = 	snop  }
0x1f: {  	[tilespmem:s19], [sflag:$0x1] =	stream.indirect.gather [hbm4b:s3+s8], $0x10, s18, s8, $0xb8;
	[tilespmem:$0x4280] =	vst v63  }
0x20: {  	_ = 	snop  }
0x21: {  	[tilespmem:s21], [sflag:$0x1] =	stream.indirect.gather [hbm4b:s3+s8], $0x10, s20, s8, $0xb8;
	[tilespmem:$0x4280] =	vst v63  }
0x22: {  	_ = 	snop  }
0x23: {  	[tilespmem:s23], [sflag:$0x1] =	stream.indirect.gather [hbm4b:s3+s8], $0x10, s22, s8, $0xb8;
	[tilespmem:$0x4280] =	vst v63  }
0x24: {  	_ =	swait.ge [sflag:s24], $0x7D0  }
0x25: {  	[sflag:s24] =	ssyncset.done $0x0  }
0x26: {  	[sflag:s24] =	ssyncadd.s32 $0xFFFFF830  }
0x27: {  	_ =	swait.ge [sflag:s24], $0x7D0  }
0x28: {  	[sflag:s24] =	ssyncset.done $0x0  }
0x29: {  	[sflag:s24] =	ssyncadd.s32 $0xFFFFF830  }
0x2a: {  	_ =	swait.ge [sflag:s24], $0x7D0  }
0x2b: {  	[sflag:s24] =	ssyncset.done $0x0  }
0x2c: {  	[sflag:s24] =	ssyncadd.s32 $0xFFFFF830  }
0x2d: {  	_ =	swait.ge [sflag:s24], $0x7D0  }
0x2e: {  	[sflag:s24] =	ssyncset.done $0x0  }
0x2f: {  	[sflag:s24] =	ssyncadd.s32 $0xFFFFF830  }
0x30: {  	_ =	swait.ge [sflag:s24], $0x7D0  }
0x31: {  	[sflag:s24] =	ssyncset.done $0x0  }
0x32: {  	[sflag:s24] =	ssyncadd.s32 $0xFFFFF830  }
0x33: {  	_ =	swait.ge [sflag:s24], $0x7D0  }
0x34: {  	[sflag:s24] =	ssyncset.done $0x0  }
0x35: {  	[sflag:s24] =	ssyncadd.s32 $0xFFFFF830  }
0x36: {  	_ =	swait.ge [sflag:s24], $0x7D0  }
0x37: {  	[sflag:s24] =	ssyncset.done $0x0  }
0x38: {  	[sflag:s24] =	ssyncadd.s32 $0xFFFFF830  }
0x39: {  	_ =	swait.ge [sflag:s24], $0x7D0  }
0x3a: {  	[sflag:s24] =	ssyncset.done $0x0  }
0x3b: {  	[sflag:s24] =	ssyncadd.s32 $0xFFFFF830  }
0x3c: {  	[hbm4b:s5+s2] =	stream.linear.scatter [tilespmem:s9], [sflag:$0x2], $0x3E80, $0x38;
	[tilespmem:$0x4280] =	vst v63  }
0x3d: {  	s28 =	simm.s32 $0x80;
	_ =	swait.ge [sflag:s7], $0x3E80  }
0x3e: {  	s30 =	simm.s32 $0x100;
	s26 =	sadd.s32 $0x7D0, s5;
	[sflag:s7] =	ssyncset.done $0x0  }
.LBB2_2:
0x3f: {  	s31 =	sadd.s32 s28, s6  }
0x40: {  	[sflag:s7] =	ssyncadd.s32 $0xFFFFC180;
	s28 =	smov.u32 s30;
	s29 =	sadd.s32 $0x80, s30  }
0x41: {  	[tilespmem:s2], [sflag:$0x2] =	stream.linear.gather [hbm4b:s31+s2], $0x400, $0x38;
	[tilespmem:$0x4280] =	vst v63  }
0x42: {  	p0 =	sne.s32 s30, $0x2380;
	_ =	swait.ge [sflag:s7], $0x400  }
0x43: {  	[sflag:s7] =	ssyncset.done $0x0  }
0x44: {  	[sflag:s7] =	ssyncadd.s32 $0xFFFFFC00  }
0x45: {  	[tilespmem:s9], [sflag:$0x1] =	stream.indirect.gather [hbm4b:s3+s8], $0x10, s2, s8, $0xb8;
	[tilespmem:$0x4280] =	vst v63  }
0x46: {  	_ = 	snop  }
0x47: {  	[tilespmem:s11], [sflag:$0x1] =	stream.indirect.gather [hbm4b:s3+s8], $0x10, s10, s8, $0xb8;
	[tilespmem:$0x4280] =	vst v63  }
0x48: {  	_ = 	snop  }
0x49: {  	[tilespmem:s13], [sflag:$0x1] =	stream.indirect.gather [hbm4b:s3+s8], $0x10, s12, s8, $0xb8;
	[tilespmem:$0x4280] =	vst v63  }
0x4a: {  	_ = 	snop  }
0x4b: {  	[tilespmem:s15], [sflag:$0x1] =	stream.indirect.gather [hbm4b:s3+s8], $0x10, s14, s8, $0xb8;
	[tilespmem:$0x4280] =	vst v63  }
0x4c: {  	_ = 	snop  }
0x4d: {  	[tilespmem:s17], [sflag:$0x1] =	stream.indirect.gather [hbm4b:s3+s8], $0x10, s16, s8, $0xb8;
	[tilespmem:$0x4280] =	vst v63  }
0x4e: {  	_ = 	snop  }
0x4f: {  	[tilespmem:s19], [sflag:$0x1] =	stream.indirect.gather [hbm4b:s3+s8], $0x10, s18, s8, $0xb8;
	[tilespmem:$0x4280] =	vst v63  }
0x50: {  	_ = 	snop  }
0x51: {  	[tilespmem:s21], [sflag:$0x1] =	stream.indirect.gather [hbm4b:s3+s8], $0x10, s20, s8, $0xb8;
	[tilespmem:$0x4280] =	vst v63  }
0x52: {  	_ = 	snop  }
0x53: {  	[tilespmem:s23], [sflag:$0x1] =	stream.indirect.gather [hbm4b:s3+s8], $0x10, s22, s8, $0xb8;
	[tilespmem:$0x4280] =	vst v63  }
0x54: {  	_ =	swait.ge [sflag:s24], $0x7D0  }
0x55: {  	[sflag:s24] =	ssyncset.done $0x0  }
0x56: {  	[sflag:s24] =	ssyncadd.s32 $0xFFFFF830  }
0x57: {  	_ =	swait.ge [sflag:s24], $0x7D0  }
0x58: {  	[sflag:s24] =	ssyncset.done $0x0  }
0x59: {  	[sflag:s24] =	ssyncadd.s32 $0xFFFFF830  }
0x5a: {  	_ =	swait.ge [sflag:s24], $0x7D0  }
0x5b: {  	[sflag:s24] =	ssyncset.done $0x0  }
0x5c: {  	[sflag:s24] =	ssyncadd.s32 $0xFFFFF830  }
0x5d: {  	_ =	swait.ge [sflag:s24], $0x7D0  }
0x5e: {  	[sflag:s24] =	ssyncset.done $0x0  }
0x5f: {  	[sflag:s24] =	ssyncadd.s32 $0xFFFFF830  }
0x60: {  	_ =	swait.ge [sflag:s24], $0x7D0  }
0x61: {  	[sflag:s24] =	ssyncset.done $0x0  }
0x62: {  	[sflag:s24] =	ssyncadd.s32 $0xFFFFF830  }
0x63: {  	_ =	swait.ge [sflag:s24], $0x7D0  }
0x64: {  	[sflag:s24] =	ssyncset.done $0x0  }
0x65: {  	[sflag:s24] =	ssyncadd.s32 $0xFFFFF830  }
0x66: {  	_ =	swait.ge [sflag:s24], $0x7D0  }
0x67: {  	[sflag:s24] =	ssyncset.done $0x0  }
0x68: {  	[sflag:s24] =	ssyncadd.s32 $0xFFFFF830  }
0x69: {  	_ =	swait.ge [sflag:s24], $0x7D0  }
.Ltmp0:
0x6a: {  	[sflag:s24] =	ssyncset.done $0x0;
	(pc) =	sbr.rel @p0 .LBB2_2-.Ltmp0, $4  }
0x6b: {  	[sflag:s24] =	ssyncadd.s32 $0xFFFFF830  }
0x6c: {  	[hbm4b:s26+s2] =	stream.linear.scatter [tilespmem:s9], [sflag:$0x2], $0x3E80, $0x38;
	[tilespmem:$0x4280] =	vst v63  }
0x6d: {  	_ =	swait.ge [sflag:s7], $0x3E80  }
0x6e: {  	s30 =	smov.u32 s29;
	s26 =	sadd.s32 $0x7D0, s26;
	[sflag:s7] =	ssyncset.done $0x0  }
0x6f: {  	s28 =	sadd.s32 s28, s6;
	[sflag:s7] =	ssyncadd.s32 $0xFFFFC180  }
0x70: {  	[tilespmem:s2], [sflag:$0x2] =	stream.linear.gather [hbm4b:s28+s2], $0x400, $0x38;
	[tilespmem:$0x4280] =	vst v63  }
0x71: {  	_ =	swait.ge [sflag:s7], $0x400  }
0x72: {  	[sflag:s7] =	ssyncset.done $0x0  }
0x73: {  	[sflag:s7] =	ssyncadd.s32 $0xFFFFFC00  }
0x74: {  	[tilespmem:s9], [sflag:$0x1] =	stream.indirect.gather [hbm4b:s3+s8], $0x10, s2, s8, $0xb8;
	[tilespmem:$0x4280] =	vst v63  }
0x75: {  	_ = 	snop  }
0x76: {  	[tilespmem:s11], [sflag:$0x1] =	stream.indirect.gather [hbm4b:s3+s8], $0x10, s10, s8, $0xb8;
	[tilespmem:$0x4280] =	vst v63  }
0x77: {  	_ = 	snop  }
0x78: {  	[tilespmem:s13], [sflag:$0x1] =	stream.indirect.gather [hbm4b:s3+s8], $0x10, s12, s8, $0xb8;
	[tilespmem:$0x4280] =	vst v63  }
0x79: {  	_ = 	snop  }
0x7a: {  	[tilespmem:s15], [sflag:$0x1] =	stream.indirect.gather [hbm4b:s3+s8], $0x10, s14, s8, $0xb8;
	[tilespmem:$0x4280] =	vst v63  }
0x7b: {  	_ = 	snop  }
0x7c: {  	[tilespmem:s17], [sflag:$0x1] =	stream.indirect.gather [hbm4b:s3+s8], $0x10, s16, s8, $0xb8;
	[tilespmem:$0x4280] =	vst v63  }
0x7d: {  	_ = 	snop  }
0x7e: {  	[tilespmem:s19], [sflag:$0x1] =	stream.indirect.gather [hbm4b:s3+s8], $0x10, s18, s8, $0xb8;
	[tilespmem:$0x4280] =	vst v63  }
0x7f: {  	_ = 	snop  }
0x80: {  	[tilespmem:s21], [sflag:$0x1] =	stream.indirect.gather [hbm4b:s3+s8], $0x10, s20, s8, $0xb8;
	[tilespmem:$0x4280] =	vst v63  }
0x81: {  	_ = 	snop  }
0x82: {  	[tilespmem:s23], [sflag:$0x1] =	stream.indirect.gather [hbm4b:s3+s8], $0x10, s22, s8, $0xb8;
	[tilespmem:$0x4280] =	vst v63  }
0x83: {  	_ =	swait.ge [sflag:s24], $0x7D0  }
0x84: {  	[sflag:s24] =	ssyncset.done $0x0  }
0x85: {  	[sflag:s24] =	ssyncadd.s32 $0xFFFFF830  }
0x86: {  	_ =	swait.ge [sflag:s24], $0x7D0  }
0x87: {  	[sflag:s24] =	ssyncset.done $0x0  }
0x88: {  	[sflag:s24] =	ssyncadd.s32 $0xFFFFF830  }
0x89: {  	_ =	swait.ge [sflag:s24], $0x7D0  }
0x8a: {  	[sflag:s24] =	ssyncset.done $0x0  }
0x8b: {  	[sflag:s24] =	ssyncadd.s32 $0xFFFFF830  }
0x8c: {  	_ =	swait.ge [sflag:s24], $0x7D0  }
0x8d: {  	[sflag:s24] =	ssyncset.done $0x0  }
0x8e: {  	[sflag:s24] =	ssyncadd.s32 $0xFFFFF830  }
0x8f: {  	_ =	swait.ge [sflag:s24], $0x7D0  }
0x90: {  	[sflag:s24] =	ssyncset.done $0x0  }
0x91: {  	[sflag:s24] =	ssyncadd.s32 $0xFFFFF830  }
0x92: {  	_ =	swait.ge [sflag:s24], $0x7D0  }
0x93: {  	[sflag:s24] =	ssyncset.done $0x0  }
0x94: {  	[sflag:s24] =	ssyncadd.s32 $0xFFFFF830  }
0x95: {  	_ =	swait.ge [sflag:s24], $0x7D0  }
0x96: {  	[sflag:s24] =	ssyncset.done $0x0  }
0x97: {  	[sflag:s24] =	ssyncadd.s32 $0xFFFFF830  }
0x98: {  	s25 =	sadd.s32 $0x1, s25;
	_ =	swait.ge [sflag:s24], $0x7D0  }
0x99: {  	p0 =	sne.s32 s25, s4;
	[sflag:s24] =	ssyncset.done $0x0  }
.Ltmp1:
0x9a: {  	[sflag:s24] =	ssyncadd.s32 $0xFFFFF830;
	(pc) =	sbr.rel @p0 .LBB2_1-.Ltmp1, $4  }
0x9b: {  	[hbm4b:s26+s2] =	stream.linear.scatter [tilespmem:s9], [sflag:$0x2], $0x3E80, $0x38;
	[tilespmem:$0x4280] =	vst v63  }
0x9c: {  	_ =	swait.ge [sflag:s7], $0x3E80  }
0x9d: {  	[sflag:s7] =	ssyncset.done $0x0  }
0x9e: {  	[sflag:s7] =	ssyncadd.s32 $0xFFFFC180  }
0x9f: {  	_ =	sfence.sel $0x180000  }
0xa0: {  	[bflag:$0x0] =	sbarrier.arrive $0xFFFF  }
0xa1: {  	p0 =	sne.s32 s1, $0x0;
	_ =	strace $0x9000004D  }
0xa2: {  	s0 =	sadd.s32 @!p0 $0x100000, s0;
	[bflag:$0x2] =	sbarrier.arrive $0xFFFF  }
0xa3: {  	[sflag:s0] =	ssyncadd.tile.s32 @!p0 $0x1;
	_ =	shalt  }
.Lfunc_end2:
_tile_overlayer_lowered:
.L_overlay_start_2:
0xa4: {  	(tag) =	ssettag $0x2  }
0xa5: {  	s0 =	rddreg [dreg:$0x0];
	s2 =	stileid.u32  }
0xa6: {  	s1 =	rddreg [dreg:$0x1];
	p0 =	sne.s32 s2, $0x0  }
0xa7: {  	s3 =	rddreg [dreg:$0x2];
	[bflag:$0x3] =	sbarrier.arrive $0xFFFF;
	s2 =	simm.s32 @!p0 $0x1C02  }
0xa8: {  	[timem:s3], [sflag:s2] =	dma.local @!p0 [hbm:s0], s1  }
0xa9: {  	s0 =	simm.s32 @!p0 $0x2  }
0xaa: {  	_ =	swait.ge @!p0 [sflag:s0], s1  }
0xab: {  	s1 =	ssub.s32 @!p0 $0x0, s1;
	[sflag:s0] =	ssyncset.done @!p0 $0x0  }
0xac: {  	[sflag:s0] =	ssyncadd.s32 @!p0 s1  }
0xad: {  	[bflag:$0x3] =	sbarrier.arrive $0xFFFF  }
0xae: {  	_ =	shalt  }

// kernel: kernel.19.cloned.1.call-start
scs
__scs_entry_jumppad:
0x0: {  	(pc) =	sbr.rel $0x88, $3  }
0x1: {  	(tag) =	ssettag $0x0;
	lr =	simm.s32 $0x1  }
0x2: {  	[smem:$0x3F96] =	sst lr;
	_ =	strace $0xD0000000  }
0x3: {  	_ = 	snop  }
0x4: {  	_ = 	snop  }
0x5: {  	_ = 	snop  }
0x6: {  	_ = 	snop  }
0x7: {  	_ = 	snop  }
__scs_overlays_trampoline_lowered:
0x8: {  	[smem:$0x3FA5] =	sst s0  }
0x9: {  	[smem:$0x3FA6] =	sst s1  }
0xa: {  	[smem:$0x3FA7] =	sst s2  }
0xb: {  	[smem:$0x3FA8] =	sst s3  }
0xc: {  	[smem:$0x3FA9] =	sst s4  }
0xd: {  	[smem:$0x3FAA] =	sst s5  }
0xe: {  	[smem:$0x3FAB] =	sst s6  }
0xf: {  	[smem:$0x3FAC] =	sst s7  }
0x10: {  	[smem:$0x3FAD] =	sst s8  }
0x11: {  	[smem:$0x3FAE] =	sst s9;
	s0 =	simm.s32 @!p0 $0x0  }
0x12: {  	s1 =	sld [smem:$0x3F94];
	s0 =	simm.s32 @p0 $0x1  }
0x13: {  	[smem:$0x3FAF] =	sst s0;
	s0 =	simm.s32 @!p1 $0x0  }
0x14: {  	s2 =	sld [smem:$0x3F93];
	s0 =	simm.s32 @p1 $0x1  }
0x15: {  	[smem:$0x3FB0] =	sst s0;
	s0 =	simm.s32 @!p2 $0x0  }
0x16: {  	s3 =	sld [smem:$0x3FDB];
	s0 =	simm.s32 @p2 $0x1  }
0x17: {  	s4 =	simm.s32 $0x1BF5;
	[smem:$0x3FB2] =	sst s0  }
0x18: {  	s0 =	sld [smem:$0x3F95];
	_ =	swait.ge [sflag:s4], $0x0  }
0x19: {  	s7 =	sld [smem:$0x3F96]  }
0x1a: {  	s8 =	sadd.s32 $0xFFFFE003, lr  }
0x1b: {  	s9 =	sadd.s32 $0xFFFFFEF7, lr;
	s5 =	simm.s32 $0xFFFFFFFF;
	p2 =	slt.u32 s8, $0xFFFFF086  }
0x1c: {  	p1 =	slt.u32 s9, $0xF7A;
	s5 =	simm.s32 @!p2 $0x0  }
0x1d: {  	s5 =	simm.s32 @p1 $0x1;
	p0 =	seq.s32 s7, s2  }
0x1e: {  	s7 =	smul.u32 @!p0 $0xF7A, s2;
	p2 =	seq.s32 @!p0 s5, $0x0  }
0x1f: {  	s9 =	smul.u32 $0xF7A, s1;
	s8 =	simm.s32 @!p0 $0x1BF5;
	p2 =	por !p2, p0  }
0x20: {  	[sflag:s8] =	ssyncset.s32 @!p0 $0xFFFFF086;
	s6 =	sadd.s32 @!p0 s3, s7;
	s7 =	simm.s32 @!p0 $0x108  }
0x21: {  	s3 =	sadd.s32 s3, s9;
	s6 =	sadd.s32 @!p0 $0x88, s6;
	s7 =	simm.s32 @p2 $0x1082  }
0x22: {  	[simem:s7], [sflag:s8] =	dma.local @!p0 [hbm:s6], $0xF7A  }
0x23: {  	s9 =	sor.u32 $0xD0000000, s2;
	s6 =	simm.s32 $0x108;
	_ =	swait.ge @!p0 [sflag:s8], $0x0  }
0x24: {  	s3 =	sadd.s32 $0x88, s3;
	s6 =	simm.s32 @!p1 $0x1082;
	[sflag:s4] =	ssyncset.s32 $0xFFFFF086  }
0x25: {  	[simem:s6], [sflag:s4] =	dma.local [hbm:s3], $0xF7A  }
0x26: {  	[smem:$0x3F96] =	sst s1;
	(tag) =	ssettag s2;
	_ =	strace s9  }
0x27: {  	s1 =	sld [smem:$0x3FA6]  }
0x28: {  	s2 =	sld [smem:$0x3FA7]  }
0x29: {  	s4 =	sld [smem:$0x3FA9]  }
0x2a: {  	p0 =	seq.s32 s5, $0x0;
	s5 =	sld [smem:$0x3FAA]  }
0x2b: {  	s6 =	sld [smem:$0x3FAB]  }
0x2c: {  	s7 =	sld [smem:$0x3FAC]  }
0x2d: {  	s3 =	simm.s32 $0x108;
	s8 =	sld [smem:$0x3FAD]  }
0x2e: {  	s3 =	simm.s32 @!p0 $0x1082;
	s9 =	sld [smem:$0x3FAE]  }
0x2f: {  	lr =	sadd.s32 s0, s3;
	s0 =	sld [smem:$0x3FA5]  }
0x30: {  	s3 =	sld [smem:$0x3FA8]  }
0x31: {  	[smem:$0x3FB1] =	sst s10  }
0x32: {  	s10 =	sld [smem:$0x3FAF];
	_ =	sdelay $0x3  }
0x33: {  	p0 =	seq.s32 s10, $0x1;
	s10 =	sld [smem:$0x3FB1];
	_ =	sdelay $0x3  }
0x34: {  	[smem:$0x3FB1] =	sst s10  }
0x35: {  	s10 =	sld [smem:$0x3FB0];
	_ =	sdelay $0x3  }
0x36: {  	p1 =	seq.s32 s10, $0x1;
	s10 =	sld [smem:$0x3FB1];
	_ =	sdelay $0x3  }
0x37: {  	[smem:$0x3FB1] =	sst s10  }
0x38: {  	s10 =	sld [smem:$0x3FB2]  }
0x39: {  	_ = 	snop;
	(pc) =	sbr.ind lr, $3  }
0x3a: {  	_ = 	snop  }
0x3b: {  	_ = 	snop  }
0x3c: {  	p2 =	seq.s32 s10, $0x1;
	s10 =	sld [smem:$0x3FB1]  }
0x3d: {  	_ =	shalt  }
0x3e: {  	_ =	shalt  }
0x3f: {  	_ =	shalt  }
0x40: {  	_ =	shalt  }
0x41: {  	_ =	shalt  }
0x42: {  	_ =	shalt  }
0x43: {  	_ =	shalt  }
0x44: {  	_ =	shalt  }
0x45: {  	_ =	shalt  }
0x46: {  	_ =	shalt  }
0x47: {  	_ =	shalt  }
0x48: {  	_ =	shalt  }
0x49: {  	_ =	shalt  }
0x4a: {  	_ =	shalt  }
0x4b: {  	_ =	shalt  }
0x4c: {  	_ =	shalt  }
0x4d: {  	_ =	shalt  }
0x4e: {  	_ =	shalt  }
0x4f: {  	_ =	shalt  }
0x50: {  	_ =	shalt  }
0x51: {  	_ =	shalt  }
0x52: {  	_ =	shalt  }
0x53: {  	_ =	shalt  }
0x54: {  	_ =	shalt  }
0x55: {  	_ =	shalt  }
0x56: {  	_ =	shalt  }
0x57: {  	_ =	shalt  }
0x58: {  	_ =	shalt  }
0x59: {  	_ =	shalt  }
0x5a: {  	_ =	shalt  }
0x5b: {  	_ =	shalt  }
0x5c: {  	_ =	shalt  }
0x5d: {  	_ =	shalt  }
0x5e: {  	_ =	shalt  }
0x5f: {  	_ =	shalt  }
0x60: {  	_ =	shalt  }
0x61: {  	_ =	shalt  }
0x62: {  	_ =	shalt  }
0x63: {  	_ =	shalt  }
0x64: {  	_ =	shalt  }
0x65: {  	_ =	shalt  }
0x66: {  	_ =	shalt  }
0x67: {  	_ =	shalt  }
0x68: {  	_ =	shalt  }
0x69: {  	_ =	shalt  }
0x6a: {  	_ =	shalt  }
0x6b: {  	_ =	shalt  }
0x6c: {  	_ =	shalt  }
0x6d: {  	_ =	shalt  }
0x6e: {  	_ =	shalt  }
0x6f: {  	_ =	shalt  }
0x70: {  	_ =	shalt  }
0x71: {  	_ =	shalt  }
0x72: {  	_ =	shalt  }
0x73: {  	_ =	shalt  }
0x74: {  	_ =	shalt  }
0x75: {  	_ =	shalt  }
0x76: {  	_ =	shalt  }
0x77: {  	_ =	shalt  }
0x78: {  	_ =	shalt  }
0x79: {  	_ =	shalt  }
0x7a: {  	_ =	shalt  }
0x7b: {  	_ =	shalt  }
0x7c: {  	_ =	shalt  }
0x7d: {  	_ =	shalt  }
0x7e: {  	_ =	shalt  }
0x7f: {  	_ =	shalt  }
0x80: {  	_ =	shalt  }
0x81: {  	_ =	shalt  }
0x82: {  	_ =	shalt  }
0x83: {  	_ =	shalt  }
0x84: {  	_ =	shalt  }
0x85: {  	_ =	shalt  }
0x86: {  	_ =	shalt  }
0x87: {  	_ =	shalt  }
.Lfunc_end0:
.L_simem_size_0:
called_computation.5_lowered:
.L_overlay_start_0:
0x88: {  	s2 =	sld [smem:$0x3FD9]  }
0x89: {  	s3 =	sld [smem:$0x3FFE];
	_ =	sdelay $0x1  }
0x8a: {  	s1 =	srdreg.scid  }
0x8b: {  	s0 =	sand.u32 $0x1, s1  }
0x8c: {  	s17 =	sshll.u32 s0, $0xA;
	s2 =	sadd.s32 s3, s2  }
0x8d: {  	s2 =	sadd.s32 s2, s17  }
0x8e: {  	[smem:$0x3FBD] =	sst s2  }
0x8f: {  	_ = 	snop  }
0x90: {  	(tm) =	ssettm $0x1  }
0x91: {  	s18 =	sld [smem:$0x3FFB];
	_ =	sdelay $0x3  }
0x92: {  	_ =	strace s18  }
0x93: {  	s2 =	sld [smem:$0x3FFC];
	_ =	sdelay $0x3  }
0x94: {  	_ =	strace s2  }
0x95: {  	s2 =	sld [smem:$0x3FFD];
	_ =	sdelay $0x3  }
0x96: {  	_ =	strace s2  }
0x97: {  	_ =	strace $0x8FFFFFFF  }
0x98: {  	s19 =	sld [smem:$0x3FDB];
	_ =	sdelay $0x1  }
0x99: {  	s20 =	simm.s32 $_scs_section_size  }
0x9a: {  	s4 =	simm.s32 $_size__tile_overlayer_lowered;
	s5 =	simm.s32 $_tile_overlayer_lowered  }
0x9b: {  	s6 =	simm.s32 $0x1BFF;
	s21 =	sshll.u32 s5, $0x1;
	s3 =	sadd.s32 s20, s19  }
0x9c: {  	s22 =	simm.s32 $0x0;
	s4 =	sshll.u32 s4, $0x1;
	s5 =	sadd.s32 s21, s3  }
0x9d: {  	[timem:s22], [sflag:s6] =	dma.local [hbm:s5], s4  }
0x9e: {  	_ =	swait.ge [sflag:s6], s4  }
0x9f: {  	s4 =	ssub.s32 $0x0, s4;
	[sflag:s6] =	ssyncset.done $0x0  }
0xa0: {  	[sflag:s6] =	ssyncadd.s32 s4;
	_ =	sdelay $0x1  }
0xa1: {  	s23 =	simm.s32 $0x1B8B  }
0xa2: {  	_ =	swait.ge [sflag:s23], $0x1  }
0xa3: {  	[sflag:s23] =	ssyncset.done $0x0  }
0xa4: {  	[sflag:s23] =	ssyncadd.s32 $0xFFFFFFFF  }
0xa5: {  	s4 =	sld [smem:$0x0]  }
0xa6: {  	s5 =	sand.u32 $0xFFFFFFFE, s1  }
0xa7: {  	p0 =	sne.s32 s1, s5  }
0xa8: {  	s5 =	sshll.u32 @p0 s5, $0xE  }
0xa9: {  	s5 =	sadd.s32 @p0 $0x11B8D, s5;
	s6 =	sshll.u32 @p0 s4, $0x11  }
0xaa: {  	s5 =	sor.u32 @p0 s6, s5  }
0xab: {  	[sflag:s5] =	ssyncadd.remote.s32 @p0 $0x1;
	_ =	sdelay $0x1  }
0xac: {  	s5 =	simm.s32 @p0 $0x1B8D  }
0xad: {  	_ =	swait.eq @p0 [sflag:s5], $0x1  }
0xae: {  	[sflag:s5] =	ssyncadd.s32 @p0 $0xFFFFFFFF  }
0xaf: {  	s6 =	sshll.u32 @!p0 s1, $0xE  }
0xb0: {  	s6 =	sor.u32 @!p0 $0x4000, s6;
	s5 =	simm.s32 @!p0 $0x1B8D  }
0xb1: {  	s4 =	sshll.u32 @!p0 s4, $0x11;
	s6 =	sadd.s32 @!p0 $0x11B8D, s6;
	_ =	swait.eq @!p0 [sflag:s5], $0x1  }
0xb2: {  	s4 =	sor.u32 @!p0 s4, s6;
	[sflag:s5] =	ssyncadd.s32 @!p0 $0xFFFFFFFF  }
0xb3: {  	s25 =	simm.s32 $0x1B8E;
	s24 =	sld [smem:$0x3FFE];
	[sflag:s4] =	ssyncadd.remote.s32 @!p0 $0x1  }
0xb4: {  	s26 =	simm.s32 $execute0_lowered;
	[smem:$0x3FD2] =	sst s25  }
0xb5: {  	s5 =	sshll.u32 s26, $0x1;
	_ =	strace $0x80000055;
	[dreg:$0x1] =	wrdreg $0xFFFFFFFF  }
0xb6: {  	s28 =	simm.s32 $_size_execute0_lowered;
	s3 =	sadd.s32 s3, s5;
	[dreg:$0x0] =	wrdreg $0x0  }
0xb7: {  	s5 =	sshll.u32 s28, $0x1;
	[dreg:$0x2] =	wrdreg s3  }
0xb8: {  	[dreg:$0x3] =	wrdreg s5  }
0xb9: {  	[dreg:$0x4] =	wrdreg $0xC0  }
0xba: {  	_ =	task [dreg:s22], $0x5FFFF  }
0xbb: {  	[dreg:$0x1] =	wrdreg $0xFFFFFFFF  }
0xbc: {  	[dreg:$0x0] =	wrdreg $0x60  }
0xbd: {  	[dreg:$0x2] =	wrdreg s24  }
0xbe: {  	[dreg:$0x3] =	wrdreg $0xA  }
0xbf: {  	_ =	task.clear_ibuf [dreg:s22], $0x4FFFF;
	_ =	strace $0x90000055  }
0xc0: {  	s29 =	simm.s32 $0xA;
	_ =	strace $0x80000057  }
0xc1: {  	_ =	swait.ge [sflag:s29], $0x1  }
0xc2: {  	[sflag:s29] =	ssyncadd.s32 $0xFFFFFFFF  }
0xc3: {  	_ =	strace $0x90000057  }
0xc4: {  	_ =	sfence  }
0xc5: {  	s30 =	sld [smem:$0x0];
	_ =	sdelay $0x2  }
0xc6: {  	s31 =	sshll.u32 s1, $0xD;
	s1 =	sshrl.u32 s1, $0x2  }
0xc7: {  	s4 =	sand.u32 $0x4000, s31;
	s1 =	sadd.s32 s1, s30  }
0xc8: {  	s0 =	sor.u32 s4, s0;
	s1 =	sshll.u32 s1, $0x11  }
0xc9: {  	s0 =	sor.u32 s1, s0  }
0xca: {  	s0 =	sadd.s32 $0x8F2B, s0  }
0xcb: {  	[sflag:s0] =	ssyncadd.remote.s32 $0x1  }
0xcc: {  	_ =	sfence.sel $0xFFFF  }
0xcd: {  	[dreg:$0x0] =	wrdreg $0xFFFFFFFF;
	(pc) =	sbr.abs _section_cstart, $3  }
0xce: {  	[dreg:$0x1] =	wrdreg $0xFFFFFFFF  }
0xcf: {  	_ =	task.clear_ibuf [dreg:s22], $0x2FFFF;
	_ =	strace $0x9FFFFFFF  }
0xd0: {  	(tm) =	ssettm $0x7FFFFFFF  }
0xd1: {  	_ =	shalt  }
tec
execute0_lowered:
.L_overlay_start_1:
0x0: {  	(tag) =	ssettag $0x1  }
0x1: {  	s4 =	rddreg [dreg:$0x0]  }
0x2: {  	s0 =	rddreg [dreg:$0x1];
	s1 =	stileid.u32  }
0x3: {  	s2 =	simm.s32 $0x0;
	s3 =	srdreg.scid;
	s11 =	simm.s32 $0xBD0  }
0x4: {  	s12 =	simm.s32 $0x100;
	s13 =	simm.s32 $0x13A0;
	s14 =	simm.s32 $0x180  }
0x5: {  	s15 =	simm.s32 $0x1B70;
	s16 =	simm.s32 $0x200;
	s17 =	simm.s32 $0x2340  }
0x6: {  	s18 =	simm.s32 $0x280;
	s19 =	simm.s32 $0x2B10;
	s20 =	simm.s32 $0x300  }
0x7: {  	s21 =	simm.s32 $0x32E0;
	s22 =	simm.s32 $0x380;
	s23 =	simm.s32 $0x3AB0  }
0x8: {  	s24 =	simm.s32 $0x1;
	s25 =	simm.s32 $0x0;
	s5 =	smul.u32 $0x4800, s1  }
0x9: {  	[smem:$0x7FF] =	sst s2;
	s6 =	smul.u32 $0x46500, s1;
	s7 =	sand.u32 $0x1, s3  }
0xa: {  	s3 =	sadd.s32 $0x2200, s4;
	s8 =	ssub.s32 $0x2, s7;
	s9 =	smul.u32 $0x23280, s7  }
0xb: {  	_ =	strace $0x80000056;
	s7 =	smul.u32 $0x2400, s7;
	s10 =	sshrl.u32 s8, $0x1  }
0xc: {  	s5 =	sadd.s32 s5, s4;
	s6 =	sadd.s32 s6, s4;
	s31 =	ssub.s32 s8, s10  }
0xd: {  	s6 =	sadd.s32 s9, s6;
	s7 =	sadd.s32 s7, s5;
	s8 =	simm.s32 $0x7D  }
0xe: {  	s9 =	simm.s32 $0x400;
	s10 =	simm.s32 $0x80;
	s4 =	smax.u32 s31, $0x1  }
0xf: {  	s5 =	sadd.s32 $0x2977400, s6;
	s6 =	sadd.s32 $0x8AA00, s7;
	s7 =	simm.s32 $0x2  }
.LBB2_1:
0x10: {  	s26 =	sadd.s32 $0x0, s6  }
0x11: {  	[tilespmem:s2], [sflag:$0x2] =	stream.linear.gather [hbm4b:s26+s2], $0x400, $0x38;
	[tilespmem:$0x4280] =	vst v63  }
0x12: {  	_ =	swait.ge [sflag:s7], $0x400  }
0x13: {  	[sflag:s7] =	ssyncset.done $0x0  }
0x14: {  	[sflag:s7] =	ssyncadd.s32 $0xFFFFFC00  }
0x15: {  	[tilespmem:s9], [sflag:$0x1] =	stream.indirect.gather [hbm4b:s3+s8], $0x10, s2, s8, $0xb8;
	[tilespmem:$0x4280] =	vst v63  }
0x16: {  	_ = 	snop  }
0x17: {  	[tilespmem:s11], [sflag:$0x1] =	stream.indirect.gather [hbm4b:s3+s8], $0x10, s10, s8, $0xb8;
	[tilespmem:$0x4280] =	vst v63  }
0x18: {  	_ = 	snop  }
0x19: {  	[tilespmem:s13], [sflag:$0x1] =	stream.indirect.gather [hbm4b:s3+s8], $0x10, s12, s8, $0xb8;
	[tilespmem:$0x4280] =	vst v63  }
0x1a: {  	_ = 	snop  }
0x1b: {  	[tilespmem:s15], [sflag:$0x1] =	stream.indirect.gather [hbm4b:s3+s8], $0x10, s14, s8, $0xb8;
	[tilespmem:$0x4280] =	vst v63  }
0x1c: {  	_ = 	snop  }
0x1d: {  	[tilespmem:s17], [sflag:$0x1] =	stream.indirect.gather [hbm4b:s3+s8], $0x10, s16, s8, $0xb8;
	[tilespmem:$0x4280] =	vst v63  }
0x1e: {  	_ = 	snop  }
0x1f: {  	[tilespmem:s19], [sflag:$0x1] =	stream.indirect.gather [hbm4b:s3+s8], $0x10, s18, s8, $0xb8;
	[tilespmem:$0x4280] =	vst v63  }
0x20: {  	_ = 	snop  }
0x21: {  	[tilespmem:s21], [sflag:$0x1] =	stream.indirect.gather [hbm4b:s3+s8], $0x10, s20, s8, $0xb8;
	[tilespmem:$0x4280] =	vst v63  }
0x22: {  	_ = 	snop  }
0x23: {  	[tilespmem:s23], [sflag:$0x1] =	stream.indirect.gather [hbm4b:s3+s8], $0x10, s22, s8, $0xb8;
	[tilespmem:$0x4280] =	vst v63  }
0x24: {  	_ =	swait.ge [sflag:s24], $0x7D0  }
0x25: {  	[sflag:s24] =	ssyncset.done $0x0  }
0x26: {  	[sflag:s24] =	ssyncadd.s32 $0xFFFFF830  }
0x27: {  	_ =	swait.ge [sflag:s24], $0x7D0  }
0x28: {  	[sflag:s24] =	ssyncset.done $0x0  }
0x29: {  	[sflag:s24] =	ssyncadd.s32 $0xFFFFF830  }
0x2a: {  	_ =	swait.ge [sflag:s24], $0x7D0  }
0x2b: {  	[sflag:s24] =	ssyncset.done $0x0  }
0x2c: {  	[sflag:s24] =	ssyncadd.s32 $0xFFFFF830  }
0x2d: {  	_ =	swait.ge [sflag:s24], $0x7D0  }
0x2e: {  	[sflag:s24] =	ssyncset.done $0x0  }
0x2f: {  	[sflag:s24] =	ssyncadd.s32 $0xFFFFF830  }
0x30: {  	_ =	swait.ge [sflag:s24], $0x7D0  }
0x31: {  	[sflag:s24] =	ssyncset.done $0x0  }
0x32: {  	[sflag:s24] =	ssyncadd.s32 $0xFFFFF830  }
0x33: {  	_ =	swait.ge [sflag:s24], $0x7D0  }
0x34: {  	[sflag:s24] =	ssyncset.done $0x0  }
0x35: {  	[sflag:s24] =	ssyncadd.s32 $0xFFFFF830  }
0x36: {  	_ =	swait.ge [sflag:s24], $0x7D0  }
0x37: {  	[sflag:s24] =	ssyncset.done $0x0  }
0x38: {  	[sflag:s24] =	ssyncadd.s32 $0xFFFFF830  }
0x39: {  	_ =	swait.ge [sflag:s24], $0x7D0  }
0x3a: {  	[sflag:s24] =	ssyncset.done $0x0  }
0x3b: {  	[sflag:s24] =	ssyncadd.s32 $0xFFFFF830  }
0x3c: {  	[hbm4b:s5+s2] =	stream.linear.scatter [tilespmem:s9], [sflag:$0x2], $0x3E80, $0x38;
	[tilespmem:$0x4280] =	vst v63  }
0x3d: {  	s28 =	simm.s32 $0x80;
	_ =	swait.ge [sflag:s7], $0x3E80  }
0x3e: {  	s30 =	simm.s32 $0x100;
	s26 =	sadd.s32 $0x7D0, s5;
	[sflag:s7] =	ssyncset.done $0x0  }
.LBB2_2:
0x3f: {  	s31 =	sadd.s32 s28, s6  }
0x40: {  	[sflag:s7] =	ssyncadd.s32 $0xFFFFC180;
	s28 =	smov.u32 s30;
	s29 =	sadd.s32 $0x80, s30  }
0x41: {  	[tilespmem:s2], [sflag:$0x2] =	stream.linear.gather [hbm4b:s31+s2], $0x400, $0x38;
	[tilespmem:$0x4280] =	vst v63  }
0x42: {  	p0 =	sne.s32 s30, $0x2380;
	_ =	swait.ge [sflag:s7], $0x400  }
0x43: {  	[sflag:s7] =	ssyncset.done $0x0  }
0x44: {  	[sflag:s7] =	ssyncadd.s32 $0xFFFFFC00  }
0x45: {  	[tilespmem:s9], [sflag:$0x1] =	stream.indirect.gather [hbm4b:s3+s8], $0x10, s2, s8, $0xb8;
	[tilespmem:$0x4280] =	vst v63  }
0x46: {  	_ = 	snop  }
0x47: {  	[tilespmem:s11], [sflag:$0x1] =	stream.indirect.gather [hbm4b:s3+s8], $0x10, s10, s8, $0xb8;
	[tilespmem:$0x4280] =	vst v63  }
0x48: {  	_ = 	snop  }
0x49: {  	[tilespmem:s13], [sflag:$0x1] =	stream.indirect.gather [hbm4b:s3+s8], $0x10, s12, s8, $0xb8;
	[tilespmem:$0x4280] =	vst v63  }
0x4a: {  	_ = 	snop  }
0x4b: {  	[tilespmem:s15], [sflag:$0x1] =	stream.indirect.gather [hbm4b:s3+s8], $0x10, s14, s8, $0xb8;
	[tilespmem:$0x4280] =	vst v63  }
0x4c: {  	_ = 	snop  }
0x4d: {  	[tilespmem:s17], [sflag:$0x1] =	stream.indirect.gather [hbm4b:s3+s8], $0x10, s16, s8, $0xb8;
	[tilespmem:$0x4280] =	vst v63  }
0x4e: {  	_ = 	snop  }
0x4f: {  	[tilespmem:s19], [sflag:$0x1] =	stream.indirect.gather [hbm4b:s3+s8], $0x10, s18, s8, $0xb8;
	[tilespmem:$0x4280] =	vst v63  }
0x50: {  	_ = 	snop  }
0x51: {  	[tilespmem:s21], [sflag:$0x1] =	stream.indirect.gather [hbm4b:s3+s8], $0x10, s20, s8, $0xb8;
	[tilespmem:$0x4280] =	vst v63  }
0x52: {  	_ = 	snop  }
0x53: {  	[tilespmem:s23], [sflag:$0x1] =	stream.indirect.gather [hbm4b:s3+s8], $0x10, s22, s8, $0xb8;
	[tilespmem:$0x4280] =	vst v63  }
0x54: {  	_ =	swait.ge [sflag:s24], $0x7D0  }
0x55: {  	[sflag:s24] =	ssyncset.done $0x0  }
0x56: {  	[sflag:s24] =	ssyncadd.s32 $0xFFFFF830  }
0x57: {  	_ =	swait.ge [sflag:s24], $0x7D0  }
0x58: {  	[sflag:s24] =	ssyncset.done $0x0  }
0x59: {  	[sflag:s24] =	ssyncadd.s32 $0xFFFFF830  }
0x5a: {  	_ =	swait.ge [sflag:s24], $0x7D0  }
0x5b: {  	[sflag:s24] =	ssyncset.done $0x0  }
0x5c: {  	[sflag:s24] =	ssyncadd.s32 $0xFFFFF830  }
0x5d: {  	_ =	swait.ge [sflag:s24], $0x7D0  }
0x5e: {  	[sflag:s24] =	ssyncset.done $0x0  }
0x5f: {  	[sflag:s24] =	ssyncadd.s32 $0xFFFFF830  }
0x60: {  	_ =	swait.ge [sflag:s24], $0x7D0  }
0x61: {  	[sflag:s24] =	ssyncset.done $0x0  }
0x62: {  	[sflag:s24] =	ssyncadd.s32 $0xFFFFF830  }
0x63: {  	_ =	swait.ge [sflag:s24], $0x7D0  }
0x64: {  	[sflag:s24] =	ssyncset.done $0x0  }
0x65: {  	[sflag:s24] =	ssyncadd.s32 $0xFFFFF830  }
0x66: {  	_ =	swait.ge [sflag:s24], $0x7D0  }
0x67: {  	[sflag:s24] =	ssyncset.done $0x0  }
0x68: {  	[sflag:s24] =	ssyncadd.s32 $0xFFFFF830  }
0x69: {  	_ =	swait.ge [sflag:s24], $0x7D0  }
.Ltmp0:
0x6a: {  	[sflag:s24] =	ssyncset.done $0x0;
	(pc) =	sbr.rel @p0 .LBB2_2-.Ltmp0, $4  }
0x6b: {  	[sflag:s24] =	ssyncadd.s32 $0xFFFFF830  }
0x6c: {  	[hbm4b:s26+s2] =	stream.linear.scatter [tilespmem:s9], [sflag:$0x2], $0x3E80, $0x38;
	[tilespmem:$0x4280] =	vst v63  }
0x6d: {  	_ =	swait.ge [sflag:s7], $0x3E80  }
0x6e: {  	s30 =	smov.u32 s29;
	s26 =	sadd.s32 $0x7D0, s26;
	[sflag:s7] =	ssyncset.done $0x0  }
0x6f: {  	s28 =	sadd.s32 s28, s6;
	[sflag:s7] =	ssyncadd.s32 $0xFFFFC180  }
0x70: {  	[tilespmem:s2], [sflag:$0x2] =	stream.linear.gather [hbm4b:s28+s2], $0x400, $0x38;
	[tilespmem:$0x4280] =	vst v63  }
0x71: {  	_ =	swait.ge [sflag:s7], $0x400  }
0x72: {  	[sflag:s7] =	ssyncset.done $0x0  }
0x73: {  	[sflag:s7] =	ssyncadd.s32 $0xFFFFFC00  }
0x74: {  	[tilespmem:s9], [sflag:$0x1] =	stream.indirect.gather [hbm4b:s3+s8], $0x10, s2, s8, $0xb8;
	[tilespmem:$0x4280] =	vst v63  }
0x75: {  	_ = 	snop  }
0x76: {  	[tilespmem:s11], [sflag:$0x1] =	stream.indirect.gather [hbm4b:s3+s8], $0x10, s10, s8, $0xb8;
	[tilespmem:$0x4280] =	vst v63  }
0x77: {  	_ = 	snop  }
0x78: {  	[tilespmem:s13], [sflag:$0x1] =	stream.indirect.gather [hbm4b:s3+s8], $0x10, s12, s8, $0xb8;
	[tilespmem:$0x4280] =	vst v63  }
0x79: {  	_ = 	snop  }
0x7a: {  	[tilespmem:s15], [sflag:$0x1] =	stream.indirect.gather [hbm4b:s3+s8], $0x10, s14, s8, $0xb8;
	[tilespmem:$0x4280] =	vst v63  }
0x7b: {  	_ = 	snop  }
0x7c: {  	[tilespmem:s17], [sflag:$0x1] =	stream.indirect.gather [hbm4b:s3+s8], $0x10, s16, s8, $0xb8;
	[tilespmem:$0x4280] =	vst v63  }
0x7d: {  	_ = 	snop  }
0x7e: {  	[tilespmem:s19], [sflag:$0x1] =	stream.indirect.gather [hbm4b:s3+s8], $0x10, s18, s8, $0xb8;
	[tilespmem:$0x4280] =	vst v63  }
0x7f: {  	_ = 	snop  }
0x80: {  	[tilespmem:s21], [sflag:$0x1] =	stream.indirect.gather [hbm4b:s3+s8], $0x10, s20, s8, $0xb8;
	[tilespmem:$0x4280] =	vst v63  }
0x81: {  	_ = 	snop  }
0x82: {  	[tilespmem:s23], [sflag:$0x1] =	stream.indirect.gather [hbm4b:s3+s8], $0x10, s22, s8, $0xb8;
	[tilespmem:$0x4280] =	vst v63  }
0x83: {  	_ =	swait.ge [sflag:s24], $0x7D0  }
0x84: {  	[sflag:s24] =	ssyncset.done $0x0  }
0x85: {  	[sflag:s24] =	ssyncadd.s32 $0xFFFFF830  }
0x86: {  	_ =	swait.ge [sflag:s24], $0x7D0  }
0x87: {  	[sflag:s24] =	ssyncset.done $0x0  }
0x88: {  	[sflag:s24] =	ssyncadd.s32 $0xFFFFF830  }
0x89: {  	_ =	swait.ge [sflag:s24], $0x7D0  }
0x8a: {  	[sflag:s24] =	ssyncset.done $0x0  }
0x8b: {  	[sflag:s24] =	ssyncadd.s32 $0xFFFFF830  }
0x8c: {  	_ =	swait.ge [sflag:s24], $0x7D0  }
0x8d: {  	[sflag:s24] =	ssyncset.done $0x0  }
0x8e: {  	[sflag:s24] =	ssyncadd.s32 $0xFFFFF830  }
0x8f: {  	_ =	swait.ge [sflag:s24], $0x7D0  }
0x90: {  	[sflag:s24] =	ssyncset.done $0x0  }
0x91: {  	[sflag:s24] =	ssyncadd.s32 $0xFFFFF830  }
0x92: {  	_ =	swait.ge [sflag:s24], $0x7D0  }
0x93: {  	[sflag:s24] =	ssyncset.done $0x0  }
0x94: {  	[sflag:s24] =	ssyncadd.s32 $0xFFFFF830  }
0x95: {  	_ =	swait.ge [sflag:s24], $0x7D0  }
0x96: {  	[sflag:s24] =	ssyncset.done $0x0  }
0x97: {  	[sflag:s24] =	ssyncadd.s32 $0xFFFFF830  }
0x98: {  	s25 =	sadd.s32 $0x1, s25;
	_ =	swait.ge [sflag:s24], $0x7D0  }
0x99: {  	p0 =	sne.s32 s25, s4;
	[sflag:s24] =	ssyncset.done $0x0  }
.Ltmp1:
0x9a: {  	[sflag:s24] =	ssyncadd.s32 $0xFFFFF830;
	(pc) =	sbr.rel @p0 .LBB2_1-.Ltmp1, $4  }
0x9b: {  	[hbm4b:s26+s2] =	stream.linear.scatter [tilespmem:s9], [sflag:$0x2], $0x3E80, $0x38;
	[tilespmem:$0x4280] =	vst v63  }
0x9c: {  	_ =	swait.ge [sflag:s7], $0x3E80  }
0x9d: {  	[sflag:s7] =	ssyncset.done $0x0  }
0x9e: {  	[sflag:s7] =	ssyncadd.s32 $0xFFFFC180  }
0x9f: {  	_ =	sfence.sel $0x180000  }
0xa0: {  	[bflag:$0x0] =	sbarrier.arrive $0xFFFF  }
0xa1: {  	p0 =	sne.s32 s1, $0x0;
	_ =	strace $0x90000056  }
0xa2: {  	s0 =	sadd.s32 @!p0 $0x100000, s0;
	[bflag:$0x2] =	sbarrier.arrive $0xFFFF  }
0xa3: {  	[sflag:s0] =	ssyncadd.tile.s32 @!p0 $0x1;
	_ =	shalt  }
.Lfunc_end2:
_tile_overlayer_lowered:
.L_overlay_start_2:
0xa4: {  	(tag) =	ssettag $0x2  }
0xa5: {  	s0 =	rddreg [dreg:$0x0];
	s2 =	stileid.u32  }
0xa6: {  	s1 =	rddreg [dreg:$0x1];
	p0 =	sne.s32 s2, $0x0  }
0xa7: {  	s3 =	rddreg [dreg:$0x2];
	[bflag:$0x3] =	sbarrier.arrive $0xFFFF;
	s2 =	simm.s32 @!p0 $0x1C02  }
0xa8: {  	[timem:s3], [sflag:s2] =	dma.local @!p0 [hbm:s0], s1  }
0xa9: {  	s0 =	simm.s32 @!p0 $0x2  }
0xaa: {  	_ =	swait.ge @!p0 [sflag:s0], s1  }
0xab: {  	s1 =	ssub.s32 @!p0 $0x0, s1;
	[sflag:s0] =	ssyncset.done @!p0 $0x0  }
0xac: {  	[sflag:s0] =	ssyncadd.s32 @!p0 s1  }
0xad: {  	[bflag:$0x3] =	sbarrier.arrive $0xFFFF  }
0xae: {  	_ =	shalt  }

// kernel: kernel.22.cloned.1.call-start
scs
__scs_entry_jumppad:
0x0: {  	(pc) =	sbr.rel $0x88, $3  }
0x1: {  	(tag) =	ssettag $0x0;
	lr =	simm.s32 $0x1  }
0x2: {  	[smem:$0x3F96] =	sst lr;
	_ =	strace $0xD0000000  }
0x3: {  	_ = 	snop  }
0x4: {  	_ = 	snop  }
0x5: {  	_ = 	snop  }
0x6: {  	_ = 	snop  }
0x7: {  	_ = 	snop  }
__scs_overlays_trampoline_lowered:
0x8: {  	[smem:$0x3FA5] =	sst s0  }
0x9: {  	[smem:$0x3FA6] =	sst s1  }
0xa: {  	[smem:$0x3FA7] =	sst s2  }
0xb: {  	[smem:$0x3FA8] =	sst s3  }
0xc: {  	[smem:$0x3FA9] =	sst s4  }
0xd: {  	[smem:$0x3FAA] =	sst s5  }
0xe: {  	[smem:$0x3FAB] =	sst s6  }
0xf: {  	[smem:$0x3FAC] =	sst s7  }
0x10: {  	[smem:$0x3FAD] =	sst s8  }
0x11: {  	[smem:$0x3FAE] =	sst s9;
	s0 =	simm.s32 @!p0 $0x0  }
0x12: {  	s1 =	sld [smem:$0x3F94];
	s0 =	simm.s32 @p0 $0x1  }
0x13: {  	[smem:$0x3FAF] =	sst s0;
	s0 =	simm.s32 @!p1 $0x0  }
0x14: {  	s2 =	sld [smem:$0x3F93];
	s0 =	simm.s32 @p1 $0x1  }
0x15: {  	[smem:$0x3FB0] =	sst s0;
	s0 =	simm.s32 @!p2 $0x0  }
0x16: {  	s3 =	sld [smem:$0x3FDB];
	s0 =	simm.s32 @p2 $0x1  }
0x17: {  	s4 =	simm.s32 $0x1BF5;
	[smem:$0x3FB2] =	sst s0  }
0x18: {  	s0 =	sld [smem:$0x3F95];
	_ =	swait.ge [sflag:s4], $0x0  }
0x19: {  	s7 =	sld [smem:$0x3F96]  }
0x1a: {  	s8 =	sadd.s32 $0xFFFFE003, lr  }
0x1b: {  	s9 =	sadd.s32 $0xFFFFFEF7, lr;
	s5 =	simm.s32 $0xFFFFFFFF;
	p2 =	slt.u32 s8, $0xFFFFF086  }
0x1c: {  	p1 =	slt.u32 s9, $0xF7A;
	s5 =	simm.s32 @!p2 $0x0  }
0x1d: {  	s5 =	simm.s32 @p1 $0x1;
	p0 =	seq.s32 s7, s2  }
0x1e: {  	s7 =	smul.u32 @!p0 $0xF7A, s2;
	p2 =	seq.s32 @!p0 s5, $0x0  }
0x1f: {  	s9 =	smul.u32 $0xF7A, s1;
	s8 =	simm.s32 @!p0 $0x1BF5;
	p2 =	por !p2, p0  }
0x20: {  	[sflag:s8] =	ssyncset.s32 @!p0 $0xFFFFF086;
	s6 =	sadd.s32 @!p0 s3, s7;
	s7 =	simm.s32 @!p0 $0x108  }
0x21: {  	s3 =	sadd.s32 s3, s9;
	s6 =	sadd.s32 @!p0 $0x88, s6;
	s7 =	simm.s32 @p2 $0x1082  }
0x22: {  	[simem:s7], [sflag:s8] =	dma.local @!p0 [hbm:s6], $0xF7A  }
0x23: {  	s9 =	sor.u32 $0xD0000000, s2;
	s6 =	simm.s32 $0x108;
	_ =	swait.ge @!p0 [sflag:s8], $0x0  }
0x24: {  	s3 =	sadd.s32 $0x88, s3;
	s6 =	simm.s32 @!p1 $0x1082;
	[sflag:s4] =	ssyncset.s32 $0xFFFFF086  }
0x25: {  	[simem:s6], [sflag:s4] =	dma.local [hbm:s3], $0xF7A  }
0x26: {  	[smem:$0x3F96] =	sst s1;
	(tag) =	ssettag s2;
	_ =	strace s9  }
0x27: {  	s1 =	sld [smem:$0x3FA6]  }
0x28: {  	s2 =	sld [smem:$0x3FA7]  }
0x29: {  	s4 =	sld [smem:$0x3FA9]  }
0x2a: {  	p0 =	seq.s32 s5, $0x0;
	s5 =	sld [smem:$0x3FAA]  }
0x2b: {  	s6 =	sld [smem:$0x3FAB]  }
0x2c: {  	s7 =	sld [smem:$0x3FAC]  }
0x2d: {  	s3 =	simm.s32 $0x108;
	s8 =	sld [smem:$0x3FAD]  }
0x2e: {  	s3 =	simm.s32 @!p0 $0x1082;
	s9 =	sld [smem:$0x3FAE]  }
0x2f: {  	lr =	sadd.s32 s0, s3;
	s0 =	sld [smem:$0x3FA5]  }
0x30: {  	s3 =	sld [smem:$0x3FA8]  }
0x31: {  	[smem:$0x3FB1] =	sst s10  }
0x32: {  	s10 =	sld [smem:$0x3FAF];
	_ =	sdelay $0x3  }
0x33: {  	p0 =	seq.s32 s10, $0x1;
	s10 =	sld [smem:$0x3FB1];
	_ =	sdelay $0x3  }
0x34: {  	[smem:$0x3FB1] =	sst s10  }
0x35: {  	s10 =	sld [smem:$0x3FB0];
	_ =	sdelay $0x3  }
0x36: {  	p1 =	seq.s32 s10, $0x1;
	s10 =	sld [smem:$0x3FB1];
	_ =	sdelay $0x3  }
0x37: {  	[smem:$0x3FB1] =	sst s10  }
0x38: {  	s10 =	sld [smem:$0x3FB2]  }
0x39: {  	_ = 	snop;
	(pc) =	sbr.ind lr, $3  }
0x3a: {  	_ = 	snop  }
0x3b: {  	_ = 	snop  }
0x3c: {  	p2 =	seq.s32 s10, $0x1;
	s10 =	sld [smem:$0x3FB1]  }
0x3d: {  	_ =	shalt  }
0x3e: {  	_ =	shalt  }
0x3f: {  	_ =	shalt  }
0x40: {  	_ =	shalt  }
0x41: {  	_ =	shalt  }
0x42: {  	_ =	shalt  }
0x43: {  	_ =	shalt  }
0x44: {  	_ =	shalt  }
0x45: {  	_ =	shalt  }
0x46: {  	_ =	shalt  }
0x47: {  	_ =	shalt  }
0x48: {  	_ =	shalt  }
0x49: {  	_ =	shalt  }
0x4a: {  	_ =	shalt  }
0x4b: {  	_ =	shalt  }
0x4c: {  	_ =	shalt  }
0x4d: {  	_ =	shalt  }
0x4e: {  	_ =	shalt  }
0x4f: {  	_ =	shalt  }
0x50: {  	_ =	shalt  }
0x51: {  	_ =	shalt  }
0x52: {  	_ =	shalt  }
0x53: {  	_ =	shalt  }
0x54: {  	_ =	shalt  }
0x55: {  	_ =	shalt  }
0x56: {  	_ =	shalt  }
0x57: {  	_ =	shalt  }
0x58: {  	_ =	shalt  }
0x59: {  	_ =	shalt  }
0x5a: {  	_ =	shalt  }
0x5b: {  	_ =	shalt  }
0x5c: {  	_ =	shalt  }
0x5d: {  	_ =	shalt  }
0x5e: {  	_ =	shalt  }
0x5f: {  	_ =	shalt  }
0x60: {  	_ =	shalt  }
0x61: {  	_ =	shalt  }
0x62: {  	_ =	shalt  }
0x63: {  	_ =	shalt  }
0x64: {  	_ =	shalt  }
0x65: {  	_ =	shalt  }
0x66: {  	_ =	shalt  }
0x67: {  	_ =	shalt  }
0x68: {  	_ =	shalt  }
0x69: {  	_ =	shalt  }
0x6a: {  	_ =	shalt  }
0x6b: {  	_ =	shalt  }
0x6c: {  	_ =	shalt  }
0x6d: {  	_ =	shalt  }
0x6e: {  	_ =	shalt  }
0x6f: {  	_ =	shalt  }
0x70: {  	_ =	shalt  }
0x71: {  	_ =	shalt  }
0x72: {  	_ =	shalt  }
0x73: {  	_ =	shalt  }
0x74: {  	_ =	shalt  }
0x75: {  	_ =	shalt  }
0x76: {  	_ =	shalt  }
0x77: {  	_ =	shalt  }
0x78: {  	_ =	shalt  }
0x79: {  	_ =	shalt  }
0x7a: {  	_ =	shalt  }
0x7b: {  	_ =	shalt  }
0x7c: {  	_ =	shalt  }
0x7d: {  	_ =	shalt  }
0x7e: {  	_ =	shalt  }
0x7f: {  	_ =	shalt  }
0x80: {  	_ =	shalt  }
0x81: {  	_ =	shalt  }
0x82: {  	_ =	shalt  }
0x83: {  	_ =	shalt  }
0x84: {  	_ =	shalt  }
0x85: {  	_ =	shalt  }
0x86: {  	_ =	shalt  }
0x87: {  	_ =	shalt  }
.Lfunc_end0:
.L_simem_size_0:
called_computation.6_lowered:
.L_overlay_start_0:
0x88: {  	s2 =	sld [smem:$0x3FD9]  }
0x89: {  	s3 =	sld [smem:$0x3FFE];
	_ =	sdelay $0x1  }
0x8a: {  	s1 =	srdreg.scid  }
0x8b: {  	s0 =	sand.u32 $0x1, s1  }
0x8c: {  	s16 =	sshll.u32 s0, $0xA;
	s2 =	sadd.s32 s3, s2  }
0x8d: {  	s2 =	sadd.s32 s2, s16  }
0x8e: {  	[smem:$0x3FBD] =	sst s2  }
0x8f: {  	_ = 	snop  }
0x90: {  	(tm) =	ssettm $0x1  }
0x91: {  	s17 =	sld [smem:$0x3FFB];
	_ =	sdelay $0x3  }
0x92: {  	_ =	strace s17  }
0x93: {  	s2 =	sld [smem:$0x3FFC];
	_ =	sdelay $0x3  }
0x94: {  	_ =	strace s2  }
0x95: {  	s2 =	sld [smem:$0x3FFD];
	_ =	sdelay $0x3  }
0x96: {  	_ =	strace s2  }
0x97: {  	_ =	strace $0x8FFFFFFF  }
0x98: {  	s18 =	sld [smem:$0x3FDB];
	_ =	sdelay $0x1  }
0x99: {  	s19 =	simm.s32 $_scs_section_size  }
0x9a: {  	s4 =	simm.s32 $_size__tile_overlayer_lowered;
	s5 =	simm.s32 $_tile_overlayer_lowered  }
0x9b: {  	s22 =	simm.s32 $0x1BFF;
	s21 =	sshll.u32 s5, $0x1;
	s2 =	sadd.s32 s19, s18  }
0x9c: {  	s6 =	simm.s32 $0x0;
	s20 =	sshll.u32 s4, $0x1;
	s4 =	sadd.s32 s21, s2  }
0x9d: {  	[timem:s6], [sflag:s22] =	dma.local [hbm:s4], s20  }
0x9e: {  	_ =	swait.ge [sflag:s22], s20  }
0x9f: {  	s3 =	ssub.s32 $0x0, s20;
	[sflag:s22] =	ssyncset.done $0x0  }
0xa0: {  	[sflag:s22] =	ssyncadd.s32 s3;
	_ =	sdelay $0x1  }
0xa1: {  	s23 =	simm.s32 $0x1B8B  }
0xa2: {  	_ =	swait.ge [sflag:s23], $0x1  }
0xa3: {  	[sflag:s23] =	ssyncset.done $0x0  }
0xa4: {  	s25 =	simm.s32 $0x1B8E;
	s24 =	sld [smem:$0x3FFE];
	[sflag:s23] =	ssyncadd.s32 $0xFFFFFFFF  }
0xa5: {  	s26 =	simm.s32 $execute0_lowered;
	[smem:$0x3FD2] =	sst s25  }
0xa6: {  	s4 =	sshll.u32 s26, $0x1;
	_ =	strace $0x80000058;
	[dreg:$0x1] =	wrdreg $0xFFFFFFFF  }
0xa7: {  	s28 =	simm.s32 $_size_execute0_lowered;
	s2 =	sadd.s32 s2, s4;
	[dreg:$0x0] =	wrdreg $0x0  }
0xa8: {  	s4 =	sshll.u32 s28, $0x1;
	[dreg:$0x2] =	wrdreg s2  }
0xa9: {  	[dreg:$0x3] =	wrdreg s4  }
0xaa: {  	[dreg:$0x4] =	wrdreg $0xC0  }
0xab: {  	_ =	task [dreg:s6], $0x5FFFF  }
0xac: {  	[dreg:$0x1] =	wrdreg $0xFFFFFFFF  }
0xad: {  	[dreg:$0x0] =	wrdreg $0x60  }
0xae: {  	[dreg:$0x2] =	wrdreg s24  }
0xaf: {  	[dreg:$0x3] =	wrdreg $0x9  }
0xb0: {  	_ =	task.clear_ibuf [dreg:s6], $0x4FFFF;
	_ =	strace $0x90000058  }
0xb1: {  	s29 =	simm.s32 $0x9;
	_ =	strace $0x8000005A  }
0xb2: {  	_ =	swait.ge [sflag:s29], $0x1  }
0xb3: {  	[sflag:s29] =	ssyncadd.s32 $0xFFFFFFFF  }
0xb4: {  	_ =	strace $0x9000005A  }
0xb5: {  	_ =	sfence  }
0xb6: {  	s30 =	sld [smem:$0x0];
	_ =	sdelay $0x2  }
0xb7: {  	s31 =	sshll.u32 s1, $0xD;
	s1 =	sshrl.u32 s1, $0x2  }
0xb8: {  	s3 =	sand.u32 $0x4000, s31;
	s1 =	sadd.s32 s1, s30  }
0xb9: {  	s0 =	sor.u32 s3, s0;
	s1 =	sshll.u32 s1, $0x11  }
0xba: {  	s0 =	sor.u32 s1, s0  }
0xbb: {  	s0 =	sadd.s32 $0x8F2B, s0  }
0xbc: {  	[sflag:s0] =	ssyncadd.remote.s32 $0x1  }
0xbd: {  	_ =	sfence.sel $0xFFFF  }
0xbe: {  	[dreg:$0x0] =	wrdreg $0xFFFFFFFF;
	(pc) =	sbr.abs _section_cstart, $3  }
0xbf: {  	[dreg:$0x1] =	wrdreg $0xFFFFFFFF  }
0xc0: {  	_ =	task.clear_ibuf [dreg:s6], $0x2FFFF;
	_ =	strace $0x9FFFFFFF  }
0xc1: {  	(tm) =	ssettm $0x7FFFFFFF  }
tec
execute0_lowered:
.L_overlay_start_1:
0x0: {  	(tag) =	ssettag $0x1  }
0x1: {  	s4 =	rddreg [dreg:$0x0]  }
0x2: {  	s0 =	rddreg [dreg:$0x1];
	s1 =	stileid.u32  }
0x3: {  	s2 =	simm.s32 $0x0;
	s3 =	srdreg.scid;
	s11 =	simm.s32 $0xBD0  }
0x4: {  	s12 =	simm.s32 $0x100;
	s13 =	simm.s32 $0x13A0;
	s14 =	simm.s32 $0x180  }
0x5: {  	s15 =	simm.s32 $0x1B70;
	s16 =	simm.s32 $0x200;
	s17 =	simm.s32 $0x2340  }
0x6: {  	s18 =	simm.s32 $0x280;
	s19 =	simm.s32 $0x2B10;
	s20 =	simm.s32 $0x300  }
0x7: {  	s21 =	simm.s32 $0x32E0;
	s22 =	simm.s32 $0x380;
	s23 =	simm.s32 $0x3AB0  }
0x8: {  	s24 =	simm.s32 $0x1;
	s25 =	simm.s32 $0x0;
	s5 =	smul.u32 $0x4800, s1  }
0x9: {  	[smem:$0x7FF] =	sst s2;
	s6 =	smul.u32 $0x46500, s1;
	s7 =	sand.u32 $0x1, s3  }
0xa: {  	s3 =	sadd.s32 $0x2200, s4;
	s8 =	ssub.s32 $0x2, s7;
	s9 =	smul.u32 $0x23280, s7  }
0xb: {  	_ =	strace $0x80000059;
	s7 =	smul.u32 $0x2400, s7;
	s10 =	sshrl.u32 s8, $0x1  }
0xc: {  	s5 =	sadd.s32 s5, s4;
	s6 =	sadd.s32 s6, s4;
	s31 =	ssub.s32 s8, s10  }
0xd: {  	s6 =	sadd.s32 s9, s6;
	s7 =	sadd.s32 s7, s5;
	s8 =	simm.s32 $0x7D  }
0xe: {  	s9 =	simm.s32 $0x400;
	s10 =	simm.s32 $0x80;
	s4 =	smax.u32 s31, $0x1  }
0xf: {  	s5 =	sadd.s32 $0x6F2A00, s6;
	s6 =	sadd.s32 $0x8AA00, s7;
	s7 =	simm.s32 $0x2  }
.LBB2_1:
0x10: {  	s26 =	sadd.s32 $0x0, s6  }
0x11: {  	[tilespmem:s2], [sflag:$0x2] =	stream.linear.gather [hbm4b:s26+s2], $0x400, $0x38;
	[tilespmem:$0x4280] =	vst v63  }
0x12: {  	_ =	swait.ge [sflag:s7], $0x400  }
0x13: {  	[sflag:s7] =	ssyncset.done $0x0  }
0x14: {  	[sflag:s7] =	ssyncadd.s32 $0xFFFFFC00  }
0x15: {  	[tilespmem:s9], [sflag:$0x1] =	stream.indirect.gather [hbm4b:s3+s8], $0x10, s2, s8, $0xb8;
	[tilespmem:$0x4280] =	vst v63  }
0x16: {  	_ = 	snop  }
0x17: {  	[tilespmem:s11], [sflag:$0x1] =	stream.indirect.gather [hbm4b:s3+s8], $0x10, s10, s8, $0xb8;
	[tilespmem:$0x4280] =	vst v63  }
0x18: {  	_ = 	snop  }
0x19: {  	[tilespmem:s13], [sflag:$0x1] =	stream.indirect.gather [hbm4b:s3+s8], $0x10, s12, s8, $0xb8;
	[tilespmem:$0x4280] =	vst v63  }
0x1a: {  	_ = 	snop  }
0x1b: {  	[tilespmem:s15], [sflag:$0x1] =	stream.indirect.gather [hbm4b:s3+s8], $0x10, s14, s8, $0xb8;
	[tilespmem:$0x4280] =	vst v63  }
0x1c: {  	_ = 	snop  }
0x1d: {  	[tilespmem:s17], [sflag:$0x1] =	stream.indirect.gather [hbm4b:s3+s8], $0x10, s16, s8, $0xb8;
	[tilespmem:$0x4280] =	vst v63  }
0x1e: {  	_ = 	snop  }
0x1f: {  	[tilespmem:s19], [sflag:$0x1] =	stream.indirect.gather [hbm4b:s3+s8], $0x10, s18, s8, $0xb8;
	[tilespmem:$0x4280] =	vst v63  }
0x20: {  	_ = 	snop  }
0x21: {  	[tilespmem:s21], [sflag:$0x1] =	stream.indirect.gather [hbm4b:s3+s8], $0x10, s20, s8, $0xb8;
	[tilespmem:$0x4280] =	vst v63  }
0x22: {  	_ = 	snop  }
0x23: {  	[tilespmem:s23], [sflag:$0x1] =	stream.indirect.gather [hbm4b:s3+s8], $0x10, s22, s8, $0xb8;
	[tilespmem:$0x4280] =	vst v63  }
0x24: {  	_ =	swait.ge [sflag:s24], $0x7D0  }
0x25: {  	[sflag:s24] =	ssyncset.done $0x0  }
0x26: {  	[sflag:s24] =	ssyncadd.s32 $0xFFFFF830  }
0x27: {  	_ =	swait.ge [sflag:s24], $0x7D0  }
0x28: {  	[sflag:s24] =	ssyncset.done $0x0  }
0x29: {  	[sflag:s24] =	ssyncadd.s32 $0xFFFFF830  }
0x2a: {  	_ =	swait.ge [sflag:s24], $0x7D0  }
0x2b: {  	[sflag:s24] =	ssyncset.done $0x0  }
0x2c: {  	[sflag:s24] =	ssyncadd.s32 $0xFFFFF830  }
0x2d: {  	_ =	swait.ge [sflag:s24], $0x7D0  }
0x2e: {  	[sflag:s24] =	ssyncset.done $0x0  }
0x2f: {  	[sflag:s24] =	ssyncadd.s32 $0xFFFFF830  }
0x30: {  	_ =	swait.ge [sflag:s24], $0x7D0  }
0x31: {  	[sflag:s24] =	ssyncset.done $0x0  }
0x32: {  	[sflag:s24] =	ssyncadd.s32 $0xFFFFF830  }
0x33: {  	_ =	swait.ge [sflag:s24], $0x7D0  }
0x34: {  	[sflag:s24] =	ssyncset.done $0x0  }
0x35: {  	[sflag:s24] =	ssyncadd.s32 $0xFFFFF830  }
0x36: {  	_ =	swait.ge [sflag:s24], $0x7D0  }
0x37: {  	[sflag:s24] =	ssyncset.done $0x0  }
0x38: {  	[sflag:s24] =	ssyncadd.s32 $0xFFFFF830  }
0x39: {  	_ =	swait.ge [sflag:s24], $0x7D0  }
0x3a: {  	[sflag:s24] =	ssyncset.done $0x0  }
0x3b: {  	[sflag:s24] =	ssyncadd.s32 $0xFFFFF830  }
0x3c: {  	[hbm4b:s5+s2] =	stream.linear.scatter [tilespmem:s9], [sflag:$0x2], $0x3E80, $0x38;
	[tilespmem:$0x4280] =	vst v63  }
0x3d: {  	s28 =	simm.s32 $0x80;
	_ =	swait.ge [sflag:s7], $0x3E80  }
0x3e: {  	s30 =	simm.s32 $0x100;
	s26 =	sadd.s32 $0x7D0, s5;
	[sflag:s7] =	ssyncset.done $0x0  }
.LBB2_2:
0x3f: {  	s31 =	sadd.s32 s28, s6  }
0x40: {  	[sflag:s7] =	ssyncadd.s32 $0xFFFFC180;
	s28 =	smov.u32 s30;
	s29 =	sadd.s32 $0x80, s30  }
0x41: {  	[tilespmem:s2], [sflag:$0x2] =	stream.linear.gather [hbm4b:s31+s2], $0x400, $0x38;
	[tilespmem:$0x4280] =	vst v63  }
0x42: {  	p0 =	sne.s32 s30, $0x2380;
	_ =	swait.ge [sflag:s7], $0x400  }
0x43: {  	[sflag:s7] =	ssyncset.done $0x0  }
0x44: {  	[sflag:s7] =	ssyncadd.s32 $0xFFFFFC00  }
0x45: {  	[tilespmem:s9], [sflag:$0x1] =	stream.indirect.gather [hbm4b:s3+s8], $0x10, s2, s8, $0xb8;
	[tilespmem:$0x4280] =	vst v63  }
0x46: {  	_ = 	snop  }
0x47: {  	[tilespmem:s11], [sflag:$0x1] =	stream.indirect.gather [hbm4b:s3+s8], $0x10, s10, s8, $0xb8;
	[tilespmem:$0x4280] =	vst v63  }
0x48: {  	_ = 	snop  }
0x49: {  	[tilespmem:s13], [sflag:$0x1] =	stream.indirect.gather [hbm4b:s3+s8], $0x10, s12, s8, $0xb8;
	[tilespmem:$0x4280] =	vst v63  }
0x4a: {  	_ = 	snop  }
0x4b: {  	[tilespmem:s15], [sflag:$0x1] =	stream.indirect.gather [hbm4b:s3+s8], $0x10, s14, s8, $0xb8;
	[tilespmem:$0x4280] =	vst v63  }
0x4c: {  	_ = 	snop  }
0x4d: {  	[tilespmem:s17], [sflag:$0x1] =	stream.indirect.gather [hbm4b:s3+s8], $0x10, s16, s8, $0xb8;
	[tilespmem:$0x4280] =	vst v63  }
0x4e: {  	_ = 	snop  }
0x4f: {  	[tilespmem:s19], [sflag:$0x1] =	stream.indirect.gather [hbm4b:s3+s8], $0x10, s18, s8, $0xb8;
	[tilespmem:$0x4280] =	vst v63  }
0x50: {  	_ = 	snop  }
0x51: {  	[tilespmem:s21], [sflag:$0x1] =	stream.indirect.gather [hbm4b:s3+s8], $0x10, s20, s8, $0xb8;
	[tilespmem:$0x4280] =	vst v63  }
0x52: {  	_ = 	snop  }
0x53: {  	[tilespmem:s23], [sflag:$0x1] =	stream.indirect.gather [hbm4b:s3+s8], $0x10, s22, s8, $0xb8;
	[tilespmem:$0x4280] =	vst v63  }
0x54: {  	_ =	swait.ge [sflag:s24], $0x7D0  }
0x55: {  	[sflag:s24] =	ssyncset.done $0x0  }
0x56: {  	[sflag:s24] =	ssyncadd.s32 $0xFFFFF830  }
0x57: {  	_ =	swait.ge [sflag:s24], $0x7D0  }
0x58: {  	[sflag:s24] =	ssyncset.done $0x0  }
0x59: {  	[sflag:s24] =	ssyncadd.s32 $0xFFFFF830  }
0x5a: {  	_ =	swait.ge [sflag:s24], $0x7D0  }
0x5b: {  	[sflag:s24] =	ssyncset.done $0x0  }
0x5c: {  	[sflag:s24] =	ssyncadd.s32 $0xFFFFF830  }
0x5d: {  	_ =	swait.ge [sflag:s24], $0x7D0  }
0x5e: {  	[sflag:s24] =	ssyncset.done $0x0  }
0x5f: {  	[sflag:s24] =	ssyncadd.s32 $0xFFFFF830  }
0x60: {  	_ =	swait.ge [sflag:s24], $0x7D0  }
0x61: {  	[sflag:s24] =	ssyncset.done $0x0  }
0x62: {  	[sflag:s24] =	ssyncadd.s32 $0xFFFFF830  }
0x63: {  	_ =	swait.ge [sflag:s24], $0x7D0  }
0x64: {  	[sflag:s24] =	ssyncset.done $0x0  }
0x65: {  	[sflag:s24] =	ssyncadd.s32 $0xFFFFF830  }
0x66: {  	_ =	swait.ge [sflag:s24], $0x7D0  }
0x67: {  	[sflag:s24] =	ssyncset.done $0x0  }
0x68: {  	[sflag:s24] =	ssyncadd.s32 $0xFFFFF830  }
0x69: {  	_ =	swait.ge [sflag:s24], $0x7D0  }
.Ltmp0:
0x6a: {  	[sflag:s24] =	ssyncset.done $0x0;
	(pc) =	sbr.rel @p0 .LBB2_2-.Ltmp0, $4  }
0x6b: {  	[sflag:s24] =	ssyncadd.s32 $0xFFFFF830  }
0x6c: {  	[hbm4b:s26+s2] =	stream.linear.scatter [tilespmem:s9], [sflag:$0x2], $0x3E80, $0x38;
	[tilespmem:$0x4280] =	vst v63  }
0x6d: {  	_ =	swait.ge [sflag:s7], $0x3E80  }
0x6e: {  	s30 =	smov.u32 s29;
	s26 =	sadd.s32 $0x7D0, s26;
	[sflag:s7] =	ssyncset.done $0x0  }
0x6f: {  	s28 =	sadd.s32 s28, s6;
	[sflag:s7] =	ssyncadd.s32 $0xFFFFC180  }
0x70: {  	[tilespmem:s2], [sflag:$0x2] =	stream.linear.gather [hbm4b:s28+s2], $0x400, $0x38;
	[tilespmem:$0x4280] =	vst v63  }
0x71: {  	_ =	swait.ge [sflag:s7], $0x400  }
0x72: {  	[sflag:s7] =	ssyncset.done $0x0  }
0x73: {  	[sflag:s7] =	ssyncadd.s32 $0xFFFFFC00  }
0x74: {  	[tilespmem:s9], [sflag:$0x1] =	stream.indirect.gather [hbm4b:s3+s8], $0x10, s2, s8, $0xb8;
	[tilespmem:$0x4280] =	vst v63  }
0x75: {  	_ = 	snop  }
0x76: {  	[tilespmem:s11], [sflag:$0x1] =	stream.indirect.gather [hbm4b:s3+s8], $0x10, s10, s8, $0xb8;
	[tilespmem:$0x4280] =	vst v63  }
0x77: {  	_ = 	snop  }
0x78: {  	[tilespmem:s13], [sflag:$0x1] =	stream.indirect.gather [hbm4b:s3+s8], $0x10, s12, s8, $0xb8;
	[tilespmem:$0x4280] =	vst v63  }
0x79: {  	_ = 	snop  }
0x7a: {  	[tilespmem:s15], [sflag:$0x1] =	stream.indirect.gather [hbm4b:s3+s8], $0x10, s14, s8, $0xb8;
	[tilespmem:$0x4280] =	vst v63  }
0x7b: {  	_ = 	snop  }
0x7c: {  	[tilespmem:s17], [sflag:$0x1] =	stream.indirect.gather [hbm4b:s3+s8], $0x10, s16, s8, $0xb8;
	[tilespmem:$0x4280] =	vst v63  }
0x7d: {  	_ = 	snop  }
0x7e: {  	[tilespmem:s19], [sflag:$0x1] =	stream.indirect.gather [hbm4b:s3+s8], $0x10, s18, s8, $0xb8;
	[tilespmem:$0x4280] =	vst v63  }
0x7f: {  	_ = 	snop  }
0x80: {  	[tilespmem:s21], [sflag:$0x1] =	stream.indirect.gather [hbm4b:s3+s8], $0x10, s20, s8, $0xb8;
	[tilespmem:$0x4280] =	vst v63  }
0x81: {  	_ = 	snop  }
0x82: {  	[tilespmem:s23], [sflag:$0x1] =	stream.indirect.gather [hbm4b:s3+s8], $0x10, s22, s8, $0xb8;
	[tilespmem:$0x4280] =	vst v63  }
0x83: {  	_ =	swait.ge [sflag:s24], $0x7D0  }
0x84: {  	[sflag:s24] =	ssyncset.done $0x0  }
0x85: {  	[sflag:s24] =	ssyncadd.s32 $0xFFFFF830  }
0x86: {  	_ =	swait.ge [sflag:s24], $0x7D0  }
0x87: {  	[sflag:s24] =	ssyncset.done $0x0  }
0x88: {  	[sflag:s24] =	ssyncadd.s32 $0xFFFFF830  }
0x89: {  	_ =	swait.ge [sflag:s24], $0x7D0  }
0x8a: {  	[sflag:s24] =	ssyncset.done $0x0  }
0x8b: {  	[sflag:s24] =	ssyncadd.s32 $0xFFFFF830  }
0x8c: {  	_ =	swait.ge [sflag:s24], $0x7D0  }
0x8d: {  	[sflag:s24] =	ssyncset.done $0x0  }
0x8e: {  	[sflag:s24] =	ssyncadd.s32 $0xFFFFF830  }
0x8f: {  	_ =	swait.ge [sflag:s24], $0x7D0  }
0x90: {  	[sflag:s24] =	ssyncset.done $0x0  }
0x91: {  	[sflag:s24] =	ssyncadd.s32 $0xFFFFF830  }
0x92: {  	_ =	swait.ge [sflag:s24], $0x7D0  }
0x93: {  	[sflag:s24] =	ssyncset.done $0x0  }
0x94: {  	[sflag:s24] =	ssyncadd.s32 $0xFFFFF830  }
0x95: {  	_ =	swait.ge [sflag:s24], $0x7D0  }
0x96: {  	[sflag:s24] =	ssyncset.done $0x0  }
0x97: {  	[sflag:s24] =	ssyncadd.s32 $0xFFFFF830  }
0x98: {  	s25 =	sadd.s32 $0x1, s25;
	_ =	swait.ge [sflag:s24], $0x7D0  }
0x99: {  	p0 =	sne.s32 s25, s4;
	[sflag:s24] =	ssyncset.done $0x0  }
.Ltmp1:
0x9a: {  	[sflag:s24] =	ssyncadd.s32 $0xFFFFF830;
	(pc) =	sbr.rel @p0 .LBB2_1-.Ltmp1, $4  }
0x9b: {  	[hbm4b:s26+s2] =	stream.linear.scatter [tilespmem:s9], [sflag:$0x2], $0x3E80, $0x38;
	[tilespmem:$0x4280] =	vst v63  }
0x9c: {  	_ =	swait.ge [sflag:s7], $0x3E80  }
0x9d: {  	[sflag:s7] =	ssyncset.done $0x0  }
0x9e: {  	[sflag:s7] =	ssyncadd.s32 $0xFFFFC180  }
0x9f: {  	_ =	sfence.sel $0x180000  }
0xa0: {  	[bflag:$0x0] =	sbarrier.arrive $0xFFFF  }
0xa1: {  	p0 =	sne.s32 s1, $0x0;
	_ =	strace $0x90000059  }
0xa2: {  	s0 =	sadd.s32 @!p0 $0x100000, s0;
	[bflag:$0x2] =	sbarrier.arrive $0xFFFF  }
0xa3: {  	[sflag:s0] =	ssyncadd.tile.s32 @!p0 $0x1;
	_ =	shalt  }
.Lfunc_end2:
_tile_overlayer_lowered:
.L_overlay_start_2:
0xa4: {  	(tag) =	ssettag $0x2  }
0xa5: {  	s0 =	rddreg [dreg:$0x0];
	s2 =	stileid.u32  }
0xa6: {  	s1 =	rddreg [dreg:$0x1];
	p0 =	sne.s32 s2, $0x0  }
0xa7: {  	s3 =	rddreg [dreg:$0x2];
	[bflag:$0x3] =	sbarrier.arrive $0xFFFF;
	s2 =	simm.s32 @!p0 $0x1C02  }
0xa8: {  	[timem:s3], [sflag:s2] =	dma.local @!p0 [hbm:s0], s1  }
0xa9: {  	s0 =	simm.s32 @!p0 $0x2  }
0xaa: {  	_ =	swait.ge @!p0 [sflag:s0], s1  }
0xab: {  	s1 =	ssub.s32 @!p0 $0x0, s1;
	[sflag:s0] =	ssyncset.done @!p0 $0x0  }
0xac: {  	[sflag:s0] =	ssyncadd.s32 @!p0 s1  }
0xad: {  	[bflag:$0x3] =	sbarrier.arrive $0xFFFF  }
0xae: {  	_ =	shalt  }

// kernel: kernel.25.cloned.1.call-start
scs
__scs_entry_jumppad:
0x0: {  	(pc) =	sbr.rel $0x88, $3  }
0x1: {  	(tag) =	ssettag $0x0;
	lr =	simm.s32 $0x1  }
0x2: {  	[smem:$0x3F96] =	sst lr;
	_ =	strace $0xD0000000  }
0x3: {  	_ = 	snop  }
0x4: {  	_ = 	snop  }
0x5: {  	_ = 	snop  }
0x6: {  	_ = 	snop  }
0x7: {  	_ = 	snop  }
__scs_overlays_trampoline_lowered:
0x8: {  	[smem:$0x3FA5] =	sst s0  }
0x9: {  	[smem:$0x3FA6] =	sst s1  }
0xa: {  	[smem:$0x3FA7] =	sst s2  }
0xb: {  	[smem:$0x3FA8] =	sst s3  }
0xc: {  	[smem:$0x3FA9] =	sst s4  }
0xd: {  	[smem:$0x3FAA] =	sst s5  }
0xe: {  	[smem:$0x3FAB] =	sst s6  }
0xf: {  	[smem:$0x3FAC] =	sst s7  }
0x10: {  	[smem:$0x3FAD] =	sst s8  }
0x11: {  	[smem:$0x3FAE] =	sst s9;
	s0 =	simm.s32 @!p0 $0x0  }
0x12: {  	s1 =	sld [smem:$0x3F94];
	s0 =	simm.s32 @p0 $0x1  }
0x13: {  	[smem:$0x3FAF] =	sst s0;
	s0 =	simm.s32 @!p1 $0x0  }
0x14: {  	s2 =	sld [smem:$0x3F93];
	s0 =	simm.s32 @p1 $0x1  }
0x15: {  	[smem:$0x3FB0] =	sst s0;
	s0 =	simm.s32 @!p2 $0x0  }
0x16: {  	s3 =	sld [smem:$0x3FDB];
	s0 =	simm.s32 @p2 $0x1  }
0x17: {  	s4 =	simm.s32 $0x1BF5;
	[smem:$0x3FB2] =	sst s0  }
0x18: {  	s0 =	sld [smem:$0x3F95];
	_ =	swait.ge [sflag:s4], $0x0  }
0x19: {  	s7 =	sld [smem:$0x3F96]  }
0x1a: {  	s8 =	sadd.s32 $0xFFFFE003, lr  }
0x1b: {  	s9 =	sadd.s32 $0xFFFFFEF7, lr;
	s5 =	simm.s32 $0xFFFFFFFF;
	p2 =	slt.u32 s8, $0xFFFFF086  }
0x1c: {  	p1 =	slt.u32 s9, $0xF7A;
	s5 =	simm.s32 @!p2 $0x0  }
0x1d: {  	s5 =	simm.s32 @p1 $0x1;
	p0 =	seq.s32 s7, s2  }
0x1e: {  	s7 =	smul.u32 @!p0 $0xF7A, s2;
	p2 =	seq.s32 @!p0 s5, $0x0  }
0x1f: {  	s9 =	smul.u32 $0xF7A, s1;
	s8 =	simm.s32 @!p0 $0x1BF5;
	p2 =	por !p2, p0  }
0x20: {  	[sflag:s8] =	ssyncset.s32 @!p0 $0xFFFFF086;
	s6 =	sadd.s32 @!p0 s3, s7;
	s7 =	simm.s32 @!p0 $0x108  }
0x21: {  	s3 =	sadd.s32 s3, s9;
	s6 =	sadd.s32 @!p0 $0x88, s6;
	s7 =	simm.s32 @p2 $0x1082  }
0x22: {  	[simem:s7], [sflag:s8] =	dma.local @!p0 [hbm:s6], $0xF7A  }
0x23: {  	s9 =	sor.u32 $0xD0000000, s2;
	s6 =	simm.s32 $0x108;
	_ =	swait.ge @!p0 [sflag:s8], $0x0  }
0x24: {  	s3 =	sadd.s32 $0x88, s3;
	s6 =	simm.s32 @!p1 $0x1082;
	[sflag:s4] =	ssyncset.s32 $0xFFFFF086  }
0x25: {  	[simem:s6], [sflag:s4] =	dma.local [hbm:s3], $0xF7A  }
0x26: {  	[smem:$0x3F96] =	sst s1;
	(tag) =	ssettag s2;
	_ =	strace s9  }
0x27: {  	s1 =	sld [smem:$0x3FA6]  }
0x28: {  	s2 =	sld [smem:$0x3FA7]  }
0x29: {  	s4 =	sld [smem:$0x3FA9]  }
0x2a: {  	p0 =	seq.s32 s5, $0x0;
	s5 =	sld [smem:$0x3FAA]  }
0x2b: {  	s6 =	sld [smem:$0x3FAB]  }
0x2c: {  	s7 =	sld [smem:$0x3FAC]  }
0x2d: {  	s3 =	simm.s32 $0x108;
	s8 =	sld [smem:$0x3FAD]  }
0x2e: {  	s3 =	simm.s32 @!p0 $0x1082;
	s9 =	sld [smem:$0x3FAE]  }
0x2f: {  	lr =	sadd.s32 s0, s3;
	s0 =	sld [smem:$0x3FA5]  }
0x30: {  	s3 =	sld [smem:$0x3FA8]  }
0x31: {  	[smem:$0x3FB1] =	sst s10  }
0x32: {  	s10 =	sld [smem:$0x3FAF];
	_ =	sdelay $0x3  }
0x33: {  	p0 =	seq.s32 s10, $0x1;
	s10 =	sld [smem:$0x3FB1];
	_ =	sdelay $0x3  }
0x34: {  	[smem:$0x3FB1] =	sst s10  }
0x35: {  	s10 =	sld [smem:$0x3FB0];
	_ =	sdelay $0x3  }
0x36: {  	p1 =	seq.s32 s10, $0x1;
	s10 =	sld [smem:$0x3FB1];
	_ =	sdelay $0x3  }
0x37: {  	[smem:$0x3FB1] =	sst s10  }
0x38: {  	s10 =	sld [smem:$0x3FB2]  }
0x39: {  	_ = 	snop;
	(pc) =	sbr.ind lr, $3  }
0x3a: {  	_ = 	snop  }
0x3b: {  	_ = 	snop  }
0x3c: {  	p2 =	seq.s32 s10, $0x1;
	s10 =	sld [smem:$0x3FB1]  }
0x3d: {  	_ =	shalt  }
0x3e: {  	_ =	shalt  }
0x3f: {  	_ =	shalt  }
0x40: {  	_ =	shalt  }
0x41: {  	_ =	shalt  }
0x42: {  	_ =	shalt  }
0x43: {  	_ =	shalt  }
0x44: {  	_ =	shalt  }
0x45: {  	_ =	shalt  }
0x46: {  	_ =	shalt  }
0x47: {  	_ =	shalt  }
0x48: {  	_ =	shalt  }
0x49: {  	_ =	shalt  }
0x4a: {  	_ =	shalt  }
0x4b: {  	_ =	shalt  }
0x4c: {  	_ =	shalt  }
0x4d: {  	_ =	shalt  }
0x4e: {  	_ =	shalt  }
0x4f: {  	_ =	shalt  }
0x50: {  	_ =	shalt  }
0x51: {  	_ =	shalt  }
0x52: {  	_ =	shalt  }
0x53: {  	_ =	shalt  }
0x54: {  	_ =	shalt  }
0x55: {  	_ =	shalt  }
0x56: {  	_ =	shalt  }
0x57: {  	_ =	shalt  }
0x58: {  	_ =	shalt  }
0x59: {  	_ =	shalt  }
0x5a: {  	_ =	shalt  }
0x5b: {  	_ =	shalt  }
0x5c: {  	_ =	shalt  }
0x5d: {  	_ =	shalt  }
0x5e: {  	_ =	shalt  }
0x5f: {  	_ =	shalt  }
0x60: {  	_ =	shalt  }
0x61: {  	_ =	shalt  }
0x62: {  	_ =	shalt  }
0x63: {  	_ =	shalt  }
0x64: {  	_ =	shalt  }
0x65: {  	_ =	shalt  }
0x66: {  	_ =	shalt  }
0x67: {  	_ =	shalt  }
0x68: {  	_ =	shalt  }
0x69: {  	_ =	shalt  }
0x6a: {  	_ =	shalt  }
0x6b: {  	_ =	shalt  }
0x6c: {  	_ =	shalt  }
0x6d: {  	_ =	shalt  }
0x6e: {  	_ =	shalt  }
0x6f: {  	_ =	shalt  }
0x70: {  	_ =	shalt  }
0x71: {  	_ =	shalt  }
0x72: {  	_ =	shalt  }
0x73: {  	_ =	shalt  }
0x74: {  	_ =	shalt  }
0x75: {  	_ =	shalt  }
0x76: {  	_ =	shalt  }
0x77: {  	_ =	shalt  }
0x78: {  	_ =	shalt  }
0x79: {  	_ =	shalt  }
0x7a: {  	_ =	shalt  }
0x7b: {  	_ =	shalt  }
0x7c: {  	_ =	shalt  }
0x7d: {  	_ =	shalt  }
0x7e: {  	_ =	shalt  }
0x7f: {  	_ =	shalt  }
0x80: {  	_ =	shalt  }
0x81: {  	_ =	shalt  }
0x82: {  	_ =	shalt  }
0x83: {  	_ =	shalt  }
0x84: {  	_ =	shalt  }
0x85: {  	_ =	shalt  }
0x86: {  	_ =	shalt  }
0x87: {  	_ =	shalt  }
.Lfunc_end0:
.L_simem_size_0:
called_computation.7_lowered:
.L_overlay_start_0:
0x88: {  	s2 =	sld [smem:$0x3FD9]  }
0x89: {  	s3 =	sld [smem:$0x3FFE];
	_ =	sdelay $0x1  }
0x8a: {  	s1 =	srdreg.scid  }
0x8b: {  	s0 =	sand.u32 $0x1, s1  }
0x8c: {  	s16 =	sshll.u32 s0, $0xA;
	s2 =	sadd.s32 s3, s2  }
0x8d: {  	s2 =	sadd.s32 s2, s16  }
0x8e: {  	[smem:$0x3FBD] =	sst s2  }
0x8f: {  	_ = 	snop  }
0x90: {  	(tm) =	ssettm $0x1  }
0x91: {  	s17 =	sld [smem:$0x3FFB];
	_ =	sdelay $0x3  }
0x92: {  	_ =	strace s17  }
0x93: {  	s2 =	sld [smem:$0x3FFC];
	_ =	sdelay $0x3  }
0x94: {  	_ =	strace s2  }
0x95: {  	s2 =	sld [smem:$0x3FFD];
	_ =	sdelay $0x3  }
0x96: {  	_ =	strace s2  }
0x97: {  	_ =	strace $0x8FFFFFFF  }
0x98: {  	s18 =	sld [smem:$0x3FDB];
	_ =	sdelay $0x1  }
0x99: {  	s19 =	simm.s32 $_scs_section_size  }
0x9a: {  	s4 =	simm.s32 $_size__tile_overlayer_lowered;
	s5 =	simm.s32 $_tile_overlayer_lowered  }
0x9b: {  	s22 =	simm.s32 $0x1BFF;
	s21 =	sshll.u32 s5, $0x1;
	s2 =	sadd.s32 s19, s18  }
0x9c: {  	s6 =	simm.s32 $0x0;
	s20 =	sshll.u32 s4, $0x1;
	s4 =	sadd.s32 s21, s2  }
0x9d: {  	[timem:s6], [sflag:s22] =	dma.local [hbm:s4], s20  }
0x9e: {  	_ =	swait.ge [sflag:s22], s20  }
0x9f: {  	s3 =	ssub.s32 $0x0, s20;
	[sflag:s22] =	ssyncset.done $0x0  }
0xa0: {  	[sflag:s22] =	ssyncadd.s32 s3;
	_ =	sdelay $0x1  }
0xa1: {  	s23 =	simm.s32 $0x1B8B  }
0xa2: {  	_ =	swait.ge [sflag:s23], $0x1  }
0xa3: {  	[sflag:s23] =	ssyncset.done $0x0  }
0xa4: {  	s25 =	simm.s32 $0x1B8E;
	s24 =	sld [smem:$0x3FFE];
	[sflag:s23] =	ssyncadd.s32 $0xFFFFFFFF  }
0xa5: {  	s26 =	simm.s32 $execute0_lowered;
	[smem:$0x3FD2] =	sst s25  }
0xa6: {  	s4 =	sshll.u32 s26, $0x1;
	_ =	strace $0x8000005B;
	[dreg:$0x1] =	wrdreg $0xFFFFFFFF  }
0xa7: {  	s28 =	simm.s32 $_size_execute0_lowered;
	s2 =	sadd.s32 s2, s4;
	[dreg:$0x0] =	wrdreg $0x0  }
0xa8: {  	s4 =	sshll.u32 s28, $0x1;
	[dreg:$0x2] =	wrdreg s2  }
0xa9: {  	[dreg:$0x3] =	wrdreg s4  }
0xaa: {  	[dreg:$0x4] =	wrdreg $0xC0  }
0xab: {  	_ =	task [dreg:s6], $0x5FFFF  }
0xac: {  	[dreg:$0x1] =	wrdreg $0xFFFFFFFF  }
0xad: {  	[dreg:$0x0] =	wrdreg $0x60  }
0xae: {  	[dreg:$0x2] =	wrdreg s24  }
0xaf: {  	[dreg:$0x3] =	wrdreg $0x9  }
0xb0: {  	_ =	task.clear_ibuf [dreg:s6], $0x4FFFF;
	_ =	strace $0x9000005B  }
0xb1: {  	s29 =	simm.s32 $0x9;
	_ =	strace $0x8000005D  }
0xb2: {  	_ =	swait.ge [sflag:s29], $0x1  }
0xb3: {  	[sflag:s29] =	ssyncadd.s32 $0xFFFFFFFF  }
0xb4: {  	_ =	strace $0x9000005D  }
0xb5: {  	_ =	sfence  }
0xb6: {  	s30 =	sld [smem:$0x0];
	_ =	sdelay $0x2  }
0xb7: {  	s31 =	sshll.u32 s1, $0xD;
	s1 =	sshrl.u32 s1, $0x2  }
0xb8: {  	s3 =	sand.u32 $0x4000, s31;
	s1 =	sadd.s32 s1, s30  }
0xb9: {  	s0 =	sor.u32 s3, s0;
	s1 =	sshll.u32 s1, $0x11  }
0xba: {  	s0 =	sor.u32 s1, s0  }
0xbb: {  	s0 =	sadd.s32 $0x8F2B, s0  }
0xbc: {  	[sflag:s0] =	ssyncadd.remote.s32 $0x1  }
0xbd: {  	_ =	sfence.sel $0xFFFF  }
0xbe: {  	[dreg:$0x0] =	wrdreg $0xFFFFFFFF;
	(pc) =	sbr.abs _section_cstart, $3  }
0xbf: {  	[dreg:$0x1] =	wrdreg $0xFFFFFFFF  }
0xc0: {  	_ =	task.clear_ibuf [dreg:s6], $0x2FFFF;
	_ =	strace $0x9FFFFFFF  }
0xc1: {  	(tm) =	ssettm $0x7FFFFFFF  }
tec
execute0_lowered:
.L_overlay_start_1:
0x0: {  	(tag) =	ssettag $0x1  }
0x1: {  	s4 =	rddreg [dreg:$0x0]  }
0x2: {  	s0 =	rddreg [dreg:$0x1];
	s1 =	stileid.u32  }
0x3: {  	s2 =	simm.s32 $0x0;
	s3 =	srdreg.scid;
	s11 =	simm.s32 $0xBD0  }
0x4: {  	s12 =	simm.s32 $0x100;
	s13 =	simm.s32 $0x13A0;
	s14 =	simm.s32 $0x180  }
0x5: {  	s15 =	simm.s32 $0x1B70;
	s16 =	simm.s32 $0x200;
	s17 =	simm.s32 $0x2340  }
0x6: {  	s18 =	simm.s32 $0x280;
	s19 =	simm.s32 $0x2B10;
	s20 =	simm.s32 $0x300  }
0x7: {  	s21 =	simm.s32 $0x32E0;
	s22 =	simm.s32 $0x380;
	s23 =	simm.s32 $0x3AB0  }
0x8: {  	s24 =	simm.s32 $0x1;
	s25 =	simm.s32 $0x0;
	s5 =	smul.u32 $0x4800, s1  }
0x9: {  	[smem:$0x7FF] =	sst s2;
	s6 =	smul.u32 $0x46500, s1;
	s7 =	sand.u32 $0x1, s3  }
0xa: {  	s3 =	sadd.s32 $0x2200, s4;
	s8 =	ssub.s32 $0x2, s7;
	s9 =	smul.u32 $0x23280, s7  }
0xb: {  	_ =	strace $0x8000005C;
	s7 =	smul.u32 $0x2400, s7;
	s10 =	sshrl.u32 s8, $0x1  }
0xc: {  	s5 =	sadd.s32 s5, s4;
	s6 =	sadd.s32 s6, s4;
	s31 =	ssub.s32 s8, s10  }
0xd: {  	s6 =	sadd.s32 s9, s6;
	s7 =	sadd.s32 s7, s5;
	s8 =	simm.s32 $0x7D  }
0xe: {  	s9 =	simm.s32 $0x400;
	s10 =	simm.s32 $0x80;
	s4 =	smax.u32 s31, $0x1  }
0xf: {  	s5 =	sadd.s32 $0x87AA00, s6;
	s6 =	sadd.s32 $0x8AA00, s7;
	s7 =	simm.s32 $0x2  }
.LBB2_1:
0x10: {  	s26 =	sadd.s32 $0x0, s6  }
0x11: {  	[tilespmem:s2], [sflag:$0x2] =	stream.linear.gather [hbm4b:s26+s2], $0x400, $0x38;
	[tilespmem:$0x4280] =	vst v63  }
0x12: {  	_ =	swait.ge [sflag:s7], $0x400  }
0x13: {  	[sflag:s7] =	ssyncset.done $0x0  }
0x14: {  	[sflag:s7] =	ssyncadd.s32 $0xFFFFFC00  }
0x15: {  	[tilespmem:s9], [sflag:$0x1] =	stream.indirect.gather [hbm4b:s3+s8], $0x10, s2, s8, $0xb8;
	[tilespmem:$0x4280] =	vst v63  }
0x16: {  	_ = 	snop  }
0x17: {  	[tilespmem:s11], [sflag:$0x1] =	stream.indirect.gather [hbm4b:s3+s8], $0x10, s10, s8, $0xb8;
	[tilespmem:$0x4280] =	vst v63  }
0x18: {  	_ = 	snop  }
0x19: {  	[tilespmem:s13], [sflag:$0x1] =	stream.indirect.gather [hbm4b:s3+s8], $0x10, s12, s8, $0xb8;
	[tilespmem:$0x4280] =	vst v63  }
0x1a: {  	_ = 	snop  }
0x1b: {  	[tilespmem:s15], [sflag:$0x1] =	stream.indirect.gather [hbm4b:s3+s8], $0x10, s14, s8, $0xb8;
	[tilespmem:$0x4280] =	vst v63  }
0x1c: {  	_ = 	snop  }
0x1d: {  	[tilespmem:s17], [sflag:$0x1] =	stream.indirect.gather [hbm4b:s3+s8], $0x10, s16, s8, $0xb8;
	[tilespmem:$0x4280] =	vst v63  }
0x1e: {  	_ = 	snop  }
0x1f: {  	[tilespmem:s19], [sflag:$0x1] =	stream.indirect.gather [hbm4b:s3+s8], $0x10, s18, s8, $0xb8;
	[tilespmem:$0x4280] =	vst v63  }
0x20: {  	_ = 	snop  }
0x21: {  	[tilespmem:s21], [sflag:$0x1] =	stream.indirect.gather [hbm4b:s3+s8], $0x10, s20, s8, $0xb8;
	[tilespmem:$0x4280] =	vst v63  }
0x22: {  	_ = 	snop  }
0x23: {  	[tilespmem:s23], [sflag:$0x1] =	stream.indirect.gather [hbm4b:s3+s8], $0x10, s22, s8, $0xb8;
	[tilespmem:$0x4280] =	vst v63  }
0x24: {  	_ =	swait.ge [sflag:s24], $0x7D0  }
0x25: {  	[sflag:s24] =	ssyncset.done $0x0  }
0x26: {  	[sflag:s24] =	ssyncadd.s32 $0xFFFFF830  }
0x27: {  	_ =	swait.ge [sflag:s24], $0x7D0  }
0x28: {  	[sflag:s24] =	ssyncset.done $0x0  }
0x29: {  	[sflag:s24] =	ssyncadd.s32 $0xFFFFF830  }
0x2a: {  	_ =	swait.ge [sflag:s24], $0x7D0  }
0x2b: {  	[sflag:s24] =	ssyncset.done $0x0  }
0x2c: {  	[sflag:s24] =	ssyncadd.s32 $0xFFFFF830  }
0x2d: {  	_ =	swait.ge [sflag:s24], $0x7D0  }
0x2e: {  	[sflag:s24] =	ssyncset.done $0x0  }
0x2f: {  	[sflag:s24] =	ssyncadd.s32 $0xFFFFF830  }
0x30: {  	_ =	swait.ge [sflag:s24], $0x7D0  }
0x31: {  	[sflag:s24] =	ssyncset.done $0x0  }
0x32: {  	[sflag:s24] =	ssyncadd.s32 $0xFFFFF830  }
0x33: {  	_ =	swait.ge [sflag:s24], $0x7D0  }
0x34: {  	[sflag:s24] =	ssyncset.done $0x0  }
0x35: {  	[sflag:s24] =	ssyncadd.s32 $0xFFFFF830  }
0x36: {  	_ =	swait.ge [sflag:s24], $0x7D0  }
0x37: {  	[sflag:s24] =	ssyncset.done $0x0  }
0x38: {  	[sflag:s24] =	ssyncadd.s32 $0xFFFFF830  }
0x39: {  	_ =	swait.ge [sflag:s24], $0x7D0  }
0x3a: {  	[sflag:s24] =	ssyncset.done $0x0  }
0x3b: {  	[sflag:s24] =	ssyncadd.s32 $0xFFFFF830  }
0x3c: {  	[hbm4b:s5+s2] =	stream.linear.scatter [tilespmem:s9], [sflag:$0x2], $0x3E80, $0x38;
	[tilespmem:$0x4280] =	vst v63  }
0x3d: {  	s28 =	simm.s32 $0x80;
	_ =	swait.ge [sflag:s7], $0x3E80  }
0x3e: {  	s30 =	simm.s32 $0x100;
	s26 =	sadd.s32 $0x7D0, s5;
	[sflag:s7] =	ssyncset.done $0x0  }
.LBB2_2:
0x3f: {  	s31 =	sadd.s32 s28, s6  }
0x40: {  	[sflag:s7] =	ssyncadd.s32 $0xFFFFC180;
	s28 =	smov.u32 s30;
	s29 =	sadd.s32 $0x80, s30  }
0x41: {  	[tilespmem:s2], [sflag:$0x2] =	stream.linear.gather [hbm4b:s31+s2], $0x400, $0x38;
	[tilespmem:$0x4280] =	vst v63  }
0x42: {  	p0 =	sne.s32 s30, $0x2380;
	_ =	swait.ge [sflag:s7], $0x400  }
0x43: {  	[sflag:s7] =	ssyncset.done $0x0  }
0x44: {  	[sflag:s7] =	ssyncadd.s32 $0xFFFFFC00  }
0x45: {  	[tilespmem:s9], [sflag:$0x1] =	stream.indirect.gather [hbm4b:s3+s8], $0x10, s2, s8, $0xb8;
	[tilespmem:$0x4280] =	vst v63  }
0x46: {  	_ = 	snop  }
0x47: {  	[tilespmem:s11], [sflag:$0x1] =	stream.indirect.gather [hbm4b:s3+s8], $0x10, s10, s8, $0xb8;
	[tilespmem:$0x4280] =	vst v63  }
0x48: {  	_ = 	snop  }
0x49: {  	[tilespmem:s13], [sflag:$0x1] =	stream.indirect.gather [hbm4b:s3+s8], $0x10, s12, s8, $0xb8;
	[tilespmem:$0x4280] =	vst v63  }
0x4a: {  	_ = 	snop  }
0x4b: {  	[tilespmem:s15], [sflag:$0x1] =	stream.indirect.gather [hbm4b:s3+s8], $0x10, s14, s8, $0xb8;
	[tilespmem:$0x4280] =	vst v63  }
0x4c: {  	_ = 	snop  }
0x4d: {  	[tilespmem:s17], [sflag:$0x1] =	stream.indirect.gather [hbm4b:s3+s8], $0x10, s16, s8, $0xb8;
	[tilespmem:$0x4280] =	vst v63  }
0x4e: {  	_ = 	snop  }
0x4f: {  	[tilespmem:s19], [sflag:$0x1] =	stream.indirect.gather [hbm4b:s3+s8], $0x10, s18, s8, $0xb8;
	[tilespmem:$0x4280] =	vst v63  }
0x50: {  	_ = 	snop  }
0x51: {  	[tilespmem:s21], [sflag:$0x1] =	stream.indirect.gather [hbm4b:s3+s8], $0x10, s20, s8, $0xb8;
	[tilespmem:$0x4280] =	vst v63  }
0x52: {  	_ = 	snop  }
0x53: {  	[tilespmem:s23], [sflag:$0x1] =	stream.indirect.gather [hbm4b:s3+s8], $0x10, s22, s8, $0xb8;
	[tilespmem:$0x4280] =	vst v63  }
0x54: {  	_ =	swait.ge [sflag:s24], $0x7D0  }
0x55: {  	[sflag:s24] =	ssyncset.done $0x0  }
0x56: {  	[sflag:s24] =	ssyncadd.s32 $0xFFFFF830  }
0x57: {  	_ =	swait.ge [sflag:s24], $0x7D0  }
0x58: {  	[sflag:s24] =	ssyncset.done $0x0  }
0x59: {  	[sflag:s24] =	ssyncadd.s32 $0xFFFFF830  }
0x5a: {  	_ =	swait.ge [sflag:s24], $0x7D0  }
0x5b: {  	[sflag:s24] =	ssyncset.done $0x0  }
0x5c: {  	[sflag:s24] =	ssyncadd.s32 $0xFFFFF830  }
0x5d: {  	_ =	swait.ge [sflag:s24], $0x7D0  }
0x5e: {  	[sflag:s24] =	ssyncset.done $0x0  }
0x5f: {  	[sflag:s24] =	ssyncadd.s32 $0xFFFFF830  }
0x60: {  	_ =	swait.ge [sflag:s24], $0x7D0  }
0x61: {  	[sflag:s24] =	ssyncset.done $0x0  }
0x62: {  	[sflag:s24] =	ssyncadd.s32 $0xFFFFF830  }
0x63: {  	_ =	swait.ge [sflag:s24], $0x7D0  }
0x64: {  	[sflag:s24] =	ssyncset.done $0x0  }
0x65: {  	[sflag:s24] =	ssyncadd.s32 $0xFFFFF830  }
0x66: {  	_ =	swait.ge [sflag:s24], $0x7D0  }
0x67: {  	[sflag:s24] =	ssyncset.done $0x0  }
0x68: {  	[sflag:s24] =	ssyncadd.s32 $0xFFFFF830  }
0x69: {  	_ =	swait.ge [sflag:s24], $0x7D0  }
.Ltmp0:
0x6a: {  	[sflag:s24] =	ssyncset.done $0x0;
	(pc) =	sbr.rel @p0 .LBB2_2-.Ltmp0, $4  }
0x6b: {  	[sflag:s24] =	ssyncadd.s32 $0xFFFFF830  }
0x6c: {  	[hbm4b:s26+s2] =	stream.linear.scatter [tilespmem:s9], [sflag:$0x2], $0x3E80, $0x38;
	[tilespmem:$0x4280] =	vst v63  }
0x6d: {  	_ =	swait.ge [sflag:s7], $0x3E80  }
0x6e: {  	s30 =	smov.u32 s29;
	s26 =	sadd.s32 $0x7D0, s26;
	[sflag:s7] =	ssyncset.done $0x0  }
0x6f: {  	s28 =	sadd.s32 s28, s6;
	[sflag:s7] =	ssyncadd.s32 $0xFFFFC180  }
0x70: {  	[tilespmem:s2], [sflag:$0x2] =	stream.linear.gather [hbm4b:s28+s2], $0x400, $0x38;
	[tilespmem:$0x4280] =	vst v63  }
0x71: {  	_ =	swait.ge [sflag:s7], $0x400  }
0x72: {  	[sflag:s7] =	ssyncset.done $0x0  }
0x73: {  	[sflag:s7] =	ssyncadd.s32 $0xFFFFFC00  }
0x74: {  	[tilespmem:s9], [sflag:$0x1] =	stream.indirect.gather [hbm4b:s3+s8], $0x10, s2, s8, $0xb8;
	[tilespmem:$0x4280] =	vst v63  }
0x75: {  	_ = 	snop  }
0x76: {  	[tilespmem:s11], [sflag:$0x1] =	stream.indirect.gather [hbm4b:s3+s8], $0x10, s10, s8, $0xb8;
	[tilespmem:$0x4280] =	vst v63  }
0x77: {  	_ = 	snop  }
0x78: {  	[tilespmem:s13], [sflag:$0x1] =	stream.indirect.gather [hbm4b:s3+s8], $0x10, s12, s8, $0xb8;
	[tilespmem:$0x4280] =	vst v63  }
0x79: {  	_ = 	snop  }
0x7a: {  	[tilespmem:s15], [sflag:$0x1] =	stream.indirect.gather [hbm4b:s3+s8], $0x10, s14, s8, $0xb8;
	[tilespmem:$0x4280] =	vst v63  }
0x7b: {  	_ = 	snop  }
0x7c: {  	[tilespmem:s17], [sflag:$0x1] =	stream.indirect.gather [hbm4b:s3+s8], $0x10, s16, s8, $0xb8;
	[tilespmem:$0x4280] =	vst v63  }
0x7d: {  	_ = 	snop  }
0x7e: {  	[tilespmem:s19], [sflag:$0x1] =	stream.indirect.gather [hbm4b:s3+s8], $0x10, s18, s8, $0xb8;
	[tilespmem:$0x4280] =	vst v63  }
0x7f: {  	_ = 	snop  }
0x80: {  	[tilespmem:s21], [sflag:$0x1] =	stream.indirect.gather [hbm4b:s3+s8], $0x10, s20, s8, $0xb8;
	[tilespmem:$0x4280] =	vst v63  }
0x81: {  	_ = 	snop  }
0x82: {  	[tilespmem:s23], [sflag:$0x1] =	stream.indirect.gather [hbm4b:s3+s8], $0x10, s22, s8, $0xb8;
	[tilespmem:$0x4280] =	vst v63  }
0x83: {  	_ =	swait.ge [sflag:s24], $0x7D0  }
0x84: {  	[sflag:s24] =	ssyncset.done $0x0  }
0x85: {  	[sflag:s24] =	ssyncadd.s32 $0xFFFFF830  }
0x86: {  	_ =	swait.ge [sflag:s24], $0x7D0  }
0x87: {  	[sflag:s24] =	ssyncset.done $0x0  }
0x88: {  	[sflag:s24] =	ssyncadd.s32 $0xFFFFF830  }
0x89: {  	_ =	swait.ge [sflag:s24], $0x7D0  }
0x8a: {  	[sflag:s24] =	ssyncset.done $0x0  }
0x8b: {  	[sflag:s24] =	ssyncadd.s32 $0xFFFFF830  }
0x8c: {  	_ =	swait.ge [sflag:s24], $0x7D0  }
0x8d: {  	[sflag:s24] =	ssyncset.done $0x0  }
0x8e: {  	[sflag:s24] =	ssyncadd.s32 $0xFFFFF830  }
0x8f: {  	_ =	swait.ge [sflag:s24], $0x7D0  }
0x90: {  	[sflag:s24] =	ssyncset.done $0x0  }
0x91: {  	[sflag:s24] =	ssyncadd.s32 $0xFFFFF830  }
0x92: {  	_ =	swait.ge [sflag:s24], $0x7D0  }
0x93: {  	[sflag:s24] =	ssyncset.done $0x0  }
0x94: {  	[sflag:s24] =	ssyncadd.s32 $0xFFFFF830  }
0x95: {  	_ =	swait.ge [sflag:s24], $0x7D0  }
0x96: {  	[sflag:s24] =	ssyncset.done $0x0  }
0x97: {  	[sflag:s24] =	ssyncadd.s32 $0xFFFFF830  }
0x98: {  	s25 =	sadd.s32 $0x1, s25;
	_ =	swait.ge [sflag:s24], $0x7D0  }
0x99: {  	p0 =	sne.s32 s25, s4;
	[sflag:s24] =	ssyncset.done $0x0  }
.Ltmp1:
0x9a: {  	[sflag:s24] =	ssyncadd.s32 $0xFFFFF830;
	(pc) =	sbr.rel @p0 .LBB2_1-.Ltmp1, $4  }
0x9b: {  	[hbm4b:s26+s2] =	stream.linear.scatter [tilespmem:s9], [sflag:$0x2], $0x3E80, $0x38;
	[tilespmem:$0x4280] =	vst v63  }
0x9c: {  	_ =	swait.ge [sflag:s7], $0x3E80  }
0x9d: {  	[sflag:s7] =	ssyncset.done $0x0  }
0x9e: {  	[sflag:s7] =	ssyncadd.s32 $0xFFFFC180  }
0x9f: {  	_ =	sfence.sel $0x180000  }
0xa0: {  	[bflag:$0x0] =	sbarrier.arrive $0xFFFF  }
0xa1: {  	p0 =	sne.s32 s1, $0x0;
	_ =	strace $0x9000005C  }
0xa2: {  	s0 =	sadd.s32 @!p0 $0x100000, s0;
	[bflag:$0x2] =	sbarrier.arrive $0xFFFF  }
0xa3: {  	[sflag:s0] =	ssyncadd.tile.s32 @!p0 $0x1;
	_ =	shalt  }
.Lfunc_end2:
_tile_overlayer_lowered:
.L_overlay_start_2:
0xa4: {  	(tag) =	ssettag $0x2  }
0xa5: {  	s0 =	rddreg [dreg:$0x0];
	s2 =	stileid.u32  }
0xa6: {  	s1 =	rddreg [dreg:$0x1];
	p0 =	sne.s32 s2, $0x0  }
0xa7: {  	s3 =	rddreg [dreg:$0x2];
	[bflag:$0x3] =	sbarrier.arrive $0xFFFF;
	s2 =	simm.s32 @!p0 $0x1C02  }
0xa8: {  	[timem:s3], [sflag:s2] =	dma.local @!p0 [hbm:s0], s1  }
0xa9: {  	s0 =	simm.s32 @!p0 $0x2  }
0xaa: {  	_ =	swait.ge @!p0 [sflag:s0], s1  }
0xab: {  	s1 =	ssub.s32 @!p0 $0x0, s1;
	[sflag:s0] =	ssyncset.done @!p0 $0x0  }
0xac: {  	[sflag:s0] =	ssyncadd.s32 @!p0 s1  }
0xad: {  	[bflag:$0x3] =	sbarrier.arrive $0xFFFF  }
0xae: {  	_ =	shalt  }

// kernel: sparse-core-data-format-call.1.cloned.1.call-start
scs
called_computation.1_lowered:
.L_overlay_start_0:
0x0: {  	s1 =	sld [smem:$0x3FD9]  }
0x1: {  	s2 =	sld [smem:$0x3FFE];
	_ =	sdelay $0x1  }
0x2: {  	s3 =	srdreg.scid  }
0x3: {  	s0 =	sand.u32 $0x1, s3  }
0x4: {  	s17 =	sshll.u32 s0, $0xA;
	s1 =	sadd.s32 s2, s1  }
0x5: {  	s1 =	sadd.s32 s1, s17  }
0x6: {  	[smem:$0x3FBD] =	sst s1  }
0x7: {  	_ = 	snop  }
0x8: {  	(tm) =	ssettm $0x1  }
0x9: {  	s18 =	sld [smem:$0x3FFB];
	_ =	sdelay $0x3  }
0xa: {  	_ =	strace s18  }
0xb: {  	s1 =	sld [smem:$0x3FFC];
	_ =	sdelay $0x3  }
0xc: {  	_ =	strace s1  }
0xd: {  	s1 =	sld [smem:$0x3FFD];
	_ =	sdelay $0x3  }
0xe: {  	_ =	strace s1  }
0xf: {  	_ =	strace $0x8FFFFFFF  }
0x10: {  	s19 =	sld [smem:$0x3FDB];
	_ =	sdelay $0x1  }
0x11: {  	s20 =	simm.s32 $_scs_section_size  }
0x12: {  	s4 =	simm.s32 $_size__tile_overlayer_lowered;
	s5 =	simm.s32 $_tile_overlayer_lowered  }
0x13: {  	s23 =	simm.s32 $0x1BFF;
	s22 =	sshll.u32 s5, $0x1;
	s1 =	sadd.s32 s20, s19  }
0x14: {  	s6 =	simm.s32 $0x0;
	s21 =	sshll.u32 s4, $0x1;
	s4 =	sadd.s32 s22, s1  }
0x15: {  	[timem:s6], [sflag:s23] =	dma.local [hbm:s4], s21  }
0x16: {  	_ =	swait.ge [sflag:s23], s21  }
0x17: {  	s2 =	ssub.s32 $0x0, s21;
	[sflag:s23] =	ssyncset.done $0x0  }
0x18: {  	[sflag:s23] =	ssyncadd.s32 s2;
	_ =	sdelay $0x1  }
0x19: {  	s24 =	simm.s32 $0x1B8B  }
0x1a: {  	_ =	swait.ge [sflag:s24], $0x1  }
0x1b: {  	[sflag:s24] =	ssyncset.done $0x0  }
0x1c: {  	s26 =	simm.s32 $0x1B8E;
	s25 =	sld [smem:$0x3FFE];
	[sflag:s24] =	ssyncadd.s32 $0xFFFFFFFF  }
0x1d: {  	s27 =	simm.s32 $execute0_lowered;
	[smem:$0x3FD2] =	sst s26  }
0x1e: {  	s4 =	sshll.u32 s27, $0x1;
	_ =	strace $0x8000004F;
	[dreg:$0x1] =	wrdreg $0xFFFFFFFF  }
0x1f: {  	s28 =	simm.s32 $_size_execute0_lowered;
	s1 =	sadd.s32 s1, s4;
	[dreg:$0x0] =	wrdreg $0x0  }
0x20: {  	s4 =	sshll.u32 s28, $0x1;
	[dreg:$0x2] =	wrdreg s1  }
0x21: {  	[dreg:$0x3] =	wrdreg s4  }
0x22: {  	[dreg:$0x4] =	wrdreg $0xC0  }
0x23: {  	_ =	task [dreg:s6], $0x5FFFF  }
0x24: {  	[dreg:$0x1] =	wrdreg $0xFFFFFFFF  }
0x25: {  	[dreg:$0x0] =	wrdreg $0x60  }
0x26: {  	[dreg:$0x2] =	wrdreg s25  }
0x27: {  	[dreg:$0x3] =	wrdreg $0x9  }
0x28: {  	_ =	task.clear_ibuf [dreg:s6], $0x4FFFF;
	_ =	strace $0x9000004F  }
0x29: {  	s29 =	simm.s32 $0x9;
	_ =	strace $0x80000051  }
0x2a: {  	_ =	swait.ge [sflag:s29], $0x1  }
0x2b: {  	[sflag:s29] =	ssyncadd.s32 $0xFFFFFFFF  }
0x2c: {  	_ =	strace $0x90000051  }
0x2d: {  	_ =	sfence  }
0x2e: {  	s30 =	sld [smem:$0x0];
	_ =	sdelay $0x2  }
0x2f: {  	s31 =	sshll.u32 s3, $0xD;
	s3 =	sshrl.u32 s3, $0x2  }
0x30: {  	s2 =	sand.u32 $0x4000, s31;
	s1 =	sadd.s32 s3, s30  }
0x31: {  	s0 =	sor.u32 s2, s0;
	s1 =	sshll.u32 s1, $0x11  }
0x32: {  	s0 =	sor.u32 s1, s0  }
0x33: {  	s0 =	sadd.s32 $0x8F2B, s0  }
0x34: {  	[sflag:s0] =	ssyncadd.remote.s32 $0x1  }
0x35: {  	_ =	sfence.sel $0xFFFF  }
0x36: {  	[dreg:$0x0] =	wrdreg $0xFFFFFFFF;
	(pc) =	sbr.abs _section_cstart, $3  }
0x37: {  	[dreg:$0x1] =	wrdreg $0xFFFFFFFF  }
0x38: {  	_ =	task.clear_ibuf [dreg:s6], $0x2FFFF;
	_ =	strace $0x9FFFFFFF  }
0x39: {  	(tm) =	ssettm $0x7FFFFFFF  }
tec
execute0_lowered:
.L_overlay_start_1:
0x0: {  	(tag) =	ssettag $0x1  }
0x1: {  	s0 =	srdreg.scid  }
0x2: {  	s5 =	rddreg [dreg:$0x0];
	s1 =	sshll.u32 s0, $0x4  }
0x3: {  	s4 =	simm.s32 $0x1;
	s0 =	stileid.u32;
	s1 =	sand.u32 $0x10, s1  }
0x4: {  	s8 =	simm.s32 $0x2;
	s12 =	simm.s32 $0x0;
	s2 =	sor.u32 s0, s1  }
0x5: {  	s9 =	simm.s32 $0x240000;
	s3 =	sadd.s32 $0x4EFA00, s5;
	s2 =	sshll.u32 s2, $0x3  }
0x6: {  	s11 =	simm.s32 $0x0;
	s5 =	sadd.s32 $0x28EFA00, s5;
	s6 =	ssub.s32 $0x4800, s2  }
.Ltmp0:
0x7: {  	s1 =	rddreg [dreg:$0x1];
	s7 =	sand.u32 $0xF8, s6;
	(pc) =	sbr.rel .LBB1_1-.Ltmp0, $4  }
0x8: {  	_ =	strace $0x80000050;
	p0 =	sne.s32 s7, $0x0;
	s7 =	simm.s32 $0x1  }
0x9: {  	[sflag:s4] =	ssyncpa.u1 $0x0;
	s6 =	sshrl.u32 s6, $0x8;
	s7 =	simm.s32 @!p0 $0x0  }
0xa: {  	[sflag:s8] =	ssyncpa.u1 $0x0;
	s8 =	simm.s32 $0x400;
	s6 =	sadd.s32 s7, s6  }
0xb: {  	s10 =	smov.u32 s2;
	p0 =	por $0x0, $0x0;
	s7 =	sadd.s32 $0x1, s6  }
.LBB1_7:
0xc: {  	s14 =	sadd.s32 $0x100, s10  }
0xd: {  	p2 =	sgt.s32 s14, $0x47FF  }
0xe: {  	s14 =	smov.u32 @p2 s2;
	p2 =	sne.s32 s11, s7  }
.Ltmp1:
0xf: {  	p1 =	slt.u32 s11, $0x2;
	(pc) =	sbr.rel @!p2 .LBB1_8-.Ltmp1, $4  }
0x10: {  	s13 =	simm.s32 @!p1 $0x2  }
0x11: {  	s15 =	sadd.s32 $0x1, s11;
	_ =	swait.ge @!p1 [sflag:s13], $0x4000  }
0x12: {  	s12 =	smov.u32 s10;
	p0 =	por !p0, !p0;
	[sflag:s13] =	ssyncset.done @!p1 $0x0  }
0x13: {  	s11 =	smov.u32 s15;
	s10 =	smov.u32 s14;
	[sflag:s13] =	ssyncadd.s32 @!p1 $0xFFFFC000  }
.LBB1_1:
0x14: {  	p1 =	sge.u32 s11, s6  }
0x15: {  	s31 =	sadd.s32 $0xFFFFFFFF, s11;
	s13 =	sxor.u32 @!p1 $0xFFFFFFFF, s11  }
0x16: {  	s14 =	sshll.u32 @!p1 s10, $0xB;
	s15 =	simm.s32 @!p1 $0x10;
	s13 =	sshll.u32 @!p1 s13, $0xE  }
0x17: {  	s16 =	simm.s32 @!p1 $0x80;
	s14 =	sadd.s32 @!p1 s3, s14;
	s13 =	sand.u32 @!p1 $0x4000, s13  }
0x18: {  	[tilespmem:s13], [sflag:$0x1] =	stream.strided.gather @!p1 [hbm4b:s14+s15], $0x4000, s16, s15, $0x38;
	[tilespmem:$0x10100] =	vst v63  }
0x19: {  	p1 =	sge.u32 s31, s6  }
.Ltmp2:
0x1a: {  	_ = 	snop;
	(pc) =	sbr.rel @p1 .LBB1_7-.Ltmp2, $1  }
0x1b: {  	_ =	sdelay $0x3  }
0x1c: {  	s13 =	simm.s32 $0x1;
	s15 =	sand.u32 $0x1, s11  }
0x1d: {  	_ =	swait.ge [sflag:s4], $0x4000;
	s13 =	simm.s32 @!p0 $0x0;
	s16 =	smul.u32 $0x10200, s15  }
0x1e: {  	[sflag:s4] =	ssyncset.done $0x0;
	s14 =	smul.u32 $0x10200, s13  }
0x1f: {  	s13 =	sshll.u32 s13, $0xE;
	[sflag:s4] =	ssyncadd.s32 $0xFFFFC000  }
0x20: {  	s15 =	sor.u32 $0x40, s13;
	s31 =	sshrl.u32 s16, $0x2;
	s14 =	sshrl.u32 s14, $0x2  }
0x21: {  	s16 =	simm.s32 $0x0;
	s13 =	sor.u32 $0x8000, s31;
	s14 =	sor.u32 $0x8007, s14  }
.LBB1_3:
0x22: {  	v3 =	vld [tilespmem:s15+$0x30]  }
0x23: {  	v4 =	vld [tilespmem:s15+$0xFFFFFFD0]  }
0x24: {  	v5 =	vld [tilespmem:s15+$0xFFFFFFE0]  }
0x25: {  	v1 =	vld [tilespmem:s15+$0xFFFFFFF0]  }
0x26: {  	v0 =	vld [tilespmem:s15+$0x0]  }
0x27: {  	v2 =	vld [tilespmem:s15+$0x10];
	[tilespmem:s14+$0x0 ss:$0x408] =	vst.msk $0xffff, v3  }
0x28: {  	[tilespmem:s14+$0xFFFFFFFA ss:$0x408] =	vst.msk $0xffff, v4;
	v4 =	vld [tilespmem:s15+$0x20]  }
0x29: {  	s18 =	simm.s32 $0x0;
	s19 =	sadd.s32 $0x80, s15;
	s17 =	smov.u32 s14;
	v3 =	vld [tilespmem:s15+$0xFFFFFFC0];
	[tilespmem:s14+$0xFFFFFFFB ss:$0x408] =	vst.msk $0xffff, v5  }
.LBB1_4:
0x2a: {  	v5 =	vld [tilespmem:s19+$0x30];
	s18 =	sadd.s32 $0x8, s18;
	[tilespmem:s17+$0xFFFFFFFC ss:$0x408] =	vst.msk $0xffff, v1  }
0x2b: {  	v6 =	vld [tilespmem:s19+$0xFFFFFFD0];
	p1 =	slt.u32 s18, $0x78;
	[tilespmem:s17+$0xFFFFFFFD ss:$0x408] =	vst.msk $0xffff, v0  }
0x2c: {  	v7 =	vld [tilespmem:s19+$0xFFFFFFE0];
	[tilespmem:s17+$0xFFFFFFFE ss:$0x408] =	vst.msk $0xffff, v2  }
.Ltmp3:
0x2d: {  	v1 =	vld [tilespmem:s19+$0xFFFFFFF0];
	[tilespmem:s17+$0xFFFFFFFF ss:$0x408] =	vst.msk $0xffff, v4;
	(pc) =	sbr.rel @p1 .LBB1_4-.Ltmp3, $4  }
0x2e: {  	v0 =	vld [tilespmem:s19+$0x0];
	[tilespmem:s17+$0xFFFFFFF9 ss:$0x408] =	vst.msk $0xffff, v3;
	s17 =	sadd.s32 $0x8, s17  }
0x2f: {  	v2 =	vld [tilespmem:s19+$0x10];
	[tilespmem:s17+$0x0 ss:$0x408] =	vst.msk $0xffff, v5  }
0x30: {  	[tilespmem:s17+$0xFFFFFFFA ss:$0x408] =	vst.msk $0xffff, v6;
	v4 =	vld [tilespmem:s19+$0x20]  }
0x31: {  	v3 =	vld [tilespmem:s19+$0xFFFFFFC0];
	[tilespmem:s17+$0xFFFFFFFB ss:$0x408] =	vst.msk $0xffff, v7;
	s19 =	sadd.s32 $0x80, s19  }
0x32: {  	s16 =	sadd.s32 $0x1, s16  }
0x33: {  	p1 =	sne.s32 s16, $0x8  }
.Ltmp4:
0x34: {  	[tilespmem:s17+$0xFFFFFFFC ss:$0x408] =	vst.msk $0xffff, v1;
	(pc) =	sbr.rel @p1 .LBB1_3-.Ltmp4, $4  }
0x35: {  	[tilespmem:s17+$0xFFFFFFFD ss:$0x408] =	vst.msk $0xffff, v0  }
0x36: {  	[tilespmem:s17+$0xFFFFFFFE ss:$0x408] =	vst.msk $0xffff, v2  }
0x37: {  	[tilespmem:s17+$0xFFFFFFFF ss:$0x408] =	vst.msk $0xffff, v4  }
0x38: {  	s14 =	sadd.s32 $0x81, s14;
	s15 =	sadd.s32 $0x800, s15;
	[tilespmem:s17+$0xFFFFFFF9 ss:$0x408] =	vst.msk $0xffff, v3  }
0x39: {  	s12 =	sand.u32 $0x1FFFFFF, s12  }
0x3a: {  	s14 =	smulhi.u32 $0xE38E39, s12;
	_ =	sdelay $0x1  }
0x3b: {  	s14 =	sshrl.u32 s14, $0x6  }
0x3c: {  	s14 =	smul.u32 $0x4800, s14  }
.Ltmp5:
0x3d: {  	_ = 	snop;
	(pc) =	sbr.rel .LBB1_7-.Ltmp5, $4  }
0x3e: {  	s12 =	ssub.s32 s12, s14  }
0x3f: {  	s12 =	sshll.u32 s12, $0x4  }
0x40: {  	s12 =	sadd.s32 s5, s12  }
0x41: {  	[hbm4b:s12+s8] =	stream.strided.scatter [tilespmem:s13], [sflag:$0x2], $0x4000, s9, s8, $0x20;
	[tilespmem:$0x10100] =	vst v63  }
.LBB1_8:
0x42: {  	_ =	sfence.sel $0x180000  }
0x43: {  	s2 =	simm.s32 $0x1;
	[bflag:$0x0] =	sbarrier.arrive $0xFFFF  }
0x44: {  	s31 =	simm.s32 $0x2;
	[sflag:s2] =	ssyncpa.u1 $0x1  }
0x45: {  	[sflag:s31] =	ssyncpa.u1 $0x1  }
0x46: {  	p0 =	sne.s32 s0, $0x0;
	_ =	strace $0x90000050  }
0x47: {  	s0 =	sadd.s32 @!p0 $0x100000, s1;
	[bflag:$0x2] =	sbarrier.arrive $0xFFFF  }
0x48: {  	[sflag:s0] =	ssyncadd.tile.s32 @!p0 $0x1;
	_ =	shalt  }
.Lfunc_end1:
_tile_overlayer_lowered:
.L_overlay_start_2:
0x49: {  	(tag) =	ssettag $0x2  }
0x4a: {  	s0 =	rddreg [dreg:$0x0];
	s2 =	stileid.u32  }
0x4b: {  	s1 =	rddreg [dreg:$0x1];
	p0 =	sne.s32 s2, $0x0  }
0x4c: {  	s3 =	rddreg [dreg:$0x2];
	[bflag:$0x3] =	sbarrier.arrive $0xFFFF;
	s2 =	simm.s32 @!p0 $0x1C01  }
0x4d: {  	[timem:s3], [sflag:s2] =	dma.local @!p0 [hbm:s0], s1  }
0x4e: {  	s0 =	simm.s32 @!p0 $0x1  }
0x4f: {  	_ =	swait.ge @!p0 [sflag:s0], s1  }
0x50: {  	s1 =	ssub.s32 @!p0 $0x0, s1;
	[sflag:s0] =	ssyncset.done @!p0 $0x0  }
0x51: {  	[sflag:s0] =	ssyncadd.s32 @!p0 s1  }
0x52: {  	[bflag:$0x3] =	sbarrier.arrive $0xFFFF  }
0x53: {  	_ =	shalt  }

// kernel: sparse-core-data-format-call.2.cloned.1.call-start
scs
called_computation.2_lowered:
.L_overlay_start_0:
0x0: {  	s1 =	sld [smem:$0x3FD9]  }
0x1: {  	s2 =	sld [smem:$0x3FFE];
	_ =	sdelay $0x1  }
0x2: {  	s3 =	srdreg.scid  }
0x3: {  	s0 =	sand.u32 $0x1, s3  }
0x4: {  	s17 =	sshll.u32 s0, $0xA;
	s1 =	sadd.s32 s2, s1  }
0x5: {  	s1 =	sadd.s32 s1, s17  }
0x6: {  	[smem:$0x3FBD] =	sst s1  }
0x7: {  	_ = 	snop  }
0x8: {  	(tm) =	ssettm $0x1  }
0x9: {  	s18 =	sld [smem:$0x3FFB];
	_ =	sdelay $0x3  }
0xa: {  	_ =	strace s18  }
0xb: {  	s1 =	sld [smem:$0x3FFC];
	_ =	sdelay $0x3  }
0xc: {  	_ =	strace s1  }
0xd: {  	s1 =	sld [smem:$0x3FFD];
	_ =	sdelay $0x3  }
0xe: {  	_ =	strace s1  }
0xf: {  	_ =	strace $0x8FFFFFFF  }
0x10: {  	s19 =	sld [smem:$0x3FDB];
	_ =	sdelay $0x1  }
0x11: {  	s20 =	simm.s32 $_scs_section_size  }
0x12: {  	s4 =	simm.s32 $_size__tile_overlayer_lowered;
	s5 =	simm.s32 $_tile_overlayer_lowered  }
0x13: {  	s23 =	simm.s32 $0x1BFF;
	s22 =	sshll.u32 s5, $0x1;
	s1 =	sadd.s32 s20, s19  }
0x14: {  	s6 =	simm.s32 $0x0;
	s21 =	sshll.u32 s4, $0x1;
	s4 =	sadd.s32 s22, s1  }
0x15: {  	[timem:s6], [sflag:s23] =	dma.local [hbm:s4], s21  }
0x16: {  	_ =	swait.ge [sflag:s23], s21  }
0x17: {  	s2 =	ssub.s32 $0x0, s21;
	[sflag:s23] =	ssyncset.done $0x0  }
0x18: {  	[sflag:s23] =	ssyncadd.s32 s2;
	_ =	sdelay $0x1  }
0x19: {  	s24 =	simm.s32 $0x1B8B  }
0x1a: {  	_ =	swait.ge [sflag:s24], $0x1  }
0x1b: {  	[sflag:s24] =	ssyncset.done $0x0  }
0x1c: {  	s26 =	simm.s32 $0x1B8E;
	s25 =	sld [smem:$0x3FFE];
	[sflag:s24] =	ssyncadd.s32 $0xFFFFFFFF  }
0x1d: {  	s27 =	simm.s32 $execute0_lowered;
	[smem:$0x3FD2] =	sst s26  }
0x1e: {  	s4 =	sshll.u32 s27, $0x1;
	_ =	strace $0x80000049;
	[dreg:$0x1] =	wrdreg $0xFFFFFFFF  }
0x1f: {  	s28 =	simm.s32 $_size_execute0_lowered;
	s1 =	sadd.s32 s1, s4;
	[dreg:$0x0] =	wrdreg $0x0  }
0x20: {  	s4 =	sshll.u32 s28, $0x1;
	[dreg:$0x2] =	wrdreg s1  }
0x21: {  	[dreg:$0x3] =	wrdreg s4  }
0x22: {  	[dreg:$0x4] =	wrdreg $0xC0  }
0x23: {  	_ =	task [dreg:s6], $0x5FFFF  }
0x24: {  	[dreg:$0x1] =	wrdreg $0xFFFFFFFF  }
0x25: {  	[dreg:$0x0] =	wrdreg $0x60  }
0x26: {  	[dreg:$0x2] =	wrdreg s25  }
0x27: {  	[dreg:$0x3] =	wrdreg $0x9  }
0x28: {  	_ =	task.clear_ibuf [dreg:s6], $0x4FFFF;
	_ =	strace $0x90000049  }
0x29: {  	s29 =	simm.s32 $0x9;
	_ =	strace $0x8000004B  }
0x2a: {  	_ =	swait.ge [sflag:s29], $0x1  }
0x2b: {  	[sflag:s29] =	ssyncadd.s32 $0xFFFFFFFF  }
0x2c: {  	_ =	strace $0x9000004B  }
0x2d: {  	_ =	sfence  }
0x2e: {  	s30 =	sld [smem:$0x0];
	_ =	sdelay $0x2  }
0x2f: {  	s31 =	sshll.u32 s3, $0xD;
	s3 =	sshrl.u32 s3, $0x2  }
0x30: {  	s2 =	sand.u32 $0x4000, s31;
	s1 =	sadd.s32 s3, s30  }
0x31: {  	s0 =	sor.u32 s2, s0;
	s1 =	sshll.u32 s1, $0x11  }
0x32: {  	s0 =	sor.u32 s1, s0  }
0x33: {  	s0 =	sadd.s32 $0x8F2B, s0  }
0x34: {  	[sflag:s0] =	ssyncadd.remote.s32 $0x1  }
0x35: {  	_ =	sfence.sel $0xFFFF  }
0x36: {  	[dreg:$0x0] =	wrdreg $0xFFFFFFFF;
	(pc) =	sbr.abs _section_cstart, $3  }
0x37: {  	[dreg:$0x1] =	wrdreg $0xFFFFFFFF  }
0x38: {  	_ =	task.clear_ibuf [dreg:s6], $0x2FFFF;
	_ =	strace $0x9FFFFFFF  }
0x39: {  	(tm) =	ssettm $0x7FFFFFFF  }
tec
execute0_lowered:
.L_overlay_start_1:
0x0: {  	(tag) =	ssettag $0x1  }
0x1: {  	s0 =	srdreg.scid  }
0x2: {  	s5 =	rddreg [dreg:$0x0];
	s1 =	sshll.u32 s0, $0x4  }
0x3: {  	s4 =	simm.s32 $0x1;
	s0 =	stileid.u32;
	s1 =	sand.u32 $0x10, s1  }
0x4: {  	s8 =	simm.s32 $0x2;
	s12 =	simm.s32 $0x0;
	s2 =	sor.u32 s0, s1  }
0x5: {  	s9 =	simm.s32 $0x240000;
	s11 =	simm.s32 $0x0;
	s2 =	sshll.u32 s2, $0x3  }
0x6: {  	s3 =	sadd.s32 $0x391CE00, s5;
	s5 =	sadd.s32 $0x8AA00, s5;
	s6 =	ssub.s32 $0x4800, s2  }
.Ltmp0:
0x7: {  	s1 =	rddreg [dreg:$0x1];
	s7 =	sand.u32 $0xF8, s6;
	(pc) =	sbr.rel .LBB1_1-.Ltmp0, $4  }
0x8: {  	_ =	strace $0x8000004A;
	p0 =	sne.s32 s7, $0x0;
	s7 =	simm.s32 $0x1  }
0x9: {  	[sflag:s4] =	ssyncpa.u1 $0x0;
	s6 =	sshrl.u32 s6, $0x8;
	s7 =	simm.s32 @!p0 $0x0  }
0xa: {  	[sflag:s8] =	ssyncpa.u1 $0x0;
	s8 =	simm.s32 $0x400;
	s6 =	sadd.s32 s7, s6  }
0xb: {  	s10 =	smov.u32 s2;
	p0 =	por $0x0, $0x0;
	s7 =	sadd.s32 $0x1, s6  }
.LBB1_7:
0xc: {  	s14 =	sadd.s32 $0x100, s10  }
0xd: {  	p2 =	sgt.s32 s14, $0x47FF  }
0xe: {  	s14 =	smov.u32 @p2 s2;
	p2 =	sne.s32 s11, s7  }
.Ltmp1:
0xf: {  	p1 =	slt.u32 s11, $0x2;
	(pc) =	sbr.rel @!p2 .LBB1_8-.Ltmp1, $4  }
0x10: {  	s13 =	simm.s32 @!p1 $0x2  }
0x11: {  	s15 =	sadd.s32 $0x1, s11;
	_ =	swait.ge @!p1 [sflag:s13], $0x4000  }
0x12: {  	s12 =	smov.u32 s10;
	p0 =	por !p0, !p0;
	[sflag:s13] =	ssyncset.done @!p1 $0x0  }
0x13: {  	s11 =	smov.u32 s15;
	s10 =	smov.u32 s14;
	[sflag:s13] =	ssyncadd.s32 @!p1 $0xFFFFC000  }
.LBB1_1:
0x14: {  	p1 =	sge.u32 s11, s6  }
0x15: {  	s31 =	sadd.s32 $0xFFFFFFFF, s11;
	s13 =	sxor.u32 @!p1 $0xFFFFFFFF, s11  }
0x16: {  	s14 =	sshll.u32 @!p1 s10, $0xB;
	s15 =	simm.s32 @!p1 $0x10;
	s13 =	sshll.u32 @!p1 s13, $0xE  }
0x17: {  	s16 =	simm.s32 @!p1 $0x80;
	s14 =	sadd.s32 @!p1 s3, s14;
	s13 =	sand.u32 @!p1 $0x4000, s13  }
0x18: {  	[tilespmem:s13], [sflag:$0x1] =	stream.strided.gather @!p1 [hbm4b:s14+s15], $0x4000, s16, s15, $0x38;
	[tilespmem:$0x10100] =	vst v63  }
0x19: {  	p1 =	sge.u32 s31, s6  }
.Ltmp2:
0x1a: {  	_ = 	snop;
	(pc) =	sbr.rel @p1 .LBB1_7-.Ltmp2, $1  }
0x1b: {  	_ =	sdelay $0x3  }
0x1c: {  	s13 =	simm.s32 $0x1;
	s15 =	sand.u32 $0x1, s11  }
0x1d: {  	_ =	swait.ge [sflag:s4], $0x4000;
	s13 =	simm.s32 @!p0 $0x0;
	s16 =	smul.u32 $0x10200, s15  }
0x1e: {  	[sflag:s4] =	ssyncset.done $0x0;
	s14 =	smul.u32 $0x10200, s13  }
0x1f: {  	s13 =	sshll.u32 s13, $0xE;
	[sflag:s4] =	ssyncadd.s32 $0xFFFFC000  }
0x20: {  	s15 =	sor.u32 $0x40, s13;
	s31 =	sshrl.u32 s16, $0x2;
	s14 =	sshrl.u32 s14, $0x2  }
0x21: {  	s16 =	simm.s32 $0x0;
	s13 =	sor.u32 $0x8000, s31;
	s14 =	sor.u32 $0x8007, s14  }
.LBB1_3:
0x22: {  	v3 =	vld [tilespmem:s15+$0x30]  }
0x23: {  	v4 =	vld [tilespmem:s15+$0xFFFFFFD0]  }
0x24: {  	v5 =	vld [tilespmem:s15+$0xFFFFFFE0]  }
0x25: {  	v1 =	vld [tilespmem:s15+$0xFFFFFFF0]  }
0x26: {  	v0 =	vld [tilespmem:s15+$0x0]  }
0x27: {  	v2 =	vld [tilespmem:s15+$0x10];
	[tilespmem:s14+$0x0 ss:$0x408] =	vst.msk $0xffff, v3  }
0x28: {  	[tilespmem:s14+$0xFFFFFFFA ss:$0x408] =	vst.msk $0xffff, v4;
	v4 =	vld [tilespmem:s15+$0x20]  }
0x29: {  	s18 =	simm.s32 $0x0;
	s19 =	sadd.s32 $0x80, s15;
	s17 =	smov.u32 s14;
	v3 =	vld [tilespmem:s15+$0xFFFFFFC0];
	[tilespmem:s14+$0xFFFFFFFB ss:$0x408] =	vst.msk $0xffff, v5  }
.LBB1_4:
0x2a: {  	v5 =	vld [tilespmem:s19+$0x30];
	s18 =	sadd.s32 $0x8, s18;
	[tilespmem:s17+$0xFFFFFFFC ss:$0x408] =	vst.msk $0xffff, v1  }
0x2b: {  	v6 =	vld [tilespmem:s19+$0xFFFFFFD0];
	p1 =	slt.u32 s18, $0x78;
	[tilespmem:s17+$0xFFFFFFFD ss:$0x408] =	vst.msk $0xffff, v0  }
0x2c: {  	v7 =	vld [tilespmem:s19+$0xFFFFFFE0];
	[tilespmem:s17+$0xFFFFFFFE ss:$0x408] =	vst.msk $0xffff, v2  }
.Ltmp3:
0x2d: {  	v1 =	vld [tilespmem:s19+$0xFFFFFFF0];
	[tilespmem:s17+$0xFFFFFFFF ss:$0x408] =	vst.msk $0xffff, v4;
	(pc) =	sbr.rel @p1 .LBB1_4-.Ltmp3, $4  }
0x2e: {  	v0 =	vld [tilespmem:s19+$0x0];
	[tilespmem:s17+$0xFFFFFFF9 ss:$0x408] =	vst.msk $0xffff, v3;
	s17 =	sadd.s32 $0x8, s17  }
0x2f: {  	v2 =	vld [tilespmem:s19+$0x10];
	[tilespmem:s17+$0x0 ss:$0x408] =	vst.msk $0xffff, v5  }
0x30: {  	[tilespmem:s17+$0xFFFFFFFA ss:$0x408] =	vst.msk $0xffff, v6;
	v4 =	vld [tilespmem:s19+$0x20]  }
0x31: {  	v3 =	vld [tilespmem:s19+$0xFFFFFFC0];
	[tilespmem:s17+$0xFFFFFFFB ss:$0x408] =	vst.msk $0xffff, v7;
	s19 =	sadd.s32 $0x80, s19  }
0x32: {  	s16 =	sadd.s32 $0x1, s16  }
0x33: {  	p1 =	sne.s32 s16, $0x8  }
.Ltmp4:
0x34: {  	[tilespmem:s17+$0xFFFFFFFC ss:$0x408] =	vst.msk $0xffff, v1;
	(pc) =	sbr.rel @p1 .LBB1_3-.Ltmp4, $4  }
0x35: {  	[tilespmem:s17+$0xFFFFFFFD ss:$0x408] =	vst.msk $0xffff, v0  }
0x36: {  	[tilespmem:s17+$0xFFFFFFFE ss:$0x408] =	vst.msk $0xffff, v2  }
0x37: {  	[tilespmem:s17+$0xFFFFFFFF ss:$0x408] =	vst.msk $0xffff, v4  }
0x38: {  	s14 =	sadd.s32 $0x81, s14;
	s15 =	sadd.s32 $0x800, s15;
	[tilespmem:s17+$0xFFFFFFF9 ss:$0x408] =	vst.msk $0xffff, v3  }
0x39: {  	s12 =	sand.u32 $0x1FFFFFF, s12  }
0x3a: {  	s14 =	smulhi.u32 $0xE38E39, s12;
	_ =	sdelay $0x1  }
0x3b: {  	s14 =	sshrl.u32 s14, $0x6  }
0x3c: {  	s14 =	smul.u32 $0x4800, s14  }
.Ltmp5:
0x3d: {  	_ = 	snop;
	(pc) =	sbr.rel .LBB1_7-.Ltmp5, $4  }
0x3e: {  	s12 =	ssub.s32 s12, s14  }
0x3f: {  	s12 =	sshll.u32 s12, $0x4  }
0x40: {  	s12 =	sadd.s32 s5, s12  }
0x41: {  	[hbm4b:s12+s8] =	stream.strided.scatter [tilespmem:s13], [sflag:$0x2], $0x4000, s9, s8, $0x20;
	[tilespmem:$0x10100] =	vst v63  }
.LBB1_8:
0x42: {  	_ =	sfence.sel $0x180000  }
0x43: {  	s2 =	simm.s32 $0x1;
	[bflag:$0x0] =	sbarrier.arrive $0xFFFF  }
0x44: {  	s31 =	simm.s32 $0x2;
	[sflag:s2] =	ssyncpa.u1 $0x1  }
0x45: {  	[sflag:s31] =	ssyncpa.u1 $0x1  }
0x46: {  	p0 =	sne.s32 s0, $0x0;
	_ =	strace $0x9000004A  }
0x47: {  	s0 =	sadd.s32 @!p0 $0x100000, s1;
	[bflag:$0x2] =	sbarrier.arrive $0xFFFF  }
0x48: {  	[sflag:s0] =	ssyncadd.tile.s32 @!p0 $0x1;
	_ =	shalt  }
.Lfunc_end1:
_tile_overlayer_lowered:
.L_overlay_start_2:
0x49: {  	(tag) =	ssettag $0x2  }
0x4a: {  	s0 =	rddreg [dreg:$0x0];
	s2 =	stileid.u32  }
0x4b: {  	s1 =	rddreg [dreg:$0x1];
	p0 =	sne.s32 s2, $0x0  }
0x4c: {  	s3 =	rddreg [dreg:$0x2];
	[bflag:$0x3] =	sbarrier.arrive $0xFFFF;
	s2 =	simm.s32 @!p0 $0x1C01  }
0x4d: {  	[timem:s3], [sflag:s2] =	dma.local @!p0 [hbm:s0], s1  }
0x4e: {  	s0 =	simm.s32 @!p0 $0x1  }
0x4f: {  	_ =	swait.ge @!p0 [sflag:s0], s1  }
0x50: {  	s1 =	ssub.s32 @!p0 $0x0, s1;
	[sflag:s0] =	ssyncset.done @!p0 $0x0  }
0x51: {  	[sflag:s0] =	ssyncadd.s32 @!p0 s1  }
0x52: {  	[bflag:$0x3] =	sbarrier.arrive $0xFFFF  }
0x53: {  	_ =	shalt  }

// kernel: sparse-core-data-format-call.cloned.1.call-start
scs
called_computation_lowered:
.L_overlay_start_0:
0x0: {  	s1 =	sld [smem:$0x3FD9]  }
0x1: {  	s2 =	sld [smem:$0x3FFE];
	_ =	sdelay $0x1  }
0x2: {  	s3 =	srdreg.scid  }
0x3: {  	s0 =	sand.u32 $0x1, s3  }
0x4: {  	s17 =	sshll.u32 s0, $0xA;
	s1 =	sadd.s32 s2, s1  }
0x5: {  	s1 =	sadd.s32 s1, s17  }
0x6: {  	[smem:$0x3FBD] =	sst s1  }
0x7: {  	_ = 	snop  }
0x8: {  	(tm) =	ssettm $0x1  }
0x9: {  	s18 =	sld [smem:$0x3FFB];
	_ =	sdelay $0x3  }
0xa: {  	_ =	strace s18  }
0xb: {  	s1 =	sld [smem:$0x3FFC];
	_ =	sdelay $0x3  }
0xc: {  	_ =	strace s1  }
0xd: {  	s1 =	sld [smem:$0x3FFD];
	_ =	sdelay $0x3  }
0xe: {  	_ =	strace s1  }
0xf: {  	_ =	strace $0x8FFFFFFF  }
0x10: {  	s19 =	sld [smem:$0x3FDB];
	_ =	sdelay $0x1  }
0x11: {  	s20 =	simm.s32 $_scs_section_size  }
0x12: {  	s4 =	simm.s32 $_size__tile_overlayer_lowered;
	s5 =	simm.s32 $_tile_overlayer_lowered  }
0x13: {  	s23 =	simm.s32 $0x1BFF;
	s22 =	sshll.u32 s5, $0x1;
	s1 =	sadd.s32 s20, s19  }
0x14: {  	s6 =	simm.s32 $0x0;
	s21 =	sshll.u32 s4, $0x1;
	s4 =	sadd.s32 s22, s1  }
0x15: {  	[timem:s6], [sflag:s23] =	dma.local [hbm:s4], s21  }
0x16: {  	_ =	swait.ge [sflag:s23], s21  }
0x17: {  	s2 =	ssub.s32 $0x0, s21;
	[sflag:s23] =	ssyncset.done $0x0  }
0x18: {  	[sflag:s23] =	ssyncadd.s32 s2;
	_ =	sdelay $0x1  }
0x19: {  	s24 =	simm.s32 $0x1B8B  }
0x1a: {  	_ =	swait.ge [sflag:s24], $0x1  }
0x1b: {  	[sflag:s24] =	ssyncset.done $0x0  }
0x1c: {  	s26 =	simm.s32 $0x1B8E;
	s25 =	sld [smem:$0x3FFE];
	[sflag:s24] =	ssyncadd.s32 $0xFFFFFFFF  }
0x1d: {  	s27 =	simm.s32 $execute0_lowered;
	[smem:$0x3FD2] =	sst s26  }
0x1e: {  	s4 =	sshll.u32 s27, $0x1;
	_ =	strace $0x80000052;
	[dreg:$0x1] =	wrdreg $0xFFFFFFFF  }
0x1f: {  	s28 =	simm.s32 $_size_execute0_lowered;
	s1 =	sadd.s32 s1, s4;
	[dreg:$0x0] =	wrdreg $0x0  }
0x20: {  	s4 =	sshll.u32 s28, $0x1;
	[dreg:$0x2] =	wrdreg s1  }
0x21: {  	[dreg:$0x3] =	wrdreg s4  }
0x22: {  	[dreg:$0x4] =	wrdreg $0xC0  }
0x23: {  	_ =	task [dreg:s6], $0x5FFFF  }
0x24: {  	[dreg:$0x1] =	wrdreg $0xFFFFFFFF  }
0x25: {  	[dreg:$0x0] =	wrdreg $0x60  }
0x26: {  	[dreg:$0x2] =	wrdreg s25  }
0x27: {  	[dreg:$0x3] =	wrdreg $0x9  }
0x28: {  	_ =	task.clear_ibuf [dreg:s6], $0x4FFFF;
	_ =	strace $0x90000052  }
0x29: {  	s29 =	simm.s32 $0x9;
	_ =	strace $0x80000054  }
0x2a: {  	_ =	swait.ge [sflag:s29], $0x1  }
0x2b: {  	[sflag:s29] =	ssyncadd.s32 $0xFFFFFFFF  }
0x2c: {  	_ =	strace $0x90000054  }
0x2d: {  	_ =	sfence  }
0x2e: {  	s30 =	sld [smem:$0x0];
	_ =	sdelay $0x2  }
0x2f: {  	s31 =	sshll.u32 s3, $0xD;
	s3 =	sshrl.u32 s3, $0x2  }
0x30: {  	s2 =	sand.u32 $0x4000, s31;
	s1 =	sadd.s32 s3, s30  }
0x31: {  	s0 =	sor.u32 s2, s0;
	s1 =	sshll.u32 s1, $0x11  }
0x32: {  	s0 =	sor.u32 s1, s0  }
0x33: {  	s0 =	sadd.s32 $0x8F2B, s0  }
0x34: {  	[sflag:s0] =	ssyncadd.remote.s32 $0x1  }
0x35: {  	_ =	sfence.sel $0xFFFF  }
0x36: {  	[dreg:$0x0] =	wrdreg $0xFFFFFFFF;
	(pc) =	sbr.abs _section_cstart, $3  }
0x37: {  	[dreg:$0x1] =	wrdreg $0xFFFFFFFF  }
0x38: {  	_ =	task.clear_ibuf [dreg:s6], $0x2FFFF;
	_ =	strace $0x9FFFFFFF  }
0x39: {  	(tm) =	ssettm $0x7FFFFFFF  }
tec
execute0_lowered:
.L_overlay_start_1:
0x0: {  	(tag) =	ssettag $0x1  }
0x1: {  	s0 =	srdreg.scid  }
0x2: {  	s6 =	rddreg [dreg:$0x0];
	s7 =	simm.s32 $0x1;
	s1 =	sshll.u32 s0, $0x4  }
0x3: {  	s8 =	simm.s32 $0x2;
	s0 =	stileid.u32;
	s1 =	sand.u32 $0x10, s1  }
0x4: {  	s13 =	simm.s32 $0x0;
	s12 =	simm.s32 $0x0;
	s1 =	sor.u32 s0, s1  }
0x5: {  	s10 =	simm.s32 $0x0;
	s3 =	sadd.s32 $0x4EFA00, s6;
	s2 =	sshll.u32 s1, $0xB  }
0x6: {  	s11 =	simm.s32 $0x0;
	s6 =	sadd.s32 $0x64F400, s6;
	s5 =	ssub.s32 $0x232800, s2  }
.Ltmp0:
0x7: {  	s1 =	rddreg [dreg:$0x1];
	s4 =	sand.u32 $0xF800, s5;
	(pc) =	sbr.rel .LBB1_1-.Ltmp0, $4  }
0x8: {  	_ =	strace $0x80000053;
	s9 =	smov.u32 s2;
	p0 =	sne.s32 s4, $0x0  }
0x9: {  	s5 =	sshrl.u32 s5, $0x10;
	s4 =	simm.s32 $0x1;
	s7 =	simm.s32 @!p0 $0x0  }
0xa: {  	[sflag:s4] =	ssyncpa.u1 $0x0;
	p0 =	por $0x0, $0x0;
	s5 =	sadd.s32 s7, s5  }
0xb: {  	[sflag:s8] =	ssyncpa.u1 $0x0;
	s8 =	simm.s32 $0x80;
	s7 =	sadd.s32 $0x1, s5  }
.LBB1_7:
0xc: {  	s14 =	sadd.s32 $0x10000, s9  }
0xd: {  	s12 =	sadd.s32 $0x4, s10;
	s16 =	smov.u32 s10;
	p2 =	sgt.s32 s14, $0x2327FF  }
0xe: {  	s16 =	smov.u32 @p2 s12  }
0xf: {  	s14 =	smov.u32 @p2 s2;
	p2 =	sgt.s32 s16, $0x3  }
0x10: {  	s16 =	simm.s32 @p2 $0x0;
	p2 =	sne.s32 s11, s7  }
.Ltmp1:
0x11: {  	p1 =	slt.u32 s11, $0x2;
	(pc) =	sbr.rel @!p2 .LBB1_8-.Ltmp1, $4  }
0x12: {  	s15 =	simm.s32 @!p1 $0x2  }
0x13: {  	s13 =	smov.u32 s9;
	p0 =	por !p0, !p0;
	_ =	swait.ge @!p1 [sflag:s15], $0x2000  }
0x14: {  	s12 =	smov.u32 s10;
	[sflag:s15] =	ssyncset.done @!p1 $0x0;
	s9 =	smov.u32 s14  }
0x15: {  	s11 =	sadd.s32 $0x1, s11;
	[sflag:s15] =	ssyncadd.s32 @!p1 $0xFFFFE000;
	s10 =	smov.u32 s16  }
.LBB1_1:
0x16: {  	p1 =	sge.u32 s11, s5  }
0x17: {  	s14 =	sshrl.u32 @!p1 s10, $0x2  }
0x18: {  	s15 =	sshll.u32 @!p1 s9, $0x2;
	s16 =	sshll.u32 @!p1 s10, $0x7;
	s14 =	smul.u32 @!p1 $0x8CA000, s14  }
0x19: {  	s17 =	sand.u32 @!p1 $0x7F, s9;
	s15 =	sand.u32 @!p1 $0xFFFFFE00, s15;
	s16 =	sand.u32 @!p1 $0x180, s16  }
0x1a: {  	s14 =	sadd.s32 @!p1 s14, s15;
	s15 =	sor.u32 @!p1 s17, s16  }
0x1b: {  	s15 =	sor.u32 @!p1 s14, s15  }
0x1c: {  	s16 =	smulhi.u32 @!p1 $0xE90452D5, s15;
	_ =	sdelay $0x1  }
0x1d: {  	s14 =	smulhi.u32 @!p1 $0xE90452D5, s14;
	s16 =	sshrl.u32 @!p1 s16, $0x15  }
0x1e: {  	s16 =	smul.u32 @!p1 $0x232800, s16  }
0x1f: {  	s14 =	sshrl.u32 @!p1 s14, $0x15  }
0x20: {  	s14 =	sand.u32 @!p1 $0x3, s14;
	s15 =	ssub.s32 @!p1 s15, s16  }
0x21: {  	s14 =	smul.u32 @!p1 $0x46500, s14;
	s16 =	sxor.u32 @!p1 $0xFFFFFFFF, s11;
	s17 =	sshrl.u32 @!p1 s15, $0x3  }
0x22: {  	s31 =	sadd.s32 $0xFFFFFFFF, s11;
	s16 =	sshll.u32 @!p1 s16, $0xD;
	s17 =	sadd.s32 @!p1 s3, s17  }
0x23: {  	s15 =	sand.u32 @!p1 $0x7, s15;
	s16 =	sand.u32 @!p1 $0x2000, s16;
	s14 =	sadd.s32 @!p1 s14, s17  }
0x24: {  	[tilespmem:s16], [sflag:$0x1] =	stream.linear.gather @!p1 [hbm4b:s14+s15], $0x2000, $0x38;
	[tilespmem:$0x8000] =	vst v63  }
0x25: {  	p1 =	sge.u32 s31, s5  }
.Ltmp2:
0x26: {  	_ = 	snop;
	(pc) =	sbr.rel @p1 .LBB1_7-.Ltmp2, $1  }
0x27: {  	_ =	sdelay $0x3  }
0x28: {  	s14 =	simm.s32 $0x1  }
0x29: {  	s14 =	simm.s32 @!p0 $0x0  }
0x2a: {  	s15 =	sshll.u32 s11, $0xD;
	s16 =	sshll.u32 s14, $0xF  }
0x2b: {  	s31 =	sand.u32 $0x2000, s15;
	s15 =	sshrl.u32 s16, $0x2  }
0x2c: {  	v0 =	vmov s15;
	_ =	sdelay $0x1  }
0x2d: {  	_ =	swait.ge [sflag:s4], $0x2000  }
0x2e: {  	s17 =	simm.s32 $0x4000;
	s18 =	simm.s32 $0x0;
	[sflag:s4] =	ssyncset.done $0x0  }
0x2f: {  	[sflag:s4] =	ssyncadd.s32 $0xFFFFE000;
	s14 =	sor.u32 $0x4000, s31;
	s16 =	simm.s32 $0x0  }
.LBB1_3:
0x30: {  	_ =	sdelay $0x3  }
0x31: {  	v1 =	vld.idx.msk [tilespmem:v0+s16+$0x670 ss:$0x1], $0xffff  }
0x32: {  	v2 =	vld.idx.msk [tilespmem:v0+s16+$0x10 ss:$0x1], $0xffff  }
0x33: {  	v3 =	vld.idx.msk [tilespmem:v0+s16+$0x20 ss:$0x1], $0xffff  }
0x34: {  	v4 =	vld.idx.msk [tilespmem:v0+s16+$0x30 ss:$0x1], $0xffff  }
0x35: {  	v5 =	vld.idx.msk [tilespmem:v0+s16+$0x40 ss:$0x1], $0xffff  }
0x36: {  	s19 =	sadd.s32 s15, s17;
	v6 =	vld.idx.msk [tilespmem:v0+s16+$0x50 ss:$0x1], $0xffff  }
0x37: {  	v7 =	vld.idx.msk [tilespmem:v0+s16+$0x60 ss:$0x1], $0xffff;
	[tilespmem:s19+$0x7C0 ss:$0x4] =	vst.msk $0xffff, v1  }
0x38: {  	[tilespmem:s19+$0x40 ss:$0x4] =	vst.msk $0xffff, v2;
	v1 =	vld.idx.msk [tilespmem:v0+s16+$0x70 ss:$0x1], $0xffff  }
0x39: {  	[tilespmem:s19+$0x80 ss:$0x4] =	vst.msk $0xffff, v3;
	v2 =	vld.idx.msk [tilespmem:v0+s16+$0x200 ss:$0x1], $0xffff  }
0x3a: {  	[tilespmem:s19+$0xC0 ss:$0x4] =	vst.msk $0xffff, v4;
	v3 =	vld.idx.msk [tilespmem:v0+s16+$0x210 ss:$0x1], $0xffff  }
0x3b: {  	[tilespmem:s19+$0x100 ss:$0x4] =	vst.msk $0xffff, v5;
	v4 =	vld.idx.msk [tilespmem:v0+s16+$0x220 ss:$0x1], $0xffff  }
0x3c: {  	[tilespmem:s19+$0x140 ss:$0x4] =	vst.msk $0xffff, v6;
	v5 =	vld.idx.msk [tilespmem:v0+s16+$0x230 ss:$0x1], $0xffff  }
0x3d: {  	[tilespmem:s19+$0x180 ss:$0x4] =	vst.msk $0xffff, v7;
	v6 =	vld.idx.msk [tilespmem:v0+s16+$0x240 ss:$0x1], $0xffff  }
0x3e: {  	v7 =	vld.idx.msk [tilespmem:v0+s16+$0x610 ss:$0x1], $0xffff;
	[tilespmem:s19+$0x1C0 ss:$0x4] =	vst.msk $0xffff, v1  }
0x3f: {  	v1 =	vld.idx.msk [tilespmem:v0+s16+$0x250 ss:$0x1], $0xffff;
	[tilespmem:s19+$0x200 ss:$0x4] =	vst.msk $0xffff, v2  }
0x40: {  	v2 =	vld.idx.msk [tilespmem:v0+s16+$0x260 ss:$0x1], $0xffff;
	[tilespmem:s19+$0x240 ss:$0x4] =	vst.msk $0xffff, v3  }
0x41: {  	v3 =	vld.idx.msk [tilespmem:v0+s16+$0x270 ss:$0x1], $0xffff;
	[tilespmem:s19+$0x280 ss:$0x4] =	vst.msk $0xffff, v4  }
0x42: {  	v4 =	vld.idx.msk [tilespmem:v0+s16+$0x400 ss:$0x1], $0xffff;
	[tilespmem:s19+$0x2C0 ss:$0x4] =	vst.msk $0xffff, v5  }
0x43: {  	v5 =	vld.idx.msk [tilespmem:v0+s16+$0x410 ss:$0x1], $0xffff;
	[tilespmem:s19+$0x300 ss:$0x4] =	vst.msk $0xffff, v6  }
0x44: {  	v6 =	vld.idx.msk [tilespmem:v0+s16+$0x420 ss:$0x1], $0xffff;
	[tilespmem:s19+$0x640 ss:$0x4] =	vst.msk $0xffff, v7  }
0x45: {  	[tilespmem:s19+$0x340 ss:$0x4] =	vst.msk $0xffff, v1;
	v1 =	vld.idx.msk [tilespmem:v0+s16+$0x430 ss:$0x1], $0xffff  }
0x46: {  	[tilespmem:s19+$0x380 ss:$0x4] =	vst.msk $0xffff, v2;
	v2 =	vld.idx.msk [tilespmem:v0+s16+$0x440 ss:$0x1], $0xffff  }
0x47: {  	[tilespmem:s19+$0x3C0 ss:$0x4] =	vst.msk $0xffff, v3;
	v3 =	vld.idx.msk [tilespmem:v0+s16+$0x450 ss:$0x1], $0xffff  }
0x48: {  	[tilespmem:s19+$0x400 ss:$0x4] =	vst.msk $0xffff, v4;
	v4 =	vld.idx.msk [tilespmem:v0+s16+$0x460 ss:$0x1], $0xffff  }
0x49: {  	[tilespmem:s19+$0x440 ss:$0x4] =	vst.msk $0xffff, v5;
	v5 =	vld.idx.msk [tilespmem:v0+s16+$0x470 ss:$0x1], $0xffff  }
0x4a: {  	[tilespmem:s19+$0x480 ss:$0x4] =	vst.msk $0xffff, v6;
	v6 =	vld.idx.msk [tilespmem:v0+s16+$0x600 ss:$0x1], $0xffff  }
0x4b: {  	[tilespmem:s19+$0x4C0 ss:$0x4] =	vst.msk $0xffff, v1;
	v1 =	vld.idx.msk [tilespmem:v0+s16+$0x620 ss:$0x1], $0xffff  }
0x4c: {  	[tilespmem:s19+$0x500 ss:$0x4] =	vst.msk $0xffff, v2;
	v2 =	vld.idx.msk [tilespmem:v0+s16+$0x630 ss:$0x1], $0xffff  }
0x4d: {  	[tilespmem:s19+$0x580 ss:$0x4] =	vst.msk $0xffff, v4;
	v4 =	vld.idx.msk [tilespmem:v0+s16+$0x640 ss:$0x1], $0xffff  }
0x4e: {  	[tilespmem:s19+$0x5C0 ss:$0x4] =	vst.msk $0xffff, v5;
	v5 =	vld.idx.msk [tilespmem:v0+s16+$0x650 ss:$0x1], $0xffff  }
0x4f: {  	[tilespmem:s19+$0x600 ss:$0x4] =	vst.msk $0xffff, v6;
	v6 =	vld.idx.msk [tilespmem:v0+s16+$0x660 ss:$0x1], $0xffff  }
0x50: {  	s20 =	simm.s32 $0x0;
	s21 =	sadd.s32 $0x800, s16;
	s22 =	smov.u32 s17;
	[tilespmem:s19+$0x540 ss:$0x4] =	vst.msk $0xffff, v3;
	v3 =	vld.idx.msk [tilespmem:v0+s16+$0x0 ss:$0x1], $0xffff  }
.LBB1_4:
0x51: {  	v7 =	vld.idx.msk [tilespmem:v0+s21+$0x670 ss:$0x1], $0xffff;
	s20 =	sadd.s32 $0x200, s20;
	[tilespmem:s19+$0x680 ss:$0x4] =	vst.msk $0xffff, v1  }
0x52: {  	v1 =	vld.idx.msk [tilespmem:v0+s21+$0x10 ss:$0x1], $0xffff;
	p1 =	slt.u32 s20, $0x600;
	[tilespmem:s19+$0x6C0 ss:$0x4] =	vst.msk $0xffff, v2  }
0x53: {  	v2 =	vld.idx.msk [tilespmem:v0+s21+$0x20 ss:$0x1], $0xffff;
	[tilespmem:s19+$0x700 ss:$0x4] =	vst.msk $0xffff, v4  }
0x54: {  	v4 =	vld.idx.msk [tilespmem:v0+s21+$0x30 ss:$0x1], $0xffff;
	[tilespmem:s19+$0x740 ss:$0x4] =	vst.msk $0xffff, v5  }
0x55: {  	s22 =	sadd.s32 $0x800, s22;
	v5 =	vld.idx.msk [tilespmem:v0+s21+$0x40 ss:$0x1], $0xffff;
	[tilespmem:s19+$0x780 ss:$0x4] =	vst.msk $0xffff, v6  }
0x56: {  	v6 =	vld.idx.msk [tilespmem:v0+s21+$0x50 ss:$0x1], $0xffff;
	[tilespmem:s19+$0x0 ss:$0x4] =	vst.msk $0xffff, v3;
	s19 =	sadd.s32 s15, s22  }
0x57: {  	v3 =	vld.idx.msk [tilespmem:v0+s21+$0x60 ss:$0x1], $0xffff;
	[tilespmem:s19+$0x7C0 ss:$0x4] =	vst.msk $0xffff, v7  }
0x58: {  	[tilespmem:s19+$0x40 ss:$0x4] =	vst.msk $0xffff, v1;
	v1 =	vld.idx.msk [tilespmem:v0+s21+$0x70 ss:$0x1], $0xffff  }
0x59: {  	[tilespmem:s19+$0x80 ss:$0x4] =	vst.msk $0xffff, v2;
	v2 =	vld.idx.msk [tilespmem:v0+s21+$0x200 ss:$0x1], $0xffff  }
0x5a: {  	[tilespmem:s19+$0xC0 ss:$0x4] =	vst.msk $0xffff, v4;
	v4 =	vld.idx.msk [tilespmem:v0+s21+$0x210 ss:$0x1], $0xffff  }
0x5b: {  	[tilespmem:s19+$0x100 ss:$0x4] =	vst.msk $0xffff, v5;
	v5 =	vld.idx.msk [tilespmem:v0+s21+$0x220 ss:$0x1], $0xffff  }
0x5c: {  	[tilespmem:s19+$0x140 ss:$0x4] =	vst.msk $0xffff, v6;
	v6 =	vld.idx.msk [tilespmem:v0+s21+$0x230 ss:$0x1], $0xffff  }
0x5d: {  	[tilespmem:s19+$0x180 ss:$0x4] =	vst.msk $0xffff, v3;
	v3 =	vld.idx.msk [tilespmem:v0+s21+$0x240 ss:$0x1], $0xffff  }
0x5e: {  	[tilespmem:s19+$0x1C0 ss:$0x4] =	vst.msk $0xffff, v1;
	v1 =	vld.idx.msk [tilespmem:v0+s21+$0x250 ss:$0x1], $0xffff  }
0x5f: {  	[tilespmem:s19+$0x200 ss:$0x4] =	vst.msk $0xffff, v2;
	v2 =	vld.idx.msk [tilespmem:v0+s21+$0x260 ss:$0x1], $0xffff  }
0x60: {  	[tilespmem:s19+$0x240 ss:$0x4] =	vst.msk $0xffff, v4;
	v4 =	vld.idx.msk [tilespmem:v0+s21+$0x270 ss:$0x1], $0xffff  }
0x61: {  	[tilespmem:s19+$0x280 ss:$0x4] =	vst.msk $0xffff, v5;
	v5 =	vld.idx.msk [tilespmem:v0+s21+$0x400 ss:$0x1], $0xffff  }
0x62: {  	[tilespmem:s19+$0x2C0 ss:$0x4] =	vst.msk $0xffff, v6;
	v6 =	vld.idx.msk [tilespmem:v0+s21+$0x410 ss:$0x1], $0xffff  }
0x63: {  	[tilespmem:s19+$0x300 ss:$0x4] =	vst.msk $0xffff, v3;
	v3 =	vld.idx.msk [tilespmem:v0+s21+$0x420 ss:$0x1], $0xffff  }
0x64: {  	[tilespmem:s19+$0x340 ss:$0x4] =	vst.msk $0xffff, v1;
	v1 =	vld.idx.msk [tilespmem:v0+s21+$0x430 ss:$0x1], $0xffff  }
0x65: {  	[tilespmem:s19+$0x380 ss:$0x4] =	vst.msk $0xffff, v2;
	v2 =	vld.idx.msk [tilespmem:v0+s21+$0x440 ss:$0x1], $0xffff  }
0x66: {  	[tilespmem:s19+$0x3C0 ss:$0x4] =	vst.msk $0xffff, v4;
	v4 =	vld.idx.msk [tilespmem:v0+s21+$0x450 ss:$0x1], $0xffff  }
0x67: {  	[tilespmem:s19+$0x400 ss:$0x4] =	vst.msk $0xffff, v5;
	v5 =	vld.idx.msk [tilespmem:v0+s21+$0x460 ss:$0x1], $0xffff  }
0x68: {  	[tilespmem:s19+$0x440 ss:$0x4] =	vst.msk $0xffff, v6;
	v6 =	vld.idx.msk [tilespmem:v0+s21+$0x470 ss:$0x1], $0xffff  }
0x69: {  	[tilespmem:s19+$0x480 ss:$0x4] =	vst.msk $0xffff, v3;
	v3 =	vld.idx.msk [tilespmem:v0+s21+$0x600 ss:$0x1], $0xffff  }
0x6a: {  	[tilespmem:s19+$0x4C0 ss:$0x4] =	vst.msk $0xffff, v1;
	v7 =	vld.idx.msk [tilespmem:v0+s21+$0x610 ss:$0x1], $0xffff  }
0x6b: {  	[tilespmem:s19+$0x500 ss:$0x4] =	vst.msk $0xffff, v2;
	v1 =	vld.idx.msk [tilespmem:v0+s21+$0x620 ss:$0x1], $0xffff  }
.Ltmp3:
0x6c: {  	[tilespmem:s19+$0x540 ss:$0x4] =	vst.msk $0xffff, v4;
	v2 =	vld.idx.msk [tilespmem:v0+s21+$0x630 ss:$0x1], $0xffff;
	(pc) =	sbr.rel @p1 .LBB1_4-.Ltmp3, $4  }
0x6d: {  	[tilespmem:s19+$0x580 ss:$0x4] =	vst.msk $0xffff, v5;
	v4 =	vld.idx.msk [tilespmem:v0+s21+$0x640 ss:$0x1], $0xffff  }
0x6e: {  	[tilespmem:s19+$0x5C0 ss:$0x4] =	vst.msk $0xffff, v6;
	v5 =	vld.idx.msk [tilespmem:v0+s21+$0x650 ss:$0x1], $0xffff  }
0x6f: {  	[tilespmem:s19+$0x600 ss:$0x4] =	vst.msk $0xffff, v3;
	v6 =	vld.idx.msk [tilespmem:v0+s21+$0x660 ss:$0x1], $0xffff  }
0x70: {  	v3 =	vld.idx.msk [tilespmem:v0+s21+$0x0 ss:$0x1], $0xffff;
	[tilespmem:s19+$0x640 ss:$0x4] =	vst.msk $0xffff, v7;
	s21 =	sadd.s32 $0x800, s21  }
0x71: {  	s18 =	sadd.s32 $0x1, s18  }
0x72: {  	[tilespmem:s19+$0x680 ss:$0x4] =	vst.msk $0xffff, v1;
	p1 =	sne.s32 s18, $0x4  }
.Ltmp4:
0x73: {  	[tilespmem:s19+$0x6C0 ss:$0x4] =	vst.msk $0xffff, v2;
	(pc) =	sbr.rel @p1 .LBB1_3-.Ltmp4, $4  }
0x74: {  	[tilespmem:s19+$0x700 ss:$0x4] =	vst.msk $0xffff, v4  }
0x75: {  	[tilespmem:s19+$0x740 ss:$0x4] =	vst.msk $0xffff, v5  }
0x76: {  	[tilespmem:s19+$0x780 ss:$0x4] =	vst.msk $0xffff, v6  }
0x77: {  	s17 =	sadd.s32 $0x1, s17;
	s16 =	sadd.s32 $0x80, s16;
	[tilespmem:s19+$0x0 ss:$0x4] =	vst.msk $0xffff, v3  }
0x78: {  	s13 =	sshll.u32 s13, $0x7;
	s15 =	sshll.u32 s12, $0x3  }
0x79: {  	s16 =	sand.u32 $0xFFFFFC00, s13;
	s15 =	sand.u32 $0xFFFFFC00, s15  }
0x7a: {  	s13 =	sand.u32 $0x380, s13;
	s15 =	sadd.s32 s15, s16  }
0x7b: {  	s13 =	sor.u32 s13, s15  }
0x7c: {  	s13 =	sshrl.u32 s13, $0x7  }
0x7d: {  	s28 =	smulhi.u32 $0xE90453, s13;
	_ =	sdelay $0x1  }
0x7e: {  	s15 =	sshrl.u32 s28, $0xD  }
0x7f: {  	s15 =	smul.u32 $0x232800, s15  }
.Ltmp5:
0x80: {  	s29 =	sshrl.u32 s12, $0x3;
	(pc) =	sbr.rel .LBB1_7-.Ltmp5, $4  }
0x81: {  	s31 =	sand.u32 $0x7, s12;
	s30 =	sand.u32 $0xF, s29;
	s13 =	ssub.s32 s13, s15  }
0x82: {  	s12 =	sshll.u32 s31, $0x12;
	s15 =	sadd.s32 s6, s30;
	s13 =	sshll.u32 s13, $0x4  }
0x83: {  	s12 =	sor.u32 $0x4, s12;
	s13 =	sadd.s32 s13, s15  }
0x84: {  	[hbm4b:s13+s12] =	stream.strided.scatter [tilespmem:s14], [sflag:$0x2], $0x2000, s8, s12, $0x38;
	[tilespmem:$0x8000] =	vst v63  }
.LBB1_8:
0x85: {  	_ =	sfence.sel $0x180000  }
0x86: {  	s2 =	simm.s32 $0x1;
	[bflag:$0x0] =	sbarrier.arrive $0xFFFF  }
0x87: {  	s31 =	simm.s32 $0x2;
	[sflag:s2] =	ssyncpa.u1 $0x1  }
0x88: {  	[sflag:s31] =	ssyncpa.u1 $0x1  }
0x89: {  	p0 =	sne.s32 s0, $0x0;
	_ =	strace $0x90000053  }
0x8a: {  	s0 =	sadd.s32 @!p0 $0x100000, s1;
	[bflag:$0x2] =	sbarrier.arrive $0xFFFF  }
0x8b: {  	[sflag:s0] =	ssyncadd.tile.s32 @!p0 $0x1;
	_ =	shalt  }
.Lfunc_end1:
_tile_overlayer_lowered:
.L_overlay_start_2:
0x8c: {  	(tag) =	ssettag $0x2  }
0x8d: {  	s0 =	rddreg [dreg:$0x0];
	s2 =	stileid.u32  }
0x8e: {  	s1 =	rddreg [dreg:$0x1];
	p0 =	sne.s32 s2, $0x0  }
0x8f: {  	s3 =	rddreg [dreg:$0x2];
	[bflag:$0x3] =	sbarrier.arrive $0xFFFF;
	s2 =	simm.s32 @!p0 $0x1C01  }
0x90: {  	[timem:s3], [sflag:s2] =	dma.local @!p0 [hbm:s0], s1  }
0x91: {  	s0 =	simm.s32 @!p0 $0x1  }
0x92: {  	_ =	swait.ge @!p0 [sflag:s0], s1  }
0x93: {  	s1 =	ssub.s32 @!p0 $0x0, s1;
	[sflag:s0] =	ssyncset.done @!p0 $0x0  }
0x94: {  	[sflag:s0] =	ssyncadd.s32 @!p0 s1  }
0x95: {  	[bflag:$0x3] =	sbarrier.arrive $0xFFFF  }
0x96: {  	_ =	shalt  }

</sc_bundles>
